<compile_context>
chip_gen: v7x
topology: tpu7x:2x2x1
jax: 0.10.2.dev20260603
libtpu: 0.0.44.dev20260713+nightly
codegen_flags: <defaults>
</compile_context>

<pallas_src>
import functools

import jax
import jax.numpy as jnp
from jax import lax
from jax.experimental import pallas as pl
from jax.experimental.pallas import tpu as pltpu
from jax.experimental.pallas import tpu_sc as plsc

_NC = 2
_NS = 16
_LANES = 16
_NW = _NC * _NS

_INT32_MAX = 2147483647



def _scores_body(x_ref, w1_ref, b1_ref, w2t_ref, b2_ref, e_ref):
    xb = x_ref[...]
    t = jnp.tanh(
        jnp.dot(xb, w1_ref[...], preferred_element_type=jnp.float32)
        + b1_ref[...]
    )
    s = jnp.sum(t * w2t_ref[...], axis=1, keepdims=True) + b2_ref[...]
    e = jnp.exp(s)
    r = e.shape[0]
    e8 = e.reshape(r // 8, 8, 1)
    e_ref[...] = jnp.broadcast_to(e8, (r // 8, 8, _LANES)).reshape(r // 8, 128)


def _scores_call(x, W1, b1, W2, b2, block_rows):
    n, d = x.shape
    h = W1.shape[1]
    nb = n // block_rows
    return pl.pallas_call(
        _scores_body,
        grid=(nb,),
        in_specs=[
            pl.BlockSpec((block_rows, d), lambda k: (k, 0)),
            pl.BlockSpec((d, h), lambda k: (0, 0)),
            pl.BlockSpec((1, h), lambda k: (0, 0)),
            pl.BlockSpec((1, h), lambda k: (0, 0)),
            pl.BlockSpec((1, 1), lambda k: (0, 0)),
        ],
        out_specs=pl.BlockSpec((block_rows // 8, 128), lambda k: (k, 0)),
        out_shape=jax.ShapeDtypeStruct((n // 8, 128), jnp.float32),
    )(x, W1, b1.reshape(1, h), W2.reshape(1, h), b2.reshape(1, 1))



def _sc_pool_call(x, e_packed, pid_packed, person_ids, p, p2, chunk):
    n, d = x.shape
    nchunks_total = n // chunk
    base_cnt = nchunks_total // _NW
    extra = nchunks_total - base_cnt * _NW
    ncc = d // _LANES
    zp = p2 // _NS

    mesh = plsc.VectorSubcoreMesh(
        core_axis_name="c", subcore_axis_name="s",
        num_cores=_NC, num_subcores=_NS,
    )

    @functools.partial(
        pl.kernel,
        out_type=jax.ShapeDtypeStruct((_NC * p2, d), jnp.float32),
        mesh=mesh,
        scratch_types=[
            pltpu.VMEM_SHARED((p2, d), jnp.float32),
            pltpu.VMEM((chunk, d), jnp.float32),
            pltpu.VMEM((chunk, d), jnp.float32),
            pltpu.VMEM((chunk, d), jnp.float32),
            pltpu.VMEM((chunk // 8, d), jnp.float32),
            pltpu.VMEM((chunk // 8, d), jnp.int32),
            pltpu.VMEM((chunk,), jnp.int32),
            pltpu.VMEM((chunk,), jnp.int32),
            pltpu.VMEM((chunk,), jnp.int32),
            pltpu.SemaphoreType.DMA,
            pltpu.SemaphoreType.DMA,
            pltpu.SemaphoreType.DMA,
            pltpu.SemaphoreType.DMA,
            pltpu.SemaphoreType.DMA,
            pltpu.SemaphoreType.DMA,
        ],
    )
    def sc_kernel(x_hbm, e_hbm, pk_hbm, pid_hbm, out_hbm,
                  acc, xbuf, sbuf, dbuf, ebuf, pkbuf, pidbuf, pid2buf,
                  pid3buf, sem_x, sem_e, sem_pk, sem_pid, sem_s, sem_d):
        c = lax.axis_index("c")
        s = lax.axis_index("s")
        wid = s * _NC + c
        zero = jnp.zeros((_LANES,), jnp.float32)

        @pl.loop(0, chunk)
        def _zrow(i):
            for cc in range(ncc):
                sbuf[i, pl.ds(cc * _LANES, _LANES)] = zero

        nfull = zp // chunk
        for k in range(nfull):
            pltpu.sync_copy(sbuf, acc.at[pl.ds(s * zp + k * chunk, chunk)])
        rem = zp - nfull * chunk
        if rem:
            pltpu.sync_copy(sbuf.at[pl.ds(0, rem)],
                            acc.at[pl.ds(s * zp + nfull * chunk, rem)])

        plsc.subcore_barrier()

        cnt = base_cnt + jnp.where(wid < extra, 1, 0)

        @pl.loop(0, cnt)
        def _chunk(j):
            base = (wid + j * _NW) * chunk
            base8 = (wid + j * _NW) * (chunk // 8)
            h_e = pltpu.async_copy(e_hbm.at[pl.ds(base8, chunk // 8)], ebuf,
                                   sem_e)
            h_pk = pltpu.async_copy(pk_hbm.at[pl.ds(base8, chunk // 8)],
                                    pkbuf, sem_pk)
            h_pid = pltpu.async_copy(pid_hbm.at[pl.ds(base, chunk)], pidbuf,
                                     sem_pid)
            h_x = pltpu.async_copy(x_hbm.at[pl.ds(base, chunk)], xbuf, sem_x)

            @pl.when(j > 0)
            def _drain():
                pltpu.make_async_copy(sbuf, acc.at[pidbuf], sem_s).wait()
                pltpu.make_async_copy(dbuf, acc.at[pid2buf], sem_d).wait()

            h_e.wait()
            h_pk.wait()
            h_pid.wait()

            @pl.loop(0, chunk // _LANES)
            def _pi(g):
                slg = pl.ds(g * _LANES, _LANES)
                pv = pidbuf[slg]
                pid2buf[slg] = lax.shift_right_logical(pv, 3) + p
                pid3buf[slg] = pv

            @pl.loop(0, chunk // 8)
            def _qd(q):
                for rr in range(8):
                    i = q * 8 + rr
                    sl16 = pl.ds(rr * _LANES, _LANES)
                    eb = ebuf[q, sl16]
                    gv = jnp.bitwise_and(pkbuf[q, sl16], 7)
                    for cc in range(ncc):
                        sl = pl.ds(cc * _LANES, _LANES)
                        dbuf[i, sl] = jnp.where(gv == cc, eb, 0.0)

            h_x.wait()

            @pl.loop(0, chunk // 8)
            def _q(q):
                for rr in range(8):
                    i = q * 8 + rr
                    sl16 = pl.ds(rr * _LANES, _LANES)
                    eb = ebuf[q, sl16]
                    for cc in range(ncc):
                        sl = pl.ds(cc * _LANES, _LANES)
                        sbuf[i, sl] = xbuf[i, sl] * eb

            pltpu.async_copy(sbuf, acc.at[pid3buf], sem_s, add=True)
            pltpu.async_copy(dbuf, acc.at[pid2buf], sem_d, add=True)

        pltpu.make_async_copy(sbuf, acc.at[pid3buf], sem_s).wait()
        pltpu.make_async_copy(dbuf, acc.at[pid2buf], sem_d).wait()

        plsc.subcore_barrier()

        pltpu.sync_copy(acc.at[pl.ds(s * zp, zp)],
                        out_hbm.at[pl.ds(c * p2 + s * zp, zp)])

    return sc_kernel(x, e_packed, pid_packed, person_ids)



def _fin_body(ax_ref, ad_ref, pooled_ref, pid_ref):
    ax = ax_ref[...]
    ad = ad_ref[...]
    sx = ax[0] + ax[1]
    p = sx.shape[0]
    se = (ad[0] + ad[1])[:, 0:1]
    nonempty = se > 0.0
    inv = jnp.where(nonempty, 1.0 / jnp.where(nonempty, se, 1.0), 0.0)
    pooled_ref[...] = sx * inv
    lanes = jax.lax.broadcasted_iota(jnp.int32, (1, 1, p), 2)
    pid_ref[...] = jnp.where(nonempty.reshape(1, 1, p), lanes, _INT32_MAX)


def _fin_call(out_sc, p, p2, d):
    acc3 = out_sc.reshape(2, p2, d)
    den16 = acc3[:, p:p + p // 8].reshape(2, p, _LANES)
    return pl.pallas_call(
        _fin_body,
        grid=(1,),
        in_specs=[
            pl.BlockSpec((2, p, d), lambda k: (0, 0, 0)),
            pl.BlockSpec((2, p, _LANES), lambda k: (0, 0, 0)),
        ],
        out_specs=[
            pl.BlockSpec((p, d), lambda k: (0, 0)),
            pl.BlockSpec((1, 1, p), lambda k: (0, 0, 0)),
        ],
        out_shape=[
            jax.ShapeDtypeStruct((p, d), jnp.float32),
            jax.ShapeDtypeStruct((1, 1, p), jnp.int32),
        ],
    )(acc3, den16)



def kernel(x, W1, b1, W2, b2, person_ids):
    n, d = x.shape
    p = 10000
    p2 = 11264
    e_packed = _scores_call(x, W1, b1, W2, b2, block_rows=512)
    pid_packed = jnp.broadcast_to(
        person_ids.reshape(n // 8, 8, 1), (n // 8, 8, _LANES)
    ).reshape(n // 8, 128)
    out_sc = _sc_pool_call(x, e_packed, pid_packed, person_ids, p, p2,
                           chunk=64)
    pooled, pids3 = _fin_call(out_sc, p, p2, d)
    return pooled, pids3.reshape(p)

# --- scband reference (transcript-rebuilt; emitter-appended) ---
"""Pipeline reference for scband-temporal-attention-pooling-34677565948183 (READ-ONLY COPY).

The authoritative reference and input builder live on the scoring server;
editing this copy changes nothing except your own understanding.
"""

import jax, jax.numpy as jnp
import numpy as np

N = 320000
D = 128
H = D // 4
P = 10000

def setup_inputs(seed: int = 0) -> dict:
    key = jax.random.key(seed)
    k1, k2, k3, k4, k5, k6 = jax.random.split(key, 6)
    x = jax.random.normal(k1, (N, D), dtype=jnp.float32)
    person_ids = jnp.sort(jax.random.randint(k2, (N,), 0, P, dtype=jnp.int32))
    # attention MLP params: Linear(D, D//4) -> Tanh -> Linear(D//4, 1)
    W1 = jax.random.normal(k3, (D, H), dtype=jnp.float32) * (1.0 / np.sqrt(D))
    b1 = jnp.zeros((H,), dtype=jnp.float32)
    W2 = jax.random.normal(k4, (H, 1), dtype=jnp.float32) * (1.0 / np.sqrt(H))
    b2 = jnp.zeros((1,), dtype=jnp.float32)
    return {"x": x, "W1": W1, "b1": b1, "W2": W2, "b2": b2, "person_ids": person_ids}

def reference(x, W1, b1, W2, b2, person_ids):
    # attn_scores = self.attention(x).squeeze(-1)
    attn_scores = (jnp.tanh(x @ W1 + b1) @ W2 + b2).squeeze(-1)  # (N,)
    # batch is None -> unique_key = person_ids
    # vectorized segment softmax (faithful to per-unique-key F.softmax over masked rows)
    seg_max = jax.ops.segment_max(attn_scores, person_ids, num_segments=P)  # (P,)
    shifted = attn_scores - seg_max[person_ids]
    ex = jnp.exp(shifted)
    denom = jax.ops.segment_sum(ex, person_ids, num_segments=P)  # (P,)
    weights = ex / denom[person_ids]  # (N,)
    pooled = jax.ops.segment_sum(weights[:, None] * x, person_ids, num_segments=P)  # (P, D)
    # pooled_pids: person_ids[mask][0] per unique key == the segment id itself
    pooled_pids = jax.ops.segment_min(person_ids, person_ids, num_segments=P)  # (P,)
    # pooled_batch is None since batch is None
    return (pooled, pooled_pids)

if __name__ == "__main__":
    import jax
    _d = setup_inputs()
    print(jax.jit(kernel)(*tuple(_d.values())))

</pallas_src>

<mosaic_0001>
#map = affine_map<(d0, d1) -> (0, 0)>
#map1 = affine_map<(d0, d1) -> (0)>
module attributes {stable_mosaic.version = 14 : i64} {
  func.func @sc_kernel(%arg0: i32, %arg1: i32, %arg2: memref<320000x128xf32, #tpu.memory_space<hbm>>, %arg3: memref<40000x128xf32, #tpu.memory_space<hbm>>, %arg4: memref<40000x128xi32, #tpu.memory_space<hbm>>, %arg5: memref<320000xi32, #tpu.memory_space<hbm>>, %arg6: memref<22528x128xf32, #tpu.memory_space<hbm>>, %arg7: memref<11264x128xf32, #tpu.memory_space<vmem_shared>>, %arg8: memref<64x128xf32, #tpu.memory_space<vmem>>, %arg9: memref<64x128xf32, #tpu.memory_space<vmem>>, %arg10: memref<64x128xf32, #tpu.memory_space<vmem>>, %arg11: memref<8x128xf32, #tpu.memory_space<vmem>>, %arg12: memref<8x128xi32, #tpu.memory_space<vmem>>, %arg13: memref<64xi32, #tpu.memory_space<vmem>>, %arg14: memref<64xi32, #tpu.memory_space<vmem>>, %arg15: memref<64xi32, #tpu.memory_space<vmem>>, %arg16: memref<!tpu.dma_semaphore, #tpu.memory_space<semaphore_mem>>, %arg17: memref<!tpu.dma_semaphore, #tpu.memory_space<semaphore_mem>>, %arg18: memref<!tpu.dma_semaphore, #tpu.memory_space<semaphore_mem>>, %arg19: memref<!tpu.dma_semaphore, #tpu.memory_space<semaphore_mem>>, %arg20: memref<!tpu.dma_semaphore, #tpu.memory_space<semaphore_mem>>, %arg21: memref<!tpu.dma_semaphore, #tpu.memory_space<semaphore_mem>>) attributes {dimension_semantics = [#tpu.dimension_semantics<core_parallel>, #tpu.dimension_semantics<subcore_parallel>], iteration_bounds = array<i64: 2, 16>, scalar_prefetch = 0 : i64, scratch_operands = 15 : i64, tpu.core_type = #tpu.core_type<sc_vector_subcore>, window_params = [{transform_indices = #map}, {transform_indices = #map}, {transform_indices = #map}, {transform_indices = #map1}, {transform_indices = #map}]} {
    %mul3A = arith.constant 2 : i32
    %mul3A_0 = arith.muli %arg1, %mul3A : i32
    %add3A = arith.addi %mul3A_0, %arg0 : i32
    %broadcast_in_dim3A = arith.constant 0.000000e+00 : f32
    %broadcast_in_dim3A_1 = vector.broadcast %broadcast_in_dim3A : f32 to vector<16xf32>
    %scan3A = arith.constant 0 : i32
    %scan3A_2 = arith.constant 64 : i32
    %scan3A_3 = arith.addi %scan3A, %scan3A_2 : i32
    %scan3A_4 = arith.constant 1 : i32
    scf.for %scan3A_83 = %scan3A to %scan3A_3 step %scan3A_4  : i32 {
      %mul3A_84 = arith.constant 1 : i32
      %mul3A_85 = arith.muli %scan3A_83, %mul3A_84 : i32
      %add3A_86 = arith.constant 0 : i32
      %add3A_87 = arith.addi %add3A_86, %mul3A_85 : i32
      %swap3A = arith.index_cast %add3A_87 : i32 to index
      %swap3A_88 = arith.constant 0 : index
      %swap3A_89 = tpu.vector_load %arg9[%swap3A, %swap3A_88] {strides = array<i32>} : memref<64x128xf32, #tpu.memory_space<vmem>>, vector<1x16xf32>,
      %swap3A_90 = vector.shape_cast %swap3A_89 : vector<1x16xf32> to vector<16xf32>
      %swap3A_91 = vector.shape_cast %broadcast_in_dim3A_1 : vector<16xf32> to vector<1x16xf32>
      tpu.vector_store %arg9[%swap3A, %swap3A_88], %swap3A_91 {strides = array<i32>} : memref<64x128xf32, #tpu.memory_space<vmem>>, vector<1x16xf32>,
      %swap3A_92 = arith.index_cast %add3A_87 : i32 to index
      %swap3A_93 = arith.constant 16 : index
      %swap3A_94 = tpu.vector_load %arg9[%swap3A_92, %swap3A_93] {strides = array<i32>} : memref<64x128xf32, #tpu.memory_space<vmem>>, vector<1x16xf32>,
      %swap3A_95 = vector.shape_cast %swap3A_94 : vector<1x16xf32> to vector<16xf32>
      %swap3A_96 = vector.shape_cast %broadcast_in_dim3A_1 : vector<16xf32> to vector<1x16xf32>
      tpu.vector_store %arg9[%swap3A_92, %swap3A_93], %swap3A_96 {strides = array<i32>} : memref<64x128xf32, #tpu.memory_space<vmem>>, vector<1x16xf32>,
      %swap3A_97 = arith.index_cast %add3A_87 : i32 to index
      %swap3A_98 = arith.constant 32 : index
      %swap3A_99 = tpu.vector_load %arg9[%swap3A_97, %swap3A_98] {strides = array<i32>} : memref<64x128xf32, #tpu.memory_space<vmem>>, vector<1x16xf32>,
      %swap3A_100 = vector.shape_cast %swap3A_99 : vector<1x16xf32> to vector<16xf32>
      %swap3A_101 = vector.shape_cast %broadcast_in_dim3A_1 : vector<16xf32> to vector<1x16xf32>
      tpu.vector_store %arg9[%swap3A_97, %swap3A_98], %swap3A_101 {strides = array<i32>} : memref<64x128xf32, #tpu.memory_space<vmem>>, vector<1x16xf32>,
      %swap3A_102 = arith.index_cast %add3A_87 : i32 to index
      %swap3A_103 = arith.constant 48 : index
      %swap3A_104 = tpu.vector_load %arg9[%swap3A_102, %swap3A_103] {strides = array<i32>} : memref<64x128xf32, #tpu.memory_space<vmem>>, vector<1x16xf32>,
      %swap3A_105 = vector.shape_cast %swap3A_104 : vector<1x16xf32> to vector<16xf32>
      %swap3A_106 = vector.shape_cast %broadcast_in_dim3A_1 : vector<16xf32> to vector<1x16xf32>
      tpu.vector_store %arg9[%swap3A_102, %swap3A_103], %swap3A_106 {strides = array<i32>} : memref<64x128xf32, #tpu.memory_space<vmem>>, vector<1x16xf32>,
      %swap3A_107 = arith.index_cast %add3A_87 : i32 to index
      %swap3A_108 = arith.constant 64 : index
      %swap3A_109 = tpu.vector_load %arg9[%swap3A_107, %swap3A_108] {strides = array<i32>} : memref<64x128xf32, #tpu.memory_space<vmem>>, vector<1x16xf32>,
      %swap3A_110 = vector.shape_cast %swap3A_109 : vector<1x16xf32> to vector<16xf32>
      %swap3A_111 = vector.shape_cast %broadcast_in_dim3A_1 : vector<16xf32> to vector<1x16xf32>
      tpu.vector_store %arg9[%swap3A_107, %swap3A_108], %swap3A_111 {strides = array<i32>} : memref<64x128xf32, #tpu.memory_space<vmem>>, vector<1x16xf32>,
      %swap3A_112 = arith.index_cast %add3A_87 : i32 to index
      %swap3A_113 = arith.constant 80 : index
      %swap3A_114 = tpu.vector_load %arg9[%swap3A_112, %swap3A_113] {strides = array<i32>} : memref<64x128xf32, #tpu.memory_space<vmem>>, vector<1x16xf32>,
      %swap3A_115 = vector.shape_cast %swap3A_114 : vector<1x16xf32> to vector<16xf32>
      %swap3A_116 = vector.shape_cast %broadcast_in_dim3A_1 : vector<16xf32> to vector<1x16xf32>
      tpu.vector_store %arg9[%swap3A_112, %swap3A_113], %swap3A_116 {strides = array<i32>} : memref<64x128xf32, #tpu.memory_space<vmem>>, vector<1x16xf32>,
      %swap3A_117 = arith.index_cast %add3A_87 : i32 to index
      %swap3A_118 = arith.constant 96 : index
      %swap3A_119 = tpu.vector_load %arg9[%swap3A_117, %swap3A_118] {strides = array<i32>} : memref<64x128xf32, #tpu.memory_space<vmem>>, vector<1x16xf32>,
      %swap3A_120 = vector.shape_cast %swap3A_119 : vector<1x16xf32> to vector<16xf32>
      %swap3A_121 = vector.shape_cast %broadcast_in_dim3A_1 : vector<16xf32> to vector<1x16xf32>
      tpu.vector_store %arg9[%swap3A_117, %swap3A_118], %swap3A_121 {strides = array<i32>} : memref<64x128xf32, #tpu.memory_space<vmem>>, vector<1x16xf32>,
      %swap3A_122 = arith.index_cast %add3A_87 : i32 to index
      %swap3A_123 = arith.constant 112 : index
      %swap3A_124 = tpu.vector_load %arg9[%swap3A_122, %swap3A_123] {strides = array<i32>} : memref<64x128xf32, #tpu.memory_space<vmem>>, vector<1x16xf32>,
      %swap3A_125 = vector.shape_cast %swap3A_124 : vector<1x16xf32> to vector<16xf32>
      %swap3A_126 = vector.shape_cast %broadcast_in_dim3A_1 : vector<16xf32> to vector<1x16xf32>
      tpu.vector_store %arg9[%swap3A_122, %swap3A_123], %swap3A_126 {strides = array<i32>} : memref<64x128xf32, #tpu.memory_space<vmem>>, vector<1x16xf32>,
    }
    %scan3A_5 = arith.constant 64 : i32
    %mul3A_6 = arith.constant 704 : i32
    %mul3A_7 = arith.muli %arg1, %mul3A_6 : i32
    %add3A_8 = arith.constant 0 : i32
    %add3A_9 = arith.addi %mul3A_7, %add3A_8 : i32
    "tpu.region"() ({
      %run_scoped3A = tpu.sem_alloc : memref<!tpu.dma_semaphore, #tpu.memory_space<semaphore_mem>>
      %dma_start3A = arith.constant 0 : i32
      %dma_start3A_83 = tpu.memref_slice %arg7[%add3A_9, %dma_start3A] : memref<11264x128xf32, #tpu.memory_space<vmem_shared>> -> memref<64x128xf32, #tpu.memory_space<vmem_shared>>
      %dma_start3A_84 = arith.constant 0 : i32
      %dma_start3A_85 = tpu.memref_slice %arg7[%add3A_9, %dma_start3A_84] : memref<11264x128xf32, #tpu.memory_space<vmem_shared>> -> memref<64x128xf32, #tpu.memory_space<vmem_shared>>
      tpu.enqueue_dma source(%arg9 : memref<64x128xf32, #tpu.memory_space<vmem>>) target(%dma_start3A_85 : memref<64x128xf32, #tpu.memory_space<vmem_shared>>) target_semaphore(%run_scoped3A : memref<!tpu.dma_semaphore, #tpu.memory_space<semaphore_mem>>)
      %dma_wait3A_86 = arith.constant 0 : i32
      %dma_wait3A_87 = tpu.memref_slice %arg7[%add3A_9, %dma_wait3A_86] : memref<11264x128xf32, #tpu.memory_space<vmem_shared>> -> memref<64x128xf32, #tpu.memory_space<vmem_shared>>
      %dma_wait3A_88 = arith.constant 0 : i32
      %dma_wait3A_89 = tpu.memref_slice %arg7[%add3A_9, %dma_wait3A_88] : memref<11264x128xf32, #tpu.memory_space<vmem_shared>> -> memref<64x128xf32, #tpu.memory_space<vmem_shared>>
      tpu.wait_dma2 semaphore(%run_scoped3A : memref<!tpu.dma_semaphore, #tpu.memory_space<semaphore_mem>>) src(%arg9 : memref<64x128xf32, #tpu.memory_space<vmem>>) dst(%dma_wait3A_89 : memref<64x128xf32, #tpu.memory_space<vmem_shared>>)
      tpu.yield
    }) : () -> ()
    %mul3A_10 = arith.constant 704 : i32
    %mul3A_11 = arith.muli %arg1, %mul3A_10 : i32
    %add3A_12 = arith.constant 64 : i32
    %add3A_13 = arith.addi %mul3A_11, %add3A_12 : i32
    "tpu.region"() ({
      %run_scoped3A = tpu.sem_alloc : memref<!tpu.dma_semaphore, #tpu.memory_space<semaphore_mem>>
      %dma_start3A = arith.constant 0 : i32
      %dma_start3A_83 = tpu.memref_slice %arg7[%add3A_13, %dma_start3A] : memref<11264x128xf32, #tpu.memory_space<vmem_shared>> -> memref<64x128xf32, #tpu.memory_space<vmem_shared>>
      %dma_start3A_84 = arith.constant 0 : i32
      %dma_start3A_85 = tpu.memref_slice %arg7[%add3A_13, %dma_start3A_84] : memref<11264x128xf32, #tpu.memory_space<vmem_shared>> -> memref<64x128xf32, #tpu.memory_space<vmem_shared>>
      tpu.enqueue_dma source(%arg9 : memref<64x128xf32, #tpu.memory_space<vmem>>) target(%dma_start3A_85 : memref<64x128xf32, #tpu.memory_space<vmem_shared>>) target_semaphore(%run_scoped3A : memref<!tpu.dma_semaphore, #tpu.memory_space<semaphore_mem>>)
      %dma_wait3A_86 = arith.constant 0 : i32
      %dma_wait3A_87 = tpu.memref_slice %arg7[%add3A_13, %dma_wait3A_86] : memref<11264x128xf32, #tpu.memory_space<vmem_shared>> -> memref<64x128xf32, #tpu.memory_space<vmem_shared>>
      %dma_wait3A_88 = arith.constant 0 : i32
      %dma_wait3A_89 = tpu.memref_slice %arg7[%add3A_13, %dma_wait3A_88] : memref<11264x128xf32, #tpu.memory_space<vmem_shared>> -> memref<64x128xf32, #tpu.memory_space<vmem_shared>>
      tpu.wait_dma2 semaphore(%run_scoped3A : memref<!tpu.dma_semaphore, #tpu.memory_space<semaphore_mem>>) src(%arg9 : memref<64x128xf32, #tpu.memory_space<vmem>>) dst(%dma_wait3A_89 : memref<64x128xf32, #tpu.memory_space<vmem_shared>>)
      tpu.yield
    }) : () -> ()
    %mul3A_14 = arith.constant 704 : i32
    %mul3A_15 = arith.muli %arg1, %mul3A_14 : i32
    %add3A_16 = arith.constant 128 : i32
    %add3A_17 = arith.addi %mul3A_15, %add3A_16 : i32
    "tpu.region"() ({
      %run_scoped3A = tpu.sem_alloc : memref<!tpu.dma_semaphore, #tpu.memory_space<semaphore_mem>>
      %dma_start3A = arith.constant 0 : i32
      %dma_start3A_83 = tpu.memref_slice %arg7[%add3A_17, %dma_start3A] : memref<11264x128xf32, #tpu.memory_space<vmem_shared>> -> memref<64x128xf32, #tpu.memory_space<vmem_shared>>
      %dma_start3A_84 = arith.constant 0 : i32
      %dma_start3A_85 = tpu.memref_slice %arg7[%add3A_17, %dma_start3A_84] : memref<11264x128xf32, #tpu.memory_space<vmem_shared>> -> memref<64x128xf32, #tpu.memory_space<vmem_shared>>
      tpu.enqueue_dma source(%arg9 : memref<64x128xf32, #tpu.memory_space<vmem>>) target(%dma_start3A_85 : memref<64x128xf32, #tpu.memory_space<vmem_shared>>) target_semaphore(%run_scoped3A : memref<!tpu.dma_semaphore, #tpu.memory_space<semaphore_mem>>)
      %dma_wait3A_86 = arith.constant 0 : i32
      %dma_wait3A_87 = tpu.memref_slice %arg7[%add3A_17, %dma_wait3A_86] : memref<11264x128xf32, #tpu.memory_space<vmem_shared>> -> memref<64x128xf32, #tpu.memory_space<vmem_shared>>
      %dma_wait3A_88 = arith.constant 0 : i32
      %dma_wait3A_89 = tpu.memref_slice %arg7[%add3A_17, %dma_wait3A_88] : memref<11264x128xf32, #tpu.memory_space<vmem_shared>> -> memref<64x128xf32, #tpu.memory_space<vmem_shared>>
      tpu.wait_dma2 semaphore(%run_scoped3A : memref<!tpu.dma_semaphore, #tpu.memory_space<semaphore_mem>>) src(%arg9 : memref<64x128xf32, #tpu.memory_space<vmem>>) dst(%dma_wait3A_89 : memref<64x128xf32, #tpu.memory_space<vmem_shared>>)
      tpu.yield
    }) : () -> ()
    %mul3A_18 = arith.constant 704 : i32
    %mul3A_19 = arith.muli %arg1, %mul3A_18 : i32
    %add3A_20 = arith.constant 192 : i32
    %add3A_21 = arith.addi %mul3A_19, %add3A_20 : i32
    "tpu.region"() ({
      %run_scoped3A = tpu.sem_alloc : memref<!tpu.dma_semaphore, #tpu.memory_space<semaphore_mem>>
      %dma_start3A = arith.constant 0 : i32
      %dma_start3A_83 = tpu.memref_slice %arg7[%add3A_21, %dma_start3A] : memref<11264x128xf32, #tpu.memory_space<vmem_shared>> -> memref<64x128xf32, #tpu.memory_space<vmem_shared>>
      %dma_start3A_84 = arith.constant 0 : i32
      %dma_start3A_85 = tpu.memref_slice %arg7[%add3A_21, %dma_start3A_84] : memref<11264x128xf32, #tpu.memory_space<vmem_shared>> -> memref<64x128xf32, #tpu.memory_space<vmem_shared>>
      tpu.enqueue_dma source(%arg9 : memref<64x128xf32, #tpu.memory_space<vmem>>) target(%dma_start3A_85 : memref<64x128xf32, #tpu.memory_space<vmem_shared>>) target_semaphore(%run_scoped3A : memref<!tpu.dma_semaphore, #tpu.memory_space<semaphore_mem>>)
      %dma_wait3A_86 = arith.constant 0 : i32
      %dma_wait3A_87 = tpu.memref_slice %arg7[%add3A_21, %dma_wait3A_86] : memref<11264x128xf32, #tpu.memory_space<vmem_shared>> -> memref<64x128xf32, #tpu.memory_space<vmem_shared>>
      %dma_wait3A_88 = arith.constant 0 : i32
      %dma_wait3A_89 = tpu.memref_slice %arg7[%add3A_21, %dma_wait3A_88] : memref<11264x128xf32, #tpu.memory_space<vmem_shared>> -> memref<64x128xf32, #tpu.memory_space<vmem_shared>>
      tpu.wait_dma2 semaphore(%run_scoped3A : memref<!tpu.dma_semaphore, #tpu.memory_space<semaphore_mem>>) src(%arg9 : memref<64x128xf32, #tpu.memory_space<vmem>>) dst(%dma_wait3A_89 : memref<64x128xf32, #tpu.memory_space<vmem_shared>>)
      tpu.yield
    }) : () -> ()
    %mul3A_22 = arith.constant 704 : i32
    %mul3A_23 = arith.muli %arg1, %mul3A_22 : i32
    %add3A_24 = arith.constant 256 : i32
    %add3A_25 = arith.addi %mul3A_23, %add3A_24 : i32
    "tpu.region"() ({
      %run_scoped3A = tpu.sem_alloc : memref<!tpu.dma_semaphore, #tpu.memory_space<semaphore_mem>>
      %dma_start3A = arith.constant 0 : i32
      %dma_start3A_83 = tpu.memref_slice %arg7[%add3A_25, %dma_start3A] : memref<11264x128xf32, #tpu.memory_space<vmem_shared>> -> memref<64x128xf32, #tpu.memory_space<vmem_shared>>
      %dma_start3A_84 = arith.constant 0 : i32
      %dma_start3A_85 = tpu.memref_slice %arg7[%add3A_25, %dma_start3A_84] : memref<11264x128xf32, #tpu.memory_space<vmem_shared>> -> memref<64x128xf32, #tpu.memory_space<vmem_shared>>
      tpu.enqueue_dma source(%arg9 : memref<64x128xf32, #tpu.memory_space<vmem>>) target(%dma_start3A_85 : memref<64x128xf32, #tpu.memory_space<vmem_shared>>) target_semaphore(%run_scoped3A : memref<!tpu.dma_semaphore, #tpu.memory_space<semaphore_mem>>)
      %dma_wait3A_86 = arith.constant 0 : i32
      %dma_wait3A_87 = tpu.memref_slice %arg7[%add3A_25, %dma_wait3A_86] : memref<11264x128xf32, #tpu.memory_space<vmem_shared>> -> memref<64x128xf32, #tpu.memory_space<vmem_shared>>
      %dma_wait3A_88 = arith.constant 0 : i32
      %dma_wait3A_89 = tpu.memref_slice %arg7[%add3A_25, %dma_wait3A_88] : memref<11264x128xf32, #tpu.memory_space<vmem_shared>> -> memref<64x128xf32, #tpu.memory_space<vmem_shared>>
      tpu.wait_dma2 semaphore(%run_scoped3A : memref<!tpu.dma_semaphore, #tpu.memory_space<semaphore_mem>>) src(%arg9 : memref<64x128xf32, #tpu.memory_space<vmem>>) dst(%dma_wait3A_89 : memref<64x128xf32, #tpu.memory_space<vmem_shared>>)
      tpu.yield
    }) : () -> ()
    %mul3A_26 = arith.constant 704 : i32
    %mul3A_27 = arith.muli %arg1, %mul3A_26 : i32
    %add3A_28 = arith.constant 320 : i32
    %add3A_29 = arith.addi %mul3A_27, %add3A_28 : i32
    "tpu.region"() ({
      %run_scoped3A = tpu.sem_alloc : memref<!tpu.dma_semaphore, #tpu.memory_space<semaphore_mem>>
      %dma_start3A = arith.constant 0 : i32
      %dma_start3A_83 = tpu.memref_slice %arg7[%add3A_29, %dma_start3A] : memref<11264x128xf32, #tpu.memory_space<vmem_shared>> -> memref<64x128xf32, #tpu.memory_space<vmem_shared>>
      %dma_start3A_84 = arith.constant 0 : i32
      %dma_start3A_85 = tpu.memref_slice %arg7[%add3A_29, %dma_start3A_84] : memref<11264x128xf32, #tpu.memory_space<vmem_shared>> -> memref<64x128xf32, #tpu.memory_space<vmem_shared>>
      tpu.enqueue_dma source(%arg9 : memref<64x128xf32, #tpu.memory_space<vmem>>) target(%dma_start3A_85 : memref<64x128xf32, #tpu.memory_space<vmem_shared>>) target_semaphore(%run_scoped3A : memref<!tpu.dma_semaphore, #tpu.memory_space<semaphore_mem>>)
      %dma_wait3A_86 = arith.constant 0 : i32
      %dma_wait3A_87 = tpu.memref_slice %arg7[%add3A_29, %dma_wait3A_86] : memref<11264x128xf32, #tpu.memory_space<vmem_shared>> -> memref<64x128xf32, #tpu.memory_space<vmem_shared>>
      %dma_wait3A_88 = arith.constant 0 : i32
      %dma_wait3A_89 = tpu.memref_slice %arg7[%add3A_29, %dma_wait3A_88] : memref<11264x128xf32, #tpu.memory_space<vmem_shared>> -> memref<64x128xf32, #tpu.memory_space<vmem_shared>>
      tpu.wait_dma2 semaphore(%run_scoped3A : memref<!tpu.dma_semaphore, #tpu.memory_space<semaphore_mem>>) src(%arg9 : memref<64x128xf32, #tpu.memory_space<vmem>>) dst(%dma_wait3A_89 : memref<64x128xf32, #tpu.memory_space<vmem_shared>>)
      tpu.yield
    }) : () -> ()
    %mul3A_30 = arith.constant 704 : i32
    %mul3A_31 = arith.muli %arg1, %mul3A_30 : i32
    %add3A_32 = arith.constant 384 : i32
    %add3A_33 = arith.addi %mul3A_31, %add3A_32 : i32
    "tpu.region"() ({
      %run_scoped3A = tpu.sem_alloc : memref<!tpu.dma_semaphore, #tpu.memory_space<semaphore_mem>>
      %dma_start3A = arith.constant 0 : i32
      %dma_start3A_83 = tpu.memref_slice %arg7[%add3A_33, %dma_start3A] : memref<11264x128xf32, #tpu.memory_space<vmem_shared>> -> memref<64x128xf32, #tpu.memory_space<vmem_shared>>
      %dma_start3A_84 = arith.constant 0 : i32
      %dma_start3A_85 = tpu.memref_slice %arg7[%add3A_33, %dma_start3A_84] : memref<11264x128xf32, #tpu.memory_space<vmem_shared>> -> memref<64x128xf32, #tpu.memory_space<vmem_shared>>
      tpu.enqueue_dma source(%arg9 : memref<64x128xf32, #tpu.memory_space<vmem>>) target(%dma_start3A_85 : memref<64x128xf32, #tpu.memory_space<vmem_shared>>) target_semaphore(%run_scoped3A : memref<!tpu.dma_semaphore, #tpu.memory_space<semaphore_mem>>)
      %dma_wait3A_86 = arith.constant 0 : i32
      %dma_wait3A_87 = tpu.memref_slice %arg7[%add3A_33, %dma_wait3A_86] : memref<11264x128xf32, #tpu.memory_space<vmem_shared>> -> memref<64x128xf32, #tpu.memory_space<vmem_shared>>
      %dma_wait3A_88 = arith.constant 0 : i32
      %dma_wait3A_89 = tpu.memref_slice %arg7[%add3A_33, %dma_wait3A_88] : memref<11264x128xf32, #tpu.memory_space<vmem_shared>> -> memref<64x128xf32, #tpu.memory_space<vmem_shared>>
      tpu.wait_dma2 semaphore(%run_scoped3A : memref<!tpu.dma_semaphore, #tpu.memory_space<semaphore_mem>>) src(%arg9 : memref<64x128xf32, #tpu.memory_space<vmem>>) dst(%dma_wait3A_89 : memref<64x128xf32, #tpu.memory_space<vmem_shared>>)
      tpu.yield
    }) : () -> ()
    %mul3A_34 = arith.constant 704 : i32
    %mul3A_35 = arith.muli %arg1, %mul3A_34 : i32
    %add3A_36 = arith.constant 448 : i32
    %add3A_37 = arith.addi %mul3A_35, %add3A_36 : i32
    "tpu.region"() ({
      %run_scoped3A = tpu.sem_alloc : memref<!tpu.dma_semaphore, #tpu.memory_space<semaphore_mem>>
      %dma_start3A = arith.constant 0 : i32
      %dma_start3A_83 = tpu.memref_slice %arg7[%add3A_37, %dma_start3A] : memref<11264x128xf32, #tpu.memory_space<vmem_shared>> -> memref<64x128xf32, #tpu.memory_space<vmem_shared>>
      %dma_start3A_84 = arith.constant 0 : i32
      %dma_start3A_85 = tpu.memref_slice %arg7[%add3A_37, %dma_start3A_84] : memref<11264x128xf32, #tpu.memory_space<vmem_shared>> -> memref<64x128xf32, #tpu.memory_space<vmem_shared>>
      tpu.enqueue_dma source(%arg9 : memref<64x128xf32, #tpu.memory_space<vmem>>) target(%dma_start3A_85 : memref<64x128xf32, #tpu.memory_space<vmem_shared>>) target_semaphore(%run_scoped3A : memref<!tpu.dma_semaphore, #tpu.memory_space<semaphore_mem>>)
      %dma_wait3A_86 = arith.constant 0 : i32
      %dma_wait3A_87 = tpu.memref_slice %arg7[%add3A_37, %dma_wait3A_86] : memref<11264x128xf32, #tpu.memory_space<vmem_shared>> -> memref<64x128xf32, #tpu.memory_space<vmem_shared>>
      %dma_wait3A_88 = arith.constant 0 : i32
      %dma_wait3A_89 = tpu.memref_slice %arg7[%add3A_37, %dma_wait3A_88] : memref<11264x128xf32, #tpu.memory_space<vmem_shared>> -> memref<64x128xf32, #tpu.memory_space<vmem_shared>>
      tpu.wait_dma2 semaphore(%run_scoped3A : memref<!tpu.dma_semaphore, #tpu.memory_space<semaphore_mem>>) src(%arg9 : memref<64x128xf32, #tpu.memory_space<vmem>>) dst(%dma_wait3A_89 : memref<64x128xf32, #tpu.memory_space<vmem_shared>>)
      tpu.yield
    }) : () -> ()
    %mul3A_38 = arith.constant 704 : i32
    %mul3A_39 = arith.muli %arg1, %mul3A_38 : i32
    %add3A_40 = arith.constant 512 : i32
    %add3A_41 = arith.addi %mul3A_39, %add3A_40 : i32
    "tpu.region"() ({
      %run_scoped3A = tpu.sem_alloc : memref<!tpu.dma_semaphore, #tpu.memory_space<semaphore_mem>>
      %dma_start3A = arith.constant 0 : i32
      %dma_start3A_83 = tpu.memref_slice %arg7[%add3A_41, %dma_start3A] : memref<11264x128xf32, #tpu.memory_space<vmem_shared>> -> memref<64x128xf32, #tpu.memory_space<vmem_shared>>
      %dma_start3A_84 = arith.constant 0 : i32
      %dma_start3A_85 = tpu.memref_slice %arg7[%add3A_41, %dma_start3A_84] : memref<11264x128xf32, #tpu.memory_space<vmem_shared>> -> memref<64x128xf32, #tpu.memory_space<vmem_shared>>
      tpu.enqueue_dma source(%arg9 : memref<64x128xf32, #tpu.memory_space<vmem>>) target(%dma_start3A_85 : memref<64x128xf32, #tpu.memory_space<vmem_shared>>) target_semaphore(%run_scoped3A : memref<!tpu.dma_semaphore, #tpu.memory_space<semaphore_mem>>)
      %dma_wait3A_86 = arith.constant 0 : i32
      %dma_wait3A_87 = tpu.memref_slice %arg7[%add3A_41, %dma_wait3A_86] : memref<11264x128xf32, #tpu.memory_space<vmem_shared>> -> memref<64x128xf32, #tpu.memory_space<vmem_shared>>
      %dma_wait3A_88 = arith.constant 0 : i32
      %dma_wait3A_89 = tpu.memref_slice %arg7[%add3A_41, %dma_wait3A_88] : memref<11264x128xf32, #tpu.memory_space<vmem_shared>> -> memref<64x128xf32, #tpu.memory_space<vmem_shared>>
      tpu.wait_dma2 semaphore(%run_scoped3A : memref<!tpu.dma_semaphore, #tpu.memory_space<semaphore_mem>>) src(%arg9 : memref<64x128xf32, #tpu.memory_space<vmem>>) dst(%dma_wait3A_89 : memref<64x128xf32, #tpu.memory_space<vmem_shared>>)
      tpu.yield
    }) : () -> ()
    %mul3A_42 = arith.constant 704 : i32
    %mul3A_43 = arith.muli %arg1, %mul3A_42 : i32
    %add3A_44 = arith.constant 576 : i32
    %add3A_45 = arith.addi %mul3A_43, %add3A_44 : i32
    "tpu.region"() ({
      %run_scoped3A = tpu.sem_alloc : memref<!tpu.dma_semaphore, #tpu.memory_space<semaphore_mem>>
      %dma_start3A = arith.constant 0 : i32
      %dma_start3A_83 = tpu.memref_slice %arg7[%add3A_45, %dma_start3A] : memref<11264x128xf32, #tpu.memory_space<vmem_shared>> -> memref<64x128xf32, #tpu.memory_space<vmem_shared>>
      %dma_start3A_84 = arith.constant 0 : i32
      %dma_start3A_85 = tpu.memref_slice %arg7[%add3A_45, %dma_start3A_84] : memref<11264x128xf32, #tpu.memory_space<vmem_shared>> -> memref<64x128xf32, #tpu.memory_space<vmem_shared>>
      tpu.enqueue_dma source(%arg9 : memref<64x128xf32, #tpu.memory_space<vmem>>) target(%dma_start3A_85 : memref<64x128xf32, #tpu.memory_space<vmem_shared>>) target_semaphore(%run_scoped3A : memref<!tpu.dma_semaphore, #tpu.memory_space<semaphore_mem>>)
      %dma_wait3A_86 = arith.constant 0 : i32
      %dma_wait3A_87 = tpu.memref_slice %arg7[%add3A_45, %dma_wait3A_86] : memref<11264x128xf32, #tpu.memory_space<vmem_shared>> -> memref<64x128xf32, #tpu.memory_space<vmem_shared>>
      %dma_wait3A_88 = arith.constant 0 : i32
      %dma_wait3A_89 = tpu.memref_slice %arg7[%add3A_45, %dma_wait3A_88] : memref<11264x128xf32, #tpu.memory_space<vmem_shared>> -> memref<64x128xf32, #tpu.memory_space<vmem_shared>>
      tpu.wait_dma2 semaphore(%run_scoped3A : memref<!tpu.dma_semaphore, #tpu.memory_space<semaphore_mem>>) src(%arg9 : memref<64x128xf32, #tpu.memory_space<vmem>>) dst(%dma_wait3A_89 : memref<64x128xf32, #tpu.memory_space<vmem_shared>>)
      tpu.yield
    }) : () -> ()
    %mul3A_46 = arith.constant 704 : i32
    %mul3A_47 = arith.muli %arg1, %mul3A_46 : i32
    %add3A_48 = arith.constant 640 : i32
    %add3A_49 = arith.addi %mul3A_47, %add3A_48 : i32
    "tpu.region"() ({
      %run_scoped3A = tpu.sem_alloc : memref<!tpu.dma_semaphore, #tpu.memory_space<semaphore_mem>>
      %dma_start3A = arith.constant 0 : i32
      %dma_start3A_83 = tpu.memref_slice %arg7[%add3A_49, %dma_start3A] : memref<11264x128xf32, #tpu.memory_space<vmem_shared>> -> memref<64x128xf32, #tpu.memory_space<vmem_shared>>
      %dma_start3A_84 = arith.constant 0 : i32
      %dma_start3A_85 = tpu.memref_slice %arg7[%add3A_49, %dma_start3A_84] : memref<11264x128xf32, #tpu.memory_space<vmem_shared>> -> memref<64x128xf32, #tpu.memory_space<vmem_shared>>
      tpu.enqueue_dma source(%arg9 : memref<64x128xf32, #tpu.memory_space<vmem>>) target(%dma_start3A_85 : memref<64x128xf32, #tpu.memory_space<vmem_shared>>) target_semaphore(%run_scoped3A : memref<!tpu.dma_semaphore, #tpu.memory_space<semaphore_mem>>)
      %dma_wait3A_86 = arith.constant 0 : i32
      %dma_wait3A_87 = tpu.memref_slice %arg7[%add3A_49, %dma_wait3A_86] : memref<11264x128xf32, #tpu.memory_space<vmem_shared>> -> memref<64x128xf32, #tpu.memory_space<vmem_shared>>
      %dma_wait3A_88 = arith.constant 0 : i32
      %dma_wait3A_89 = tpu.memref_slice %arg7[%add3A_49, %dma_wait3A_88] : memref<11264x128xf32, #tpu.memory_space<vmem_shared>> -> memref<64x128xf32, #tpu.memory_space<vmem_shared>>
      tpu.wait_dma2 semaphore(%run_scoped3A : memref<!tpu.dma_semaphore, #tpu.memory_space<semaphore_mem>>) src(%arg9 : memref<64x128xf32, #tpu.memory_space<vmem>>) dst(%dma_wait3A_89 : memref<64x128xf32, #tpu.memory_space<vmem_shared>>)
      tpu.yield
    }) : () -> ()
    %barrier3A = arith.constant 0 : index
    tpu.barrier barrier_id(%barrier3A)
    %lt3A = arith.constant 8 : i32
    %lt3A_50 = arith.cmpi slt, %add3A, %lt3A : i32
    %jit3A = arith.constant 1 : i32
    %jit3A_51 = arith.constant 0 : i32
    %select_n3A = arith.select %lt3A_50, %jit3A, %jit3A_51 : i32
    %add3A_52 = arith.constant 156 : i32
    %add3A_53 = arith.addi %add3A_52, %select_n3A : i32
    %sub3A = arith.constant 0 : i32
    %sub3A_54 = arith.subi %add3A_53, %sub3A : i32
    %sub3A_55 = arith.constant 1 : i32
    %sub3A_56 = arith.constant 1 : i32
    %sub3A_57 = arith.subi %sub3A_55, %sub3A_56 : i32
    %add3A_58 = arith.addi %sub3A_54, %sub3A_57 : i32
    %div3A = arith.constant 1 : i32
    %div3A_59 = arith.divsi %add3A_58, %div3A : i32
    %while3A = arith.constant 1 : i32
    %while3A_60 = arith.constant 0 : i32
    %while3A_61 = arith.constant 0 : i32
    %while3A_62 = arith.subi %div3A_59, %while3A_61 : i32
    %while3A_63 = arith.addi %while3A_61, %while3A_62 : i32
    %while3A_64 = arith.constant 1 : i32
    %while3A_65 = arith.divsi %while3A_62, %while3A_64 : i32
    %while3A_66 = arith.muli %while3A_65, %while3A_64 : i32
    %while3A_67 = arith.addi %while3A_61, %while3A_66 : i32
    %while3A_68 = arith.constant 1 : i32
    scf.for %while3A_83 = %while3A_61 to %while3A_67 step %while3A_68  : i32 {
      %mul3A_84 = arith.muli %while3A_83, %while3A : i32
      %add3A_85 = arith.addi %while3A_60, %mul3A_84 : i32
      %mul3A_86 = arith.constant 32 : i32
      %mul3A_87 = arith.muli %add3A_85, %mul3A_86 : i32
      %add3A_88 = arith.addi %add3A, %mul3A_87 : i32
      %mul3A_89 = arith.constant 64 : i32
      %mul3A_90 = arith.muli %add3A_88, %mul3A_89 : i32
      %mul3A_91 = arith.constant 32 : i32
      %mul3A_92 = arith.muli %add3A_85, %mul3A_91 : i32
      %add3A_93 = arith.addi %add3A, %mul3A_92 : i32
      %mul3A_94 = arith.constant 8 : i32
      %mul3A_95 = arith.muli %add3A_93, %mul3A_94 : i32
      %dma_start3A = arith.constant 0 : i32
      %dma_start3A_96 = tpu.memref_slice %arg3[%mul3A_95, %dma_start3A] : memref<40000x128xf32, #tpu.memory_space<hbm>> -> memref<8x128xf32, #tpu.memory_space<hbm>>
      %dma_start3A_97 = arith.constant 0 : i32
      %dma_start3A_98 = tpu.memref_slice %arg3[%mul3A_95, %dma_start3A_97] : memref<40000x128xf32, #tpu.memory_space<hbm>> -> memref<8x128xf32, #tpu.memory_space<hbm>>
      tpu.enqueue_dma source(%dma_start3A_98 : memref<8x128xf32, #tpu.memory_space<hbm>>) target(%arg11 : memref<8x128xf32, #tpu.memory_space<vmem>>) target_semaphore(%arg17 : memref<!tpu.dma_semaphore, #tpu.memory_space<semaphore_mem>>)
      %dma_start3A_99 = arith.constant 0 : i32
      %dma_start3A_100 = tpu.memref_slice %arg4[%mul3A_95, %dma_start3A_99] : memref<40000x128xi32, #tpu.memory_space<hbm>> -> memref<8x128xi32, #tpu.memory_space<hbm>>
      %dma_start3A_101 = arith.constant 0 : i32
      %dma_start3A_102 = tpu.memref_slice %arg4[%mul3A_95, %dma_start3A_101] : memref<40000x128xi32, #tpu.memory_space<hbm>> -> memref<8x128xi32, #tpu.memory_space<hbm>>
      tpu.enqueue_dma source(%dma_start3A_102 : memref<8x128xi32, #tpu.memory_space<hbm>>) target(%arg12 : memref<8x128xi32, #tpu.memory_space<vmem>>) target_semaphore(%arg18 : memref<!tpu.dma_semaphore, #tpu.memory_space<semaphore_mem>>)
      %dma_start3A_103 = tpu.memref_slice %arg5[%mul3A_90] : memref<320000xi32, #tpu.memory_space<hbm>> -> memref<64xi32, #tpu.memory_space<hbm>>
      %dma_start3A_104 = tpu.memref_slice %arg5[%mul3A_90] : memref<320000xi32, #tpu.memory_space<hbm>> -> memref<64xi32, #tpu.memory_space<hbm>>
      tpu.enqueue_dma source(%dma_start3A_104 : memref<64xi32, #tpu.memory_space<hbm>>) target(%arg13 : memref<64xi32, #tpu.memory_space<vmem>>) target_semaphore(%arg19 : memref<!tpu.dma_semaphore, #tpu.memory_space<semaphore_mem>>)
      %dma_start3A_105 = arith.constant 0 : i32
      %dma_start3A_106 = tpu.memref_slice %arg2[%mul3A_90, %dma_start3A_105] : memref<320000x128xf32, #tpu.memory_space<hbm>> -> memref<64x128xf32, #tpu.memory_space<hbm>>
      %dma_start3A_107 = arith.constant 0 : i32
      %dma_start3A_108 = tpu.memref_slice %arg2[%mul3A_90, %dma_start3A_107] : memref<320000x128xf32, #tpu.memory_space<hbm>> -> memref<64x128xf32, #tpu.memory_space<hbm>>
      tpu.enqueue_dma source(%dma_start3A_108 : memref<64x128xf32, #tpu.memory_space<hbm>>) target(%arg8 : memref<64x128xf32, #tpu.memory_space<vmem>>) target_semaphore(%arg16 : memref<!tpu.dma_semaphore, #tpu.memory_space<semaphore_mem>>)
      %gt3A = arith.constant 0 : i32
      %gt3A_109 = arith.cmpi sgt, %add3A_85, %gt3A : i32
      %convert_element_type3A = arith.extui %gt3A_109 : i1 to i32
      %cond3A = arith.constant 0 : i32
      %cond3A_110 = arith.cmpi ne, %convert_element_type3A, %cond3A : i32
      scf.if %cond3A_110 {
        %dma_wait3A_146 = arith.constant 0 : i32
        %dma_wait3A_147 = arith.constant 0 : i32
        %dma_wait3A_148 = tpu.memref_slice %arg7[%dma_wait3A_146, %dma_wait3A_147] : memref<11264x128xf32, #tpu.memory_space<vmem_shared>> -> memref<11264x128xf32, #tpu.memory_space<vmem_shared>>
        tpu.wait_indirect_dma semaphore(%arg20 : memref<!tpu.dma_semaphore, #tpu.memory_space<semaphore_mem>>) src(%arg9 : memref<64x128xf32, #tpu.memory_space<vmem>>) dst(%dma_wait3A_148 : memref<11264x128xf32, #tpu.memory_space<vmem_shared>>)
        %dma_wait3A_149 = arith.constant 0 : i32
        %dma_wait3A_150 = arith.constant 0 : i32
        %dma_wait3A_151 = tpu.memref_slice %arg7[%dma_wait3A_149, %dma_wait3A_150] : memref<11264x128xf32, #tpu.memory_space<vmem_shared>> -> memref<11264x128xf32, #tpu.memory_space<vmem_shared>>
        tpu.wait_indirect_dma semaphore(%arg21 : memref<!tpu.dma_semaphore, #tpu.memory_space<semaphore_mem>>) src(%arg10 : memref<64x128xf32, #tpu.memory_space<vmem>>) dst(%dma_wait3A_151 : memref<11264x128xf32, #tpu.memory_space<vmem_shared>>)
      } else {
      }
      %dma_wait3A_111 = arith.constant 0 : i32
      %dma_wait3A_112 = tpu.memref_slice %arg3[%mul3A_95, %dma_wait3A_111] : memref<40000x128xf32, #tpu.memory_space<hbm>> -> memref<8x128xf32, #tpu.memory_space<hbm>>
      %dma_wait3A_113 = arith.constant 0 : i32
      %dma_wait3A_114 = tpu.memref_slice %arg3[%mul3A_95, %dma_wait3A_113] : memref<40000x128xf32, #tpu.memory_space<hbm>> -> memref<8x128xf32, #tpu.memory_space<hbm>>
      tpu.wait_dma2 semaphore(%arg17 : memref<!tpu.dma_semaphore, #tpu.memory_space<semaphore_mem>>) src(%dma_wait3A_114 : memref<8x128xf32, #tpu.memory_space<hbm>>) dst(%arg11 : memref<8x128xf32, #tpu.memory_space<vmem>>)
      %dma_wait3A_115 = arith.constant 0 : i32
      %dma_wait3A_116 = tpu.memref_slice %arg4[%mul3A_95, %dma_wait3A_115] : memref<40000x128xi32, #tpu.memory_space<hbm>> -> memref<8x128xi32, #tpu.memory_space<hbm>>
      %dma_wait3A_117 = arith.constant 0 : i32
      %dma_wait3A_118 = tpu.memref_slice %arg4[%mul3A_95, %dma_wait3A_117] : memref<40000x128xi32, #tpu.memory_space<hbm>> -> memref<8x128xi32, #tpu.memory_space<hbm>>
      tpu.wait_dma2 semaphore(%arg18 : memref<!tpu.dma_semaphore, #tpu.memory_space<semaphore_mem>>) src(%dma_wait3A_118 : memref<8x128xi32, #tpu.memory_space<hbm>>) dst(%arg12 : memref<8x128xi32, #tpu.memory_space<vmem>>)
      %dma_wait3A_119 = tpu.memref_slice %arg5[%mul3A_90] : memref<320000xi32, #tpu.memory_space<hbm>> -> memref<64xi32, #tpu.memory_space<hbm>>
      %dma_wait3A_120 = tpu.memref_slice %arg5[%mul3A_90] : memref<320000xi32, #tpu.memory_space<hbm>> -> memref<64xi32, #tpu.memory_space<hbm>>
      tpu.wait_dma2 semaphore(%arg19 : memref<!tpu.dma_semaphore, #tpu.memory_space<semaphore_mem>>) src(%dma_wait3A_120 : memref<64xi32, #tpu.memory_space<hbm>>) dst(%arg13 : memref<64xi32, #tpu.memory_space<vmem>>)
      %scan3A_121 = arith.constant 0 : i32
      %scan3A_122 = arith.constant 4 : i32
      %scan3A_123 = arith.addi %scan3A_121, %scan3A_122 : i32
      %scan3A_124 = arith.constant 1 : i32
      scf.for %scan3A_146 = %scan3A_121 to %scan3A_123 step %scan3A_124  : i32 {
        %mul3A_147 = arith.constant 1 : i32
        %mul3A_148 = arith.muli %scan3A_146, %mul3A_147 : i32
        %add3A_149 = arith.constant 0 : i32
        %add3A_150 = arith.addi %add3A_149, %mul3A_148 : i32
        %mul3A_151 = arith.constant 16 : i32
        %mul3A_152 = arith.muli %add3A_150, %mul3A_151 : i32
        %get3A = arith.index_cast %mul3A_152 : i32 to index
        %get3A_153 = tpu.vector_load %arg13[%get3A] {strides = array<i32>} : memref<64xi32, #tpu.memory_space<vmem>>, vector<16xi32>,
        %get3A_154 = vector.shape_cast %get3A_153 : vector<16xi32> to vector<16xi32>
        %shift_right_logical3A = arith.constant 3 : i32
        %shift_right_logical3A_155 = vector.broadcast %shift_right_logical3A : i32 to vector<16xi32>
        %shift_right_logical3A_156 = arith.shrui %get3A_154, %shift_right_logical3A_155 : vector<16xi32>
        %add3A_157 = arith.constant 10000 : i32
        %add3A_158 = vector.broadcast %add3A_157 : i32 to vector<16xi32>
        %add3A_159 = arith.addi %shift_right_logical3A_156, %add3A_158 : vector<16xi32>
        %swap3A = arith.index_cast %mul3A_152 : i32 to index
        %swap3A_160 = tpu.vector_load %arg14[%swap3A] {strides = array<i32>} : memref<64xi32, #tpu.memory_space<vmem>>, vector<16xi32>,
        %swap3A_161 = vector.shape_cast %swap3A_160 : vector<16xi32> to vector<16xi32>
        %swap3A_162 = vector.shape_cast %add3A_159 : vector<16xi32> to vector<16xi32>
        tpu.vector_store %arg14[%swap3A], %swap3A_162 {strides = array<i32>} : memref<64xi32, #tpu.memory_space<vmem>>, vector<16xi32>,
        %swap3A_163 = arith.index_cast %mul3A_152 : i32 to index
        %swap3A_164 = tpu.vector_load %arg15[%swap3A_163] {strides = array<i32>} : memref<64xi32, #tpu.memory_space<vmem>>, vector<16xi32>,
        %swap3A_165 = vector.shape_cast %swap3A_164 : vector<16xi32> to vector<16xi32>
        %swap3A_166 = vector.shape_cast %get3A_154 : vector<16xi32> to vector<16xi32>
        tpu.vector_store %arg15[%swap3A_163], %swap3A_166 {strides = array<i32>} : memref<64xi32, #tpu.memory_space<vmem>>, vector<16xi32>,
      }
      %scan3A_125 = arith.constant 4 : i32
      %scan3A_126 = arith.constant 0 : i32
      %scan3A_127 = arith.constant 8 : i32
      %scan3A_128 = arith.addi %scan3A_126, %scan3A_127 : i32
      %scan3A_129 = arith.constant 1 : i32
      scf.for %scan3A_146 = %scan3A_126 to %scan3A_128 step %scan3A_129  : i32 {
        %mul3A_147 = arith.constant 1 : i32
        %mul3A_148 = arith.muli %scan3A_146, %mul3A_147 : i32
        %add3A_149 = arith.constant 0 : i32
        %add3A_150 = arith.addi %add3A_149, %mul3A_148 : i32
        %mul3A_151 = arith.constant 8 : i32
        %mul3A_152 = arith.muli %add3A_150, %mul3A_151 : i32
        %add3A_153 = arith.constant 0 : i32
        %add3A_154 = arith.addi %mul3A_152, %add3A_153 : i32
        %get3A = arith.index_cast %add3A_150 : i32 to index
        %get3A_155 = arith.constant 0 : index
        %get3A_156 = tpu.vector_load %arg11[%get3A, %get3A_155] {strides = array<i32>} : memref<8x128xf32, #tpu.memory_space<vmem>>, vector<1x16xf32>,
        %get3A_157 = vector.shape_cast %get3A_156 : vector<1x16xf32> to vector<16xf32>
        %get3A_158 = arith.index_cast %add3A_150 : i32 to index
        %get3A_159 = arith.constant 0 : index
        %get3A_160 = tpu.vector_load %arg12[%get3A_158, %get3A_159] {strides = array<i32>} : memref<8x128xi32, #tpu.memory_space<vmem>>, vector<1x16xi32>,
        %get3A_161 = vector.shape_cast %get3A_160 : vector<1x16xi32> to vector<16xi32>
        %and3A = arith.constant 7 : i32
        %and3A_162 = vector.broadcast %and3A : i32 to vector<16xi32>
        %and3A_163 = arith.andi %get3A_161, %and3A_162 : vector<16xi32>
        %eq3A = arith.constant 0 : i32
        %eq3A_164 = vector.broadcast %eq3A : i32 to vector<16xi32>
        %eq3A_165 = arith.cmpi eq, %and3A_163, %eq3A_164 : vector<16xi32>
        %jit3A_166 = arith.constant 0.000000e+00 : f32
        %broadcast_in_dim3A_167 = vector.broadcast %jit3A_166 : f32 to vector<16xf32>
        %select_n3A_168 = arith.select %eq3A_165, %get3A_157, %broadcast_in_dim3A_167 : vector<16xi1>, vector<16xf32>
        %swap3A = arith.index_cast %add3A_154 : i32 to index
        %swap3A_169 = arith.constant 0 : index
        %swap3A_170 = tpu.vector_load %arg10[%swap3A, %swap3A_169] {strides = array<i32>} : memref<64x128xf32, #tpu.memory_space<vmem>>, vector<1x16xf32>,
        %swap3A_171 = vector.shape_cast %swap3A_170 : vector<1x16xf32> to vector<16xf32>
        %swap3A_172 = vector.shape_cast %select_n3A_168 : vector<16xf32> to vector<1x16xf32>
        tpu.vector_store %arg10[%swap3A, %swap3A_169], %swap3A_172 {strides = array<i32>} : memref<64x128xf32, #tpu.memory_space<vmem>>, vector<1x16xf32>,
        %eq3A_173 = arith.constant 1 : i32
        %eq3A_174 = vector.broadcast %eq3A_173 : i32 to vector<16xi32>
        %eq3A_175 = arith.cmpi eq, %and3A_163, %eq3A_174 : vector<16xi32>
        %jit3A_176 = arith.constant 0.000000e+00 : f32
        %broadcast_in_dim3A_177 = vector.broadcast %jit3A_176 : f32 to vector<16xf32>
        %select_n3A_178 = arith.select %eq3A_175, %get3A_157, %broadcast_in_dim3A_177 : vector<16xi1>, vector<16xf32>
        %swap3A_179 = arith.index_cast %add3A_154 : i32 to index
        %swap3A_180 = arith.constant 16 : index
        %swap3A_181 = tpu.vector_load %arg10[%swap3A_179, %swap3A_180] {strides = array<i32>} : memref<64x128xf32, #tpu.memory_space<vmem>>, vector<1x16xf32>,
        %swap3A_182 = vector.shape_cast %swap3A_181 : vector<1x16xf32> to vector<16xf32>
        %swap3A_183 = vector.shape_cast %select_n3A_178 : vector<16xf32> to vector<1x16xf32>
        tpu.vector_store %arg10[%swap3A_179, %swap3A_180], %swap3A_183 {strides = array<i32>} : memref<64x128xf32, #tpu.memory_space<vmem>>, vector<1x16xf32>,
        %eq3A_184 = arith.constant 2 : i32
        %eq3A_185 = vector.broadcast %eq3A_184 : i32 to vector<16xi32>
        %eq3A_186 = arith.cmpi eq, %and3A_163, %eq3A_185 : vector<16xi32>
        %jit3A_187 = arith.constant 0.000000e+00 : f32
        %broadcast_in_dim3A_188 = vector.broadcast %jit3A_187 : f32 to vector<16xf32>
        %select_n3A_189 = arith.select %eq3A_186, %get3A_157, %broadcast_in_dim3A_188 : vector<16xi1>, vector<16xf32>
        %swap3A_190 = arith.index_cast %add3A_154 : i32 to index
        %swap3A_191 = arith.constant 32 : index
        %swap3A_192 = tpu.vector_load %arg10[%swap3A_190, %swap3A_191] {strides = array<i32>} : memref<64x128xf32, #tpu.memory_space<vmem>>, vector<1x16xf32>,
        %swap3A_193 = vector.shape_cast %swap3A_192 : vector<1x16xf32> to vector<16xf32>
        %swap3A_194 = vector.shape_cast %select_n3A_189 : vector<16xf32> to vector<1x16xf32>
        tpu.vector_store %arg10[%swap3A_190, %swap3A_191], %swap3A_194 {strides = array<i32>} : memref<64x128xf32, #tpu.memory_space<vmem>>, vector<1x16xf32>,
        %eq3A_195 = arith.constant 3 : i32
        %eq3A_196 = vector.broadcast %eq3A_195 : i32 to vector<16xi32>
        %eq3A_197 = arith.cmpi eq, %and3A_163, %eq3A_196 : vector<16xi32>
        %jit3A_198 = arith.constant 0.000000e+00 : f32
        %broadcast_in_dim3A_199 = vector.broadcast %jit3A_198 : f32 to vector<16xf32>
        %select_n3A_200 = arith.select %eq3A_197, %get3A_157, %broadcast_in_dim3A_199 : vector<16xi1>, vector<16xf32>
        %swap3A_201 = arith.index_cast %add3A_154 : i32 to index
        %swap3A_202 = arith.constant 48 : index
        %swap3A_203 = tpu.vector_load %arg10[%swap3A_201, %swap3A_202] {strides = array<i32>} : memref<64x128xf32, #tpu.memory_space<vmem>>, vector<1x16xf32>,
        %swap3A_204 = vector.shape_cast %swap3A_203 : vector<1x16xf32> to vector<16xf32>
        %swap3A_205 = vector.shape_cast %select_n3A_200 : vector<16xf32> to vector<1x16xf32>
        tpu.vector_store %arg10[%swap3A_201, %swap3A_202], %swap3A_205 {strides = array<i32>} : memref<64x128xf32, #tpu.memory_space<vmem>>, vector<1x16xf32>,
        %eq3A_206 = arith.constant 4 : i32
        %eq3A_207 = vector.broadcast %eq3A_206 : i32 to vector<16xi32>
        %eq3A_208 = arith.cmpi eq, %and3A_163, %eq3A_207 : vector<16xi32>
        %jit3A_209 = arith.constant 0.000000e+00 : f32
        %broadcast_in_dim3A_210 = vector.broadcast %jit3A_209 : f32 to vector<16xf32>
        %select_n3A_211 = arith.select %eq3A_208, %get3A_157, %broadcast_in_dim3A_210 : vector<16xi1>, vector<16xf32>
        %swap3A_212 = arith.index_cast %add3A_154 : i32 to index
        %swap3A_213 = arith.constant 64 : index
        %swap3A_214 = tpu.vector_load %arg10[%swap3A_212, %swap3A_213] {strides = array<i32>} : memref<64x128xf32, #tpu.memory_space<vmem>>, vector<1x16xf32>,
        %swap3A_215 = vector.shape_cast %swap3A_214 : vector<1x16xf32> to vector<16xf32>
        %swap3A_216 = vector.shape_cast %select_n3A_211 : vector<16xf32> to vector<1x16xf32>
        tpu.vector_store %arg10[%swap3A_212, %swap3A_213], %swap3A_216 {strides = array<i32>} : memref<64x128xf32, #tpu.memory_space<vmem>>, vector<1x16xf32>,
        %eq3A_217 = arith.constant 5 : i32
        %eq3A_218 = vector.broadcast %eq3A_217 : i32 to vector<16xi32>
        %eq3A_219 = arith.cmpi eq, %and3A_163, %eq3A_218 : vector<16xi32>
        %jit3A_220 = arith.constant 0.000000e+00 : f32
        %broadcast_in_dim3A_221 = vector.broadcast %jit3A_220 : f32 to vector<16xf32>
        %select_n3A_222 = arith.select %eq3A_219, %get3A_157, %broadcast_in_dim3A_221 : vector<16xi1>, vector<16xf32>
        %swap3A_223 = arith.index_cast %add3A_154 : i32 to index
        %swap3A_224 = arith.constant 80 : index
        %swap3A_225 = tpu.vector_load %arg10[%swap3A_223, %swap3A_224] {strides = array<i32>} : memref<64x128xf32, #tpu.memory_space<vmem>>, vector<1x16xf32>,
        %swap3A_226 = vector.shape_cast %swap3A_225 : vector<1x16xf32> to vector<16xf32>
        %swap3A_227 = vector.shape_cast %select_n3A_222 : vector<16xf32> to vector<1x16xf32>
        tpu.vector_store %arg10[%swap3A_223, %swap3A_224], %swap3A_227 {strides = array<i32>} : memref<64x128xf32, #tpu.memory_space<vmem>>, vector<1x16xf32>,
        %eq3A_228 = arith.constant 6 : i32
        %eq3A_229 = vector.broadcast %eq3A_228 : i32 to vector<16xi32>
        %eq3A_230 = arith.cmpi eq, %and3A_163, %eq3A_229 : vector<16xi32>
        %jit3A_231 = arith.constant 0.000000e+00 : f32
        %broadcast_in_dim3A_232 = vector.broadcast %jit3A_231 : f32 to vector<16xf32>
        %select_n3A_233 = arith.select %eq3A_230, %get3A_157, %broadcast_in_dim3A_232 : vector<16xi1>, vector<16xf32>
        %swap3A_234 = arith.index_cast %add3A_154 : i32 to index
        %swap3A_235 = arith.constant 96 : index
        %swap3A_236 = tpu.vector_load %arg10[%swap3A_234, %swap3A_235] {strides = array<i32>} : memref<64x128xf32, #tpu.memory_space<vmem>>, vector<1x16xf32>,
        %swap3A_237 = vector.shape_cast %swap3A_236 : vector<1x16xf32> to vector<16xf32>
        %swap3A_238 = vector.shape_cast %select_n3A_233 : vector<16xf32> to vector<1x16xf32>
        tpu.vector_store %arg10[%swap3A_234, %swap3A_235], %swap3A_238 {strides = array<i32>} : memref<64x128xf32, #tpu.memory_space<vmem>>, vector<1x16xf32>,
        %eq3A_239 = arith.constant 7 : i32
        %eq3A_240 = vector.broadcast %eq3A_239 : i32 to vector<16xi32>
        %eq3A_241 = arith.cmpi eq, %and3A_163, %eq3A_240 : vector<16xi32>
        %jit3A_242 = arith.constant 0.000000e+00 : f32
        %broadcast_in_dim3A_243 = vector.broadcast %jit3A_242 : f32 to vector<16xf32>
        %select_n3A_244 = arith.select %eq3A_241, %get3A_157, %broadcast_in_dim3A_243 : vector<16xi1>, vector<16xf32>
        %swap3A_245 = arith.index_cast %add3A_154 : i32 to index
        %swap3A_246 = arith.constant 112 : index
        %swap3A_247 = tpu.vector_load %arg10[%swap3A_245, %swap3A_246] {strides = array<i32>} : memref<64x128xf32, #tpu.memory_space<vmem>>, vector<1x16xf32>,
        %swap3A_248 = vector.shape_cast %swap3A_247 : vector<1x16xf32> to vector<16xf32>
        %swap3A_249 = vector.shape_cast %select_n3A_244 : vector<16xf32> to vector<1x16xf32>
        tpu.vector_store %arg10[%swap3A_245, %swap3A_246], %swap3A_249 {strides = array<i32>} : memref<64x128xf32, #tpu.memory_space<vmem>>, vector<1x16xf32>,
        %mul3A_250 = arith.constant 8 : i32
        %mul3A_251 = arith.muli %add3A_150, %mul3A_250 : i32
        %add3A_252 = arith.constant 1 : i32
        %add3A_253 = arith.addi %mul3A_251, %add3A_252 : i32
        %get3A_254 = arith.index_cast %add3A_150 : i32 to index
        %get3A_255 = arith.constant 16 : index
        %get3A_256 = tpu.vector_load %arg11[%get3A_254, %get3A_255] {strides = array<i32>} : memref<8x128xf32, #tpu.memory_space<vmem>>, vector<1x16xf32>,
        %get3A_257 = vector.shape_cast %get3A_256 : vector<1x16xf32> to vector<16xf32>
        %get3A_258 = arith.index_cast %add3A_150 : i32 to index
        %get3A_259 = arith.constant 16 : index
        %get3A_260 = tpu.vector_load %arg12[%get3A_258, %get3A_259] {strides = array<i32>} : memref<8x128xi32, #tpu.memory_space<vmem>>, vector<1x16xi32>,
        %get3A_261 = vector.shape_cast %get3A_260 : vector<1x16xi32> to vector<16xi32>
        %and3A_262 = arith.constant 7 : i32
        %and3A_263 = vector.broadcast %and3A_262 : i32 to vector<16xi32>
        %and3A_264 = arith.andi %get3A_261, %and3A_263 : vector<16xi32>
        %eq3A_265 = arith.constant 0 : i32
        %eq3A_266 = vector.broadcast %eq3A_265 : i32 to vector<16xi32>
        %eq3A_267 = arith.cmpi eq, %and3A_264, %eq3A_266 : vector<16xi32>
        %jit3A_268 = arith.constant 0.000000e+00 : f32
        %broadcast_in_dim3A_269 = vector.broadcast %jit3A_268 : f32 to vector<16xf32>
        %select_n3A_270 = arith.select %eq3A_267, %get3A_257, %broadcast_in_dim3A_269 : vector<16xi1>, vector<16xf32>
        %swap3A_271 = arith.index_cast %add3A_253 : i32 to index
        %swap3A_272 = arith.constant 0 : index
        %swap3A_273 = tpu.vector_load %arg10[%swap3A_271, %swap3A_272] {strides = array<i32>} : memref<64x128xf32, #tpu.memory_space<vmem>>, vector<1x16xf32>,
        %swap3A_274 = vector.shape_cast %swap3A_273 : vector<1x16xf32> to vector<16xf32>
        %swap3A_275 = vector.shape_cast %select_n3A_270 : vector<16xf32> to vector<1x16xf32>
        tpu.vector_store %arg10[%swap3A_271, %swap3A_272], %swap3A_275 {strides = array<i32>} : memref<64x128xf32, #tpu.memory_space<vmem>>, vector<1x16xf32>,
        %eq3A_276 = arith.constant 1 : i32
        %eq3A_277 = vector.broadcast %eq3A_276 : i32 to vector<16xi32>
        %eq3A_278 = arith.cmpi eq, %and3A_264, %eq3A_277 : vector<16xi32>
        %jit3A_279 = arith.constant 0.000000e+00 : f32
        %broadcast_in_dim3A_280 = vector.broadcast %jit3A_279 : f32 to vector<16xf32>
        %select_n3A_281 = arith.select %eq3A_278, %get3A_257, %broadcast_in_dim3A_280 : vector<16xi1>, vector<16xf32>
        %swap3A_282 = arith.index_cast %add3A_253 : i32 to index
        %swap3A_283 = arith.constant 16 : index
        %swap3A_284 = tpu.vector_load %arg10[%swap3A_282, %swap3A_283] {strides = array<i32>} : memref<64x128xf32, #tpu.memory_space<vmem>>, vector<1x16xf32>,
        %swap3A_285 = vector.shape_cast %swap3A_284 : vector<1x16xf32> to vector<16xf32>
        %swap3A_286 = vector.shape_cast %select_n3A_281 : vector<16xf32> to vector<1x16xf32>
        tpu.vector_store %arg10[%swap3A_282, %swap3A_283], %swap3A_286 {strides = array<i32>} : memref<64x128xf32, #tpu.memory_space<vmem>>, vector<1x16xf32>,
        %eq3A_287 = arith.constant 2 : i32
        %eq3A_288 = vector.broadcast %eq3A_287 : i32 to vector<16xi32>
        %eq3A_289 = arith.cmpi eq, %and3A_264, %eq3A_288 : vector<16xi32>
        %jit3A_290 = arith.constant 0.000000e+00 : f32
        %broadcast_in_dim3A_291 = vector.broadcast %jit3A_290 : f32 to vector<16xf32>
        %select_n3A_292 = arith.select %eq3A_289, %get3A_257, %broadcast_in_dim3A_291 : vector<16xi1>, vector<16xf32>
        %swap3A_293 = arith.index_cast %add3A_253 : i32 to index
        %swap3A_294 = arith.constant 32 : index
        %swap3A_295 = tpu.vector_load %arg10[%swap3A_293, %swap3A_294] {strides = array<i32>} : memref<64x128xf32, #tpu.memory_space<vmem>>, vector<1x16xf32>,
        %swap3A_296 = vector.shape_cast %swap3A_295 : vector<1x16xf32> to vector<16xf32>
        %swap3A_297 = vector.shape_cast %select_n3A_292 : vector<16xf32> to vector<1x16xf32>
        tpu.vector_store %arg10[%swap3A_293, %swap3A_294], %swap3A_297 {strides = array<i32>} : memref<64x128xf32, #tpu.memory_space<vmem>>, vector<1x16xf32>,
        %eq3A_298 = arith.constant 3 : i32
        %eq3A_299 = vector.broadcast %eq3A_298 : i32 to vector<16xi32>
        %eq3A_300 = arith.cmpi eq, %and3A_264, %eq3A_299 : vector<16xi32>
        %jit3A_301 = arith.constant 0.000000e+00 : f32
        %broadcast_in_dim3A_302 = vector.broadcast %jit3A_301 : f32 to vector<16xf32>
        %select_n3A_303 = arith.select %eq3A_300, %get3A_257, %broadcast_in_dim3A_302 : vector<16xi1>, vector<16xf32>
        %swap3A_304 = arith.index_cast %add3A_253 : i32 to index
        %swap3A_305 = arith.constant 48 : index
        %swap3A_306 = tpu.vector_load %arg10[%swap3A_304, %swap3A_305] {strides = array<i32>} : memref<64x128xf32, #tpu.memory_space<vmem>>, vector<1x16xf32>,
        %swap3A_307 = vector.shape_cast %swap3A_306 : vector<1x16xf32> to vector<16xf32>
        %swap3A_308 = vector.shape_cast %select_n3A_303 : vector<16xf32> to vector<1x16xf32>
        tpu.vector_store %arg10[%swap3A_304, %swap3A_305], %swap3A_308 {strides = array<i32>} : memref<64x128xf32, #tpu.memory_space<vmem>>, vector<1x16xf32>,
        %eq3A_309 = arith.constant 4 : i32
        %eq3A_310 = vector.broadcast %eq3A_309 : i32 to vector<16xi32>
        %eq3A_311 = arith.cmpi eq, %and3A_264, %eq3A_310 : vector<16xi32>
        %jit3A_312 = arith.constant 0.000000e+00 : f32
        %broadcast_in_dim3A_313 = vector.broadcast %jit3A_312 : f32 to vector<16xf32>
        %select_n3A_314 = arith.select %eq3A_311, %get3A_257, %broadcast_in_dim3A_313 : vector<16xi1>, vector<16xf32>
        %swap3A_315 = arith.index_cast %add3A_253 : i32 to index
        %swap3A_316 = arith.constant 64 : index
        %swap3A_317 = tpu.vector_load %arg10[%swap3A_315, %swap3A_316] {strides = array<i32>} : memref<64x128xf32, #tpu.memory_space<vmem>>, vector<1x16xf32>,
        %swap3A_318 = vector.shape_cast %swap3A_317 : vector<1x16xf32> to vector<16xf32>
        %swap3A_319 = vector.shape_cast %select_n3A_314 : vector<16xf32> to vector<1x16xf32>
        tpu.vector_store %arg10[%swap3A_315, %swap3A_316], %swap3A_319 {strides = array<i32>} : memref<64x128xf32, #tpu.memory_space<vmem>>, vector<1x16xf32>,
        %eq3A_320 = arith.constant 5 : i32
        %eq3A_321 = vector.broadcast %eq3A_320 : i32 to vector<16xi32>
        %eq3A_322 = arith.cmpi eq, %and3A_264, %eq3A_321 : vector<16xi32>
        %jit3A_323 = arith.constant 0.000000e+00 : f32
        %broadcast_in_dim3A_324 = vector.broadcast %jit3A_323 : f32 to vector<16xf32>
        %select_n3A_325 = arith.select %eq3A_322, %get3A_257, %broadcast_in_dim3A_324 : vector<16xi1>, vector<16xf32>
        %swap3A_326 = arith.index_cast %add3A_253 : i32 to index
        %swap3A_327 = arith.constant 80 : index
        %swap3A_328 = tpu.vector_load %arg10[%swap3A_326, %swap3A_327] {strides = array<i32>} : memref<64x128xf32, #tpu.memory_space<vmem>>, vector<1x16xf32>,
        %swap3A_329 = vector.shape_cast %swap3A_328 : vector<1x16xf32> to vector<16xf32>
        %swap3A_330 = vector.shape_cast %select_n3A_325 : vector<16xf32> to vector<1x16xf32>
        tpu.vector_store %arg10[%swap3A_326, %swap3A_327], %swap3A_330 {strides = array<i32>} : memref<64x128xf32, #tpu.memory_space<vmem>>, vector<1x16xf32>,
        %eq3A_331 = arith.constant 6 : i32
        %eq3A_332 = vector.broadcast %eq3A_331 : i32 to vector<16xi32>
        %eq3A_333 = arith.cmpi eq, %and3A_264, %eq3A_332 : vector<16xi32>
        %jit3A_334 = arith.constant 0.000000e+00 : f32
        %broadcast_in_dim3A_335 = vector.broadcast %jit3A_334 : f32 to vector<16xf32>
        %select_n3A_336 = arith.select %eq3A_333, %get3A_257, %broadcast_in_dim3A_335 : vector<16xi1>, vector<16xf32>
        %swap3A_337 = arith.index_cast %add3A_253 : i32 to index
        %swap3A_338 = arith.constant 96 : index
        %swap3A_339 = tpu.vector_load %arg10[%swap3A_337, %swap3A_338] {strides = array<i32>} : memref<64x128xf32, #tpu.memory_space<vmem>>, vector<1x16xf32>,
        %swap3A_340 = vector.shape_cast %swap3A_339 : vector<1x16xf32> to vector<16xf32>
        %swap3A_341 = vector.shape_cast %select_n3A_336 : vector<16xf32> to vector<1x16xf32>
        tpu.vector_store %arg10[%swap3A_337, %swap3A_338], %swap3A_341 {strides = array<i32>} : memref<64x128xf32, #tpu.memory_space<vmem>>, vector<1x16xf32>,
        %eq3A_342 = arith.constant 7 : i32
        %eq3A_343 = vector.broadcast %eq3A_342 : i32 to vector<16xi32>
        %eq3A_344 = arith.cmpi eq, %and3A_264, %eq3A_343 : vector<16xi32>
        %jit3A_345 = arith.constant 0.000000e+00 : f32
        %broadcast_in_dim3A_346 = vector.broadcast %jit3A_345 : f32 to vector<16xf32>
        %select_n3A_347 = arith.select %eq3A_344, %get3A_257, %broadcast_in_dim3A_346 : vector<16xi1>, vector<16xf32>
        %swap3A_348 = arith.index_cast %add3A_253 : i32 to index
        %swap3A_349 = arith.constant 112 : index
        %swap3A_350 = tpu.vector_load %arg10[%swap3A_348, %swap3A_349] {strides = array<i32>} : memref<64x128xf32, #tpu.memory_space<vmem>>, vector<1x16xf32>,
        %swap3A_351 = vector.shape_cast %swap3A_350 : vector<1x16xf32> to vector<16xf32>
        %swap3A_352 = vector.shape_cast %select_n3A_347 : vector<16xf32> to vector<1x16xf32>
        tpu.vector_store %arg10[%swap3A_348, %swap3A_349], %swap3A_352 {strides = array<i32>} : memref<64x128xf32, #tpu.memory_space<vmem>>, vector<1x16xf32>,
        %mul3A_353 = arith.constant 8 : i32
        %mul3A_354 = arith.muli %add3A_150, %mul3A_353 : i32
        %add3A_355 = arith.constant 2 : i32
        %add3A_356 = arith.addi %mul3A_354, %add3A_355 : i32
        %get3A_357 = arith.index_cast %add3A_150 : i32 to index
        %get3A_358 = arith.constant 32 : index
        %get3A_359 = tpu.vector_load %arg11[%get3A_357, %get3A_358] {strides = array<i32>} : memref<8x128xf32, #tpu.memory_space<vmem>>, vector<1x16xf32>,
        %get3A_360 = vector.shape_cast %get3A_359 : vector<1x16xf32> to vector<16xf32>
        %get3A_361 = arith.index_cast %add3A_150 : i32 to index
        %get3A_362 = arith.constant 32 : index
        %get3A_363 = tpu.vector_load %arg12[%get3A_361, %get3A_362] {strides = array<i32>} : memref<8x128xi32, #tpu.memory_space<vmem>>, vector<1x16xi32>,
        %get3A_364 = vector.shape_cast %get3A_363 : vector<1x16xi32> to vector<16xi32>
        %and3A_365 = arith.constant 7 : i32
        %and3A_366 = vector.broadcast %and3A_365 : i32 to vector<16xi32>
        %and3A_367 = arith.andi %get3A_364, %and3A_366 : vector<16xi32>
        %eq3A_368 = arith.constant 0 : i32
        %eq3A_369 = vector.broadcast %eq3A_368 : i32 to vector<16xi32>
        %eq3A_370 = arith.cmpi eq, %and3A_367, %eq3A_369 : vector<16xi32>
        %jit3A_371 = arith.constant 0.000000e+00 : f32
        %broadcast_in_dim3A_372 = vector.broadcast %jit3A_371 : f32 to vector<16xf32>
        %select_n3A_373 = arith.select %eq3A_370, %get3A_360, %broadcast_in_dim3A_372 : vector<16xi1>, vector<16xf32>
        %swap3A_374 = arith.index_cast %add3A_356 : i32 to index
        %swap3A_375 = arith.constant 0 : index
        %swap3A_376 = tpu.vector_load %arg10[%swap3A_374, %swap3A_375] {strides = array<i32>} : memref<64x128xf32, #tpu.memory_space<vmem>>, vector<1x16xf32>,
        %swap3A_377 = vector.shape_cast %swap3A_376 : vector<1x16xf32> to vector<16xf32>
        %swap3A_378 = vector.shape_cast %select_n3A_373 : vector<16xf32> to vector<1x16xf32>
        tpu.vector_store %arg10[%swap3A_374, %swap3A_375], %swap3A_378 {strides = array<i32>} : memref<64x128xf32, #tpu.memory_space<vmem>>, vector<1x16xf32>,
        %eq3A_379 = arith.constant 1 : i32
        %eq3A_380 = vector.broadcast %eq3A_379 : i32 to vector<16xi32>
        %eq3A_381 = arith.cmpi eq, %and3A_367, %eq3A_380 : vector<16xi32>
        %jit3A_382 = arith.constant 0.000000e+00 : f32
        %broadcast_in_dim3A_383 = vector.broadcast %jit3A_382 : f32 to vector<16xf32>
        %select_n3A_384 = arith.select %eq3A_381, %get3A_360, %broadcast_in_dim3A_383 : vector<16xi1>, vector<16xf32>
        %swap3A_385 = arith.index_cast %add3A_356 : i32 to index
        %swap3A_386 = arith.constant 16 : index
        %swap3A_387 = tpu.vector_load %arg10[%swap3A_385, %swap3A_386] {strides = array<i32>} : memref<64x128xf32, #tpu.memory_space<vmem>>, vector<1x16xf32>,
        %swap3A_388 = vector.shape_cast %swap3A_387 : vector<1x16xf32> to vector<16xf32>
        %swap3A_389 = vector.shape_cast %select_n3A_384 : vector<16xf32> to vector<1x16xf32>
        tpu.vector_store %arg10[%swap3A_385, %swap3A_386], %swap3A_389 {strides = array<i32>} : memref<64x128xf32, #tpu.memory_space<vmem>>, vector<1x16xf32>,
        %eq3A_390 = arith.constant 2 : i32
        %eq3A_391 = vector.broadcast %eq3A_390 : i32 to vector<16xi32>
        %eq3A_392 = arith.cmpi eq, %and3A_367, %eq3A_391 : vector<16xi32>
        %jit3A_393 = arith.constant 0.000000e+00 : f32
        %broadcast_in_dim3A_394 = vector.broadcast %jit3A_393 : f32 to vector<16xf32>
        %select_n3A_395 = arith.select %eq3A_392, %get3A_360, %broadcast_in_dim3A_394 : vector<16xi1>, vector<16xf32>
        %swap3A_396 = arith.index_cast %add3A_356 : i32 to index
        %swap3A_397 = arith.constant 32 : index
        %swap3A_398 = tpu.vector_load %arg10[%swap3A_396, %swap3A_397] {strides = array<i32>} : memref<64x128xf32, #tpu.memory_space<vmem>>, vector<1x16xf32>,
        %swap3A_399 = vector.shape_cast %swap3A_398 : vector<1x16xf32> to vector<16xf32>
        %swap3A_400 = vector.shape_cast %select_n3A_395 : vector<16xf32> to vector<1x16xf32>
        tpu.vector_store %arg10[%swap3A_396, %swap3A_397], %swap3A_400 {strides = array<i32>} : memref<64x128xf32, #tpu.memory_space<vmem>>, vector<1x16xf32>,
        %eq3A_401 = arith.constant 3 : i32
        %eq3A_402 = vector.broadcast %eq3A_401 : i32 to vector<16xi32>
        %eq3A_403 = arith.cmpi eq, %and3A_367, %eq3A_402 : vector<16xi32>
        %jit3A_404 = arith.constant 0.000000e+00 : f32
        %broadcast_in_dim3A_405 = vector.broadcast %jit3A_404 : f32 to vector<16xf32>
        %select_n3A_406 = arith.select %eq3A_403, %get3A_360, %broadcast_in_dim3A_405 : vector<16xi1>, vector<16xf32>
        %swap3A_407 = arith.index_cast %add3A_356 : i32 to index
        %swap3A_408 = arith.constant 48 : index
        %swap3A_409 = tpu.vector_load %arg10[%swap3A_407, %swap3A_408] {strides = array<i32>} : memref<64x128xf32, #tpu.memory_space<vmem>>, vector<1x16xf32>,
        %swap3A_410 = vector.shape_cast %swap3A_409 : vector<1x16xf32> to vector<16xf32>
        %swap3A_411 = vector.shape_cast %select_n3A_406 : vector<16xf32> to vector<1x16xf32>
        tpu.vector_store %arg10[%swap3A_407, %swap3A_408], %swap3A_411 {strides = array<i32>} : memref<64x128xf32, #tpu.memory_space<vmem>>, vector<1x16xf32>,
        %eq3A_412 = arith.constant 4 : i32
        %eq3A_413 = vector.broadcast %eq3A_412 : i32 to vector<16xi32>
        %eq3A_414 = arith.cmpi eq, %and3A_367, %eq3A_413 : vector<16xi32>
        %jit3A_415 = arith.constant 0.000000e+00 : f32
        %broadcast_in_dim3A_416 = vector.broadcast %jit3A_415 : f32 to vector<16xf32>
        %select_n3A_417 = arith.select %eq3A_414, %get3A_360, %broadcast_in_dim3A_416 : vector<16xi1>, vector<16xf32>
        %swap3A_418 = arith.index_cast %add3A_356 : i32 to index
        %swap3A_419 = arith.constant 64 : index
        %swap3A_420 = tpu.vector_load %arg10[%swap3A_418, %swap3A_419] {strides = array<i32>} : memref<64x128xf32, #tpu.memory_space<vmem>>, vector<1x16xf32>,
        %swap3A_421 = vector.shape_cast %swap3A_420 : vector<1x16xf32> to vector<16xf32>
        %swap3A_422 = vector.shape_cast %select_n3A_417 : vector<16xf32> to vector<1x16xf32>
        tpu.vector_store %arg10[%swap3A_418, %swap3A_419], %swap3A_422 {strides = array<i32>} : memref<64x128xf32, #tpu.memory_space<vmem>>, vector<1x16xf32>,
        %eq3A_423 = arith.constant 5 : i32
        %eq3A_424 = vector.broadcast %eq3A_423 : i32 to vector<16xi32>
        %eq3A_425 = arith.cmpi eq, %and3A_367, %eq3A_424 : vector<16xi32>
        %jit3A_426 = arith.constant 0.000000e+00 : f32
        %broadcast_in_dim3A_427 = vector.broadcast %jit3A_426 : f32 to vector<16xf32>
        %select_n3A_428 = arith.select %eq3A_425, %get3A_360, %broadcast_in_dim3A_427 : vector<16xi1>, vector<16xf32>
        %swap3A_429 = arith.index_cast %add3A_356 : i32 to index
        %swap3A_430 = arith.constant 80 : index
        %swap3A_431 = tpu.vector_load %arg10[%swap3A_429, %swap3A_430] {strides = array<i32>} : memref<64x128xf32, #tpu.memory_space<vmem>>, vector<1x16xf32>,
        %swap3A_432 = vector.shape_cast %swap3A_431 : vector<1x16xf32> to vector<16xf32>
        %swap3A_433 = vector.shape_cast %select_n3A_428 : vector<16xf32> to vector<1x16xf32>
        tpu.vector_store %arg10[%swap3A_429, %swap3A_430], %swap3A_433 {strides = array<i32>} : memref<64x128xf32, #tpu.memory_space<vmem>>, vector<1x16xf32>,
        %eq3A_434 = arith.constant 6 : i32
        %eq3A_435 = vector.broadcast %eq3A_434 : i32 to vector<16xi32>
        %eq3A_436 = arith.cmpi eq, %and3A_367, %eq3A_435 : vector<16xi32>
        %jit3A_437 = arith.constant 0.000000e+00 : f32
        %broadcast_in_dim3A_438 = vector.broadcast %jit3A_437 : f32 to vector<16xf32>
        %select_n3A_439 = arith.select %eq3A_436, %get3A_360, %broadcast_in_dim3A_438 : vector<16xi1>, vector<16xf32>
        %swap3A_440 = arith.index_cast %add3A_356 : i32 to index
        %swap3A_441 = arith.constant 96 : index
        %swap3A_442 = tpu.vector_load %arg10[%swap3A_440, %swap3A_441] {strides = array<i32>} : memref<64x128xf32, #tpu.memory_space<vmem>>, vector<1x16xf32>,
        %swap3A_443 = vector.shape_cast %swap3A_442 : vector<1x16xf32> to vector<16xf32>
        %swap3A_444 = vector.shape_cast %select_n3A_439 : vector<16xf32> to vector<1x16xf32>
        tpu.vector_store %arg10[%swap3A_440, %swap3A_441], %swap3A_444 {strides = array<i32>} : memref<64x128xf32, #tpu.memory_space<vmem>>, vector<1x16xf32>,
        %eq3A_445 = arith.constant 7 : i32
        %eq3A_446 = vector.broadcast %eq3A_445 : i32 to vector<16xi32>
        %eq3A_447 = arith.cmpi eq, %and3A_367, %eq3A_446 : vector<16xi32>
        %jit3A_448 = arith.constant 0.000000e+00 : f32
        %broadcast_in_dim3A_449 = vector.broadcast %jit3A_448 : f32 to vector<16xf32>
        %select_n3A_450 = arith.select %eq3A_447, %get3A_360, %broadcast_in_dim3A_449 : vector<16xi1>, vector<16xf32>
        %swap3A_451 = arith.index_cast %add3A_356 : i32 to index
        %swap3A_452 = arith.constant 112 : index
        %swap3A_453 = tpu.vector_load %arg10[%swap3A_451, %swap3A_452] {strides = array<i32>} : memref<64x128xf32, #tpu.memory_space<vmem>>, vector<1x16xf32>,
        %swap3A_454 = vector.shape_cast %swap3A_453 : vector<1x16xf32> to vector<16xf32>
        %swap3A_455 = vector.shape_cast %select_n3A_450 : vector<16xf32> to vector<1x16xf32>
        tpu.vector_store %arg10[%swap3A_451, %swap3A_452], %swap3A_455 {strides = array<i32>} : memref<64x128xf32, #tpu.memory_space<vmem>>, vector<1x16xf32>,
        %mul3A_456 = arith.constant 8 : i32
        %mul3A_457 = arith.muli %add3A_150, %mul3A_456 : i32
        %add3A_458 = arith.constant 3 : i32
        %add3A_459 = arith.addi %mul3A_457, %add3A_458 : i32
        %get3A_460 = arith.index_cast %add3A_150 : i32 to index
        %get3A_461 = arith.constant 48 : index
        %get3A_462 = tpu.vector_load %arg11[%get3A_460, %get3A_461] {strides = array<i32>} : memref<8x128xf32, #tpu.memory_space<vmem>>, vector<1x16xf32>,
        %get3A_463 = vector.shape_cast %get3A_462 : vector<1x16xf32> to vector<16xf32>
        %get3A_464 = arith.index_cast %add3A_150 : i32 to index
        %get3A_465 = arith.constant 48 : index
        %get3A_466 = tpu.vector_load %arg12[%get3A_464, %get3A_465] {strides = array<i32>} : memref<8x128xi32, #tpu.memory_space<vmem>>, vector<1x16xi32>,
        %get3A_467 = vector.shape_cast %get3A_466 : vector<1x16xi32> to vector<16xi32>
        %and3A_468 = arith.constant 7 : i32
        %and3A_469 = vector.broadcast %and3A_468 : i32 to vector<16xi32>
        %and3A_470 = arith.andi %get3A_467, %and3A_469 : vector<16xi32>
        %eq3A_471 = arith.constant 0 : i32
        %eq3A_472 = vector.broadcast %eq3A_471 : i32 to vector<16xi32>
        %eq3A_473 = arith.cmpi eq, %and3A_470, %eq3A_472 : vector<16xi32>
        %jit3A_474 = arith.constant 0.000000e+00 : f32
        %broadcast_in_dim3A_475 = vector.broadcast %jit3A_474 : f32 to vector<16xf32>
        %select_n3A_476 = arith.select %eq3A_473, %get3A_463, %broadcast_in_dim3A_475 : vector<16xi1>, vector<16xf32>
        %swap3A_477 = arith.index_cast %add3A_459 : i32 to index
        %swap3A_478 = arith.constant 0 : index
        %swap3A_479 = tpu.vector_load %arg10[%swap3A_477, %swap3A_478] {strides = array<i32>} : memref<64x128xf32, #tpu.memory_space<vmem>>, vector<1x16xf32>,
        %swap3A_480 = vector.shape_cast %swap3A_479 : vector<1x16xf32> to vector<16xf32>
        %swap3A_481 = vector.shape_cast %select_n3A_476 : vector<16xf32> to vector<1x16xf32>
        tpu.vector_store %arg10[%swap3A_477, %swap3A_478], %swap3A_481 {strides = array<i32>} : memref<64x128xf32, #tpu.memory_space<vmem>>, vector<1x16xf32>,
        %eq3A_482 = arith.constant 1 : i32
        %eq3A_483 = vector.broadcast %eq3A_482 : i32 to vector<16xi32>
        %eq3A_484 = arith.cmpi eq, %and3A_470, %eq3A_483 : vector<16xi32>
        %jit3A_485 = arith.constant 0.000000e+00 : f32
        %broadcast_in_dim3A_486 = vector.broadcast %jit3A_485 : f32 to vector<16xf32>
        %select_n3A_487 = arith.select %eq3A_484, %get3A_463, %broadcast_in_dim3A_486 : vector<16xi1>, vector<16xf32>
        %swap3A_488 = arith.index_cast %add3A_459 : i32 to index
        %swap3A_489 = arith.constant 16 : index
        %swap3A_490 = tpu.vector_load %arg10[%swap3A_488, %swap3A_489] {strides = array<i32>} : memref<64x128xf32, #tpu.memory_space<vmem>>, vector<1x16xf32>,
        %swap3A_491 = vector.shape_cast %swap3A_490 : vector<1x16xf32> to vector<16xf32>
        %swap3A_492 = vector.shape_cast %select_n3A_487 : vector<16xf32> to vector<1x16xf32>
        tpu.vector_store %arg10[%swap3A_488, %swap3A_489], %swap3A_492 {strides = array<i32>} : memref<64x128xf32, #tpu.memory_space<vmem>>, vector<1x16xf32>,
        %eq3A_493 = arith.constant 2 : i32
        %eq3A_494 = vector.broadcast %eq3A_493 : i32 to vector<16xi32>
        %eq3A_495 = arith.cmpi eq, %and3A_470, %eq3A_494 : vector<16xi32>
        %jit3A_496 = arith.constant 0.000000e+00 : f32
        %broadcast_in_dim3A_497 = vector.broadcast %jit3A_496 : f32 to vector<16xf32>
        %select_n3A_498 = arith.select %eq3A_495, %get3A_463, %broadcast_in_dim3A_497 : vector<16xi1>, vector<16xf32>
        %swap3A_499 = arith.index_cast %add3A_459 : i32 to index
        %swap3A_500 = arith.constant 32 : index
        %swap3A_501 = tpu.vector_load %arg10[%swap3A_499, %swap3A_500] {strides = array<i32>} : memref<64x128xf32, #tpu.memory_space<vmem>>, vector<1x16xf32>,
        %swap3A_502 = vector.shape_cast %swap3A_501 : vector<1x16xf32> to vector<16xf32>
        %swap3A_503 = vector.shape_cast %select_n3A_498 : vector<16xf32> to vector<1x16xf32>
        tpu.vector_store %arg10[%swap3A_499, %swap3A_500], %swap3A_503 {strides = array<i32>} : memref<64x128xf32, #tpu.memory_space<vmem>>, vector<1x16xf32>,
        %eq3A_504 = arith.constant 3 : i32
        %eq3A_505 = vector.broadcast %eq3A_504 : i32 to vector<16xi32>
        %eq3A_506 = arith.cmpi eq, %and3A_470, %eq3A_505 : vector<16xi32>
        %jit3A_507 = arith.constant 0.000000e+00 : f32
        %broadcast_in_dim3A_508 = vector.broadcast %jit3A_507 : f32 to vector<16xf32>
        %select_n3A_509 = arith.select %eq3A_506, %get3A_463, %broadcast_in_dim3A_508 : vector<16xi1>, vector<16xf32>
        %swap3A_510 = arith.index_cast %add3A_459 : i32 to index
        %swap3A_511 = arith.constant 48 : index
        %swap3A_512 = tpu.vector_load %arg10[%swap3A_510, %swap3A_511] {strides = array<i32>} : memref<64x128xf32, #tpu.memory_space<vmem>>, vector<1x16xf32>,
        %swap3A_513 = vector.shape_cast %swap3A_512 : vector<1x16xf32> to vector<16xf32>
        %swap3A_514 = vector.shape_cast %select_n3A_509 : vector<16xf32> to vector<1x16xf32>
        tpu.vector_store %arg10[%swap3A_510, %swap3A_511], %swap3A_514 {strides = array<i32>} : memref<64x128xf32, #tpu.memory_space<vmem>>, vector<1x16xf32>,
        %eq3A_515 = arith.constant 4 : i32
        %eq3A_516 = vector.broadcast %eq3A_515 : i32 to vector<16xi32>
        %eq3A_517 = arith.cmpi eq, %and3A_470, %eq3A_516 : vector<16xi32>
        %jit3A_518 = arith.constant 0.000000e+00 : f32
        %broadcast_in_dim3A_519 = vector.broadcast %jit3A_518 : f32 to vector<16xf32>
        %select_n3A_520 = arith.select %eq3A_517, %get3A_463, %broadcast_in_dim3A_519 : vector<16xi1>, vector<16xf32>
        %swap3A_521 = arith.index_cast %add3A_459 : i32 to index
        %swap3A_522 = arith.constant 64 : index
        %swap3A_523 = tpu.vector_load %arg10[%swap3A_521, %swap3A_522] {strides = array<i32>} : memref<64x128xf32, #tpu.memory_space<vmem>>, vector<1x16xf32>,
        %swap3A_524 = vector.shape_cast %swap3A_523 : vector<1x16xf32> to vector<16xf32>
        %swap3A_525 = vector.shape_cast %select_n3A_520 : vector<16xf32> to vector<1x16xf32>
        tpu.vector_store %arg10[%swap3A_521, %swap3A_522], %swap3A_525 {strides = array<i32>} : memref<64x128xf32, #tpu.memory_space<vmem>>, vector<1x16xf32>,
        %eq3A_526 = arith.constant 5 : i32
        %eq3A_527 = vector.broadcast %eq3A_526 : i32 to vector<16xi32>
        %eq3A_528 = arith.cmpi eq, %and3A_470, %eq3A_527 : vector<16xi32>
        %jit3A_529 = arith.constant 0.000000e+00 : f32
        %broadcast_in_dim3A_530 = vector.broadcast %jit3A_529 : f32 to vector<16xf32>
        %select_n3A_531 = arith.select %eq3A_528, %get3A_463, %broadcast_in_dim3A_530 : vector<16xi1>, vector<16xf32>
        %swap3A_532 = arith.index_cast %add3A_459 : i32 to index
        %swap3A_533 = arith.constant 80 : index
        %swap3A_534 = tpu.vector_load %arg10[%swap3A_532, %swap3A_533] {strides = array<i32>} : memref<64x128xf32, #tpu.memory_space<vmem>>, vector<1x16xf32>,
        %swap3A_535 = vector.shape_cast %swap3A_534 : vector<1x16xf32> to vector<16xf32>
        %swap3A_536 = vector.shape_cast %select_n3A_531 : vector<16xf32> to vector<1x16xf32>
        tpu.vector_store %arg10[%swap3A_532, %swap3A_533], %swap3A_536 {strides = array<i32>} : memref<64x128xf32, #tpu.memory_space<vmem>>, vector<1x16xf32>,
        %eq3A_537 = arith.constant 6 : i32
        %eq3A_538 = vector.broadcast %eq3A_537 : i32 to vector<16xi32>
        %eq3A_539 = arith.cmpi eq, %and3A_470, %eq3A_538 : vector<16xi32>
        %jit3A_540 = arith.constant 0.000000e+00 : f32
        %broadcast_in_dim3A_541 = vector.broadcast %jit3A_540 : f32 to vector<16xf32>
        %select_n3A_542 = arith.select %eq3A_539, %get3A_463, %broadcast_in_dim3A_541 : vector<16xi1>, vector<16xf32>
        %swap3A_543 = arith.index_cast %add3A_459 : i32 to index
        %swap3A_544 = arith.constant 96 : index
        %swap3A_545 = tpu.vector_load %arg10[%swap3A_543, %swap3A_544] {strides = array<i32>} : memref<64x128xf32, #tpu.memory_space<vmem>>, vector<1x16xf32>,
        %swap3A_546 = vector.shape_cast %swap3A_545 : vector<1x16xf32> to vector<16xf32>
        %swap3A_547 = vector.shape_cast %select_n3A_542 : vector<16xf32> to vector<1x16xf32>
        tpu.vector_store %arg10[%swap3A_543, %swap3A_544], %swap3A_547 {strides = array<i32>} : memref<64x128xf32, #tpu.memory_space<vmem>>, vector<1x16xf32>,
        %eq3A_548 = arith.constant 7 : i32
        %eq3A_549 = vector.broadcast %eq3A_548 : i32 to vector<16xi32>
        %eq3A_550 = arith.cmpi eq, %and3A_470, %eq3A_549 : vector<16xi32>
        %jit3A_551 = arith.constant 0.000000e+00 : f32
        %broadcast_in_dim3A_552 = vector.broadcast %jit3A_551 : f32 to vector<16xf32>
        %select_n3A_553 = arith.select %eq3A_550, %get3A_463, %broadcast_in_dim3A_552 : vector<16xi1>, vector<16xf32>
        %swap3A_554 = arith.index_cast %add3A_459 : i32 to index
        %swap3A_555 = arith.constant 112 : index
        %swap3A_556 = tpu.vector_load %arg10[%swap3A_554, %swap3A_555] {strides = array<i32>} : memref<64x128xf32, #tpu.memory_space<vmem>>, vector<1x16xf32>,
        %swap3A_557 = vector.shape_cast %swap3A_556 : vector<1x16xf32> to vector<16xf32>
        %swap3A_558 = vector.shape_cast %select_n3A_553 : vector<16xf32> to vector<1x16xf32>
        tpu.vector_store %arg10[%swap3A_554, %swap3A_555], %swap3A_558 {strides = array<i32>} : memref<64x128xf32, #tpu.memory_space<vmem>>, vector<1x16xf32>,
        %mul3A_559 = arith.constant 8 : i32
        %mul3A_560 = arith.muli %add3A_150, %mul3A_559 : i32
        %add3A_561 = arith.constant 4 : i32
        %add3A_562 = arith.addi %mul3A_560, %add3A_561 : i32
        %get3A_563 = arith.index_cast %add3A_150 : i32 to index
        %get3A_564 = arith.constant 64 : index
        %get3A_565 = tpu.vector_load %arg11[%get3A_563, %get3A_564] {strides = array<i32>} : memref<8x128xf32, #tpu.memory_space<vmem>>, vector<1x16xf32>,
        %get3A_566 = vector.shape_cast %get3A_565 : vector<1x16xf32> to vector<16xf32>
        %get3A_567 = arith.index_cast %add3A_150 : i32 to index
        %get3A_568 = arith.constant 64 : index
        %get3A_569 = tpu.vector_load %arg12[%get3A_567, %get3A_568] {strides = array<i32>} : memref<8x128xi32, #tpu.memory_space<vmem>>, vector<1x16xi32>,
        %get3A_570 = vector.shape_cast %get3A_569 : vector<1x16xi32> to vector<16xi32>
        %and3A_571 = arith.constant 7 : i32
        %and3A_572 = vector.broadcast %and3A_571 : i32 to vector<16xi32>
        %and3A_573 = arith.andi %get3A_570, %and3A_572 : vector<16xi32>
        %eq3A_574 = arith.constant 0 : i32
        %eq3A_575 = vector.broadcast %eq3A_574 : i32 to vector<16xi32>
        %eq3A_576 = arith.cmpi eq, %and3A_573, %eq3A_575 : vector<16xi32>
        %jit3A_577 = arith.constant 0.000000e+00 : f32
        %broadcast_in_dim3A_578 = vector.broadcast %jit3A_577 : f32 to vector<16xf32>
        %select_n3A_579 = arith.select %eq3A_576, %get3A_566, %broadcast_in_dim3A_578 : vector<16xi1>, vector<16xf32>
        %swap3A_580 = arith.index_cast %add3A_562 : i32 to index
        %swap3A_581 = arith.constant 0 : index
        %swap3A_582 = tpu.vector_load %arg10[%swap3A_580, %swap3A_581] {strides = array<i32>} : memref<64x128xf32, #tpu.memory_space<vmem>>, vector<1x16xf32>,
        %swap3A_583 = vector.shape_cast %swap3A_582 : vector<1x16xf32> to vector<16xf32>
        %swap3A_584 = vector.shape_cast %select_n3A_579 : vector<16xf32> to vector<1x16xf32>
        tpu.vector_store %arg10[%swap3A_580, %swap3A_581], %swap3A_584 {strides = array<i32>} : memref<64x128xf32, #tpu.memory_space<vmem>>, vector<1x16xf32>,
        %eq3A_585 = arith.constant 1 : i32
        %eq3A_586 = vector.broadcast %eq3A_585 : i32 to vector<16xi32>
        %eq3A_587 = arith.cmpi eq, %and3A_573, %eq3A_586 : vector<16xi32>
        %jit3A_588 = arith.constant 0.000000e+00 : f32
        %broadcast_in_dim3A_589 = vector.broadcast %jit3A_588 : f32 to vector<16xf32>
        %select_n3A_590 = arith.select %eq3A_587, %get3A_566, %broadcast_in_dim3A_589 : vector<16xi1>, vector<16xf32>
        %swap3A_591 = arith.index_cast %add3A_562 : i32 to index
        %swap3A_592 = arith.constant 16 : index
        %swap3A_593 = tpu.vector_load %arg10[%swap3A_591, %swap3A_592] {strides = array<i32>} : memref<64x128xf32, #tpu.memory_space<vmem>>, vector<1x16xf32>,
        %swap3A_594 = vector.shape_cast %swap3A_593 : vector<1x16xf32> to vector<16xf32>
        %swap3A_595 = vector.shape_cast %select_n3A_590 : vector<16xf32> to vector<1x16xf32>
        tpu.vector_store %arg10[%swap3A_591, %swap3A_592], %swap3A_595 {strides = array<i32>} : memref<64x128xf32, #tpu.memory_space<vmem>>, vector<1x16xf32>,
        %eq3A_596 = arith.constant 2 : i32
        %eq3A_597 = vector.broadcast %eq3A_596 : i32 to vector<16xi32>
        %eq3A_598 = arith.cmpi eq, %and3A_573, %eq3A_597 : vector<16xi32>
        %jit3A_599 = arith.constant 0.000000e+00 : f32
        %broadcast_in_dim3A_600 = vector.broadcast %jit3A_599 : f32 to vector<16xf32>
        %select_n3A_601 = arith.select %eq3A_598, %get3A_566, %broadcast_in_dim3A_600 : vector<16xi1>, vector<16xf32>
        %swap3A_602 = arith.index_cast %add3A_562 : i32 to index
        %swap3A_603 = arith.constant 32 : index
        %swap3A_604 = tpu.vector_load %arg10[%swap3A_602, %swap3A_603] {strides = array<i32>} : memref<64x128xf32, #tpu.memory_space<vmem>>, vector<1x16xf32>,
        %swap3A_605 = vector.shape_cast %swap3A_604 : vector<1x16xf32> to vector<16xf32>
        %swap3A_606 = vector.shape_cast %select_n3A_601 : vector<16xf32> to vector<1x16xf32>
        tpu.vector_store %arg10[%swap3A_602, %swap3A_603], %swap3A_606 {strides = array<i32>} : memref<64x128xf32, #tpu.memory_space<vmem>>, vector<1x16xf32>,
        %eq3A_607 = arith.constant 3 : i32
        %eq3A_608 = vector.broadcast %eq3A_607 : i32 to vector<16xi32>
        %eq3A_609 = arith.cmpi eq, %and3A_573, %eq3A_608 : vector<16xi32>
        %jit3A_610 = arith.constant 0.000000e+00 : f32
        %broadcast_in_dim3A_611 = vector.broadcast %jit3A_610 : f32 to vector<16xf32>
        %select_n3A_612 = arith.select %eq3A_609, %get3A_566, %broadcast_in_dim3A_611 : vector<16xi1>, vector<16xf32>
        %swap3A_613 = arith.index_cast %add3A_562 : i32 to index
        %swap3A_614 = arith.constant 48 : index
        %swap3A_615 = tpu.vector_load %arg10[%swap3A_613, %swap3A_614] {strides = array<i32>} : memref<64x128xf32, #tpu.memory_space<vmem>>, vector<1x16xf32>,
        %swap3A_616 = vector.shape_cast %swap3A_615 : vector<1x16xf32> to vector<16xf32>
        %swap3A_617 = vector.shape_cast %select_n3A_612 : vector<16xf32> to vector<1x16xf32>
        tpu.vector_store %arg10[%swap3A_613, %swap3A_614], %swap3A_617 {strides = array<i32>} : memref<64x128xf32, #tpu.memory_space<vmem>>, vector<1x16xf32>,
        %eq3A_618 = arith.constant 4 : i32
        %eq3A_619 = vector.broadcast %eq3A_618 : i32 to vector<16xi32>
        %eq3A_620 = arith.cmpi eq, %and3A_573, %eq3A_619 : vector<16xi32>
        %jit3A_621 = arith.constant 0.000000e+00 : f32
        %broadcast_in_dim3A_622 = vector.broadcast %jit3A_621 : f32 to vector<16xf32>
        %select_n3A_623 = arith.select %eq3A_620, %get3A_566, %broadcast_in_dim3A_622 : vector<16xi1>, vector<16xf32>
        %swap3A_624 = arith.index_cast %add3A_562 : i32 to index
        %swap3A_625 = arith.constant 64 : index
        %swap3A_626 = tpu.vector_load %arg10[%swap3A_624, %swap3A_625] {strides = array<i32>} : memref<64x128xf32, #tpu.memory_space<vmem>>, vector<1x16xf32>,
        %swap3A_627 = vector.shape_cast %swap3A_626 : vector<1x16xf32> to vector<16xf32>
        %swap3A_628 = vector.shape_cast %select_n3A_623 : vector<16xf32> to vector<1x16xf32>
        tpu.vector_store %arg10[%swap3A_624, %swap3A_625], %swap3A_628 {strides = array<i32>} : memref<64x128xf32, #tpu.memory_space<vmem>>, vector<1x16xf32>,
        %eq3A_629 = arith.constant 5 : i32
        %eq3A_630 = vector.broadcast %eq3A_629 : i32 to vector<16xi32>
        %eq3A_631 = arith.cmpi eq, %and3A_573, %eq3A_630 : vector<16xi32>
        %jit3A_632 = arith.constant 0.000000e+00 : f32
        %broadcast_in_dim3A_633 = vector.broadcast %jit3A_632 : f32 to vector<16xf32>
        %select_n3A_634 = arith.select %eq3A_631, %get3A_566, %broadcast_in_dim3A_633 : vector<16xi1>, vector<16xf32>
        %swap3A_635 = arith.index_cast %add3A_562 : i32 to index
        %swap3A_636 = arith.constant 80 : index
        %swap3A_637 = tpu.vector_load %arg10[%swap3A_635, %swap3A_636] {strides = array<i32>} : memref<64x128xf32, #tpu.memory_space<vmem>>, vector<1x16xf32>,
        %swap3A_638 = vector.shape_cast %swap3A_637 : vector<1x16xf32> to vector<16xf32>
        %swap3A_639 = vector.shape_cast %select_n3A_634 : vector<16xf32> to vector<1x16xf32>
        tpu.vector_store %arg10[%swap3A_635, %swap3A_636], %swap3A_639 {strides = array<i32>} : memref<64x128xf32, #tpu.memory_space<vmem>>, vector<1x16xf32>,
        %eq3A_640 = arith.constant 6 : i32
        %eq3A_641 = vector.broadcast %eq3A_640 : i32 to vector<16xi32>
        %eq3A_642 = arith.cmpi eq, %and3A_573, %eq3A_641 : vector<16xi32>
        %jit3A_643 = arith.constant 0.000000e+00 : f32
        %broadcast_in_dim3A_644 = vector.broadcast %jit3A_643 : f32 to vector<16xf32>
        %select_n3A_645 = arith.select %eq3A_642, %get3A_566, %broadcast_in_dim3A_644 : vector<16xi1>, vector<16xf32>
        %swap3A_646 = arith.index_cast %add3A_562 : i32 to index
        %swap3A_647 = arith.constant 96 : index
        %swap3A_648 = tpu.vector_load %arg10[%swap3A_646, %swap3A_647] {strides = array<i32>} : memref<64x128xf32, #tpu.memory_space<vmem>>, vector<1x16xf32>,
        %swap3A_649 = vector.shape_cast %swap3A_648 : vector<1x16xf32> to vector<16xf32>
        %swap3A_650 = vector.shape_cast %select_n3A_645 : vector<16xf32> to vector<1x16xf32>
        tpu.vector_store %arg10[%swap3A_646, %swap3A_647], %swap3A_650 {strides = array<i32>} : memref<64x128xf32, #tpu.memory_space<vmem>>, vector<1x16xf32>,
        %eq3A_651 = arith.constant 7 : i32
        %eq3A_652 = vector.broadcast %eq3A_651 : i32 to vector<16xi32>
        %eq3A_653 = arith.cmpi eq, %and3A_573, %eq3A_652 : vector<16xi32>
        %jit3A_654 = arith.constant 0.000000e+00 : f32
        %broadcast_in_dim3A_655 = vector.broadcast %jit3A_654 : f32 to vector<16xf32>
        %select_n3A_656 = arith.select %eq3A_653, %get3A_566, %broadcast_in_dim3A_655 : vector<16xi1>, vector<16xf32>
        %swap3A_657 = arith.index_cast %add3A_562 : i32 to index
        %swap3A_658 = arith.constant 112 : index
        %swap3A_659 = tpu.vector_load %arg10[%swap3A_657, %swap3A_658] {strides = array<i32>} : memref<64x128xf32, #tpu.memory_space<vmem>>, vector<1x16xf32>,
        %swap3A_660 = vector.shape_cast %swap3A_659 : vector<1x16xf32> to vector<16xf32>
        %swap3A_661 = vector.shape_cast %select_n3A_656 : vector<16xf32> to vector<1x16xf32>
        tpu.vector_store %arg10[%swap3A_657, %swap3A_658], %swap3A_661 {strides = array<i32>} : memref<64x128xf32, #tpu.memory_space<vmem>>, vector<1x16xf32>,
        %mul3A_662 = arith.constant 8 : i32
        %mul3A_663 = arith.muli %add3A_150, %mul3A_662 : i32
        %add3A_664 = arith.constant 5 : i32
        %add3A_665 = arith.addi %mul3A_663, %add3A_664 : i32
        %get3A_666 = arith.index_cast %add3A_150 : i32 to index
        %get3A_667 = arith.constant 80 : index
        %get3A_668 = tpu.vector_load %arg11[%get3A_666, %get3A_667] {strides = array<i32>} : memref<8x128xf32, #tpu.memory_space<vmem>>, vector<1x16xf32>,
        %get3A_669 = vector.shape_cast %get3A_668 : vector<1x16xf32> to vector<16xf32>
        %get3A_670 = arith.index_cast %add3A_150 : i32 to index
        %get3A_671 = arith.constant 80 : index
        %get3A_672 = tpu.vector_load %arg12[%get3A_670, %get3A_671] {strides = array<i32>} : memref<8x128xi32, #tpu.memory_space<vmem>>, vector<1x16xi32>,
        %get3A_673 = vector.shape_cast %get3A_672 : vector<1x16xi32> to vector<16xi32>
        %and3A_674 = arith.constant 7 : i32
        %and3A_675 = vector.broadcast %and3A_674 : i32 to vector<16xi32>
        %and3A_676 = arith.andi %get3A_673, %and3A_675 : vector<16xi32>
        %eq3A_677 = arith.constant 0 : i32
        %eq3A_678 = vector.broadcast %eq3A_677 : i32 to vector<16xi32>
        %eq3A_679 = arith.cmpi eq, %and3A_676, %eq3A_678 : vector<16xi32>
        %jit3A_680 = arith.constant 0.000000e+00 : f32
        %broadcast_in_dim3A_681 = vector.broadcast %jit3A_680 : f32 to vector<16xf32>
        %select_n3A_682 = arith.select %eq3A_679, %get3A_669, %broadcast_in_dim3A_681 : vector<16xi1>, vector<16xf32>
        %swap3A_683 = arith.index_cast %add3A_665 : i32 to index
        %swap3A_684 = arith.constant 0 : index
        %swap3A_685 = tpu.vector_load %arg10[%swap3A_683, %swap3A_684] {strides = array<i32>} : memref<64x128xf32, #tpu.memory_space<vmem>>, vector<1x16xf32>,
        %swap3A_686 = vector.shape_cast %swap3A_685 : vector<1x16xf32> to vector<16xf32>
        %swap3A_687 = vector.shape_cast %select_n3A_682 : vector<16xf32> to vector<1x16xf32>
        tpu.vector_store %arg10[%swap3A_683, %swap3A_684], %swap3A_687 {strides = array<i32>} : memref<64x128xf32, #tpu.memory_space<vmem>>, vector<1x16xf32>,
        %eq3A_688 = arith.constant 1 : i32
        %eq3A_689 = vector.broadcast %eq3A_688 : i32 to vector<16xi32>
        %eq3A_690 = arith.cmpi eq, %and3A_676, %eq3A_689 : vector<16xi32>
        %jit3A_691 = arith.constant 0.000000e+00 : f32
        %broadcast_in_dim3A_692 = vector.broadcast %jit3A_691 : f32 to vector<16xf32>
        %select_n3A_693 = arith.select %eq3A_690, %get3A_669, %broadcast_in_dim3A_692 : vector<16xi1>, vector<16xf32>
        %swap3A_694 = arith.index_cast %add3A_665 : i32 to index
        %swap3A_695 = arith.constant 16 : index
        %swap3A_696 = tpu.vector_load %arg10[%swap3A_694, %swap3A_695] {strides = array<i32>} : memref<64x128xf32, #tpu.memory_space<vmem>>, vector<1x16xf32>,
        %swap3A_697 = vector.shape_cast %swap3A_696 : vector<1x16xf32> to vector<16xf32>
        %swap3A_698 = vector.shape_cast %select_n3A_693 : vector<16xf32> to vector<1x16xf32>
        tpu.vector_store %arg10[%swap3A_694, %swap3A_695], %swap3A_698 {strides = array<i32>} : memref<64x128xf32, #tpu.memory_space<vmem>>, vector<1x16xf32>,
        %eq3A_699 = arith.constant 2 : i32
        %eq3A_700 = vector.broadcast %eq3A_699 : i32 to vector<16xi32>
        %eq3A_701 = arith.cmpi eq, %and3A_676, %eq3A_700 : vector<16xi32>
        %jit3A_702 = arith.constant 0.000000e+00 : f32
        %broadcast_in_dim3A_703 = vector.broadcast %jit3A_702 : f32 to vector<16xf32>
        %select_n3A_704 = arith.select %eq3A_701, %get3A_669, %broadcast_in_dim3A_703 : vector<16xi1>, vector<16xf32>
        %swap3A_705 = arith.index_cast %add3A_665 : i32 to index
        %swap3A_706 = arith.constant 32 : index
        %swap3A_707 = tpu.vector_load %arg10[%swap3A_705, %swap3A_706] {strides = array<i32>} : memref<64x128xf32, #tpu.memory_space<vmem>>, vector<1x16xf32>,
        %swap3A_708 = vector.shape_cast %swap3A_707 : vector<1x16xf32> to vector<16xf32>
        %swap3A_709 = vector.shape_cast %select_n3A_704 : vector<16xf32> to vector<1x16xf32>
        tpu.vector_store %arg10[%swap3A_705, %swap3A_706], %swap3A_709 {strides = array<i32>} : memref<64x128xf32, #tpu.memory_space<vmem>>, vector<1x16xf32>,
        %eq3A_710 = arith.constant 3 : i32
        %eq3A_711 = vector.broadcast %eq3A_710 : i32 to vector<16xi32>
        %eq3A_712 = arith.cmpi eq, %and3A_676, %eq3A_711 : vector<16xi32>
        %jit3A_713 = arith.constant 0.000000e+00 : f32
        %broadcast_in_dim3A_714 = vector.broadcast %jit3A_713 : f32 to vector<16xf32>
        %select_n3A_715 = arith.select %eq3A_712, %get3A_669, %broadcast_in_dim3A_714 : vector<16xi1>, vector<16xf32>
        %swap3A_716 = arith.index_cast %add3A_665 : i32 to index
        %swap3A_717 = arith.constant 48 : index
        %swap3A_718 = tpu.vector_load %arg10[%swap3A_716, %swap3A_717] {strides = array<i32>} : memref<64x128xf32, #tpu.memory_space<vmem>>, vector<1x16xf32>,
        %swap3A_719 = vector.shape_cast %swap3A_718 : vector<1x16xf32> to vector<16xf32>
        %swap3A_720 = vector.shape_cast %select_n3A_715 : vector<16xf32> to vector<1x16xf32>
        tpu.vector_store %arg10[%swap3A_716, %swap3A_717], %swap3A_720 {strides = array<i32>} : memref<64x128xf32, #tpu.memory_space<vmem>>, vector<1x16xf32>,
        %eq3A_721 = arith.constant 4 : i32
        %eq3A_722 = vector.broadcast %eq3A_721 : i32 to vector<16xi32>
        %eq3A_723 = arith.cmpi eq, %and3A_676, %eq3A_722 : vector<16xi32>
        %jit3A_724 = arith.constant 0.000000e+00 : f32
        %broadcast_in_dim3A_725 = vector.broadcast %jit3A_724 : f32 to vector<16xf32>
        %select_n3A_726 = arith.select %eq3A_723, %get3A_669, %broadcast_in_dim3A_725 : vector<16xi1>, vector<16xf32>
        %swap3A_727 = arith.index_cast %add3A_665 : i32 to index
        %swap3A_728 = arith.constant 64 : index
        %swap3A_729 = tpu.vector_load %arg10[%swap3A_727, %swap3A_728] {strides = array<i32>} : memref<64x128xf32, #tpu.memory_space<vmem>>, vector<1x16xf32>,
        %swap3A_730 = vector.shape_cast %swap3A_729 : vector<1x16xf32> to vector<16xf32>
        %swap3A_731 = vector.shape_cast %select_n3A_726 : vector<16xf32> to vector<1x16xf32>
        tpu.vector_store %arg10[%swap3A_727, %swap3A_728], %swap3A_731 {strides = array<i32>} : memref<64x128xf32, #tpu.memory_space<vmem>>, vector<1x16xf32>,
        %eq3A_732 = arith.constant 5 : i32
        %eq3A_733 = vector.broadcast %eq3A_732 : i32 to vector<16xi32>
        %eq3A_734 = arith.cmpi eq, %and3A_676, %eq3A_733 : vector<16xi32>
        %jit3A_735 = arith.constant 0.000000e+00 : f32
        %broadcast_in_dim3A_736 = vector.broadcast %jit3A_735 : f32 to vector<16xf32>
        %select_n3A_737 = arith.select %eq3A_734, %get3A_669, %broadcast_in_dim3A_736 : vector<16xi1>, vector<16xf32>
        %swap3A_738 = arith.index_cast %add3A_665 : i32 to index
        %swap3A_739 = arith.constant 80 : index
        %swap3A_740 = tpu.vector_load %arg10[%swap3A_738, %swap3A_739] {strides = array<i32>} : memref<64x128xf32, #tpu.memory_space<vmem>>, vector<1x16xf32>,
        %swap3A_741 = vector.shape_cast %swap3A_740 : vector<1x16xf32> to vector<16xf32>
        %swap3A_742 = vector.shape_cast %select_n3A_737 : vector<16xf32> to vector<1x16xf32>
        tpu.vector_store %arg10[%swap3A_738, %swap3A_739], %swap3A_742 {strides = array<i32>} : memref<64x128xf32, #tpu.memory_space<vmem>>, vector<1x16xf32>,
        %eq3A_743 = arith.constant 6 : i32
        %eq3A_744 = vector.broadcast %eq3A_743 : i32 to vector<16xi32>
        %eq3A_745 = arith.cmpi eq, %and3A_676, %eq3A_744 : vector<16xi32>
        %jit3A_746 = arith.constant 0.000000e+00 : f32
        %broadcast_in_dim3A_747 = vector.broadcast %jit3A_746 : f32 to vector<16xf32>
        %select_n3A_748 = arith.select %eq3A_745, %get3A_669, %broadcast_in_dim3A_747 : vector<16xi1>, vector<16xf32>
        %swap3A_749 = arith.index_cast %add3A_665 : i32 to index
        %swap3A_750 = arith.constant 96 : index
        %swap3A_751 = tpu.vector_load %arg10[%swap3A_749, %swap3A_750] {strides = array<i32>} : memref<64x128xf32, #tpu.memory_space<vmem>>, vector<1x16xf32>,
        %swap3A_752 = vector.shape_cast %swap3A_751 : vector<1x16xf32> to vector<16xf32>
        %swap3A_753 = vector.shape_cast %select_n3A_748 : vector<16xf32> to vector<1x16xf32>
        tpu.vector_store %arg10[%swap3A_749, %swap3A_750], %swap3A_753 {strides = array<i32>} : memref<64x128xf32, #tpu.memory_space<vmem>>, vector<1x16xf32>,
        %eq3A_754 = arith.constant 7 : i32
        %eq3A_755 = vector.broadcast %eq3A_754 : i32 to vector<16xi32>
        %eq3A_756 = arith.cmpi eq, %and3A_676, %eq3A_755 : vector<16xi32>
        %jit3A_757 = arith.constant 0.000000e+00 : f32
        %broadcast_in_dim3A_758 = vector.broadcast %jit3A_757 : f32 to vector<16xf32>
        %select_n3A_759 = arith.select %eq3A_756, %get3A_669, %broadcast_in_dim3A_758 : vector<16xi1>, vector<16xf32>
        %swap3A_760 = arith.index_cast %add3A_665 : i32 to index
        %swap3A_761 = arith.constant 112 : index
        %swap3A_762 = tpu.vector_load %arg10[%swap3A_760, %swap3A_761] {strides = array<i32>} : memref<64x128xf32, #tpu.memory_space<vmem>>, vector<1x16xf32>,
        %swap3A_763 = vector.shape_cast %swap3A_762 : vector<1x16xf32> to vector<16xf32>
        %swap3A_764 = vector.shape_cast %select_n3A_759 : vector<16xf32> to vector<1x16xf32>
        tpu.vector_store %arg10[%swap3A_760, %swap3A_761], %swap3A_764 {strides = array<i32>} : memref<64x128xf32, #tpu.memory_space<vmem>>, vector<1x16xf32>,
        %mul3A_765 = arith.constant 8 : i32
        %mul3A_766 = arith.muli %add3A_150, %mul3A_765 : i32
        %add3A_767 = arith.constant 6 : i32
        %add3A_768 = arith.addi %mul3A_766, %add3A_767 : i32
        %get3A_769 = arith.index_cast %add3A_150 : i32 to index
        %get3A_770 = arith.constant 96 : index
        %get3A_771 = tpu.vector_load %arg11[%get3A_769, %get3A_770] {strides = array<i32>} : memref<8x128xf32, #tpu.memory_space<vmem>>, vector<1x16xf32>,
        %get3A_772 = vector.shape_cast %get3A_771 : vector<1x16xf32> to vector<16xf32>
        %get3A_773 = arith.index_cast %add3A_150 : i32 to index
        %get3A_774 = arith.constant 96 : index
        %get3A_775 = tpu.vector_load %arg12[%get3A_773, %get3A_774] {strides = array<i32>} : memref<8x128xi32, #tpu.memory_space<vmem>>, vector<1x16xi32>,
        %get3A_776 = vector.shape_cast %get3A_775 : vector<1x16xi32> to vector<16xi32>
        %and3A_777 = arith.constant 7 : i32
        %and3A_778 = vector.broadcast %and3A_777 : i32 to vector<16xi32>
        %and3A_779 = arith.andi %get3A_776, %and3A_778 : vector<16xi32>
        %eq3A_780 = arith.constant 0 : i32
        %eq3A_781 = vector.broadcast %eq3A_780 : i32 to vector<16xi32>
        %eq3A_782 = arith.cmpi eq, %and3A_779, %eq3A_781 : vector<16xi32>
        %jit3A_783 = arith.constant 0.000000e+00 : f32
        %broadcast_in_dim3A_784 = vector.broadcast %jit3A_783 : f32 to vector<16xf32>
        %select_n3A_785 = arith.select %eq3A_782, %get3A_772, %broadcast_in_dim3A_784 : vector<16xi1>, vector<16xf32>
        %swap3A_786 = arith.index_cast %add3A_768 : i32 to index
        %swap3A_787 = arith.constant 0 : index
        %swap3A_788 = tpu.vector_load %arg10[%swap3A_786, %swap3A_787] {strides = array<i32>} : memref<64x128xf32, #tpu.memory_space<vmem>>, vector<1x16xf32>,
        %swap3A_789 = vector.shape_cast %swap3A_788 : vector<1x16xf32> to vector<16xf32>
        %swap3A_790 = vector.shape_cast %select_n3A_785 : vector<16xf32> to vector<1x16xf32>
        tpu.vector_store %arg10[%swap3A_786, %swap3A_787], %swap3A_790 {strides = array<i32>} : memref<64x128xf32, #tpu.memory_space<vmem>>, vector<1x16xf32>,
        %eq3A_791 = arith.constant 1 : i32
        %eq3A_792 = vector.broadcast %eq3A_791 : i32 to vector<16xi32>
        %eq3A_793 = arith.cmpi eq, %and3A_779, %eq3A_792 : vector<16xi32>
        %jit3A_794 = arith.constant 0.000000e+00 : f32
        %broadcast_in_dim3A_795 = vector.broadcast %jit3A_794 : f32 to vector<16xf32>
        %select_n3A_796 = arith.select %eq3A_793, %get3A_772, %broadcast_in_dim3A_795 : vector<16xi1>, vector<16xf32>
        %swap3A_797 = arith.index_cast %add3A_768 : i32 to index
        %swap3A_798 = arith.constant 16 : index
        %swap3A_799 = tpu.vector_load %arg10[%swap3A_797, %swap3A_798] {strides = array<i32>} : memref<64x128xf32, #tpu.memory_space<vmem>>, vector<1x16xf32>,
        %swap3A_800 = vector.shape_cast %swap3A_799 : vector<1x16xf32> to vector<16xf32>
        %swap3A_801 = vector.shape_cast %select_n3A_796 : vector<16xf32> to vector<1x16xf32>
        tpu.vector_store %arg10[%swap3A_797, %swap3A_798], %swap3A_801 {strides = array<i32>} : memref<64x128xf32, #tpu.memory_space<vmem>>, vector<1x16xf32>,
        %eq3A_802 = arith.constant 2 : i32
        %eq3A_803 = vector.broadcast %eq3A_802 : i32 to vector<16xi32>
        %eq3A_804 = arith.cmpi eq, %and3A_779, %eq3A_803 : vector<16xi32>
        %jit3A_805 = arith.constant 0.000000e+00 : f32
        %broadcast_in_dim3A_806 = vector.broadcast %jit3A_805 : f32 to vector<16xf32>
        %select_n3A_807 = arith.select %eq3A_804, %get3A_772, %broadcast_in_dim3A_806 : vector<16xi1>, vector<16xf32>
        %swap3A_808 = arith.index_cast %add3A_768 : i32 to index
        %swap3A_809 = arith.constant 32 : index
        %swap3A_810 = tpu.vector_load %arg10[%swap3A_808, %swap3A_809] {strides = array<i32>} : memref<64x128xf32, #tpu.memory_space<vmem>>, vector<1x16xf32>,
        %swap3A_811 = vector.shape_cast %swap3A_810 : vector<1x16xf32> to vector<16xf32>
        %swap3A_812 = vector.shape_cast %select_n3A_807 : vector<16xf32> to vector<1x16xf32>
        tpu.vector_store %arg10[%swap3A_808, %swap3A_809], %swap3A_812 {strides = array<i32>} : memref<64x128xf32, #tpu.memory_space<vmem>>, vector<1x16xf32>,
        %eq3A_813 = arith.constant 3 : i32
        %eq3A_814 = vector.broadcast %eq3A_813 : i32 to vector<16xi32>
        %eq3A_815 = arith.cmpi eq, %and3A_779, %eq3A_814 : vector<16xi32>
        %jit3A_816 = arith.constant 0.000000e+00 : f32
        %broadcast_in_dim3A_817 = vector.broadcast %jit3A_816 : f32 to vector<16xf32>
        %select_n3A_818 = arith.select %eq3A_815, %get3A_772, %broadcast_in_dim3A_817 : vector<16xi1>, vector<16xf32>
        %swap3A_819 = arith.index_cast %add3A_768 : i32 to index
        %swap3A_820 = arith.constant 48 : index
        %swap3A_821 = tpu.vector_load %arg10[%swap3A_819, %swap3A_820] {strides = array<i32>} : memref<64x128xf32, #tpu.memory_space<vmem>>, vector<1x16xf32>,
        %swap3A_822 = vector.shape_cast %swap3A_821 : vector<1x16xf32> to vector<16xf32>
        %swap3A_823 = vector.shape_cast %select_n3A_818 : vector<16xf32> to vector<1x16xf32>
        tpu.vector_store %arg10[%swap3A_819, %swap3A_820], %swap3A_823 {strides = array<i32>} : memref<64x128xf32, #tpu.memory_space<vmem>>, vector<1x16xf32>,
        %eq3A_824 = arith.constant 4 : i32
        %eq3A_825 = vector.broadcast %eq3A_824 : i32 to vector<16xi32>
        %eq3A_826 = arith.cmpi eq, %and3A_779, %eq3A_825 : vector<16xi32>
        %jit3A_827 = arith.constant 0.000000e+00 : f32
        %broadcast_in_dim3A_828 = vector.broadcast %jit3A_827 : f32 to vector<16xf32>
        %select_n3A_829 = arith.select %eq3A_826, %get3A_772, %broadcast_in_dim3A_828 : vector<16xi1>, vector<16xf32>
        %swap3A_830 = arith.index_cast %add3A_768 : i32 to index
        %swap3A_831 = arith.constant 64 : index
        %swap3A_832 = tpu.vector_load %arg10[%swap3A_830, %swap3A_831] {strides = array<i32>} : memref<64x128xf32, #tpu.memory_space<vmem>>, vector<1x16xf32>,
        %swap3A_833 = vector.shape_cast %swap3A_832 : vector<1x16xf32> to vector<16xf32>
        %swap3A_834 = vector.shape_cast %select_n3A_829 : vector<16xf32> to vector<1x16xf32>
        tpu.vector_store %arg10[%swap3A_830, %swap3A_831], %swap3A_834 {strides = array<i32>} : memref<64x128xf32, #tpu.memory_space<vmem>>, vector<1x16xf32>,
        %eq3A_835 = arith.constant 5 : i32
        %eq3A_836 = vector.broadcast %eq3A_835 : i32 to vector<16xi32>
        %eq3A_837 = arith.cmpi eq, %and3A_779, %eq3A_836 : vector<16xi32>
        %jit3A_838 = arith.constant 0.000000e+00 : f32
        %broadcast_in_dim3A_839 = vector.broadcast %jit3A_838 : f32 to vector<16xf32>
        %select_n3A_840 = arith.select %eq3A_837, %get3A_772, %broadcast_in_dim3A_839 : vector<16xi1>, vector<16xf32>
        %swap3A_841 = arith.index_cast %add3A_768 : i32 to index
        %swap3A_842 = arith.constant 80 : index
        %swap3A_843 = tpu.vector_load %arg10[%swap3A_841, %swap3A_842] {strides = array<i32>} : memref<64x128xf32, #tpu.memory_space<vmem>>, vector<1x16xf32>,
        %swap3A_844 = vector.shape_cast %swap3A_843 : vector<1x16xf32> to vector<16xf32>
        %swap3A_845 = vector.shape_cast %select_n3A_840 : vector<16xf32> to vector<1x16xf32>
        tpu.vector_store %arg10[%swap3A_841, %swap3A_842], %swap3A_845 {strides = array<i32>} : memref<64x128xf32, #tpu.memory_space<vmem>>, vector<1x16xf32>,
        %eq3A_846 = arith.constant 6 : i32
        %eq3A_847 = vector.broadcast %eq3A_846 : i32 to vector<16xi32>
        %eq3A_848 = arith.cmpi eq, %and3A_779, %eq3A_847 : vector<16xi32>
        %jit3A_849 = arith.constant 0.000000e+00 : f32
        %broadcast_in_dim3A_850 = vector.broadcast %jit3A_849 : f32 to vector<16xf32>
        %select_n3A_851 = arith.select %eq3A_848, %get3A_772, %broadcast_in_dim3A_850 : vector<16xi1>, vector<16xf32>
        %swap3A_852 = arith.index_cast %add3A_768 : i32 to index
        %swap3A_853 = arith.constant 96 : index
        %swap3A_854 = tpu.vector_load %arg10[%swap3A_852, %swap3A_853] {strides = array<i32>} : memref<64x128xf32, #tpu.memory_space<vmem>>, vector<1x16xf32>,
        %swap3A_855 = vector.shape_cast %swap3A_854 : vector<1x16xf32> to vector<16xf32>
        %swap3A_856 = vector.shape_cast %select_n3A_851 : vector<16xf32> to vector<1x16xf32>
        tpu.vector_store %arg10[%swap3A_852, %swap3A_853], %swap3A_856 {strides = array<i32>} : memref<64x128xf32, #tpu.memory_space<vmem>>, vector<1x16xf32>,
        %eq3A_857 = arith.constant 7 : i32
        %eq3A_858 = vector.broadcast %eq3A_857 : i32 to vector<16xi32>
        %eq3A_859 = arith.cmpi eq, %and3A_779, %eq3A_858 : vector<16xi32>
        %jit3A_860 = arith.constant 0.000000e+00 : f32
        %broadcast_in_dim3A_861 = vector.broadcast %jit3A_860 : f32 to vector<16xf32>
        %select_n3A_862 = arith.select %eq3A_859, %get3A_772, %broadcast_in_dim3A_861 : vector<16xi1>, vector<16xf32>
        %swap3A_863 = arith.index_cast %add3A_768 : i32 to index
        %swap3A_864 = arith.constant 112 : index
        %swap3A_865 = tpu.vector_load %arg10[%swap3A_863, %swap3A_864] {strides = array<i32>} : memref<64x128xf32, #tpu.memory_space<vmem>>, vector<1x16xf32>,
        %swap3A_866 = vector.shape_cast %swap3A_865 : vector<1x16xf32> to vector<16xf32>
        %swap3A_867 = vector.shape_cast %select_n3A_862 : vector<16xf32> to vector<1x16xf32>
        tpu.vector_store %arg10[%swap3A_863, %swap3A_864], %swap3A_867 {strides = array<i32>} : memref<64x128xf32, #tpu.memory_space<vmem>>, vector<1x16xf32>,
        %mul3A_868 = arith.constant 8 : i32
        %mul3A_869 = arith.muli %add3A_150, %mul3A_868 : i32
        %add3A_870 = arith.constant 7 : i32
        %add3A_871 = arith.addi %mul3A_869, %add3A_870 : i32
        %get3A_872 = arith.index_cast %add3A_150 : i32 to index
        %get3A_873 = arith.constant 112 : index
        %get3A_874 = tpu.vector_load %arg11[%get3A_872, %get3A_873] {strides = array<i32>} : memref<8x128xf32, #tpu.memory_space<vmem>>, vector<1x16xf32>,
        %get3A_875 = vector.shape_cast %get3A_874 : vector<1x16xf32> to vector<16xf32>
        %get3A_876 = arith.index_cast %add3A_150 : i32 to index
        %get3A_877 = arith.constant 112 : index
        %get3A_878 = tpu.vector_load %arg12[%get3A_876, %get3A_877] {strides = array<i32>} : memref<8x128xi32, #tpu.memory_space<vmem>>, vector<1x16xi32>,
        %get3A_879 = vector.shape_cast %get3A_878 : vector<1x16xi32> to vector<16xi32>
        %and3A_880 = arith.constant 7 : i32
        %and3A_881 = vector.broadcast %and3A_880 : i32 to vector<16xi32>
        %and3A_882 = arith.andi %get3A_879, %and3A_881 : vector<16xi32>
        %eq3A_883 = arith.constant 0 : i32
        %eq3A_884 = vector.broadcast %eq3A_883 : i32 to vector<16xi32>
        %eq3A_885 = arith.cmpi eq, %and3A_882, %eq3A_884 : vector<16xi32>
        %jit3A_886 = arith.constant 0.000000e+00 : f32
        %broadcast_in_dim3A_887 = vector.broadcast %jit3A_886 : f32 to vector<16xf32>
        %select_n3A_888 = arith.select %eq3A_885, %get3A_875, %broadcast_in_dim3A_887 : vector<16xi1>, vector<16xf32>
        %swap3A_889 = arith.index_cast %add3A_871 : i32 to index
        %swap3A_890 = arith.constant 0 : index
        %swap3A_891 = tpu.vector_load %arg10[%swap3A_889, %swap3A_890] {strides = array<i32>} : memref<64x128xf32, #tpu.memory_space<vmem>>, vector<1x16xf32>,
        %swap3A_892 = vector.shape_cast %swap3A_891 : vector<1x16xf32> to vector<16xf32>
        %swap3A_893 = vector.shape_cast %select_n3A_888 : vector<16xf32> to vector<1x16xf32>
        tpu.vector_store %arg10[%swap3A_889, %swap3A_890], %swap3A_893 {strides = array<i32>} : memref<64x128xf32, #tpu.memory_space<vmem>>, vector<1x16xf32>,
        %eq3A_894 = arith.constant 1 : i32
        %eq3A_895 = vector.broadcast %eq3A_894 : i32 to vector<16xi32>
        %eq3A_896 = arith.cmpi eq, %and3A_882, %eq3A_895 : vector<16xi32>
        %jit3A_897 = arith.constant 0.000000e+00 : f32
        %broadcast_in_dim3A_898 = vector.broadcast %jit3A_897 : f32 to vector<16xf32>
        %select_n3A_899 = arith.select %eq3A_896, %get3A_875, %broadcast_in_dim3A_898 : vector<16xi1>, vector<16xf32>
        %swap3A_900 = arith.index_cast %add3A_871 : i32 to index
        %swap3A_901 = arith.constant 16 : index
        %swap3A_902 = tpu.vector_load %arg10[%swap3A_900, %swap3A_901] {strides = array<i32>} : memref<64x128xf32, #tpu.memory_space<vmem>>, vector<1x16xf32>,
        %swap3A_903 = vector.shape_cast %swap3A_902 : vector<1x16xf32> to vector<16xf32>
        %swap3A_904 = vector.shape_cast %select_n3A_899 : vector<16xf32> to vector<1x16xf32>
        tpu.vector_store %arg10[%swap3A_900, %swap3A_901], %swap3A_904 {strides = array<i32>} : memref<64x128xf32, #tpu.memory_space<vmem>>, vector<1x16xf32>,
        %eq3A_905 = arith.constant 2 : i32
        %eq3A_906 = vector.broadcast %eq3A_905 : i32 to vector<16xi32>
        %eq3A_907 = arith.cmpi eq, %and3A_882, %eq3A_906 : vector<16xi32>
        %jit3A_908 = arith.constant 0.000000e+00 : f32
        %broadcast_in_dim3A_909 = vector.broadcast %jit3A_908 : f32 to vector<16xf32>
        %select_n3A_910 = arith.select %eq3A_907, %get3A_875, %broadcast_in_dim3A_909 : vector<16xi1>, vector<16xf32>
        %swap3A_911 = arith.index_cast %add3A_871 : i32 to index
        %swap3A_912 = arith.constant 32 : index
        %swap3A_913 = tpu.vector_load %arg10[%swap3A_911, %swap3A_912] {strides = array<i32>} : memref<64x128xf32, #tpu.memory_space<vmem>>, vector<1x16xf32>,
        %swap3A_914 = vector.shape_cast %swap3A_913 : vector<1x16xf32> to vector<16xf32>
        %swap3A_915 = vector.shape_cast %select_n3A_910 : vector<16xf32> to vector<1x16xf32>
        tpu.vector_store %arg10[%swap3A_911, %swap3A_912], %swap3A_915 {strides = array<i32>} : memref<64x128xf32, #tpu.memory_space<vmem>>, vector<1x16xf32>,
        %eq3A_916 = arith.constant 3 : i32
        %eq3A_917 = vector.broadcast %eq3A_916 : i32 to vector<16xi32>
        %eq3A_918 = arith.cmpi eq, %and3A_882, %eq3A_917 : vector<16xi32>
        %jit3A_919 = arith.constant 0.000000e+00 : f32
        %broadcast_in_dim3A_920 = vector.broadcast %jit3A_919 : f32 to vector<16xf32>
        %select_n3A_921 = arith.select %eq3A_918, %get3A_875, %broadcast_in_dim3A_920 : vector<16xi1>, vector<16xf32>
        %swap3A_922 = arith.index_cast %add3A_871 : i32 to index
        %swap3A_923 = arith.constant 48 : index
        %swap3A_924 = tpu.vector_load %arg10[%swap3A_922, %swap3A_923] {strides = array<i32>} : memref<64x128xf32, #tpu.memory_space<vmem>>, vector<1x16xf32>,
        %swap3A_925 = vector.shape_cast %swap3A_924 : vector<1x16xf32> to vector<16xf32>
        %swap3A_926 = vector.shape_cast %select_n3A_921 : vector<16xf32> to vector<1x16xf32>
        tpu.vector_store %arg10[%swap3A_922, %swap3A_923], %swap3A_926 {strides = array<i32>} : memref<64x128xf32, #tpu.memory_space<vmem>>, vector<1x16xf32>,
        %eq3A_927 = arith.constant 4 : i32
        %eq3A_928 = vector.broadcast %eq3A_927 : i32 to vector<16xi32>
        %eq3A_929 = arith.cmpi eq, %and3A_882, %eq3A_928 : vector<16xi32>
        %jit3A_930 = arith.constant 0.000000e+00 : f32
        %broadcast_in_dim3A_931 = vector.broadcast %jit3A_930 : f32 to vector<16xf32>
        %select_n3A_932 = arith.select %eq3A_929, %get3A_875, %broadcast_in_dim3A_931 : vector<16xi1>, vector<16xf32>
        %swap3A_933 = arith.index_cast %add3A_871 : i32 to index
        %swap3A_934 = arith.constant 64 : index
        %swap3A_935 = tpu.vector_load %arg10[%swap3A_933, %swap3A_934] {strides = array<i32>} : memref<64x128xf32, #tpu.memory_space<vmem>>, vector<1x16xf32>,
        %swap3A_936 = vector.shape_cast %swap3A_935 : vector<1x16xf32> to vector<16xf32>
        %swap3A_937 = vector.shape_cast %select_n3A_932 : vector<16xf32> to vector<1x16xf32>
        tpu.vector_store %arg10[%swap3A_933, %swap3A_934], %swap3A_937 {strides = array<i32>} : memref<64x128xf32, #tpu.memory_space<vmem>>, vector<1x16xf32>,
        %eq3A_938 = arith.constant 5 : i32
        %eq3A_939 = vector.broadcast %eq3A_938 : i32 to vector<16xi32>
        %eq3A_940 = arith.cmpi eq, %and3A_882, %eq3A_939 : vector<16xi32>
        %jit3A_941 = arith.constant 0.000000e+00 : f32
        %broadcast_in_dim3A_942 = vector.broadcast %jit3A_941 : f32 to vector<16xf32>
        %select_n3A_943 = arith.select %eq3A_940, %get3A_875, %broadcast_in_dim3A_942 : vector<16xi1>, vector<16xf32>
        %swap3A_944 = arith.index_cast %add3A_871 : i32 to index
        %swap3A_945 = arith.constant 80 : index
        %swap3A_946 = tpu.vector_load %arg10[%swap3A_944, %swap3A_945] {strides = array<i32>} : memref<64x128xf32, #tpu.memory_space<vmem>>, vector<1x16xf32>,
        %swap3A_947 = vector.shape_cast %swap3A_946 : vector<1x16xf32> to vector<16xf32>
        %swap3A_948 = vector.shape_cast %select_n3A_943 : vector<16xf32> to vector<1x16xf32>
        tpu.vector_store %arg10[%swap3A_944, %swap3A_945], %swap3A_948 {strides = array<i32>} : memref<64x128xf32, #tpu.memory_space<vmem>>, vector<1x16xf32>,
        %eq3A_949 = arith.constant 6 : i32
        %eq3A_950 = vector.broadcast %eq3A_949 : i32 to vector<16xi32>
        %eq3A_951 = arith.cmpi eq, %and3A_882, %eq3A_950 : vector<16xi32>
        %jit3A_952 = arith.constant 0.000000e+00 : f32
        %broadcast_in_dim3A_953 = vector.broadcast %jit3A_952 : f32 to vector<16xf32>
        %select_n3A_954 = arith.select %eq3A_951, %get3A_875, %broadcast_in_dim3A_953 : vector<16xi1>, vector<16xf32>
        %swap3A_955 = arith.index_cast %add3A_871 : i32 to index
        %swap3A_956 = arith.constant 96 : index
        %swap3A_957 = tpu.vector_load %arg10[%swap3A_955, %swap3A_956] {strides = array<i32>} : memref<64x128xf32, #tpu.memory_space<vmem>>, vector<1x16xf32>,
        %swap3A_958 = vector.shape_cast %swap3A_957 : vector<1x16xf32> to vector<16xf32>
        %swap3A_959 = vector.shape_cast %select_n3A_954 : vector<16xf32> to vector<1x16xf32>
        tpu.vector_store %arg10[%swap3A_955, %swap3A_956], %swap3A_959 {strides = array<i32>} : memref<64x128xf32, #tpu.memory_space<vmem>>, vector<1x16xf32>,
        %eq3A_960 = arith.constant 7 : i32
        %eq3A_961 = vector.broadcast %eq3A_960 : i32 to vector<16xi32>
        %eq3A_962 = arith.cmpi eq, %and3A_882, %eq3A_961 : vector<16xi32>
        %jit3A_963 = arith.constant 0.000000e+00 : f32
        %broadcast_in_dim3A_964 = vector.broadcast %jit3A_963 : f32 to vector<16xf32>
        %select_n3A_965 = arith.select %eq3A_962, %get3A_875, %broadcast_in_dim3A_964 : vector<16xi1>, vector<16xf32>
        %swap3A_966 = arith.index_cast %add3A_871 : i32 to index
        %swap3A_967 = arith.constant 112 : index
        %swap3A_968 = tpu.vector_load %arg10[%swap3A_966, %swap3A_967] {strides = array<i32>} : memref<64x128xf32, #tpu.memory_space<vmem>>, vector<1x16xf32>,
        %swap3A_969 = vector.shape_cast %swap3A_968 : vector<1x16xf32> to vector<16xf32>
        %swap3A_970 = vector.shape_cast %select_n3A_965 : vector<16xf32> to vector<1x16xf32>
        tpu.vector_store %arg10[%swap3A_966, %swap3A_967], %swap3A_970 {strides = array<i32>} : memref<64x128xf32, #tpu.memory_space<vmem>>, vector<1x16xf32>,
      }
      %scan3A_130 = arith.constant 8 : i32
      %dma_wait3A_131 = arith.constant 0 : i32
      %dma_wait3A_132 = tpu.memref_slice %arg2[%mul3A_90, %dma_wait3A_131] : memref<320000x128xf32, #tpu.memory_space<hbm>> -> memref<64x128xf32, #tpu.memory_space<hbm>>
      %dma_wait3A_133 = arith.constant 0 : i32
      %dma_wait3A_134 = tpu.memref_slice %arg2[%mul3A_90, %dma_wait3A_133] : memref<320000x128xf32, #tpu.memory_space<hbm>> -> memref<64x128xf32, #tpu.memory_space<hbm>>
      tpu.wait_dma2 semaphore(%arg16 : memref<!tpu.dma_semaphore, #tpu.memory_space<semaphore_mem>>) src(%dma_wait3A_134 : memref<64x128xf32, #tpu.memory_space<hbm>>) dst(%arg8 : memref<64x128xf32, #tpu.memory_space<vmem>>)
      %scan3A_135 = arith.constant 0 : i32
      %scan3A_136 = arith.constant 8 : i32
      %scan3A_137 = arith.addi %scan3A_135, %scan3A_136 : i32
      %scan3A_138 = arith.constant 1 : i32
      scf.for %scan3A_146 = %scan3A_135 to %scan3A_137 step %scan3A_138  : i32 {
        %mul3A_147 = arith.constant 1 : i32
        %mul3A_148 = arith.muli %scan3A_146, %mul3A_147 : i32
        %add3A_149 = arith.constant 0 : i32
        %add3A_150 = arith.addi %add3A_149, %mul3A_148 : i32
        %mul3A_151 = arith.constant 8 : i32
        %mul3A_152 = arith.muli %add3A_150, %mul3A_151 : i32
        %add3A_153 = arith.constant 0 : i32
        %add3A_154 = arith.addi %mul3A_152, %add3A_153 : i32
        %get3A = arith.index_cast %add3A_150 : i32 to index
        %get3A_155 = arith.constant 0 : index
        %get3A_156 = tpu.vector_load %arg11[%get3A, %get3A_155] {strides = array<i32>} : memref<8x128xf32, #tpu.memory_space<vmem>>, vector<1x16xf32>,
        %get3A_157 = vector.shape_cast %get3A_156 : vector<1x16xf32> to vector<16xf32>
        %get3A_158 = arith.index_cast %add3A_154 : i32 to index
        %get3A_159 = arith.constant 0 : index
        %get3A_160 = tpu.vector_load %arg8[%get3A_158, %get3A_159] {strides = array<i32>} : memref<64x128xf32, #tpu.memory_space<vmem>>, vector<1x16xf32>,
        %get3A_161 = vector.shape_cast %get3A_160 : vector<1x16xf32> to vector<16xf32>
        %mul3A_162 = arith.mulf %get3A_161, %get3A_157 : vector<16xf32>
        %swap3A = arith.index_cast %add3A_154 : i32 to index
        %swap3A_163 = arith.constant 0 : index
        %swap3A_164 = tpu.vector_load %arg9[%swap3A, %swap3A_163] {strides = array<i32>} : memref<64x128xf32, #tpu.memory_space<vmem>>, vector<1x16xf32>,
        %swap3A_165 = vector.shape_cast %swap3A_164 : vector<1x16xf32> to vector<16xf32>
        %swap3A_166 = vector.shape_cast %mul3A_162 : vector<16xf32> to vector<1x16xf32>
        tpu.vector_store %arg9[%swap3A, %swap3A_163], %swap3A_166 {strides = array<i32>} : memref<64x128xf32, #tpu.memory_space<vmem>>, vector<1x16xf32>,
        %get3A_167 = arith.index_cast %add3A_154 : i32 to index
        %get3A_168 = arith.constant 16 : index
        %get3A_169 = tpu.vector_load %arg8[%get3A_167, %get3A_168] {strides = array<i32>} : memref<64x128xf32, #tpu.memory_space<vmem>>, vector<1x16xf32>,
        %get3A_170 = vector.shape_cast %get3A_169 : vector<1x16xf32> to vector<16xf32>
        %mul3A_171 = arith.mulf %get3A_170, %get3A_157 : vector<16xf32>
        %swap3A_172 = arith.index_cast %add3A_154 : i32 to index
        %swap3A_173 = arith.constant 16 : index
        %swap3A_174 = tpu.vector_load %arg9[%swap3A_172, %swap3A_173] {strides = array<i32>} : memref<64x128xf32, #tpu.memory_space<vmem>>, vector<1x16xf32>,
        %swap3A_175 = vector.shape_cast %swap3A_174 : vector<1x16xf32> to vector<16xf32>
        %swap3A_176 = vector.shape_cast %mul3A_171 : vector<16xf32> to vector<1x16xf32>
        tpu.vector_store %arg9[%swap3A_172, %swap3A_173], %swap3A_176 {strides = array<i32>} : memref<64x128xf32, #tpu.memory_space<vmem>>, vector<1x16xf32>,
        %get3A_177 = arith.index_cast %add3A_154 : i32 to index
        %get3A_178 = arith.constant 32 : index
        %get3A_179 = tpu.vector_load %arg8[%get3A_177, %get3A_178] {strides = array<i32>} : memref<64x128xf32, #tpu.memory_space<vmem>>, vector<1x16xf32>,
        %get3A_180 = vector.shape_cast %get3A_179 : vector<1x16xf32> to vector<16xf32>
        %mul3A_181 = arith.mulf %get3A_180, %get3A_157 : vector<16xf32>
        %swap3A_182 = arith.index_cast %add3A_154 : i32 to index
        %swap3A_183 = arith.constant 32 : index
        %swap3A_184 = tpu.vector_load %arg9[%swap3A_182, %swap3A_183] {strides = array<i32>} : memref<64x128xf32, #tpu.memory_space<vmem>>, vector<1x16xf32>,
        %swap3A_185 = vector.shape_cast %swap3A_184 : vector<1x16xf32> to vector<16xf32>
        %swap3A_186 = vector.shape_cast %mul3A_181 : vector<16xf32> to vector<1x16xf32>
        tpu.vector_store %arg9[%swap3A_182, %swap3A_183], %swap3A_186 {strides = array<i32>} : memref<64x128xf32, #tpu.memory_space<vmem>>, vector<1x16xf32>,
        %get3A_187 = arith.index_cast %add3A_154 : i32 to index
        %get3A_188 = arith.constant 48 : index
        %get3A_189 = tpu.vector_load %arg8[%get3A_187, %get3A_188] {strides = array<i32>} : memref<64x128xf32, #tpu.memory_space<vmem>>, vector<1x16xf32>,
        %get3A_190 = vector.shape_cast %get3A_189 : vector<1x16xf32> to vector<16xf32>
        %mul3A_191 = arith.mulf %get3A_190, %get3A_157 : vector<16xf32>
        %swap3A_192 = arith.index_cast %add3A_154 : i32 to index
        %swap3A_193 = arith.constant 48 : index
        %swap3A_194 = tpu.vector_load %arg9[%swap3A_192, %swap3A_193] {strides = array<i32>} : memref<64x128xf32, #tpu.memory_space<vmem>>, vector<1x16xf32>,
        %swap3A_195 = vector.shape_cast %swap3A_194 : vector<1x16xf32> to vector<16xf32>
        %swap3A_196 = vector.shape_cast %mul3A_191 : vector<16xf32> to vector<1x16xf32>
        tpu.vector_store %arg9[%swap3A_192, %swap3A_193], %swap3A_196 {strides = array<i32>} : memref<64x128xf32, #tpu.memory_space<vmem>>, vector<1x16xf32>,
        %get3A_197 = arith.index_cast %add3A_154 : i32 to index
        %get3A_198 = arith.constant 64 : index
        %get3A_199 = tpu.vector_load %arg8[%get3A_197, %get3A_198] {strides = array<i32>} : memref<64x128xf32, #tpu.memory_space<vmem>>, vector<1x16xf32>,
        %get3A_200 = vector.shape_cast %get3A_199 : vector<1x16xf32> to vector<16xf32>
        %mul3A_201 = arith.mulf %get3A_200, %get3A_157 : vector<16xf32>
        %swap3A_202 = arith.index_cast %add3A_154 : i32 to index
        %swap3A_203 = arith.constant 64 : index
        %swap3A_204 = tpu.vector_load %arg9[%swap3A_202, %swap3A_203] {strides = array<i32>} : memref<64x128xf32, #tpu.memory_space<vmem>>, vector<1x16xf32>,
        %swap3A_205 = vector.shape_cast %swap3A_204 : vector<1x16xf32> to vector<16xf32>
        %swap3A_206 = vector.shape_cast %mul3A_201 : vector<16xf32> to vector<1x16xf32>
        tpu.vector_store %arg9[%swap3A_202, %swap3A_203], %swap3A_206 {strides = array<i32>} : memref<64x128xf32, #tpu.memory_space<vmem>>, vector<1x16xf32>,
        %get3A_207 = arith.index_cast %add3A_154 : i32 to index
        %get3A_208 = arith.constant 80 : index
        %get3A_209 = tpu.vector_load %arg8[%get3A_207, %get3A_208] {strides = array<i32>} : memref<64x128xf32, #tpu.memory_space<vmem>>, vector<1x16xf32>,
        %get3A_210 = vector.shape_cast %get3A_209 : vector<1x16xf32> to vector<16xf32>
        %mul3A_211 = arith.mulf %get3A_210, %get3A_157 : vector<16xf32>
        %swap3A_212 = arith.index_cast %add3A_154 : i32 to index
        %swap3A_213 = arith.constant 80 : index
        %swap3A_214 = tpu.vector_load %arg9[%swap3A_212, %swap3A_213] {strides = array<i32>} : memref<64x128xf32, #tpu.memory_space<vmem>>, vector<1x16xf32>,
        %swap3A_215 = vector.shape_cast %swap3A_214 : vector<1x16xf32> to vector<16xf32>
        %swap3A_216 = vector.shape_cast %mul3A_211 : vector<16xf32> to vector<1x16xf32>
        tpu.vector_store %arg9[%swap3A_212, %swap3A_213], %swap3A_216 {strides = array<i32>} : memref<64x128xf32, #tpu.memory_space<vmem>>, vector<1x16xf32>,
        %get3A_217 = arith.index_cast %add3A_154 : i32 to index
        %get3A_218 = arith.constant 96 : index
        %get3A_219 = tpu.vector_load %arg8[%get3A_217, %get3A_218] {strides = array<i32>} : memref<64x128xf32, #tpu.memory_space<vmem>>, vector<1x16xf32>,
        %get3A_220 = vector.shape_cast %get3A_219 : vector<1x16xf32> to vector<16xf32>
        %mul3A_221 = arith.mulf %get3A_220, %get3A_157 : vector<16xf32>
        %swap3A_222 = arith.index_cast %add3A_154 : i32 to index
        %swap3A_223 = arith.constant 96 : index
        %swap3A_224 = tpu.vector_load %arg9[%swap3A_222, %swap3A_223] {strides = array<i32>} : memref<64x128xf32, #tpu.memory_space<vmem>>, vector<1x16xf32>,
        %swap3A_225 = vector.shape_cast %swap3A_224 : vector<1x16xf32> to vector<16xf32>
        %swap3A_226 = vector.shape_cast %mul3A_221 : vector<16xf32> to vector<1x16xf32>
        tpu.vector_store %arg9[%swap3A_222, %swap3A_223], %swap3A_226 {strides = array<i32>} : memref<64x128xf32, #tpu.memory_space<vmem>>, vector<1x16xf32>,
        %get3A_227 = arith.index_cast %add3A_154 : i32 to index
        %get3A_228 = arith.constant 112 : index
        %get3A_229 = tpu.vector_load %arg8[%get3A_227, %get3A_228] {strides = array<i32>} : memref<64x128xf32, #tpu.memory_space<vmem>>, vector<1x16xf32>,
        %get3A_230 = vector.shape_cast %get3A_229 : vector<1x16xf32> to vector<16xf32>
        %mul3A_231 = arith.mulf %get3A_230, %get3A_157 : vector<16xf32>
        %swap3A_232 = arith.index_cast %add3A_154 : i32 to index
        %swap3A_233 = arith.constant 112 : index
        %swap3A_234 = tpu.vector_load %arg9[%swap3A_232, %swap3A_233] {strides = array<i32>} : memref<64x128xf32, #tpu.memory_space<vmem>>, vector<1x16xf32>,
        %swap3A_235 = vector.shape_cast %swap3A_234 : vector<1x16xf32> to vector<16xf32>
        %swap3A_236 = vector.shape_cast %mul3A_231 : vector<16xf32> to vector<1x16xf32>
        tpu.vector_store %arg9[%swap3A_232, %swap3A_233], %swap3A_236 {strides = array<i32>} : memref<64x128xf32, #tpu.memory_space<vmem>>, vector<1x16xf32>,
        %mul3A_237 = arith.constant 8 : i32
        %mul3A_238 = arith.muli %add3A_150, %mul3A_237 : i32
        %add3A_239 = arith.constant 1 : i32
        %add3A_240 = arith.addi %mul3A_238, %add3A_239 : i32
        %get3A_241 = arith.index_cast %add3A_150 : i32 to index
        %get3A_242 = arith.constant 16 : index
        %get3A_243 = tpu.vector_load %arg11[%get3A_241, %get3A_242] {strides = array<i32>} : memref<8x128xf32, #tpu.memory_space<vmem>>, vector<1x16xf32>,
        %get3A_244 = vector.shape_cast %get3A_243 : vector<1x16xf32> to vector<16xf32>
        %get3A_245 = arith.index_cast %add3A_240 : i32 to index
        %get3A_246 = arith.constant 0 : index
        %get3A_247 = tpu.vector_load %arg8[%get3A_245, %get3A_246] {strides = array<i32>} : memref<64x128xf32, #tpu.memory_space<vmem>>, vector<1x16xf32>,
        %get3A_248 = vector.shape_cast %get3A_247 : vector<1x16xf32> to vector<16xf32>
        %mul3A_249 = arith.mulf %get3A_248, %get3A_244 : vector<16xf32>
        %swap3A_250 = arith.index_cast %add3A_240 : i32 to index
        %swap3A_251 = arith.constant 0 : index
        %swap3A_252 = tpu.vector_load %arg9[%swap3A_250, %swap3A_251] {strides = array<i32>} : memref<64x128xf32, #tpu.memory_space<vmem>>, vector<1x16xf32>,
        %swap3A_253 = vector.shape_cast %swap3A_252 : vector<1x16xf32> to vector<16xf32>
        %swap3A_254 = vector.shape_cast %mul3A_249 : vector<16xf32> to vector<1x16xf32>
        tpu.vector_store %arg9[%swap3A_250, %swap3A_251], %swap3A_254 {strides = array<i32>} : memref<64x128xf32, #tpu.memory_space<vmem>>, vector<1x16xf32>,
        %get3A_255 = arith.index_cast %add3A_240 : i32 to index
        %get3A_256 = arith.constant 16 : index
        %get3A_257 = tpu.vector_load %arg8[%get3A_255, %get3A_256] {strides = array<i32>} : memref<64x128xf32, #tpu.memory_space<vmem>>, vector<1x16xf32>,
        %get3A_258 = vector.shape_cast %get3A_257 : vector<1x16xf32> to vector<16xf32>
        %mul3A_259 = arith.mulf %get3A_258, %get3A_244 : vector<16xf32>
        %swap3A_260 = arith.index_cast %add3A_240 : i32 to index
        %swap3A_261 = arith.constant 16 : index
        %swap3A_262 = tpu.vector_load %arg9[%swap3A_260, %swap3A_261] {strides = array<i32>} : memref<64x128xf32, #tpu.memory_space<vmem>>, vector<1x16xf32>,
        %swap3A_263 = vector.shape_cast %swap3A_262 : vector<1x16xf32> to vector<16xf32>
        %swap3A_264 = vector.shape_cast %mul3A_259 : vector<16xf32> to vector<1x16xf32>
        tpu.vector_store %arg9[%swap3A_260, %swap3A_261], %swap3A_264 {strides = array<i32>} : memref<64x128xf32, #tpu.memory_space<vmem>>, vector<1x16xf32>,
        %get3A_265 = arith.index_cast %add3A_240 : i32 to index
        %get3A_266 = arith.constant 32 : index
        %get3A_267 = tpu.vector_load %arg8[%get3A_265, %get3A_266] {strides = array<i32>} : memref<64x128xf32, #tpu.memory_space<vmem>>, vector<1x16xf32>,
        %get3A_268 = vector.shape_cast %get3A_267 : vector<1x16xf32> to vector<16xf32>
        %mul3A_269 = arith.mulf %get3A_268, %get3A_244 : vector<16xf32>
        %swap3A_270 = arith.index_cast %add3A_240 : i32 to index
        %swap3A_271 = arith.constant 32 : index
        %swap3A_272 = tpu.vector_load %arg9[%swap3A_270, %swap3A_271] {strides = array<i32>} : memref<64x128xf32, #tpu.memory_space<vmem>>, vector<1x16xf32>,
        %swap3A_273 = vector.shape_cast %swap3A_272 : vector<1x16xf32> to vector<16xf32>
        %swap3A_274 = vector.shape_cast %mul3A_269 : vector<16xf32> to vector<1x16xf32>
        tpu.vector_store %arg9[%swap3A_270, %swap3A_271], %swap3A_274 {strides = array<i32>} : memref<64x128xf32, #tpu.memory_space<vmem>>, vector<1x16xf32>,
        %get3A_275 = arith.index_cast %add3A_240 : i32 to index
        %get3A_276 = arith.constant 48 : index
        %get3A_277 = tpu.vector_load %arg8[%get3A_275, %get3A_276] {strides = array<i32>} : memref<64x128xf32, #tpu.memory_space<vmem>>, vector<1x16xf32>,
        %get3A_278 = vector.shape_cast %get3A_277 : vector<1x16xf32> to vector<16xf32>
        %mul3A_279 = arith.mulf %get3A_278, %get3A_244 : vector<16xf32>
        %swap3A_280 = arith.index_cast %add3A_240 : i32 to index
        %swap3A_281 = arith.constant 48 : index
        %swap3A_282 = tpu.vector_load %arg9[%swap3A_280, %swap3A_281] {strides = array<i32>} : memref<64x128xf32, #tpu.memory_space<vmem>>, vector<1x16xf32>,
        %swap3A_283 = vector.shape_cast %swap3A_282 : vector<1x16xf32> to vector<16xf32>
        %swap3A_284 = vector.shape_cast %mul3A_279 : vector<16xf32> to vector<1x16xf32>
        tpu.vector_store %arg9[%swap3A_280, %swap3A_281], %swap3A_284 {strides = array<i32>} : memref<64x128xf32, #tpu.memory_space<vmem>>, vector<1x16xf32>,
        %get3A_285 = arith.index_cast %add3A_240 : i32 to index
        %get3A_286 = arith.constant 64 : index
        %get3A_287 = tpu.vector_load %arg8[%get3A_285, %get3A_286] {strides = array<i32>} : memref<64x128xf32, #tpu.memory_space<vmem>>, vector<1x16xf32>,
        %get3A_288 = vector.shape_cast %get3A_287 : vector<1x16xf32> to vector<16xf32>
        %mul3A_289 = arith.mulf %get3A_288, %get3A_244 : vector<16xf32>
        %swap3A_290 = arith.index_cast %add3A_240 : i32 to index
        %swap3A_291 = arith.constant 64 : index
        %swap3A_292 = tpu.vector_load %arg9[%swap3A_290, %swap3A_291] {strides = array<i32>} : memref<64x128xf32, #tpu.memory_space<vmem>>, vector<1x16xf32>,
        %swap3A_293 = vector.shape_cast %swap3A_292 : vector<1x16xf32> to vector<16xf32>
        %swap3A_294 = vector.shape_cast %mul3A_289 : vector<16xf32> to vector<1x16xf32>
        tpu.vector_store %arg9[%swap3A_290, %swap3A_291], %swap3A_294 {strides = array<i32>} : memref<64x128xf32, #tpu.memory_space<vmem>>, vector<1x16xf32>,
        %get3A_295 = arith.index_cast %add3A_240 : i32 to index
        %get3A_296 = arith.constant 80 : index
        %get3A_297 = tpu.vector_load %arg8[%get3A_295, %get3A_296] {strides = array<i32>} : memref<64x128xf32, #tpu.memory_space<vmem>>, vector<1x16xf32>,
        %get3A_298 = vector.shape_cast %get3A_297 : vector<1x16xf32> to vector<16xf32>
        %mul3A_299 = arith.mulf %get3A_298, %get3A_244 : vector<16xf32>
        %swap3A_300 = arith.index_cast %add3A_240 : i32 to index
        %swap3A_301 = arith.constant 80 : index
        %swap3A_302 = tpu.vector_load %arg9[%swap3A_300, %swap3A_301] {strides = array<i32>} : memref<64x128xf32, #tpu.memory_space<vmem>>, vector<1x16xf32>,
        %swap3A_303 = vector.shape_cast %swap3A_302 : vector<1x16xf32> to vector<16xf32>
        %swap3A_304 = vector.shape_cast %mul3A_299 : vector<16xf32> to vector<1x16xf32>
        tpu.vector_store %arg9[%swap3A_300, %swap3A_301], %swap3A_304 {strides = array<i32>} : memref<64x128xf32, #tpu.memory_space<vmem>>, vector<1x16xf32>,
        %get3A_305 = arith.index_cast %add3A_240 : i32 to index
        %get3A_306 = arith.constant 96 : index
        %get3A_307 = tpu.vector_load %arg8[%get3A_305, %get3A_306] {strides = array<i32>} : memref<64x128xf32, #tpu.memory_space<vmem>>, vector<1x16xf32>,
        %get3A_308 = vector.shape_cast %get3A_307 : vector<1x16xf32> to vector<16xf32>
        %mul3A_309 = arith.mulf %get3A_308, %get3A_244 : vector<16xf32>
        %swap3A_310 = arith.index_cast %add3A_240 : i32 to index
        %swap3A_311 = arith.constant 96 : index
        %swap3A_312 = tpu.vector_load %arg9[%swap3A_310, %swap3A_311] {strides = array<i32>} : memref<64x128xf32, #tpu.memory_space<vmem>>, vector<1x16xf32>,
        %swap3A_313 = vector.shape_cast %swap3A_312 : vector<1x16xf32> to vector<16xf32>
        %swap3A_314 = vector.shape_cast %mul3A_309 : vector<16xf32> to vector<1x16xf32>
        tpu.vector_store %arg9[%swap3A_310, %swap3A_311], %swap3A_314 {strides = array<i32>} : memref<64x128xf32, #tpu.memory_space<vmem>>, vector<1x16xf32>,
        %get3A_315 = arith.index_cast %add3A_240 : i32 to index
        %get3A_316 = arith.constant 112 : index
        %get3A_317 = tpu.vector_load %arg8[%get3A_315, %get3A_316] {strides = array<i32>} : memref<64x128xf32, #tpu.memory_space<vmem>>, vector<1x16xf32>,
        %get3A_318 = vector.shape_cast %get3A_317 : vector<1x16xf32> to vector<16xf32>
        %mul3A_319 = arith.mulf %get3A_318, %get3A_244 : vector<16xf32>
        %swap3A_320 = arith.index_cast %add3A_240 : i32 to index
        %swap3A_321 = arith.constant 112 : index
        %swap3A_322 = tpu.vector_load %arg9[%swap3A_320, %swap3A_321] {strides = array<i32>} : memref<64x128xf32, #tpu.memory_space<vmem>>, vector<1x16xf32>,
        %swap3A_323 = vector.shape_cast %swap3A_322 : vector<1x16xf32> to vector<16xf32>
        %swap3A_324 = vector.shape_cast %mul3A_319 : vector<16xf32> to vector<1x16xf32>
        tpu.vector_store %arg9[%swap3A_320, %swap3A_321], %swap3A_324 {strides = array<i32>} : memref<64x128xf32, #tpu.memory_space<vmem>>, vector<1x16xf32>,
        %mul3A_325 = arith.constant 8 : i32
        %mul3A_326 = arith.muli %add3A_150, %mul3A_325 : i32
        %add3A_327 = arith.constant 2 : i32
        %add3A_328 = arith.addi %mul3A_326, %add3A_327 : i32
        %get3A_329 = arith.index_cast %add3A_150 : i32 to index
        %get3A_330 = arith.constant 32 : index
        %get3A_331 = tpu.vector_load %arg11[%get3A_329, %get3A_330] {strides = array<i32>} : memref<8x128xf32, #tpu.memory_space<vmem>>, vector<1x16xf32>,
        %get3A_332 = vector.shape_cast %get3A_331 : vector<1x16xf32> to vector<16xf32>
        %get3A_333 = arith.index_cast %add3A_328 : i32 to index
        %get3A_334 = arith.constant 0 : index
        %get3A_335 = tpu.vector_load %arg8[%get3A_333, %get3A_334] {strides = array<i32>} : memref<64x128xf32, #tpu.memory_space<vmem>>, vector<1x16xf32>,
        %get3A_336 = vector.shape_cast %get3A_335 : vector<1x16xf32> to vector<16xf32>
        %mul3A_337 = arith.mulf %get3A_336, %get3A_332 : vector<16xf32>
        %swap3A_338 = arith.index_cast %add3A_328 : i32 to index
        %swap3A_339 = arith.constant 0 : index
        %swap3A_340 = tpu.vector_load %arg9[%swap3A_338, %swap3A_339] {strides = array<i32>} : memref<64x128xf32, #tpu.memory_space<vmem>>, vector<1x16xf32>,
        %swap3A_341 = vector.shape_cast %swap3A_340 : vector<1x16xf32> to vector<16xf32>
        %swap3A_342 = vector.shape_cast %mul3A_337 : vector<16xf32> to vector<1x16xf32>
        tpu.vector_store %arg9[%swap3A_338, %swap3A_339], %swap3A_342 {strides = array<i32>} : memref<64x128xf32, #tpu.memory_space<vmem>>, vector<1x16xf32>,
        %get3A_343 = arith.index_cast %add3A_328 : i32 to index
        %get3A_344 = arith.constant 16 : index
        %get3A_345 = tpu.vector_load %arg8[%get3A_343, %get3A_344] {strides = array<i32>} : memref<64x128xf32, #tpu.memory_space<vmem>>, vector<1x16xf32>,
        %get3A_346 = vector.shape_cast %get3A_345 : vector<1x16xf32> to vector<16xf32>
        %mul3A_347 = arith.mulf %get3A_346, %get3A_332 : vector<16xf32>
        %swap3A_348 = arith.index_cast %add3A_328 : i32 to index
        %swap3A_349 = arith.constant 16 : index
        %swap3A_350 = tpu.vector_load %arg9[%swap3A_348, %swap3A_349] {strides = array<i32>} : memref<64x128xf32, #tpu.memory_space<vmem>>, vector<1x16xf32>,
        %swap3A_351 = vector.shape_cast %swap3A_350 : vector<1x16xf32> to vector<16xf32>
        %swap3A_352 = vector.shape_cast %mul3A_347 : vector<16xf32> to vector<1x16xf32>
        tpu.vector_store %arg9[%swap3A_348, %swap3A_349], %swap3A_352 {strides = array<i32>} : memref<64x128xf32, #tpu.memory_space<vmem>>, vector<1x16xf32>,
        %get3A_353 = arith.index_cast %add3A_328 : i32 to index
        %get3A_354 = arith.constant 32 : index
        %get3A_355 = tpu.vector_load %arg8[%get3A_353, %get3A_354] {strides = array<i32>} : memref<64x128xf32, #tpu.memory_space<vmem>>, vector<1x16xf32>,
        %get3A_356 = vector.shape_cast %get3A_355 : vector<1x16xf32> to vector<16xf32>
        %mul3A_357 = arith.mulf %get3A_356, %get3A_332 : vector<16xf32>
        %swap3A_358 = arith.index_cast %add3A_328 : i32 to index
        %swap3A_359 = arith.constant 32 : index
        %swap3A_360 = tpu.vector_load %arg9[%swap3A_358, %swap3A_359] {strides = array<i32>} : memref<64x128xf32, #tpu.memory_space<vmem>>, vector<1x16xf32>,
        %swap3A_361 = vector.shape_cast %swap3A_360 : vector<1x16xf32> to vector<16xf32>
        %swap3A_362 = vector.shape_cast %mul3A_357 : vector<16xf32> to vector<1x16xf32>
        tpu.vector_store %arg9[%swap3A_358, %swap3A_359], %swap3A_362 {strides = array<i32>} : memref<64x128xf32, #tpu.memory_space<vmem>>, vector<1x16xf32>,
        %get3A_363 = arith.index_cast %add3A_328 : i32 to index
        %get3A_364 = arith.constant 48 : index
        %get3A_365 = tpu.vector_load %arg8[%get3A_363, %get3A_364] {strides = array<i32>} : memref<64x128xf32, #tpu.memory_space<vmem>>, vector<1x16xf32>,
        %get3A_366 = vector.shape_cast %get3A_365 : vector<1x16xf32> to vector<16xf32>
        %mul3A_367 = arith.mulf %get3A_366, %get3A_332 : vector<16xf32>
        %swap3A_368 = arith.index_cast %add3A_328 : i32 to index
        %swap3A_369 = arith.constant 48 : index
        %swap3A_370 = tpu.vector_load %arg9[%swap3A_368, %swap3A_369] {strides = array<i32>} : memref<64x128xf32, #tpu.memory_space<vmem>>, vector<1x16xf32>,
        %swap3A_371 = vector.shape_cast %swap3A_370 : vector<1x16xf32> to vector<16xf32>
        %swap3A_372 = vector.shape_cast %mul3A_367 : vector<16xf32> to vector<1x16xf32>
        tpu.vector_store %arg9[%swap3A_368, %swap3A_369], %swap3A_372 {strides = array<i32>} : memref<64x128xf32, #tpu.memory_space<vmem>>, vector<1x16xf32>,
        %get3A_373 = arith.index_cast %add3A_328 : i32 to index
        %get3A_374 = arith.constant 64 : index
        %get3A_375 = tpu.vector_load %arg8[%get3A_373, %get3A_374] {strides = array<i32>} : memref<64x128xf32, #tpu.memory_space<vmem>>, vector<1x16xf32>,
        %get3A_376 = vector.shape_cast %get3A_375 : vector<1x16xf32> to vector<16xf32>
        %mul3A_377 = arith.mulf %get3A_376, %get3A_332 : vector<16xf32>
        %swap3A_378 = arith.index_cast %add3A_328 : i32 to index
        %swap3A_379 = arith.constant 64 : index
        %swap3A_380 = tpu.vector_load %arg9[%swap3A_378, %swap3A_379] {strides = array<i32>} : memref<64x128xf32, #tpu.memory_space<vmem>>, vector<1x16xf32>,
        %swap3A_381 = vector.shape_cast %swap3A_380 : vector<1x16xf32> to vector<16xf32>
        %swap3A_382 = vector.shape_cast %mul3A_377 : vector<16xf32> to vector<1x16xf32>
        tpu.vector_store %arg9[%swap3A_378, %swap3A_379], %swap3A_382 {strides = array<i32>} : memref<64x128xf32, #tpu.memory_space<vmem>>, vector<1x16xf32>,
        %get3A_383 = arith.index_cast %add3A_328 : i32 to index
        %get3A_384 = arith.constant 80 : index
        %get3A_385 = tpu.vector_load %arg8[%get3A_383, %get3A_384] {strides = array<i32>} : memref<64x128xf32, #tpu.memory_space<vmem>>, vector<1x16xf32>,
        %get3A_386 = vector.shape_cast %get3A_385 : vector<1x16xf32> to vector<16xf32>
        %mul3A_387 = arith.mulf %get3A_386, %get3A_332 : vector<16xf32>
        %swap3A_388 = arith.index_cast %add3A_328 : i32 to index
        %swap3A_389 = arith.constant 80 : index
        %swap3A_390 = tpu.vector_load %arg9[%swap3A_388, %swap3A_389] {strides = array<i32>} : memref<64x128xf32, #tpu.memory_space<vmem>>, vector<1x16xf32>,
        %swap3A_391 = vector.shape_cast %swap3A_390 : vector<1x16xf32> to vector<16xf32>
        %swap3A_392 = vector.shape_cast %mul3A_387 : vector<16xf32> to vector<1x16xf32>
        tpu.vector_store %arg9[%swap3A_388, %swap3A_389], %swap3A_392 {strides = array<i32>} : memref<64x128xf32, #tpu.memory_space<vmem>>, vector<1x16xf32>,
        %get3A_393 = arith.index_cast %add3A_328 : i32 to index
        %get3A_394 = arith.constant 96 : index
        %get3A_395 = tpu.vector_load %arg8[%get3A_393, %get3A_394] {strides = array<i32>} : memref<64x128xf32, #tpu.memory_space<vmem>>, vector<1x16xf32>,
        %get3A_396 = vector.shape_cast %get3A_395 : vector<1x16xf32> to vector<16xf32>
        %mul3A_397 = arith.mulf %get3A_396, %get3A_332 : vector<16xf32>
        %swap3A_398 = arith.index_cast %add3A_328 : i32 to index
        %swap3A_399 = arith.constant 96 : index
        %swap3A_400 = tpu.vector_load %arg9[%swap3A_398, %swap3A_399] {strides = array<i32>} : memref<64x128xf32, #tpu.memory_space<vmem>>, vector<1x16xf32>,
        %swap3A_401 = vector.shape_cast %swap3A_400 : vector<1x16xf32> to vector<16xf32>
        %swap3A_402 = vector.shape_cast %mul3A_397 : vector<16xf32> to vector<1x16xf32>
        tpu.vector_store %arg9[%swap3A_398, %swap3A_399], %swap3A_402 {strides = array<i32>} : memref<64x128xf32, #tpu.memory_space<vmem>>, vector<1x16xf32>,
        %get3A_403 = arith.index_cast %add3A_328 : i32 to index
        %get3A_404 = arith.constant 112 : index
        %get3A_405 = tpu.vector_load %arg8[%get3A_403, %get3A_404] {strides = array<i32>} : memref<64x128xf32, #tpu.memory_space<vmem>>, vector<1x16xf32>,
        %get3A_406 = vector.shape_cast %get3A_405 : vector<1x16xf32> to vector<16xf32>
        %mul3A_407 = arith.mulf %get3A_406, %get3A_332 : vector<16xf32>
        %swap3A_408 = arith.index_cast %add3A_328 : i32 to index
        %swap3A_409 = arith.constant 112 : index
        %swap3A_410 = tpu.vector_load %arg9[%swap3A_408, %swap3A_409] {strides = array<i32>} : memref<64x128xf32, #tpu.memory_space<vmem>>, vector<1x16xf32>,
        %swap3A_411 = vector.shape_cast %swap3A_410 : vector<1x16xf32> to vector<16xf32>
        %swap3A_412 = vector.shape_cast %mul3A_407 : vector<16xf32> to vector<1x16xf32>
        tpu.vector_store %arg9[%swap3A_408, %swap3A_409], %swap3A_412 {strides = array<i32>} : memref<64x128xf32, #tpu.memory_space<vmem>>, vector<1x16xf32>,
        %mul3A_413 = arith.constant 8 : i32
        %mul3A_414 = arith.muli %add3A_150, %mul3A_413 : i32
        %add3A_415 = arith.constant 3 : i32
        %add3A_416 = arith.addi %mul3A_414, %add3A_415 : i32
        %get3A_417 = arith.index_cast %add3A_150 : i32 to index
        %get3A_418 = arith.constant 48 : index
        %get3A_419 = tpu.vector_load %arg11[%get3A_417, %get3A_418] {strides = array<i32>} : memref<8x128xf32, #tpu.memory_space<vmem>>, vector<1x16xf32>,
        %get3A_420 = vector.shape_cast %get3A_419 : vector<1x16xf32> to vector<16xf32>
        %get3A_421 = arith.index_cast %add3A_416 : i32 to index
        %get3A_422 = arith.constant 0 : index
        %get3A_423 = tpu.vector_load %arg8[%get3A_421, %get3A_422] {strides = array<i32>} : memref<64x128xf32, #tpu.memory_space<vmem>>, vector<1x16xf32>,
        %get3A_424 = vector.shape_cast %get3A_423 : vector<1x16xf32> to vector<16xf32>
        %mul3A_425 = arith.mulf %get3A_424, %get3A_420 : vector<16xf32>
        %swap3A_426 = arith.index_cast %add3A_416 : i32 to index
        %swap3A_427 = arith.constant 0 : index
        %swap3A_428 = tpu.vector_load %arg9[%swap3A_426, %swap3A_427] {strides = array<i32>} : memref<64x128xf32, #tpu.memory_space<vmem>>, vector<1x16xf32>,
        %swap3A_429 = vector.shape_cast %swap3A_428 : vector<1x16xf32> to vector<16xf32>
        %swap3A_430 = vector.shape_cast %mul3A_425 : vector<16xf32> to vector<1x16xf32>
        tpu.vector_store %arg9[%swap3A_426, %swap3A_427], %swap3A_430 {strides = array<i32>} : memref<64x128xf32, #tpu.memory_space<vmem>>, vector<1x16xf32>,
        %get3A_431 = arith.index_cast %add3A_416 : i32 to index
        %get3A_432 = arith.constant 16 : index
        %get3A_433 = tpu.vector_load %arg8[%get3A_431, %get3A_432] {strides = array<i32>} : memref<64x128xf32, #tpu.memory_space<vmem>>, vector<1x16xf32>,
        %get3A_434 = vector.shape_cast %get3A_433 : vector<1x16xf32> to vector<16xf32>
        %mul3A_435 = arith.mulf %get3A_434, %get3A_420 : vector<16xf32>
        %swap3A_436 = arith.index_cast %add3A_416 : i32 to index
        %swap3A_437 = arith.constant 16 : index
        %swap3A_438 = tpu.vector_load %arg9[%swap3A_436, %swap3A_437] {strides = array<i32>} : memref<64x128xf32, #tpu.memory_space<vmem>>, vector<1x16xf32>,
        %swap3A_439 = vector.shape_cast %swap3A_438 : vector<1x16xf32> to vector<16xf32>
        %swap3A_440 = vector.shape_cast %mul3A_435 : vector<16xf32> to vector<1x16xf32>
        tpu.vector_store %arg9[%swap3A_436, %swap3A_437], %swap3A_440 {strides = array<i32>} : memref<64x128xf32, #tpu.memory_space<vmem>>, vector<1x16xf32>,
        %get3A_441 = arith.index_cast %add3A_416 : i32 to index
        %get3A_442 = arith.constant 32 : index
        %get3A_443 = tpu.vector_load %arg8[%get3A_441, %get3A_442] {strides = array<i32>} : memref<64x128xf32, #tpu.memory_space<vmem>>, vector<1x16xf32>,
        %get3A_444 = vector.shape_cast %get3A_443 : vector<1x16xf32> to vector<16xf32>
        %mul3A_445 = arith.mulf %get3A_444, %get3A_420 : vector<16xf32>
        %swap3A_446 = arith.index_cast %add3A_416 : i32 to index
        %swap3A_447 = arith.constant 32 : index
        %swap3A_448 = tpu.vector_load %arg9[%swap3A_446, %swap3A_447] {strides = array<i32>} : memref<64x128xf32, #tpu.memory_space<vmem>>, vector<1x16xf32>,
        %swap3A_449 = vector.shape_cast %swap3A_448 : vector<1x16xf32> to vector<16xf32>
        %swap3A_450 = vector.shape_cast %mul3A_445 : vector<16xf32> to vector<1x16xf32>
        tpu.vector_store %arg9[%swap3A_446, %swap3A_447], %swap3A_450 {strides = array<i32>} : memref<64x128xf32, #tpu.memory_space<vmem>>, vector<1x16xf32>,
        %get3A_451 = arith.index_cast %add3A_416 : i32 to index
        %get3A_452 = arith.constant 48 : index
        %get3A_453 = tpu.vector_load %arg8[%get3A_451, %get3A_452] {strides = array<i32>} : memref<64x128xf32, #tpu.memory_space<vmem>>, vector<1x16xf32>,
        %get3A_454 = vector.shape_cast %get3A_453 : vector<1x16xf32> to vector<16xf32>
        %mul3A_455 = arith.mulf %get3A_454, %get3A_420 : vector<16xf32>
        %swap3A_456 = arith.index_cast %add3A_416 : i32 to index
        %swap3A_457 = arith.constant 48 : index
        %swap3A_458 = tpu.vector_load %arg9[%swap3A_456, %swap3A_457] {strides = array<i32>} : memref<64x128xf32, #tpu.memory_space<vmem>>, vector<1x16xf32>,
        %swap3A_459 = vector.shape_cast %swap3A_458 : vector<1x16xf32> to vector<16xf32>
        %swap3A_460 = vector.shape_cast %mul3A_455 : vector<16xf32> to vector<1x16xf32>
        tpu.vector_store %arg9[%swap3A_456, %swap3A_457], %swap3A_460 {strides = array<i32>} : memref<64x128xf32, #tpu.memory_space<vmem>>, vector<1x16xf32>,
        %get3A_461 = arith.index_cast %add3A_416 : i32 to index
        %get3A_462 = arith.constant 64 : index
        %get3A_463 = tpu.vector_load %arg8[%get3A_461, %get3A_462] {strides = array<i32>} : memref<64x128xf32, #tpu.memory_space<vmem>>, vector<1x16xf32>,
        %get3A_464 = vector.shape_cast %get3A_463 : vector<1x16xf32> to vector<16xf32>
        %mul3A_465 = arith.mulf %get3A_464, %get3A_420 : vector<16xf32>
        %swap3A_466 = arith.index_cast %add3A_416 : i32 to index
        %swap3A_467 = arith.constant 64 : index
        %swap3A_468 = tpu.vector_load %arg9[%swap3A_466, %swap3A_467] {strides = array<i32>} : memref<64x128xf32, #tpu.memory_space<vmem>>, vector<1x16xf32>,
        %swap3A_469 = vector.shape_cast %swap3A_468 : vector<1x16xf32> to vector<16xf32>
        %swap3A_470 = vector.shape_cast %mul3A_465 : vector<16xf32> to vector<1x16xf32>
        tpu.vector_store %arg9[%swap3A_466, %swap3A_467], %swap3A_470 {strides = array<i32>} : memref<64x128xf32, #tpu.memory_space<vmem>>, vector<1x16xf32>,
        %get3A_471 = arith.index_cast %add3A_416 : i32 to index
        %get3A_472 = arith.constant 80 : index
        %get3A_473 = tpu.vector_load %arg8[%get3A_471, %get3A_472] {strides = array<i32>} : memref<64x128xf32, #tpu.memory_space<vmem>>, vector<1x16xf32>,
        %get3A_474 = vector.shape_cast %get3A_473 : vector<1x16xf32> to vector<16xf32>
        %mul3A_475 = arith.mulf %get3A_474, %get3A_420 : vector<16xf32>
        %swap3A_476 = arith.index_cast %add3A_416 : i32 to index
        %swap3A_477 = arith.constant 80 : index
        %swap3A_478 = tpu.vector_load %arg9[%swap3A_476, %swap3A_477] {strides = array<i32>} : memref<64x128xf32, #tpu.memory_space<vmem>>, vector<1x16xf32>,
        %swap3A_479 = vector.shape_cast %swap3A_478 : vector<1x16xf32> to vector<16xf32>
        %swap3A_480 = vector.shape_cast %mul3A_475 : vector<16xf32> to vector<1x16xf32>
        tpu.vector_store %arg9[%swap3A_476, %swap3A_477], %swap3A_480 {strides = array<i32>} : memref<64x128xf32, #tpu.memory_space<vmem>>, vector<1x16xf32>,
        %get3A_481 = arith.index_cast %add3A_416 : i32 to index
        %get3A_482 = arith.constant 96 : index
        %get3A_483 = tpu.vector_load %arg8[%get3A_481, %get3A_482] {strides = array<i32>} : memref<64x128xf32, #tpu.memory_space<vmem>>, vector<1x16xf32>,
        %get3A_484 = vector.shape_cast %get3A_483 : vector<1x16xf32> to vector<16xf32>
        %mul3A_485 = arith.mulf %get3A_484, %get3A_420 : vector<16xf32>
        %swap3A_486 = arith.index_cast %add3A_416 : i32 to index
        %swap3A_487 = arith.constant 96 : index
        %swap3A_488 = tpu.vector_load %arg9[%swap3A_486, %swap3A_487] {strides = array<i32>} : memref<64x128xf32, #tpu.memory_space<vmem>>, vector<1x16xf32>,
        %swap3A_489 = vector.shape_cast %swap3A_488 : vector<1x16xf32> to vector<16xf32>
        %swap3A_490 = vector.shape_cast %mul3A_485 : vector<16xf32> to vector<1x16xf32>
        tpu.vector_store %arg9[%swap3A_486, %swap3A_487], %swap3A_490 {strides = array<i32>} : memref<64x128xf32, #tpu.memory_space<vmem>>, vector<1x16xf32>,
        %get3A_491 = arith.index_cast %add3A_416 : i32 to index
        %get3A_492 = arith.constant 112 : index
        %get3A_493 = tpu.vector_load %arg8[%get3A_491, %get3A_492] {strides = array<i32>} : memref<64x128xf32, #tpu.memory_space<vmem>>, vector<1x16xf32>,
        %get3A_494 = vector.shape_cast %get3A_493 : vector<1x16xf32> to vector<16xf32>
        %mul3A_495 = arith.mulf %get3A_494, %get3A_420 : vector<16xf32>
        %swap3A_496 = arith.index_cast %add3A_416 : i32 to index
        %swap3A_497 = arith.constant 112 : index
        %swap3A_498 = tpu.vector_load %arg9[%swap3A_496, %swap3A_497] {strides = array<i32>} : memref<64x128xf32, #tpu.memory_space<vmem>>, vector<1x16xf32>,
        %swap3A_499 = vector.shape_cast %swap3A_498 : vector<1x16xf32> to vector<16xf32>
        %swap3A_500 = vector.shape_cast %mul3A_495 : vector<16xf32> to vector<1x16xf32>
        tpu.vector_store %arg9[%swap3A_496, %swap3A_497], %swap3A_500 {strides = array<i32>} : memref<64x128xf32, #tpu.memory_space<vmem>>, vector<1x16xf32>,
        %mul3A_501 = arith.constant 8 : i32
        %mul3A_502 = arith.muli %add3A_150, %mul3A_501 : i32
        %add3A_503 = arith.constant 4 : i32
        %add3A_504 = arith.addi %mul3A_502, %add3A_503 : i32
        %get3A_505 = arith.index_cast %add3A_150 : i32 to index
        %get3A_506 = arith.constant 64 : index
        %get3A_507 = tpu.vector_load %arg11[%get3A_505, %get3A_506] {strides = array<i32>} : memref<8x128xf32, #tpu.memory_space<vmem>>, vector<1x16xf32>,
        %get3A_508 = vector.shape_cast %get3A_507 : vector<1x16xf32> to vector<16xf32>
        %get3A_509 = arith.index_cast %add3A_504 : i32 to index
        %get3A_510 = arith.constant 0 : index
        %get3A_511 = tpu.vector_load %arg8[%get3A_509, %get3A_510] {strides = array<i32>} : memref<64x128xf32, #tpu.memory_space<vmem>>, vector<1x16xf32>,
        %get3A_512 = vector.shape_cast %get3A_511 : vector<1x16xf32> to vector<16xf32>
        %mul3A_513 = arith.mulf %get3A_512, %get3A_508 : vector<16xf32>
        %swap3A_514 = arith.index_cast %add3A_504 : i32 to index
        %swap3A_515 = arith.constant 0 : index
        %swap3A_516 = tpu.vector_load %arg9[%swap3A_514, %swap3A_515] {strides = array<i32>} : memref<64x128xf32, #tpu.memory_space<vmem>>, vector<1x16xf32>,
        %swap3A_517 = vector.shape_cast %swap3A_516 : vector<1x16xf32> to vector<16xf32>
        %swap3A_518 = vector.shape_cast %mul3A_513 : vector<16xf32> to vector<1x16xf32>
        tpu.vector_store %arg9[%swap3A_514, %swap3A_515], %swap3A_518 {strides = array<i32>} : memref<64x128xf32, #tpu.memory_space<vmem>>, vector<1x16xf32>,
        %get3A_519 = arith.index_cast %add3A_504 : i32 to index
        %get3A_520 = arith.constant 16 : index
        %get3A_521 = tpu.vector_load %arg8[%get3A_519, %get3A_520] {strides = array<i32>} : memref<64x128xf32, #tpu.memory_space<vmem>>, vector<1x16xf32>,
        %get3A_522 = vector.shape_cast %get3A_521 : vector<1x16xf32> to vector<16xf32>
        %mul3A_523 = arith.mulf %get3A_522, %get3A_508 : vector<16xf32>
        %swap3A_524 = arith.index_cast %add3A_504 : i32 to index
        %swap3A_525 = arith.constant 16 : index
        %swap3A_526 = tpu.vector_load %arg9[%swap3A_524, %swap3A_525] {strides = array<i32>} : memref<64x128xf32, #tpu.memory_space<vmem>>, vector<1x16xf32>,
        %swap3A_527 = vector.shape_cast %swap3A_526 : vector<1x16xf32> to vector<16xf32>
        %swap3A_528 = vector.shape_cast %mul3A_523 : vector<16xf32> to vector<1x16xf32>
        tpu.vector_store %arg9[%swap3A_524, %swap3A_525], %swap3A_528 {strides = array<i32>} : memref<64x128xf32, #tpu.memory_space<vmem>>, vector<1x16xf32>,
        %get3A_529 = arith.index_cast %add3A_504 : i32 to index
        %get3A_530 = arith.constant 32 : index
        %get3A_531 = tpu.vector_load %arg8[%get3A_529, %get3A_530] {strides = array<i32>} : memref<64x128xf32, #tpu.memory_space<vmem>>, vector<1x16xf32>,
        %get3A_532 = vector.shape_cast %get3A_531 : vector<1x16xf32> to vector<16xf32>
        %mul3A_533 = arith.mulf %get3A_532, %get3A_508 : vector<16xf32>
        %swap3A_534 = arith.index_cast %add3A_504 : i32 to index
        %swap3A_535 = arith.constant 32 : index
        %swap3A_536 = tpu.vector_load %arg9[%swap3A_534, %swap3A_535] {strides = array<i32>} : memref<64x128xf32, #tpu.memory_space<vmem>>, vector<1x16xf32>,
        %swap3A_537 = vector.shape_cast %swap3A_536 : vector<1x16xf32> to vector<16xf32>
        %swap3A_538 = vector.shape_cast %mul3A_533 : vector<16xf32> to vector<1x16xf32>
        tpu.vector_store %arg9[%swap3A_534, %swap3A_535], %swap3A_538 {strides = array<i32>} : memref<64x128xf32, #tpu.memory_space<vmem>>, vector<1x16xf32>,
        %get3A_539 = arith.index_cast %add3A_504 : i32 to index
        %get3A_540 = arith.constant 48 : index
        %get3A_541 = tpu.vector_load %arg8[%get3A_539, %get3A_540] {strides = array<i32>} : memref<64x128xf32, #tpu.memory_space<vmem>>, vector<1x16xf32>,
        %get3A_542 = vector.shape_cast %get3A_541 : vector<1x16xf32> to vector<16xf32>
        %mul3A_543 = arith.mulf %get3A_542, %get3A_508 : vector<16xf32>
        %swap3A_544 = arith.index_cast %add3A_504 : i32 to index
        %swap3A_545 = arith.constant 48 : index
        %swap3A_546 = tpu.vector_load %arg9[%swap3A_544, %swap3A_545] {strides = array<i32>} : memref<64x128xf32, #tpu.memory_space<vmem>>, vector<1x16xf32>,
        %swap3A_547 = vector.shape_cast %swap3A_546 : vector<1x16xf32> to vector<16xf32>
        %swap3A_548 = vector.shape_cast %mul3A_543 : vector<16xf32> to vector<1x16xf32>
        tpu.vector_store %arg9[%swap3A_544, %swap3A_545], %swap3A_548 {strides = array<i32>} : memref<64x128xf32, #tpu.memory_space<vmem>>, vector<1x16xf32>,
        %get3A_549 = arith.index_cast %add3A_504 : i32 to index
        %get3A_550 = arith.constant 64 : index
        %get3A_551 = tpu.vector_load %arg8[%get3A_549, %get3A_550] {strides = array<i32>} : memref<64x128xf32, #tpu.memory_space<vmem>>, vector<1x16xf32>,
        %get3A_552 = vector.shape_cast %get3A_551 : vector<1x16xf32> to vector<16xf32>
        %mul3A_553 = arith.mulf %get3A_552, %get3A_508 : vector<16xf32>
        %swap3A_554 = arith.index_cast %add3A_504 : i32 to index
        %swap3A_555 = arith.constant 64 : index
        %swap3A_556 = tpu.vector_load %arg9[%swap3A_554, %swap3A_555] {strides = array<i32>} : memref<64x128xf32, #tpu.memory_space<vmem>>, vector<1x16xf32>,
        %swap3A_557 = vector.shape_cast %swap3A_556 : vector<1x16xf32> to vector<16xf32>
        %swap3A_558 = vector.shape_cast %mul3A_553 : vector<16xf32> to vector<1x16xf32>
        tpu.vector_store %arg9[%swap3A_554, %swap3A_555], %swap3A_558 {strides = array<i32>} : memref<64x128xf32, #tpu.memory_space<vmem>>, vector<1x16xf32>,
        %get3A_559 = arith.index_cast %add3A_504 : i32 to index
        %get3A_560 = arith.constant 80 : index
        %get3A_561 = tpu.vector_load %arg8[%get3A_559, %get3A_560] {strides = array<i32>} : memref<64x128xf32, #tpu.memory_space<vmem>>, vector<1x16xf32>,
        %get3A_562 = vector.shape_cast %get3A_561 : vector<1x16xf32> to vector<16xf32>
        %mul3A_563 = arith.mulf %get3A_562, %get3A_508 : vector<16xf32>
        %swap3A_564 = arith.index_cast %add3A_504 : i32 to index
        %swap3A_565 = arith.constant 80 : index
        %swap3A_566 = tpu.vector_load %arg9[%swap3A_564, %swap3A_565] {strides = array<i32>} : memref<64x128xf32, #tpu.memory_space<vmem>>, vector<1x16xf32>,
        %swap3A_567 = vector.shape_cast %swap3A_566 : vector<1x16xf32> to vector<16xf32>
        %swap3A_568 = vector.shape_cast %mul3A_563 : vector<16xf32> to vector<1x16xf32>
        tpu.vector_store %arg9[%swap3A_564, %swap3A_565], %swap3A_568 {strides = array<i32>} : memref<64x128xf32, #tpu.memory_space<vmem>>, vector<1x16xf32>,
        %get3A_569 = arith.index_cast %add3A_504 : i32 to index
        %get3A_570 = arith.constant 96 : index
        %get3A_571 = tpu.vector_load %arg8[%get3A_569, %get3A_570] {strides = array<i32>} : memref<64x128xf32, #tpu.memory_space<vmem>>, vector<1x16xf32>,
        %get3A_572 = vector.shape_cast %get3A_571 : vector<1x16xf32> to vector<16xf32>
        %mul3A_573 = arith.mulf %get3A_572, %get3A_508 : vector<16xf32>
        %swap3A_574 = arith.index_cast %add3A_504 : i32 to index
        %swap3A_575 = arith.constant 96 : index
        %swap3A_576 = tpu.vector_load %arg9[%swap3A_574, %swap3A_575] {strides = array<i32>} : memref<64x128xf32, #tpu.memory_space<vmem>>, vector<1x16xf32>,
        %swap3A_577 = vector.shape_cast %swap3A_576 : vector<1x16xf32> to vector<16xf32>
        %swap3A_578 = vector.shape_cast %mul3A_573 : vector<16xf32> to vector<1x16xf32>
        tpu.vector_store %arg9[%swap3A_574, %swap3A_575], %swap3A_578 {strides = array<i32>} : memref<64x128xf32, #tpu.memory_space<vmem>>, vector<1x16xf32>,
        %get3A_579 = arith.index_cast %add3A_504 : i32 to index
        %get3A_580 = arith.constant 112 : index
        %get3A_581 = tpu.vector_load %arg8[%get3A_579, %get3A_580] {strides = array<i32>} : memref<64x128xf32, #tpu.memory_space<vmem>>, vector<1x16xf32>,
        %get3A_582 = vector.shape_cast %get3A_581 : vector<1x16xf32> to vector<16xf32>
        %mul3A_583 = arith.mulf %get3A_582, %get3A_508 : vector<16xf32>
        %swap3A_584 = arith.index_cast %add3A_504 : i32 to index
        %swap3A_585 = arith.constant 112 : index
        %swap3A_586 = tpu.vector_load %arg9[%swap3A_584, %swap3A_585] {strides = array<i32>} : memref<64x128xf32, #tpu.memory_space<vmem>>, vector<1x16xf32>,
        %swap3A_587 = vector.shape_cast %swap3A_586 : vector<1x16xf32> to vector<16xf32>
        %swap3A_588 = vector.shape_cast %mul3A_583 : vector<16xf32> to vector<1x16xf32>
        tpu.vector_store %arg9[%swap3A_584, %swap3A_585], %swap3A_588 {strides = array<i32>} : memref<64x128xf32, #tpu.memory_space<vmem>>, vector<1x16xf32>,
        %mul3A_589 = arith.constant 8 : i32
        %mul3A_590 = arith.muli %add3A_150, %mul3A_589 : i32
        %add3A_591 = arith.constant 5 : i32
        %add3A_592 = arith.addi %mul3A_590, %add3A_591 : i32
        %get3A_593 = arith.index_cast %add3A_150 : i32 to index
        %get3A_594 = arith.constant 80 : index
        %get3A_595 = tpu.vector_load %arg11[%get3A_593, %get3A_594] {strides = array<i32>} : memref<8x128xf32, #tpu.memory_space<vmem>>, vector<1x16xf32>,
        %get3A_596 = vector.shape_cast %get3A_595 : vector<1x16xf32> to vector<16xf32>
        %get3A_597 = arith.index_cast %add3A_592 : i32 to index
        %get3A_598 = arith.constant 0 : index
        %get3A_599 = tpu.vector_load %arg8[%get3A_597, %get3A_598] {strides = array<i32>} : memref<64x128xf32, #tpu.memory_space<vmem>>, vector<1x16xf32>,
        %get3A_600 = vector.shape_cast %get3A_599 : vector<1x16xf32> to vector<16xf32>
        %mul3A_601 = arith.mulf %get3A_600, %get3A_596 : vector<16xf32>
        %swap3A_602 = arith.index_cast %add3A_592 : i32 to index
        %swap3A_603 = arith.constant 0 : index
        %swap3A_604 = tpu.vector_load %arg9[%swap3A_602, %swap3A_603] {strides = array<i32>} : memref<64x128xf32, #tpu.memory_space<vmem>>, vector<1x16xf32>,
        %swap3A_605 = vector.shape_cast %swap3A_604 : vector<1x16xf32> to vector<16xf32>
        %swap3A_606 = vector.shape_cast %mul3A_601 : vector<16xf32> to vector<1x16xf32>
        tpu.vector_store %arg9[%swap3A_602, %swap3A_603], %swap3A_606 {strides = array<i32>} : memref<64x128xf32, #tpu.memory_space<vmem>>, vector<1x16xf32>,
        %get3A_607 = arith.index_cast %add3A_592 : i32 to index
        %get3A_608 = arith.constant 16 : index
        %get3A_609 = tpu.vector_load %arg8[%get3A_607, %get3A_608] {strides = array<i32>} : memref<64x128xf32, #tpu.memory_space<vmem>>, vector<1x16xf32>,
        %get3A_610 = vector.shape_cast %get3A_609 : vector<1x16xf32> to vector<16xf32>
        %mul3A_611 = arith.mulf %get3A_610, %get3A_596 : vector<16xf32>
        %swap3A_612 = arith.index_cast %add3A_592 : i32 to index
        %swap3A_613 = arith.constant 16 : index
        %swap3A_614 = tpu.vector_load %arg9[%swap3A_612, %swap3A_613] {strides = array<i32>} : memref<64x128xf32, #tpu.memory_space<vmem>>, vector<1x16xf32>,
        %swap3A_615 = vector.shape_cast %swap3A_614 : vector<1x16xf32> to vector<16xf32>
        %swap3A_616 = vector.shape_cast %mul3A_611 : vector<16xf32> to vector<1x16xf32>
        tpu.vector_store %arg9[%swap3A_612, %swap3A_613], %swap3A_616 {strides = array<i32>} : memref<64x128xf32, #tpu.memory_space<vmem>>, vector<1x16xf32>,
        %get3A_617 = arith.index_cast %add3A_592 : i32 to index
        %get3A_618 = arith.constant 32 : index
        %get3A_619 = tpu.vector_load %arg8[%get3A_617, %get3A_618] {strides = array<i32>} : memref<64x128xf32, #tpu.memory_space<vmem>>, vector<1x16xf32>,
        %get3A_620 = vector.shape_cast %get3A_619 : vector<1x16xf32> to vector<16xf32>
        %mul3A_621 = arith.mulf %get3A_620, %get3A_596 : vector<16xf32>
        %swap3A_622 = arith.index_cast %add3A_592 : i32 to index
        %swap3A_623 = arith.constant 32 : index
        %swap3A_624 = tpu.vector_load %arg9[%swap3A_622, %swap3A_623] {strides = array<i32>} : memref<64x128xf32, #tpu.memory_space<vmem>>, vector<1x16xf32>,
        %swap3A_625 = vector.shape_cast %swap3A_624 : vector<1x16xf32> to vector<16xf32>
        %swap3A_626 = vector.shape_cast %mul3A_621 : vector<16xf32> to vector<1x16xf32>
        tpu.vector_store %arg9[%swap3A_622, %swap3A_623], %swap3A_626 {strides = array<i32>} : memref<64x128xf32, #tpu.memory_space<vmem>>, vector<1x16xf32>,
        %get3A_627 = arith.index_cast %add3A_592 : i32 to index
        %get3A_628 = arith.constant 48 : index
        %get3A_629 = tpu.vector_load %arg8[%get3A_627, %get3A_628] {strides = array<i32>} : memref<64x128xf32, #tpu.memory_space<vmem>>, vector<1x16xf32>,
        %get3A_630 = vector.shape_cast %get3A_629 : vector<1x16xf32> to vector<16xf32>
        %mul3A_631 = arith.mulf %get3A_630, %get3A_596 : vector<16xf32>
        %swap3A_632 = arith.index_cast %add3A_592 : i32 to index
        %swap3A_633 = arith.constant 48 : index
        %swap3A_634 = tpu.vector_load %arg9[%swap3A_632, %swap3A_633] {strides = array<i32>} : memref<64x128xf32, #tpu.memory_space<vmem>>, vector<1x16xf32>,
        %swap3A_635 = vector.shape_cast %swap3A_634 : vector<1x16xf32> to vector<16xf32>
        %swap3A_636 = vector.shape_cast %mul3A_631 : vector<16xf32> to vector<1x16xf32>
        tpu.vector_store %arg9[%swap3A_632, %swap3A_633], %swap3A_636 {strides = array<i32>} : memref<64x128xf32, #tpu.memory_space<vmem>>, vector<1x16xf32>,
        %get3A_637 = arith.index_cast %add3A_592 : i32 to index
        %get3A_638 = arith.constant 64 : index
        %get3A_639 = tpu.vector_load %arg8[%get3A_637, %get3A_638] {strides = array<i32>} : memref<64x128xf32, #tpu.memory_space<vmem>>, vector<1x16xf32>,
        %get3A_640 = vector.shape_cast %get3A_639 : vector<1x16xf32> to vector<16xf32>
        %mul3A_641 = arith.mulf %get3A_640, %get3A_596 : vector<16xf32>
        %swap3A_642 = arith.index_cast %add3A_592 : i32 to index
        %swap3A_643 = arith.constant 64 : index
        %swap3A_644 = tpu.vector_load %arg9[%swap3A_642, %swap3A_643] {strides = array<i32>} : memref<64x128xf32, #tpu.memory_space<vmem>>, vector<1x16xf32>,
        %swap3A_645 = vector.shape_cast %swap3A_644 : vector<1x16xf32> to vector<16xf32>
        %swap3A_646 = vector.shape_cast %mul3A_641 : vector<16xf32> to vector<1x16xf32>
        tpu.vector_store %arg9[%swap3A_642, %swap3A_643], %swap3A_646 {strides = array<i32>} : memref<64x128xf32, #tpu.memory_space<vmem>>, vector<1x16xf32>,
        %get3A_647 = arith.index_cast %add3A_592 : i32 to index
        %get3A_648 = arith.constant 80 : index
        %get3A_649 = tpu.vector_load %arg8[%get3A_647, %get3A_648] {strides = array<i32>} : memref<64x128xf32, #tpu.memory_space<vmem>>, vector<1x16xf32>,
        %get3A_650 = vector.shape_cast %get3A_649 : vector<1x16xf32> to vector<16xf32>
        %mul3A_651 = arith.mulf %get3A_650, %get3A_596 : vector<16xf32>
        %swap3A_652 = arith.index_cast %add3A_592 : i32 to index
        %swap3A_653 = arith.constant 80 : index
        %swap3A_654 = tpu.vector_load %arg9[%swap3A_652, %swap3A_653] {strides = array<i32>} : memref<64x128xf32, #tpu.memory_space<vmem>>, vector<1x16xf32>,
        %swap3A_655 = vector.shape_cast %swap3A_654 : vector<1x16xf32> to vector<16xf32>
        %swap3A_656 = vector.shape_cast %mul3A_651 : vector<16xf32> to vector<1x16xf32>
        tpu.vector_store %arg9[%swap3A_652, %swap3A_653], %swap3A_656 {strides = array<i32>} : memref<64x128xf32, #tpu.memory_space<vmem>>, vector<1x16xf32>,
        %get3A_657 = arith.index_cast %add3A_592 : i32 to index
        %get3A_658 = arith.constant 96 : index
        %get3A_659 = tpu.vector_load %arg8[%get3A_657, %get3A_658] {strides = array<i32>} : memref<64x128xf32, #tpu.memory_space<vmem>>, vector<1x16xf32>,
        %get3A_660 = vector.shape_cast %get3A_659 : vector<1x16xf32> to vector<16xf32>
        %mul3A_661 = arith.mulf %get3A_660, %get3A_596 : vector<16xf32>
        %swap3A_662 = arith.index_cast %add3A_592 : i32 to index
        %swap3A_663 = arith.constant 96 : index
        %swap3A_664 = tpu.vector_load %arg9[%swap3A_662, %swap3A_663] {strides = array<i32>} : memref<64x128xf32, #tpu.memory_space<vmem>>, vector<1x16xf32>,
        %swap3A_665 = vector.shape_cast %swap3A_664 : vector<1x16xf32> to vector<16xf32>
        %swap3A_666 = vector.shape_cast %mul3A_661 : vector<16xf32> to vector<1x16xf32>
        tpu.vector_store %arg9[%swap3A_662, %swap3A_663], %swap3A_666 {strides = array<i32>} : memref<64x128xf32, #tpu.memory_space<vmem>>, vector<1x16xf32>,
        %get3A_667 = arith.index_cast %add3A_592 : i32 to index
        %get3A_668 = arith.constant 112 : index
        %get3A_669 = tpu.vector_load %arg8[%get3A_667, %get3A_668] {strides = array<i32>} : memref<64x128xf32, #tpu.memory_space<vmem>>, vector<1x16xf32>,
        %get3A_670 = vector.shape_cast %get3A_669 : vector<1x16xf32> to vector<16xf32>
        %mul3A_671 = arith.mulf %get3A_670, %get3A_596 : vector<16xf32>
        %swap3A_672 = arith.index_cast %add3A_592 : i32 to index
        %swap3A_673 = arith.constant 112 : index
        %swap3A_674 = tpu.vector_load %arg9[%swap3A_672, %swap3A_673] {strides = array<i32>} : memref<64x128xf32, #tpu.memory_space<vmem>>, vector<1x16xf32>,
        %swap3A_675 = vector.shape_cast %swap3A_674 : vector<1x16xf32> to vector<16xf32>
        %swap3A_676 = vector.shape_cast %mul3A_671 : vector<16xf32> to vector<1x16xf32>
        tpu.vector_store %arg9[%swap3A_672, %swap3A_673], %swap3A_676 {strides = array<i32>} : memref<64x128xf32, #tpu.memory_space<vmem>>, vector<1x16xf32>,
        %mul3A_677 = arith.constant 8 : i32
        %mul3A_678 = arith.muli %add3A_150, %mul3A_677 : i32
        %add3A_679 = arith.constant 6 : i32
        %add3A_680 = arith.addi %mul3A_678, %add3A_679 : i32
        %get3A_681 = arith.index_cast %add3A_150 : i32 to index
        %get3A_682 = arith.constant 96 : index
        %get3A_683 = tpu.vector_load %arg11[%get3A_681, %get3A_682] {strides = array<i32>} : memref<8x128xf32, #tpu.memory_space<vmem>>, vector<1x16xf32>,
        %get3A_684 = vector.shape_cast %get3A_683 : vector<1x16xf32> to vector<16xf32>
        %get3A_685 = arith.index_cast %add3A_680 : i32 to index
        %get3A_686 = arith.constant 0 : index
        %get3A_687 = tpu.vector_load %arg8[%get3A_685, %get3A_686] {strides = array<i32>} : memref<64x128xf32, #tpu.memory_space<vmem>>, vector<1x16xf32>,
        %get3A_688 = vector.shape_cast %get3A_687 : vector<1x16xf32> to vector<16xf32>
        %mul3A_689 = arith.mulf %get3A_688, %get3A_684 : vector<16xf32>
        %swap3A_690 = arith.index_cast %add3A_680 : i32 to index
        %swap3A_691 = arith.constant 0 : index
        %swap3A_692 = tpu.vector_load %arg9[%swap3A_690, %swap3A_691] {strides = array<i32>} : memref<64x128xf32, #tpu.memory_space<vmem>>, vector<1x16xf32>,
        %swap3A_693 = vector.shape_cast %swap3A_692 : vector<1x16xf32> to vector<16xf32>
        %swap3A_694 = vector.shape_cast %mul3A_689 : vector<16xf32> to vector<1x16xf32>
        tpu.vector_store %arg9[%swap3A_690, %swap3A_691], %swap3A_694 {strides = array<i32>} : memref<64x128xf32, #tpu.memory_space<vmem>>, vector<1x16xf32>,
        %get3A_695 = arith.index_cast %add3A_680 : i32 to index
        %get3A_696 = arith.constant 16 : index
        %get3A_697 = tpu.vector_load %arg8[%get3A_695, %get3A_696] {strides = array<i32>} : memref<64x128xf32, #tpu.memory_space<vmem>>, vector<1x16xf32>,
        %get3A_698 = vector.shape_cast %get3A_697 : vector<1x16xf32> to vector<16xf32>
        %mul3A_699 = arith.mulf %get3A_698, %get3A_684 : vector<16xf32>
        %swap3A_700 = arith.index_cast %add3A_680 : i32 to index
        %swap3A_701 = arith.constant 16 : index
        %swap3A_702 = tpu.vector_load %arg9[%swap3A_700, %swap3A_701] {strides = array<i32>} : memref<64x128xf32, #tpu.memory_space<vmem>>, vector<1x16xf32>,
        %swap3A_703 = vector.shape_cast %swap3A_702 : vector<1x16xf32> to vector<16xf32>
        %swap3A_704 = vector.shape_cast %mul3A_699 : vector<16xf32> to vector<1x16xf32>
        tpu.vector_store %arg9[%swap3A_700, %swap3A_701], %swap3A_704 {strides = array<i32>} : memref<64x128xf32, #tpu.memory_space<vmem>>, vector<1x16xf32>,
        %get3A_705 = arith.index_cast %add3A_680 : i32 to index
        %get3A_706 = arith.constant 32 : index
        %get3A_707 = tpu.vector_load %arg8[%get3A_705, %get3A_706] {strides = array<i32>} : memref<64x128xf32, #tpu.memory_space<vmem>>, vector<1x16xf32>,
        %get3A_708 = vector.shape_cast %get3A_707 : vector<1x16xf32> to vector<16xf32>
        %mul3A_709 = arith.mulf %get3A_708, %get3A_684 : vector<16xf32>
        %swap3A_710 = arith.index_cast %add3A_680 : i32 to index
        %swap3A_711 = arith.constant 32 : index
        %swap3A_712 = tpu.vector_load %arg9[%swap3A_710, %swap3A_711] {strides = array<i32>} : memref<64x128xf32, #tpu.memory_space<vmem>>, vector<1x16xf32>,
        %swap3A_713 = vector.shape_cast %swap3A_712 : vector<1x16xf32> to vector<16xf32>
        %swap3A_714 = vector.shape_cast %mul3A_709 : vector<16xf32> to vector<1x16xf32>
        tpu.vector_store %arg9[%swap3A_710, %swap3A_711], %swap3A_714 {strides = array<i32>} : memref<64x128xf32, #tpu.memory_space<vmem>>, vector<1x16xf32>,
        %get3A_715 = arith.index_cast %add3A_680 : i32 to index
        %get3A_716 = arith.constant 48 : index
        %get3A_717 = tpu.vector_load %arg8[%get3A_715, %get3A_716] {strides = array<i32>} : memref<64x128xf32, #tpu.memory_space<vmem>>, vector<1x16xf32>,
        %get3A_718 = vector.shape_cast %get3A_717 : vector<1x16xf32> to vector<16xf32>
        %mul3A_719 = arith.mulf %get3A_718, %get3A_684 : vector<16xf32>
        %swap3A_720 = arith.index_cast %add3A_680 : i32 to index
        %swap3A_721 = arith.constant 48 : index
        %swap3A_722 = tpu.vector_load %arg9[%swap3A_720, %swap3A_721] {strides = array<i32>} : memref<64x128xf32, #tpu.memory_space<vmem>>, vector<1x16xf32>,
        %swap3A_723 = vector.shape_cast %swap3A_722 : vector<1x16xf32> to vector<16xf32>
        %swap3A_724 = vector.shape_cast %mul3A_719 : vector<16xf32> to vector<1x16xf32>
        tpu.vector_store %arg9[%swap3A_720, %swap3A_721], %swap3A_724 {strides = array<i32>} : memref<64x128xf32, #tpu.memory_space<vmem>>, vector<1x16xf32>,
        %get3A_725 = arith.index_cast %add3A_680 : i32 to index
        %get3A_726 = arith.constant 64 : index
        %get3A_727 = tpu.vector_load %arg8[%get3A_725, %get3A_726] {strides = array<i32>} : memref<64x128xf32, #tpu.memory_space<vmem>>, vector<1x16xf32>,
        %get3A_728 = vector.shape_cast %get3A_727 : vector<1x16xf32> to vector<16xf32>
        %mul3A_729 = arith.mulf %get3A_728, %get3A_684 : vector<16xf32>
        %swap3A_730 = arith.index_cast %add3A_680 : i32 to index
        %swap3A_731 = arith.constant 64 : index
        %swap3A_732 = tpu.vector_load %arg9[%swap3A_730, %swap3A_731] {strides = array<i32>} : memref<64x128xf32, #tpu.memory_space<vmem>>, vector<1x16xf32>,
        %swap3A_733 = vector.shape_cast %swap3A_732 : vector<1x16xf32> to vector<16xf32>
        %swap3A_734 = vector.shape_cast %mul3A_729 : vector<16xf32> to vector<1x16xf32>
        tpu.vector_store %arg9[%swap3A_730, %swap3A_731], %swap3A_734 {strides = array<i32>} : memref<64x128xf32, #tpu.memory_space<vmem>>, vector<1x16xf32>,
        %get3A_735 = arith.index_cast %add3A_680 : i32 to index
        %get3A_736 = arith.constant 80 : index
        %get3A_737 = tpu.vector_load %arg8[%get3A_735, %get3A_736] {strides = array<i32>} : memref<64x128xf32, #tpu.memory_space<vmem>>, vector<1x16xf32>,
        %get3A_738 = vector.shape_cast %get3A_737 : vector<1x16xf32> to vector<16xf32>
        %mul3A_739 = arith.mulf %get3A_738, %get3A_684 : vector<16xf32>
        %swap3A_740 = arith.index_cast %add3A_680 : i32 to index
        %swap3A_741 = arith.constant 80 : index
        %swap3A_742 = tpu.vector_load %arg9[%swap3A_740, %swap3A_741] {strides = array<i32>} : memref<64x128xf32, #tpu.memory_space<vmem>>, vector<1x16xf32>,
        %swap3A_743 = vector.shape_cast %swap3A_742 : vector<1x16xf32> to vector<16xf32>
        %swap3A_744 = vector.shape_cast %mul3A_739 : vector<16xf32> to vector<1x16xf32>
        tpu.vector_store %arg9[%swap3A_740, %swap3A_741], %swap3A_744 {strides = array<i32>} : memref<64x128xf32, #tpu.memory_space<vmem>>, vector<1x16xf32>,
        %get3A_745 = arith.index_cast %add3A_680 : i32 to index
        %get3A_746 = arith.constant 96 : index
        %get3A_747 = tpu.vector_load %arg8[%get3A_745, %get3A_746] {strides = array<i32>} : memref<64x128xf32, #tpu.memory_space<vmem>>, vector<1x16xf32>,
        %get3A_748 = vector.shape_cast %get3A_747 : vector<1x16xf32> to vector<16xf32>
        %mul3A_749 = arith.mulf %get3A_748, %get3A_684 : vector<16xf32>
        %swap3A_750 = arith.index_cast %add3A_680 : i32 to index
        %swap3A_751 = arith.constant 96 : index
        %swap3A_752 = tpu.vector_load %arg9[%swap3A_750, %swap3A_751] {strides = array<i32>} : memref<64x128xf32, #tpu.memory_space<vmem>>, vector<1x16xf32>,
        %swap3A_753 = vector.shape_cast %swap3A_752 : vector<1x16xf32> to vector<16xf32>
        %swap3A_754 = vector.shape_cast %mul3A_749 : vector<16xf32> to vector<1x16xf32>
        tpu.vector_store %arg9[%swap3A_750, %swap3A_751], %swap3A_754 {strides = array<i32>} : memref<64x128xf32, #tpu.memory_space<vmem>>, vector<1x16xf32>,
        %get3A_755 = arith.index_cast %add3A_680 : i32 to index
        %get3A_756 = arith.constant 112 : index
        %get3A_757 = tpu.vector_load %arg8[%get3A_755, %get3A_756] {strides = array<i32>} : memref<64x128xf32, #tpu.memory_space<vmem>>, vector<1x16xf32>,
        %get3A_758 = vector.shape_cast %get3A_757 : vector<1x16xf32> to vector<16xf32>
        %mul3A_759 = arith.mulf %get3A_758, %get3A_684 : vector<16xf32>
        %swap3A_760 = arith.index_cast %add3A_680 : i32 to index
        %swap3A_761 = arith.constant 112 : index
        %swap3A_762 = tpu.vector_load %arg9[%swap3A_760, %swap3A_761] {strides = array<i32>} : memref<64x128xf32, #tpu.memory_space<vmem>>, vector<1x16xf32>,
        %swap3A_763 = vector.shape_cast %swap3A_762 : vector<1x16xf32> to vector<16xf32>
        %swap3A_764 = vector.shape_cast %mul3A_759 : vector<16xf32> to vector<1x16xf32>
        tpu.vector_store %arg9[%swap3A_760, %swap3A_761], %swap3A_764 {strides = array<i32>} : memref<64x128xf32, #tpu.memory_space<vmem>>, vector<1x16xf32>,
        %mul3A_765 = arith.constant 8 : i32
        %mul3A_766 = arith.muli %add3A_150, %mul3A_765 : i32
        %add3A_767 = arith.constant 7 : i32
        %add3A_768 = arith.addi %mul3A_766, %add3A_767 : i32
        %get3A_769 = arith.index_cast %add3A_150 : i32 to index
        %get3A_770 = arith.constant 112 : index
        %get3A_771 = tpu.vector_load %arg11[%get3A_769, %get3A_770] {strides = array<i32>} : memref<8x128xf32, #tpu.memory_space<vmem>>, vector<1x16xf32>,
        %get3A_772 = vector.shape_cast %get3A_771 : vector<1x16xf32> to vector<16xf32>
        %get3A_773 = arith.index_cast %add3A_768 : i32 to index
        %get3A_774 = arith.constant 0 : index
        %get3A_775 = tpu.vector_load %arg8[%get3A_773, %get3A_774] {strides = array<i32>} : memref<64x128xf32, #tpu.memory_space<vmem>>, vector<1x16xf32>,
        %get3A_776 = vector.shape_cast %get3A_775 : vector<1x16xf32> to vector<16xf32>
        %mul3A_777 = arith.mulf %get3A_776, %get3A_772 : vector<16xf32>
        %swap3A_778 = arith.index_cast %add3A_768 : i32 to index
        %swap3A_779 = arith.constant 0 : index
        %swap3A_780 = tpu.vector_load %arg9[%swap3A_778, %swap3A_779] {strides = array<i32>} : memref<64x128xf32, #tpu.memory_space<vmem>>, vector<1x16xf32>,
        %swap3A_781 = vector.shape_cast %swap3A_780 : vector<1x16xf32> to vector<16xf32>
        %swap3A_782 = vector.shape_cast %mul3A_777 : vector<16xf32> to vector<1x16xf32>
        tpu.vector_store %arg9[%swap3A_778, %swap3A_779], %swap3A_782 {strides = array<i32>} : memref<64x128xf32, #tpu.memory_space<vmem>>, vector<1x16xf32>,
        %get3A_783 = arith.index_cast %add3A_768 : i32 to index
        %get3A_784 = arith.constant 16 : index
        %get3A_785 = tpu.vector_load %arg8[%get3A_783, %get3A_784] {strides = array<i32>} : memref<64x128xf32, #tpu.memory_space<vmem>>, vector<1x16xf32>,
        %get3A_786 = vector.shape_cast %get3A_785 : vector<1x16xf32> to vector<16xf32>
        %mul3A_787 = arith.mulf %get3A_786, %get3A_772 : vector<16xf32>
        %swap3A_788 = arith.index_cast %add3A_768 : i32 to index
        %swap3A_789 = arith.constant 16 : index
        %swap3A_790 = tpu.vector_load %arg9[%swap3A_788, %swap3A_789] {strides = array<i32>} : memref<64x128xf32, #tpu.memory_space<vmem>>, vector<1x16xf32>,
        %swap3A_791 = vector.shape_cast %swap3A_790 : vector<1x16xf32> to vector<16xf32>
        %swap3A_792 = vector.shape_cast %mul3A_787 : vector<16xf32> to vector<1x16xf32>
        tpu.vector_store %arg9[%swap3A_788, %swap3A_789], %swap3A_792 {strides = array<i32>} : memref<64x128xf32, #tpu.memory_space<vmem>>, vector<1x16xf32>,
        %get3A_793 = arith.index_cast %add3A_768 : i32 to index
        %get3A_794 = arith.constant 32 : index
        %get3A_795 = tpu.vector_load %arg8[%get3A_793, %get3A_794] {strides = array<i32>} : memref<64x128xf32, #tpu.memory_space<vmem>>, vector<1x16xf32>,
        %get3A_796 = vector.shape_cast %get3A_795 : vector<1x16xf32> to vector<16xf32>
        %mul3A_797 = arith.mulf %get3A_796, %get3A_772 : vector<16xf32>
        %swap3A_798 = arith.index_cast %add3A_768 : i32 to index
        %swap3A_799 = arith.constant 32 : index
        %swap3A_800 = tpu.vector_load %arg9[%swap3A_798, %swap3A_799] {strides = array<i32>} : memref<64x128xf32, #tpu.memory_space<vmem>>, vector<1x16xf32>,
        %swap3A_801 = vector.shape_cast %swap3A_800 : vector<1x16xf32> to vector<16xf32>
        %swap3A_802 = vector.shape_cast %mul3A_797 : vector<16xf32> to vector<1x16xf32>
        tpu.vector_store %arg9[%swap3A_798, %swap3A_799], %swap3A_802 {strides = array<i32>} : memref<64x128xf32, #tpu.memory_space<vmem>>, vector<1x16xf32>,
        %get3A_803 = arith.index_cast %add3A_768 : i32 to index
        %get3A_804 = arith.constant 48 : index
        %get3A_805 = tpu.vector_load %arg8[%get3A_803, %get3A_804] {strides = array<i32>} : memref<64x128xf32, #tpu.memory_space<vmem>>, vector<1x16xf32>,
        %get3A_806 = vector.shape_cast %get3A_805 : vector<1x16xf32> to vector<16xf32>
        %mul3A_807 = arith.mulf %get3A_806, %get3A_772 : vector<16xf32>
        %swap3A_808 = arith.index_cast %add3A_768 : i32 to index
        %swap3A_809 = arith.constant 48 : index
        %swap3A_810 = tpu.vector_load %arg9[%swap3A_808, %swap3A_809] {strides = array<i32>} : memref<64x128xf32, #tpu.memory_space<vmem>>, vector<1x16xf32>,
        %swap3A_811 = vector.shape_cast %swap3A_810 : vector<1x16xf32> to vector<16xf32>
        %swap3A_812 = vector.shape_cast %mul3A_807 : vector<16xf32> to vector<1x16xf32>
        tpu.vector_store %arg9[%swap3A_808, %swap3A_809], %swap3A_812 {strides = array<i32>} : memref<64x128xf32, #tpu.memory_space<vmem>>, vector<1x16xf32>,
        %get3A_813 = arith.index_cast %add3A_768 : i32 to index
        %get3A_814 = arith.constant 64 : index
        %get3A_815 = tpu.vector_load %arg8[%get3A_813, %get3A_814] {strides = array<i32>} : memref<64x128xf32, #tpu.memory_space<vmem>>, vector<1x16xf32>,
        %get3A_816 = vector.shape_cast %get3A_815 : vector<1x16xf32> to vector<16xf32>
        %mul3A_817 = arith.mulf %get3A_816, %get3A_772 : vector<16xf32>
        %swap3A_818 = arith.index_cast %add3A_768 : i32 to index
        %swap3A_819 = arith.constant 64 : index
        %swap3A_820 = tpu.vector_load %arg9[%swap3A_818, %swap3A_819] {strides = array<i32>} : memref<64x128xf32, #tpu.memory_space<vmem>>, vector<1x16xf32>,
        %swap3A_821 = vector.shape_cast %swap3A_820 : vector<1x16xf32> to vector<16xf32>
        %swap3A_822 = vector.shape_cast %mul3A_817 : vector<16xf32> to vector<1x16xf32>
        tpu.vector_store %arg9[%swap3A_818, %swap3A_819], %swap3A_822 {strides = array<i32>} : memref<64x128xf32, #tpu.memory_space<vmem>>, vector<1x16xf32>,
        %get3A_823 = arith.index_cast %add3A_768 : i32 to index
        %get3A_824 = arith.constant 80 : index
        %get3A_825 = tpu.vector_load %arg8[%get3A_823, %get3A_824] {strides = array<i32>} : memref<64x128xf32, #tpu.memory_space<vmem>>, vector<1x16xf32>,
        %get3A_826 = vector.shape_cast %get3A_825 : vector<1x16xf32> to vector<16xf32>
        %mul3A_827 = arith.mulf %get3A_826, %get3A_772 : vector<16xf32>
        %swap3A_828 = arith.index_cast %add3A_768 : i32 to index
        %swap3A_829 = arith.constant 80 : index
        %swap3A_830 = tpu.vector_load %arg9[%swap3A_828, %swap3A_829] {strides = array<i32>} : memref<64x128xf32, #tpu.memory_space<vmem>>, vector<1x16xf32>,
        %swap3A_831 = vector.shape_cast %swap3A_830 : vector<1x16xf32> to vector<16xf32>
        %swap3A_832 = vector.shape_cast %mul3A_827 : vector<16xf32> to vector<1x16xf32>
        tpu.vector_store %arg9[%swap3A_828, %swap3A_829], %swap3A_832 {strides = array<i32>} : memref<64x128xf32, #tpu.memory_space<vmem>>, vector<1x16xf32>,
        %get3A_833 = arith.index_cast %add3A_768 : i32 to index
        %get3A_834 = arith.constant 96 : index
        %get3A_835 = tpu.vector_load %arg8[%get3A_833, %get3A_834] {strides = array<i32>} : memref<64x128xf32, #tpu.memory_space<vmem>>, vector<1x16xf32>,
        %get3A_836 = vector.shape_cast %get3A_835 : vector<1x16xf32> to vector<16xf32>
        %mul3A_837 = arith.mulf %get3A_836, %get3A_772 : vector<16xf32>
        %swap3A_838 = arith.index_cast %add3A_768 : i32 to index
        %swap3A_839 = arith.constant 96 : index
        %swap3A_840 = tpu.vector_load %arg9[%swap3A_838, %swap3A_839] {strides = array<i32>} : memref<64x128xf32, #tpu.memory_space<vmem>>, vector<1x16xf32>,
        %swap3A_841 = vector.shape_cast %swap3A_840 : vector<1x16xf32> to vector<16xf32>
        %swap3A_842 = vector.shape_cast %mul3A_837 : vector<16xf32> to vector<1x16xf32>
        tpu.vector_store %arg9[%swap3A_838, %swap3A_839], %swap3A_842 {strides = array<i32>} : memref<64x128xf32, #tpu.memory_space<vmem>>, vector<1x16xf32>,
        %get3A_843 = arith.index_cast %add3A_768 : i32 to index
        %get3A_844 = arith.constant 112 : index
        %get3A_845 = tpu.vector_load %arg8[%get3A_843, %get3A_844] {strides = array<i32>} : memref<64x128xf32, #tpu.memory_space<vmem>>, vector<1x16xf32>,
        %get3A_846 = vector.shape_cast %get3A_845 : vector<1x16xf32> to vector<16xf32>
        %mul3A_847 = arith.mulf %get3A_846, %get3A_772 : vector<16xf32>
        %swap3A_848 = arith.index_cast %add3A_768 : i32 to index
        %swap3A_849 = arith.constant 112 : index
        %swap3A_850 = tpu.vector_load %arg9[%swap3A_848, %swap3A_849] {strides = array<i32>} : memref<64x128xf32, #tpu.memory_space<vmem>>, vector<1x16xf32>,
        %swap3A_851 = vector.shape_cast %swap3A_850 : vector<1x16xf32> to vector<16xf32>
        %swap3A_852 = vector.shape_cast %mul3A_847 : vector<16xf32> to vector<1x16xf32>
        tpu.vector_store %arg9[%swap3A_848, %swap3A_849], %swap3A_852 {strides = array<i32>} : memref<64x128xf32, #tpu.memory_space<vmem>>, vector<1x16xf32>,
      }
      %scan3A_139 = arith.constant 8 : i32
      %dma_start3A_140 = arith.constant 0 : i32
      %dma_start3A_141 = arith.constant 0 : i32
      %dma_start3A_142 = tpu.memref_slice %arg7[%dma_start3A_140, %dma_start3A_141] : memref<11264x128xf32, #tpu.memory_space<vmem_shared>> -> memref<11264x128xf32, #tpu.memory_space<vmem_shared>>
      tpu.enqueue_indirect_dma source(%arg9 : memref<64x128xf32, #tpu.memory_space<vmem>>) target(%dma_start3A_142 : memref<11264x128xf32, #tpu.memory_space<vmem_shared>>) offsets(%arg15 : memref<64xi32, #tpu.memory_space<vmem>>) semaphore(%arg20 : memref<!tpu.dma_semaphore, #tpu.memory_space<semaphore_mem>>) {add = true}
      %dma_start3A_143 = arith.constant 0 : i32
      %dma_start3A_144 = arith.constant 0 : i32
      %dma_start3A_145 = tpu.memref_slice %arg7[%dma_start3A_143, %dma_start3A_144] : memref<11264x128xf32, #tpu.memory_space<vmem_shared>> -> memref<11264x128xf32, #tpu.memory_space<vmem_shared>>
      tpu.enqueue_indirect_dma source(%arg10 : memref<64x128xf32, #tpu.memory_space<vmem>>) target(%dma_start3A_145 : memref<11264x128xf32, #tpu.memory_space<vmem_shared>>) offsets(%arg14 : memref<64xi32, #tpu.memory_space<vmem>>) semaphore(%arg21 : memref<!tpu.dma_semaphore, #tpu.memory_space<semaphore_mem>>) {add = true}
    }
    %while3A_69 = arith.constant 1 : i32
    scf.for %while3A_83 = %while3A_67 to %while3A_63 step %while3A_69  : i32 {
      %mul3A_84 = arith.muli %while3A_83, %while3A : i32
      %add3A_85 = arith.addi %while3A_60, %mul3A_84 : i32
      %mul3A_86 = arith.constant 32 : i32
      %mul3A_87 = arith.muli %add3A_85, %mul3A_86 : i32
      %add3A_88 = arith.addi %add3A, %mul3A_87 : i32
      %mul3A_89 = arith.constant 64 : i32
      %mul3A_90 = arith.muli %add3A_88, %mul3A_89 : i32
      %mul3A_91 = arith.constant 32 : i32
      %mul3A_92 = arith.muli %add3A_85, %mul3A_91 : i32
      %add3A_93 = arith.addi %add3A, %mul3A_92 : i32
      %mul3A_94 = arith.constant 8 : i32
      %mul3A_95 = arith.muli %add3A_93, %mul3A_94 : i32
      %dma_start3A = arith.constant 0 : i32
      %dma_start3A_96 = tpu.memref_slice %arg3[%mul3A_95, %dma_start3A] : memref<40000x128xf32, #tpu.memory_space<hbm>> -> memref<8x128xf32, #tpu.memory_space<hbm>>
      %dma_start3A_97 = arith.constant 0 : i32
      %dma_start3A_98 = tpu.memref_slice %arg3[%mul3A_95, %dma_start3A_97] : memref<40000x128xf32, #tpu.memory_space<hbm>> -> memref<8x128xf32, #tpu.memory_space<hbm>>
      tpu.enqueue_dma source(%dma_start3A_98 : memref<8x128xf32, #tpu.memory_space<hbm>>) target(%arg11 : memref<8x128xf32, #tpu.memory_space<vmem>>) target_semaphore(%arg17 : memref<!tpu.dma_semaphore, #tpu.memory_space<semaphore_mem>>)
      %dma_start3A_99 = arith.constant 0 : i32
      %dma_start3A_100 = tpu.memref_slice %arg4[%mul3A_95, %dma_start3A_99] : memref<40000x128xi32, #tpu.memory_space<hbm>> -> memref<8x128xi32, #tpu.memory_space<hbm>>
      %dma_start3A_101 = arith.constant 0 : i32
      %dma_start3A_102 = tpu.memref_slice %arg4[%mul3A_95, %dma_start3A_101] : memref<40000x128xi32, #tpu.memory_space<hbm>> -> memref<8x128xi32, #tpu.memory_space<hbm>>
      tpu.enqueue_dma source(%dma_start3A_102 : memref<8x128xi32, #tpu.memory_space<hbm>>) target(%arg12 : memref<8x128xi32, #tpu.memory_space<vmem>>) target_semaphore(%arg18 : memref<!tpu.dma_semaphore, #tpu.memory_space<semaphore_mem>>)
      %dma_start3A_103 = tpu.memref_slice %arg5[%mul3A_90] : memref<320000xi32, #tpu.memory_space<hbm>> -> memref<64xi32, #tpu.memory_space<hbm>>
      %dma_start3A_104 = tpu.memref_slice %arg5[%mul3A_90] : memref<320000xi32, #tpu.memory_space<hbm>> -> memref<64xi32, #tpu.memory_space<hbm>>
      tpu.enqueue_dma source(%dma_start3A_104 : memref<64xi32, #tpu.memory_space<hbm>>) target(%arg13 : memref<64xi32, #tpu.memory_space<vmem>>) target_semaphore(%arg19 : memref<!tpu.dma_semaphore, #tpu.memory_space<semaphore_mem>>)
      %dma_start3A_105 = arith.constant 0 : i32
      %dma_start3A_106 = tpu.memref_slice %arg2[%mul3A_90, %dma_start3A_105] : memref<320000x128xf32, #tpu.memory_space<hbm>> -> memref<64x128xf32, #tpu.memory_space<hbm>>
      %dma_start3A_107 = arith.constant 0 : i32
      %dma_start3A_108 = tpu.memref_slice %arg2[%mul3A_90, %dma_start3A_107] : memref<320000x128xf32, #tpu.memory_space<hbm>> -> memref<64x128xf32, #tpu.memory_space<hbm>>
      tpu.enqueue_dma source(%dma_start3A_108 : memref<64x128xf32, #tpu.memory_space<hbm>>) target(%arg8 : memref<64x128xf32, #tpu.memory_space<vmem>>) target_semaphore(%arg16 : memref<!tpu.dma_semaphore, #tpu.memory_space<semaphore_mem>>)
      %gt3A = arith.constant 0 : i32
      %gt3A_109 = arith.cmpi sgt, %add3A_85, %gt3A : i32
      %convert_element_type3A = arith.extui %gt3A_109 : i1 to i32
      %cond3A = arith.constant 0 : i32
      %cond3A_110 = arith.cmpi ne, %convert_element_type3A, %cond3A : i32
      scf.if %cond3A_110 {
        %dma_wait3A_146 = arith.constant 0 : i32
        %dma_wait3A_147 = arith.constant 0 : i32
        %dma_wait3A_148 = tpu.memref_slice %arg7[%dma_wait3A_146, %dma_wait3A_147] : memref<11264x128xf32, #tpu.memory_space<vmem_shared>> -> memref<11264x128xf32, #tpu.memory_space<vmem_shared>>
        tpu.wait_indirect_dma semaphore(%arg20 : memref<!tpu.dma_semaphore, #tpu.memory_space<semaphore_mem>>) src(%arg9 : memref<64x128xf32, #tpu.memory_space<vmem>>) dst(%dma_wait3A_148 : memref<11264x128xf32, #tpu.memory_space<vmem_shared>>)
        %dma_wait3A_149 = arith.constant 0 : i32
        %dma_wait3A_150 = arith.constant 0 : i32
        %dma_wait3A_151 = tpu.memref_slice %arg7[%dma_wait3A_149, %dma_wait3A_150] : memref<11264x128xf32, #tpu.memory_space<vmem_shared>> -> memref<11264x128xf32, #tpu.memory_space<vmem_shared>>
        tpu.wait_indirect_dma semaphore(%arg21 : memref<!tpu.dma_semaphore, #tpu.memory_space<semaphore_mem>>) src(%arg10 : memref<64x128xf32, #tpu.memory_space<vmem>>) dst(%dma_wait3A_151 : memref<11264x128xf32, #tpu.memory_space<vmem_shared>>)
      } else {
      }
      %dma_wait3A_111 = arith.constant 0 : i32
      %dma_wait3A_112 = tpu.memref_slice %arg3[%mul3A_95, %dma_wait3A_111] : memref<40000x128xf32, #tpu.memory_space<hbm>> -> memref<8x128xf32, #tpu.memory_space<hbm>>
      %dma_wait3A_113 = arith.constant 0 : i32
      %dma_wait3A_114 = tpu.memref_slice %arg3[%mul3A_95, %dma_wait3A_113] : memref<40000x128xf32, #tpu.memory_space<hbm>> -> memref<8x128xf32, #tpu.memory_space<hbm>>
      tpu.wait_dma2 semaphore(%arg17 : memref<!tpu.dma_semaphore, #tpu.memory_space<semaphore_mem>>) src(%dma_wait3A_114 : memref<8x128xf32, #tpu.memory_space<hbm>>) dst(%arg11 : memref<8x128xf32, #tpu.memory_space<vmem>>)
      %dma_wait3A_115 = arith.constant 0 : i32
      %dma_wait3A_116 = tpu.memref_slice %arg4[%mul3A_95, %dma_wait3A_115] : memref<40000x128xi32, #tpu.memory_space<hbm>> -> memref<8x128xi32, #tpu.memory_space<hbm>>
      %dma_wait3A_117 = arith.constant 0 : i32
      %dma_wait3A_118 = tpu.memref_slice %arg4[%mul3A_95, %dma_wait3A_117] : memref<40000x128xi32, #tpu.memory_space<hbm>> -> memref<8x128xi32, #tpu.memory_space<hbm>>
      tpu.wait_dma2 semaphore(%arg18 : memref<!tpu.dma_semaphore, #tpu.memory_space<semaphore_mem>>) src(%dma_wait3A_118 : memref<8x128xi32, #tpu.memory_space<hbm>>) dst(%arg12 : memref<8x128xi32, #tpu.memory_space<vmem>>)
      %dma_wait3A_119 = tpu.memref_slice %arg5[%mul3A_90] : memref<320000xi32, #tpu.memory_space<hbm>> -> memref<64xi32, #tpu.memory_space<hbm>>
      %dma_wait3A_120 = tpu.memref_slice %arg5[%mul3A_90] : memref<320000xi32, #tpu.memory_space<hbm>> -> memref<64xi32, #tpu.memory_space<hbm>>
      tpu.wait_dma2 semaphore(%arg19 : memref<!tpu.dma_semaphore, #tpu.memory_space<semaphore_mem>>) src(%dma_wait3A_120 : memref<64xi32, #tpu.memory_space<hbm>>) dst(%arg13 : memref<64xi32, #tpu.memory_space<vmem>>)
      %scan3A_121 = arith.constant 0 : i32
      %scan3A_122 = arith.constant 4 : i32
      %scan3A_123 = arith.addi %scan3A_121, %scan3A_122 : i32
      %scan3A_124 = arith.constant 1 : i32
      scf.for %scan3A_146 = %scan3A_121 to %scan3A_123 step %scan3A_124  : i32 {
        %mul3A_147 = arith.constant 1 : i32
        %mul3A_148 = arith.muli %scan3A_146, %mul3A_147 : i32
        %add3A_149 = arith.constant 0 : i32
        %add3A_150 = arith.addi %add3A_149, %mul3A_148 : i32
        %mul3A_151 = arith.constant 16 : i32
        %mul3A_152 = arith.muli %add3A_150, %mul3A_151 : i32
        %get3A = arith.index_cast %mul3A_152 : i32 to index
        %get3A_153 = tpu.vector_load %arg13[%get3A] {strides = array<i32>} : memref<64xi32, #tpu.memory_space<vmem>>, vector<16xi32>,
        %get3A_154 = vector.shape_cast %get3A_153 : vector<16xi32> to vector<16xi32>
        %shift_right_logical3A = arith.constant 3 : i32
        %shift_right_logical3A_155 = vector.broadcast %shift_right_logical3A : i32 to vector<16xi32>
        %shift_right_logical3A_156 = arith.shrui %get3A_154, %shift_right_logical3A_155 : vector<16xi32>
        %add3A_157 = arith.constant 10000 : i32
        %add3A_158 = vector.broadcast %add3A_157 : i32 to vector<16xi32>
        %add3A_159 = arith.addi %shift_right_logical3A_156, %add3A_158 : vector<16xi32>
        %swap3A = arith.index_cast %mul3A_152 : i32 to index
        %swap3A_160 = tpu.vector_load %arg14[%swap3A] {strides = array<i32>} : memref<64xi32, #tpu.memory_space<vmem>>, vector<16xi32>,
        %swap3A_161 = vector.shape_cast %swap3A_160 : vector<16xi32> to vector<16xi32>
        %swap3A_162 = vector.shape_cast %add3A_159 : vector<16xi32> to vector<16xi32>
        tpu.vector_store %arg14[%swap3A], %swap3A_162 {strides = array<i32>} : memref<64xi32, #tpu.memory_space<vmem>>, vector<16xi32>,
        %swap3A_163 = arith.index_cast %mul3A_152 : i32 to index
        %swap3A_164 = tpu.vector_load %arg15[%swap3A_163] {strides = array<i32>} : memref<64xi32, #tpu.memory_space<vmem>>, vector<16xi32>,
        %swap3A_165 = vector.shape_cast %swap3A_164 : vector<16xi32> to vector<16xi32>
        %swap3A_166 = vector.shape_cast %get3A_154 : vector<16xi32> to vector<16xi32>
        tpu.vector_store %arg15[%swap3A_163], %swap3A_166 {strides = array<i32>} : memref<64xi32, #tpu.memory_space<vmem>>, vector<16xi32>,
      }
      %scan3A_125 = arith.constant 4 : i32
      %scan3A_126 = arith.constant 0 : i32
      %scan3A_127 = arith.constant 8 : i32
      %scan3A_128 = arith.addi %scan3A_126, %scan3A_127 : i32
      %scan3A_129 = arith.constant 1 : i32
      scf.for %scan3A_146 = %scan3A_126 to %scan3A_128 step %scan3A_129  : i32 {
        %mul3A_147 = arith.constant 1 : i32
        %mul3A_148 = arith.muli %scan3A_146, %mul3A_147 : i32
        %add3A_149 = arith.constant 0 : i32
        %add3A_150 = arith.addi %add3A_149, %mul3A_148 : i32
        %mul3A_151 = arith.constant 8 : i32
        %mul3A_152 = arith.muli %add3A_150, %mul3A_151 : i32
        %add3A_153 = arith.constant 0 : i32
        %add3A_154 = arith.addi %mul3A_152, %add3A_153 : i32
        %get3A = arith.index_cast %add3A_150 : i32 to index
        %get3A_155 = arith.constant 0 : index
        %get3A_156 = tpu.vector_load %arg11[%get3A, %get3A_155] {strides = array<i32>} : memref<8x128xf32, #tpu.memory_space<vmem>>, vector<1x16xf32>,
        %get3A_157 = vector.shape_cast %get3A_156 : vector<1x16xf32> to vector<16xf32>
        %get3A_158 = arith.index_cast %add3A_150 : i32 to index
        %get3A_159 = arith.constant 0 : index
        %get3A_160 = tpu.vector_load %arg12[%get3A_158, %get3A_159] {strides = array<i32>} : memref<8x128xi32, #tpu.memory_space<vmem>>, vector<1x16xi32>,
        %get3A_161 = vector.shape_cast %get3A_160 : vector<1x16xi32> to vector<16xi32>
        %and3A = arith.constant 7 : i32
        %and3A_162 = vector.broadcast %and3A : i32 to vector<16xi32>
        %and3A_163 = arith.andi %get3A_161, %and3A_162 : vector<16xi32>
        %eq3A = arith.constant 0 : i32
        %eq3A_164 = vector.broadcast %eq3A : i32 to vector<16xi32>
        %eq3A_165 = arith.cmpi eq, %and3A_163, %eq3A_164 : vector<16xi32>
        %jit3A_166 = arith.constant 0.000000e+00 : f32
        %broadcast_in_dim3A_167 = vector.broadcast %jit3A_166 : f32 to vector<16xf32>
        %select_n3A_168 = arith.select %eq3A_165, %get3A_157, %broadcast_in_dim3A_167 : vector<16xi1>, vector<16xf32>
        %swap3A = arith.index_cast %add3A_154 : i32 to index
        %swap3A_169 = arith.constant 0 : index
        %swap3A_170 = tpu.vector_load %arg10[%swap3A, %swap3A_169] {strides = array<i32>} : memref<64x128xf32, #tpu.memory_space<vmem>>, vector<1x16xf32>,
        %swap3A_171 = vector.shape_cast %swap3A_170 : vector<1x16xf32> to vector<16xf32>
        %swap3A_172 = vector.shape_cast %select_n3A_168 : vector<16xf32> to vector<1x16xf32>
        tpu.vector_store %arg10[%swap3A, %swap3A_169], %swap3A_172 {strides = array<i32>} : memref<64x128xf32, #tpu.memory_space<vmem>>, vector<1x16xf32>,
        %eq3A_173 = arith.constant 1 : i32
        %eq3A_174 = vector.broadcast %eq3A_173 : i32 to vector<16xi32>
        %eq3A_175 = arith.cmpi eq, %and3A_163, %eq3A_174 : vector<16xi32>
        %jit3A_176 = arith.constant 0.000000e+00 : f32
        %broadcast_in_dim3A_177 = vector.broadcast %jit3A_176 : f32 to vector<16xf32>
        %select_n3A_178 = arith.select %eq3A_175, %get3A_157, %broadcast_in_dim3A_177 : vector<16xi1>, vector<16xf32>
        %swap3A_179 = arith.index_cast %add3A_154 : i32 to index
        %swap3A_180 = arith.constant 16 : index
        %swap3A_181 = tpu.vector_load %arg10[%swap3A_179, %swap3A_180] {strides = array<i32>} : memref<64x128xf32, #tpu.memory_space<vmem>>, vector<1x16xf32>,
        %swap3A_182 = vector.shape_cast %swap3A_181 : vector<1x16xf32> to vector<16xf32>
        %swap3A_183 = vector.shape_cast %select_n3A_178 : vector<16xf32> to vector<1x16xf32>
        tpu.vector_store %arg10[%swap3A_179, %swap3A_180], %swap3A_183 {strides = array<i32>} : memref<64x128xf32, #tpu.memory_space<vmem>>, vector<1x16xf32>,
        %eq3A_184 = arith.constant 2 : i32
        %eq3A_185 = vector.broadcast %eq3A_184 : i32 to vector<16xi32>
        %eq3A_186 = arith.cmpi eq, %and3A_163, %eq3A_185 : vector<16xi32>
        %jit3A_187 = arith.constant 0.000000e+00 : f32
        %broadcast_in_dim3A_188 = vector.broadcast %jit3A_187 : f32 to vector<16xf32>
        %select_n3A_189 = arith.select %eq3A_186, %get3A_157, %broadcast_in_dim3A_188 : vector<16xi1>, vector<16xf32>
        %swap3A_190 = arith.index_cast %add3A_154 : i32 to index
        %swap3A_191 = arith.constant 32 : index
        %swap3A_192 = tpu.vector_load %arg10[%swap3A_190, %swap3A_191] {strides = array<i32>} : memref<64x128xf32, #tpu.memory_space<vmem>>, vector<1x16xf32>,
        %swap3A_193 = vector.shape_cast %swap3A_192 : vector<1x16xf32> to vector<16xf32>
        %swap3A_194 = vector.shape_cast %select_n3A_189 : vector<16xf32> to vector<1x16xf32>
        tpu.vector_store %arg10[%swap3A_190, %swap3A_191], %swap3A_194 {strides = array<i32>} : memref<64x128xf32, #tpu.memory_space<vmem>>, vector<1x16xf32>,
        %eq3A_195 = arith.constant 3 : i32
        %eq3A_196 = vector.broadcast %eq3A_195 : i32 to vector<16xi32>
        %eq3A_197 = arith.cmpi eq, %and3A_163, %eq3A_196 : vector<16xi32>
        %jit3A_198 = arith.constant 0.000000e+00 : f32
        %broadcast_in_dim3A_199 = vector.broadcast %jit3A_198 : f32 to vector<16xf32>
        %select_n3A_200 = arith.select %eq3A_197, %get3A_157, %broadcast_in_dim3A_199 : vector<16xi1>, vector<16xf32>
        %swap3A_201 = arith.index_cast %add3A_154 : i32 to index
        %swap3A_202 = arith.constant 48 : index
        %swap3A_203 = tpu.vector_load %arg10[%swap3A_201, %swap3A_202] {strides = array<i32>} : memref<64x128xf32, #tpu.memory_space<vmem>>, vector<1x16xf32>,
        %swap3A_204 = vector.shape_cast %swap3A_203 : vector<1x16xf32> to vector<16xf32>
        %swap3A_205 = vector.shape_cast %select_n3A_200 : vector<16xf32> to vector<1x16xf32>
        tpu.vector_store %arg10[%swap3A_201, %swap3A_202], %swap3A_205 {strides = array<i32>} : memref<64x128xf32, #tpu.memory_space<vmem>>, vector<1x16xf32>,
        %eq3A_206 = arith.constant 4 : i32
        %eq3A_207 = vector.broadcast %eq3A_206 : i32 to vector<16xi32>
        %eq3A_208 = arith.cmpi eq, %and3A_163, %eq3A_207 : vector<16xi32>
        %jit3A_209 = arith.constant 0.000000e+00 : f32
        %broadcast_in_dim3A_210 = vector.broadcast %jit3A_209 : f32 to vector<16xf32>
        %select_n3A_211 = arith.select %eq3A_208, %get3A_157, %broadcast_in_dim3A_210 : vector<16xi1>, vector<16xf32>
        %swap3A_212 = arith.index_cast %add3A_154 : i32 to index
        %swap3A_213 = arith.constant 64 : index
        %swap3A_214 = tpu.vector_load %arg10[%swap3A_212, %swap3A_213] {strides = array<i32>} : memref<64x128xf32, #tpu.memory_space<vmem>>, vector<1x16xf32>,
        %swap3A_215 = vector.shape_cast %swap3A_214 : vector<1x16xf32> to vector<16xf32>
        %swap3A_216 = vector.shape_cast %select_n3A_211 : vector<16xf32> to vector<1x16xf32>
        tpu.vector_store %arg10[%swap3A_212, %swap3A_213], %swap3A_216 {strides = array<i32>} : memref<64x128xf32, #tpu.memory_space<vmem>>, vector<1x16xf32>,
        %eq3A_217 = arith.constant 5 : i32
        %eq3A_218 = vector.broadcast %eq3A_217 : i32 to vector<16xi32>
        %eq3A_219 = arith.cmpi eq, %and3A_163, %eq3A_218 : vector<16xi32>
        %jit3A_220 = arith.constant 0.000000e+00 : f32
        %broadcast_in_dim3A_221 = vector.broadcast %jit3A_220 : f32 to vector<16xf32>
        %select_n3A_222 = arith.select %eq3A_219, %get3A_157, %broadcast_in_dim3A_221 : vector<16xi1>, vector<16xf32>
        %swap3A_223 = arith.index_cast %add3A_154 : i32 to index
        %swap3A_224 = arith.constant 80 : index
        %swap3A_225 = tpu.vector_load %arg10[%swap3A_223, %swap3A_224] {strides = array<i32>} : memref<64x128xf32, #tpu.memory_space<vmem>>, vector<1x16xf32>,
        %swap3A_226 = vector.shape_cast %swap3A_225 : vector<1x16xf32> to vector<16xf32>
        %swap3A_227 = vector.shape_cast %select_n3A_222 : vector<16xf32> to vector<1x16xf32>
        tpu.vector_store %arg10[%swap3A_223, %swap3A_224], %swap3A_227 {strides = array<i32>} : memref<64x128xf32, #tpu.memory_space<vmem>>, vector<1x16xf32>,
        %eq3A_228 = arith.constant 6 : i32
        %eq3A_229 = vector.broadcast %eq3A_228 : i32 to vector<16xi32>
        %eq3A_230 = arith.cmpi eq, %and3A_163, %eq3A_229 : vector<16xi32>
        %jit3A_231 = arith.constant 0.000000e+00 : f32
        %broadcast_in_dim3A_232 = vector.broadcast %jit3A_231 : f32 to vector<16xf32>
        %select_n3A_233 = arith.select %eq3A_230, %get3A_157, %broadcast_in_dim3A_232 : vector<16xi1>, vector<16xf32>
        %swap3A_234 = arith.index_cast %add3A_154 : i32 to index
        %swap3A_235 = arith.constant 96 : index
        %swap3A_236 = tpu.vector_load %arg10[%swap3A_234, %swap3A_235] {strides = array<i32>} : memref<64x128xf32, #tpu.memory_space<vmem>>, vector<1x16xf32>,
        %swap3A_237 = vector.shape_cast %swap3A_236 : vector<1x16xf32> to vector<16xf32>
        %swap3A_238 = vector.shape_cast %select_n3A_233 : vector<16xf32> to vector<1x16xf32>
        tpu.vector_store %arg10[%swap3A_234, %swap3A_235], %swap3A_238 {strides = array<i32>} : memref<64x128xf32, #tpu.memory_space<vmem>>, vector<1x16xf32>,
        %eq3A_239 = arith.constant 7 : i32
        %eq3A_240 = vector.broadcast %eq3A_239 : i32 to vector<16xi32>
        %eq3A_241 = arith.cmpi eq, %and3A_163, %eq3A_240 : vector<16xi32>
        %jit3A_242 = arith.constant 0.000000e+00 : f32
        %broadcast_in_dim3A_243 = vector.broadcast %jit3A_242 : f32 to vector<16xf32>
        %select_n3A_244 = arith.select %eq3A_241, %get3A_157, %broadcast_in_dim3A_243 : vector<16xi1>, vector<16xf32>
        %swap3A_245 = arith.index_cast %add3A_154 : i32 to index
        %swap3A_246 = arith.constant 112 : index
        %swap3A_247 = tpu.vector_load %arg10[%swap3A_245, %swap3A_246] {strides = array<i32>} : memref<64x128xf32, #tpu.memory_space<vmem>>, vector<1x16xf32>,
        %swap3A_248 = vector.shape_cast %swap3A_247 : vector<1x16xf32> to vector<16xf32>
        %swap3A_249 = vector.shape_cast %select_n3A_244 : vector<16xf32> to vector<1x16xf32>
        tpu.vector_store %arg10[%swap3A_245, %swap3A_246], %swap3A_249 {strides = array<i32>} : memref<64x128xf32, #tpu.memory_space<vmem>>, vector<1x16xf32>,
        %mul3A_250 = arith.constant 8 : i32
        %mul3A_251 = arith.muli %add3A_150, %mul3A_250 : i32
        %add3A_252 = arith.constant 1 : i32
        %add3A_253 = arith.addi %mul3A_251, %add3A_252 : i32
        %get3A_254 = arith.index_cast %add3A_150 : i32 to index
        %get3A_255 = arith.constant 16 : index
        %get3A_256 = tpu.vector_load %arg11[%get3A_254, %get3A_255] {strides = array<i32>} : memref<8x128xf32, #tpu.memory_space<vmem>>, vector<1x16xf32>,
        %get3A_257 = vector.shape_cast %get3A_256 : vector<1x16xf32> to vector<16xf32>
        %get3A_258 = arith.index_cast %add3A_150 : i32 to index
        %get3A_259 = arith.constant 16 : index
        %get3A_260 = tpu.vector_load %arg12[%get3A_258, %get3A_259] {strides = array<i32>} : memref<8x128xi32, #tpu.memory_space<vmem>>, vector<1x16xi32>,
        %get3A_261 = vector.shape_cast %get3A_260 : vector<1x16xi32> to vector<16xi32>
        %and3A_262 = arith.constant 7 : i32
        %and3A_263 = vector.broadcast %and3A_262 : i32 to vector<16xi32>
        %and3A_264 = arith.andi %get3A_261, %and3A_263 : vector<16xi32>
        %eq3A_265 = arith.constant 0 : i32
        %eq3A_266 = vector.broadcast %eq3A_265 : i32 to vector<16xi32>
        %eq3A_267 = arith.cmpi eq, %and3A_264, %eq3A_266 : vector<16xi32>
        %jit3A_268 = arith.constant 0.000000e+00 : f32
        %broadcast_in_dim3A_269 = vector.broadcast %jit3A_268 : f32 to vector<16xf32>
        %select_n3A_270 = arith.select %eq3A_267, %get3A_257, %broadcast_in_dim3A_269 : vector<16xi1>, vector<16xf32>
        %swap3A_271 = arith.index_cast %add3A_253 : i32 to index
        %swap3A_272 = arith.constant 0 : index
        %swap3A_273 = tpu.vector_load %arg10[%swap3A_271, %swap3A_272] {strides = array<i32>} : memref<64x128xf32, #tpu.memory_space<vmem>>, vector<1x16xf32>,
        %swap3A_274 = vector.shape_cast %swap3A_273 : vector<1x16xf32> to vector<16xf32>
        %swap3A_275 = vector.shape_cast %select_n3A_270 : vector<16xf32> to vector<1x16xf32>
        tpu.vector_store %arg10[%swap3A_271, %swap3A_272], %swap3A_275 {strides = array<i32>} : memref<64x128xf32, #tpu.memory_space<vmem>>, vector<1x16xf32>,
        %eq3A_276 = arith.constant 1 : i32
        %eq3A_277 = vector.broadcast %eq3A_276 : i32 to vector<16xi32>
        %eq3A_278 = arith.cmpi eq, %and3A_264, %eq3A_277 : vector<16xi32>
        %jit3A_279 = arith.constant 0.000000e+00 : f32
        %broadcast_in_dim3A_280 = vector.broadcast %jit3A_279 : f32 to vector<16xf32>
        %select_n3A_281 = arith.select %eq3A_278, %get3A_257, %broadcast_in_dim3A_280 : vector<16xi1>, vector<16xf32>
        %swap3A_282 = arith.index_cast %add3A_253 : i32 to index
        %swap3A_283 = arith.constant 16 : index
        %swap3A_284 = tpu.vector_load %arg10[%swap3A_282, %swap3A_283] {strides = array<i32>} : memref<64x128xf32, #tpu.memory_space<vmem>>, vector<1x16xf32>,
        %swap3A_285 = vector.shape_cast %swap3A_284 : vector<1x16xf32> to vector<16xf32>
        %swap3A_286 = vector.shape_cast %select_n3A_281 : vector<16xf32> to vector<1x16xf32>
        tpu.vector_store %arg10[%swap3A_282, %swap3A_283], %swap3A_286 {strides = array<i32>} : memref<64x128xf32, #tpu.memory_space<vmem>>, vector<1x16xf32>,
        %eq3A_287 = arith.constant 2 : i32
        %eq3A_288 = vector.broadcast %eq3A_287 : i32 to vector<16xi32>
        %eq3A_289 = arith.cmpi eq, %and3A_264, %eq3A_288 : vector<16xi32>
        %jit3A_290 = arith.constant 0.000000e+00 : f32
        %broadcast_in_dim3A_291 = vector.broadcast %jit3A_290 : f32 to vector<16xf32>
        %select_n3A_292 = arith.select %eq3A_289, %get3A_257, %broadcast_in_dim3A_291 : vector<16xi1>, vector<16xf32>
        %swap3A_293 = arith.index_cast %add3A_253 : i32 to index
        %swap3A_294 = arith.constant 32 : index
        %swap3A_295 = tpu.vector_load %arg10[%swap3A_293, %swap3A_294] {strides = array<i32>} : memref<64x128xf32, #tpu.memory_space<vmem>>, vector<1x16xf32>,
        %swap3A_296 = vector.shape_cast %swap3A_295 : vector<1x16xf32> to vector<16xf32>
        %swap3A_297 = vector.shape_cast %select_n3A_292 : vector<16xf32> to vector<1x16xf32>
        tpu.vector_store %arg10[%swap3A_293, %swap3A_294], %swap3A_297 {strides = array<i32>} : memref<64x128xf32, #tpu.memory_space<vmem>>, vector<1x16xf32>,
        %eq3A_298 = arith.constant 3 : i32
        %eq3A_299 = vector.broadcast %eq3A_298 : i32 to vector<16xi32>
        %eq3A_300 = arith.cmpi eq, %and3A_264, %eq3A_299 : vector<16xi32>
        %jit3A_301 = arith.constant 0.000000e+00 : f32
        %broadcast_in_dim3A_302 = vector.broadcast %jit3A_301 : f32 to vector<16xf32>
        %select_n3A_303 = arith.select %eq3A_300, %get3A_257, %broadcast_in_dim3A_302 : vector<16xi1>, vector<16xf32>
        %swap3A_304 = arith.index_cast %add3A_253 : i32 to index
        %swap3A_305 = arith.constant 48 : index
        %swap3A_306 = tpu.vector_load %arg10[%swap3A_304, %swap3A_305] {strides = array<i32>} : memref<64x128xf32, #tpu.memory_space<vmem>>, vector<1x16xf32>,
        %swap3A_307 = vector.shape_cast %swap3A_306 : vector<1x16xf32> to vector<16xf32>
        %swap3A_308 = vector.shape_cast %select_n3A_303 : vector<16xf32> to vector<1x16xf32>
        tpu.vector_store %arg10[%swap3A_304, %swap3A_305], %swap3A_308 {strides = array<i32>} : memref<64x128xf32, #tpu.memory_space<vmem>>, vector<1x16xf32>,
        %eq3A_309 = arith.constant 4 : i32
        %eq3A_310 = vector.broadcast %eq3A_309 : i32 to vector<16xi32>
        %eq3A_311 = arith.cmpi eq, %and3A_264, %eq3A_310 : vector<16xi32>
        %jit3A_312 = arith.constant 0.000000e+00 : f32
        %broadcast_in_dim3A_313 = vector.broadcast %jit3A_312 : f32 to vector<16xf32>
        %select_n3A_314 = arith.select %eq3A_311, %get3A_257, %broadcast_in_dim3A_313 : vector<16xi1>, vector<16xf32>
        %swap3A_315 = arith.index_cast %add3A_253 : i32 to index
        %swap3A_316 = arith.constant 64 : index
        %swap3A_317 = tpu.vector_load %arg10[%swap3A_315, %swap3A_316] {strides = array<i32>} : memref<64x128xf32, #tpu.memory_space<vmem>>, vector<1x16xf32>,
        %swap3A_318 = vector.shape_cast %swap3A_317 : vector<1x16xf32> to vector<16xf32>
        %swap3A_319 = vector.shape_cast %select_n3A_314 : vector<16xf32> to vector<1x16xf32>
        tpu.vector_store %arg10[%swap3A_315, %swap3A_316], %swap3A_319 {strides = array<i32>} : memref<64x128xf32, #tpu.memory_space<vmem>>, vector<1x16xf32>,
        %eq3A_320 = arith.constant 5 : i32
        %eq3A_321 = vector.broadcast %eq3A_320 : i32 to vector<16xi32>
        %eq3A_322 = arith.cmpi eq, %and3A_264, %eq3A_321 : vector<16xi32>
        %jit3A_323 = arith.constant 0.000000e+00 : f32
        %broadcast_in_dim3A_324 = vector.broadcast %jit3A_323 : f32 to vector<16xf32>
        %select_n3A_325 = arith.select %eq3A_322, %get3A_257, %broadcast_in_dim3A_324 : vector<16xi1>, vector<16xf32>
        %swap3A_326 = arith.index_cast %add3A_253 : i32 to index
        %swap3A_327 = arith.constant 80 : index
        %swap3A_328 = tpu.vector_load %arg10[%swap3A_326, %swap3A_327] {strides = array<i32>} : memref<64x128xf32, #tpu.memory_space<vmem>>, vector<1x16xf32>,
        %swap3A_329 = vector.shape_cast %swap3A_328 : vector<1x16xf32> to vector<16xf32>
        %swap3A_330 = vector.shape_cast %select_n3A_325 : vector<16xf32> to vector<1x16xf32>
        tpu.vector_store %arg10[%swap3A_326, %swap3A_327], %swap3A_330 {strides = array<i32>} : memref<64x128xf32, #tpu.memory_space<vmem>>, vector<1x16xf32>,
        %eq3A_331 = arith.constant 6 : i32
        %eq3A_332 = vector.broadcast %eq3A_331 : i32 to vector<16xi32>
        %eq3A_333 = arith.cmpi eq, %and3A_264, %eq3A_332 : vector<16xi32>
        %jit3A_334 = arith.constant 0.000000e+00 : f32
        %broadcast_in_dim3A_335 = vector.broadcast %jit3A_334 : f32 to vector<16xf32>
        %select_n3A_336 = arith.select %eq3A_333, %get3A_257, %broadcast_in_dim3A_335 : vector<16xi1>, vector<16xf32>
        %swap3A_337 = arith.index_cast %add3A_253 : i32 to index
        %swap3A_338 = arith.constant 96 : index
        %swap3A_339 = tpu.vector_load %arg10[%swap3A_337, %swap3A_338] {strides = array<i32>} : memref<64x128xf32, #tpu.memory_space<vmem>>, vector<1x16xf32>,
        %swap3A_340 = vector.shape_cast %swap3A_339 : vector<1x16xf32> to vector<16xf32>
        %swap3A_341 = vector.shape_cast %select_n3A_336 : vector<16xf32> to vector<1x16xf32>
        tpu.vector_store %arg10[%swap3A_337, %swap3A_338], %swap3A_341 {strides = array<i32>} : memref<64x128xf32, #tpu.memory_space<vmem>>, vector<1x16xf32>,
        %eq3A_342 = arith.constant 7 : i32
        %eq3A_343 = vector.broadcast %eq3A_342 : i32 to vector<16xi32>
        %eq3A_344 = arith.cmpi eq, %and3A_264, %eq3A_343 : vector<16xi32>
        %jit3A_345 = arith.constant 0.000000e+00 : f32
        %broadcast_in_dim3A_346 = vector.broadcast %jit3A_345 : f32 to vector<16xf32>
        %select_n3A_347 = arith.select %eq3A_344, %get3A_257, %broadcast_in_dim3A_346 : vector<16xi1>, vector<16xf32>
        %swap3A_348 = arith.index_cast %add3A_253 : i32 to index
        %swap3A_349 = arith.constant 112 : index
        %swap3A_350 = tpu.vector_load %arg10[%swap3A_348, %swap3A_349] {strides = array<i32>} : memref<64x128xf32, #tpu.memory_space<vmem>>, vector<1x16xf32>,
        %swap3A_351 = vector.shape_cast %swap3A_350 : vector<1x16xf32> to vector<16xf32>
        %swap3A_352 = vector.shape_cast %select_n3A_347 : vector<16xf32> to vector<1x16xf32>
        tpu.vector_store %arg10[%swap3A_348, %swap3A_349], %swap3A_352 {strides = array<i32>} : memref<64x128xf32, #tpu.memory_space<vmem>>, vector<1x16xf32>,
        %mul3A_353 = arith.constant 8 : i32
        %mul3A_354 = arith.muli %add3A_150, %mul3A_353 : i32
        %add3A_355 = arith.constant 2 : i32
        %add3A_356 = arith.addi %mul3A_354, %add3A_355 : i32
        %get3A_357 = arith.index_cast %add3A_150 : i32 to index
        %get3A_358 = arith.constant 32 : index
        %get3A_359 = tpu.vector_load %arg11[%get3A_357, %get3A_358] {strides = array<i32>} : memref<8x128xf32, #tpu.memory_space<vmem>>, vector<1x16xf32>,
        %get3A_360 = vector.shape_cast %get3A_359 : vector<1x16xf32> to vector<16xf32>
        %get3A_361 = arith.index_cast %add3A_150 : i32 to index
        %get3A_362 = arith.constant 32 : index
        %get3A_363 = tpu.vector_load %arg12[%get3A_361, %get3A_362] {strides = array<i32>} : memref<8x128xi32, #tpu.memory_space<vmem>>, vector<1x16xi32>,
        %get3A_364 = vector.shape_cast %get3A_363 : vector<1x16xi32> to vector<16xi32>
        %and3A_365 = arith.constant 7 : i32
        %and3A_366 = vector.broadcast %and3A_365 : i32 to vector<16xi32>
        %and3A_367 = arith.andi %get3A_364, %and3A_366 : vector<16xi32>
        %eq3A_368 = arith.constant 0 : i32
        %eq3A_369 = vector.broadcast %eq3A_368 : i32 to vector<16xi32>
        %eq3A_370 = arith.cmpi eq, %and3A_367, %eq3A_369 : vector<16xi32>
        %jit3A_371 = arith.constant 0.000000e+00 : f32
        %broadcast_in_dim3A_372 = vector.broadcast %jit3A_371 : f32 to vector<16xf32>
        %select_n3A_373 = arith.select %eq3A_370, %get3A_360, %broadcast_in_dim3A_372 : vector<16xi1>, vector<16xf32>
        %swap3A_374 = arith.index_cast %add3A_356 : i32 to index
        %swap3A_375 = arith.constant 0 : index
        %swap3A_376 = tpu.vector_load %arg10[%swap3A_374, %swap3A_375] {strides = array<i32>} : memref<64x128xf32, #tpu.memory_space<vmem>>, vector<1x16xf32>,
        %swap3A_377 = vector.shape_cast %swap3A_376 : vector<1x16xf32> to vector<16xf32>
        %swap3A_378 = vector.shape_cast %select_n3A_373 : vector<16xf32> to vector<1x16xf32>
        tpu.vector_store %arg10[%swap3A_374, %swap3A_375], %swap3A_378 {strides = array<i32>} : memref<64x128xf32, #tpu.memory_space<vmem>>, vector<1x16xf32>,
        %eq3A_379 = arith.constant 1 : i32
        %eq3A_380 = vector.broadcast %eq3A_379 : i32 to vector<16xi32>
        %eq3A_381 = arith.cmpi eq, %and3A_367, %eq3A_380 : vector<16xi32>
        %jit3A_382 = arith.constant 0.000000e+00 : f32
        %broadcast_in_dim3A_383 = vector.broadcast %jit3A_382 : f32 to vector<16xf32>
        %select_n3A_384 = arith.select %eq3A_381, %get3A_360, %broadcast_in_dim3A_383 : vector<16xi1>, vector<16xf32>
        %swap3A_385 = arith.index_cast %add3A_356 : i32 to index
        %swap3A_386 = arith.constant 16 : index
        %swap3A_387 = tpu.vector_load %arg10[%swap3A_385, %swap3A_386] {strides = array<i32>} : memref<64x128xf32, #tpu.memory_space<vmem>>, vector<1x16xf32>,
        %swap3A_388 = vector.shape_cast %swap3A_387 : vector<1x16xf32> to vector<16xf32>
        %swap3A_389 = vector.shape_cast %select_n3A_384 : vector<16xf32> to vector<1x16xf32>
        tpu.vector_store %arg10[%swap3A_385, %swap3A_386], %swap3A_389 {strides = array<i32>} : memref<64x128xf32, #tpu.memory_space<vmem>>, vector<1x16xf32>,
        %eq3A_390 = arith.constant 2 : i32
        %eq3A_391 = vector.broadcast %eq3A_390 : i32 to vector<16xi32>
        %eq3A_392 = arith.cmpi eq, %and3A_367, %eq3A_391 : vector<16xi32>
        %jit3A_393 = arith.constant 0.000000e+00 : f32
        %broadcast_in_dim3A_394 = vector.broadcast %jit3A_393 : f32 to vector<16xf32>
        %select_n3A_395 = arith.select %eq3A_392, %get3A_360, %broadcast_in_dim3A_394 : vector<16xi1>, vector<16xf32>
        %swap3A_396 = arith.index_cast %add3A_356 : i32 to index
        %swap3A_397 = arith.constant 32 : index
        %swap3A_398 = tpu.vector_load %arg10[%swap3A_396, %swap3A_397] {strides = array<i32>} : memref<64x128xf32, #tpu.memory_space<vmem>>, vector<1x16xf32>,
        %swap3A_399 = vector.shape_cast %swap3A_398 : vector<1x16xf32> to vector<16xf32>
        %swap3A_400 = vector.shape_cast %select_n3A_395 : vector<16xf32> to vector<1x16xf32>
        tpu.vector_store %arg10[%swap3A_396, %swap3A_397], %swap3A_400 {strides = array<i32>} : memref<64x128xf32, #tpu.memory_space<vmem>>, vector<1x16xf32>,
        %eq3A_401 = arith.constant 3 : i32
        %eq3A_402 = vector.broadcast %eq3A_401 : i32 to vector<16xi32>
        %eq3A_403 = arith.cmpi eq, %and3A_367, %eq3A_402 : vector<16xi32>
        %jit3A_404 = arith.constant 0.000000e+00 : f32
        %broadcast_in_dim3A_405 = vector.broadcast %jit3A_404 : f32 to vector<16xf32>
        %select_n3A_406 = arith.select %eq3A_403, %get3A_360, %broadcast_in_dim3A_405 : vector<16xi1>, vector<16xf32>
        %swap3A_407 = arith.index_cast %add3A_356 : i32 to index
        %swap3A_408 = arith.constant 48 : index
        %swap3A_409 = tpu.vector_load %arg10[%swap3A_407, %swap3A_408] {strides = array<i32>} : memref<64x128xf32, #tpu.memory_space<vmem>>, vector<1x16xf32>,
        %swap3A_410 = vector.shape_cast %swap3A_409 : vector<1x16xf32> to vector<16xf32>
        %swap3A_411 = vector.shape_cast %select_n3A_406 : vector<16xf32> to vector<1x16xf32>
        tpu.vector_store %arg10[%swap3A_407, %swap3A_408], %swap3A_411 {strides = array<i32>} : memref<64x128xf32, #tpu.memory_space<vmem>>, vector<1x16xf32>,
        %eq3A_412 = arith.constant 4 : i32
        %eq3A_413 = vector.broadcast %eq3A_412 : i32 to vector<16xi32>
        %eq3A_414 = arith.cmpi eq, %and3A_367, %eq3A_413 : vector<16xi32>
        %jit3A_415 = arith.constant 0.000000e+00 : f32
        %broadcast_in_dim3A_416 = vector.broadcast %jit3A_415 : f32 to vector<16xf32>
        %select_n3A_417 = arith.select %eq3A_414, %get3A_360, %broadcast_in_dim3A_416 : vector<16xi1>, vector<16xf32>
        %swap3A_418 = arith.index_cast %add3A_356 : i32 to index
        %swap3A_419 = arith.constant 64 : index
        %swap3A_420 = tpu.vector_load %arg10[%swap3A_418, %swap3A_419] {strides = array<i32>} : memref<64x128xf32, #tpu.memory_space<vmem>>, vector<1x16xf32>,
        %swap3A_421 = vector.shape_cast %swap3A_420 : vector<1x16xf32> to vector<16xf32>
        %swap3A_422 = vector.shape_cast %select_n3A_417 : vector<16xf32> to vector<1x16xf32>
        tpu.vector_store %arg10[%swap3A_418, %swap3A_419], %swap3A_422 {strides = array<i32>} : memref<64x128xf32, #tpu.memory_space<vmem>>, vector<1x16xf32>,
        %eq3A_423 = arith.constant 5 : i32
        %eq3A_424 = vector.broadcast %eq3A_423 : i32 to vector<16xi32>
        %eq3A_425 = arith.cmpi eq, %and3A_367, %eq3A_424 : vector<16xi32>
        %jit3A_426 = arith.constant 0.000000e+00 : f32
        %broadcast_in_dim3A_427 = vector.broadcast %jit3A_426 : f32 to vector<16xf32>
        %select_n3A_428 = arith.select %eq3A_425, %get3A_360, %broadcast_in_dim3A_427 : vector<16xi1>, vector<16xf32>
        %swap3A_429 = arith.index_cast %add3A_356 : i32 to index
        %swap3A_430 = arith.constant 80 : index
        %swap3A_431 = tpu.vector_load %arg10[%swap3A_429, %swap3A_430] {strides = array<i32>} : memref<64x128xf32, #tpu.memory_space<vmem>>, vector<1x16xf32>,
        %swap3A_432 = vector.shape_cast %swap3A_431 : vector<1x16xf32> to vector<16xf32>
        %swap3A_433 = vector.shape_cast %select_n3A_428 : vector<16xf32> to vector<1x16xf32>
        tpu.vector_store %arg10[%swap3A_429, %swap3A_430], %swap3A_433 {strides = array<i32>} : memref<64x128xf32, #tpu.memory_space<vmem>>, vector<1x16xf32>,
        %eq3A_434 = arith.constant 6 : i32
        %eq3A_435 = vector.broadcast %eq3A_434 : i32 to vector<16xi32>
        %eq3A_436 = arith.cmpi eq, %and3A_367, %eq3A_435 : vector<16xi32>
        %jit3A_437 = arith.constant 0.000000e+00 : f32
        %broadcast_in_dim3A_438 = vector.broadcast %jit3A_437 : f32 to vector<16xf32>
        %select_n3A_439 = arith.select %eq3A_436, %get3A_360, %broadcast_in_dim3A_438 : vector<16xi1>, vector<16xf32>
        %swap3A_440 = arith.index_cast %add3A_356 : i32 to index
        %swap3A_441 = arith.constant 96 : index
        %swap3A_442 = tpu.vector_load %arg10[%swap3A_440, %swap3A_441] {strides = array<i32>} : memref<64x128xf32, #tpu.memory_space<vmem>>, vector<1x16xf32>,
        %swap3A_443 = vector.shape_cast %swap3A_442 : vector<1x16xf32> to vector<16xf32>
        %swap3A_444 = vector.shape_cast %select_n3A_439 : vector<16xf32> to vector<1x16xf32>
        tpu.vector_store %arg10[%swap3A_440, %swap3A_441], %swap3A_444 {strides = array<i32>} : memref<64x128xf32, #tpu.memory_space<vmem>>, vector<1x16xf32>,
        %eq3A_445 = arith.constant 7 : i32
        %eq3A_446 = vector.broadcast %eq3A_445 : i32 to vector<16xi32>
        %eq3A_447 = arith.cmpi eq, %and3A_367, %eq3A_446 : vector<16xi32>
        %jit3A_448 = arith.constant 0.000000e+00 : f32
        %broadcast_in_dim3A_449 = vector.broadcast %jit3A_448 : f32 to vector<16xf32>
        %select_n3A_450 = arith.select %eq3A_447, %get3A_360, %broadcast_in_dim3A_449 : vector<16xi1>, vector<16xf32>
        %swap3A_451 = arith.index_cast %add3A_356 : i32 to index
        %swap3A_452 = arith.constant 112 : index
        %swap3A_453 = tpu.vector_load %arg10[%swap3A_451, %swap3A_452] {strides = array<i32>} : memref<64x128xf32, #tpu.memory_space<vmem>>, vector<1x16xf32>,
        %swap3A_454 = vector.shape_cast %swap3A_453 : vector<1x16xf32> to vector<16xf32>
        %swap3A_455 = vector.shape_cast %select_n3A_450 : vector<16xf32> to vector<1x16xf32>
        tpu.vector_store %arg10[%swap3A_451, %swap3A_452], %swap3A_455 {strides = array<i32>} : memref<64x128xf32, #tpu.memory_space<vmem>>, vector<1x16xf32>,
        %mul3A_456 = arith.constant 8 : i32
        %mul3A_457 = arith.muli %add3A_150, %mul3A_456 : i32
        %add3A_458 = arith.constant 3 : i32
        %add3A_459 = arith.addi %mul3A_457, %add3A_458 : i32
        %get3A_460 = arith.index_cast %add3A_150 : i32 to index
        %get3A_461 = arith.constant 48 : index
        %get3A_462 = tpu.vector_load %arg11[%get3A_460, %get3A_461] {strides = array<i32>} : memref<8x128xf32, #tpu.memory_space<vmem>>, vector<1x16xf32>,
        %get3A_463 = vector.shape_cast %get3A_462 : vector<1x16xf32> to vector<16xf32>
        %get3A_464 = arith.index_cast %add3A_150 : i32 to index
        %get3A_465 = arith.constant 48 : index
        %get3A_466 = tpu.vector_load %arg12[%get3A_464, %get3A_465] {strides = array<i32>} : memref<8x128xi32, #tpu.memory_space<vmem>>, vector<1x16xi32>,
        %get3A_467 = vector.shape_cast %get3A_466 : vector<1x16xi32> to vector<16xi32>
        %and3A_468 = arith.constant 7 : i32
        %and3A_469 = vector.broadcast %and3A_468 : i32 to vector<16xi32>
        %and3A_470 = arith.andi %get3A_467, %and3A_469 : vector<16xi32>
        %eq3A_471 = arith.constant 0 : i32
        %eq3A_472 = vector.broadcast %eq3A_471 : i32 to vector<16xi32>
        %eq3A_473 = arith.cmpi eq, %and3A_470, %eq3A_472 : vector<16xi32>
        %jit3A_474 = arith.constant 0.000000e+00 : f32
        %broadcast_in_dim3A_475 = vector.broadcast %jit3A_474 : f32 to vector<16xf32>
        %select_n3A_476 = arith.select %eq3A_473, %get3A_463, %broadcast_in_dim3A_475 : vector<16xi1>, vector<16xf32>
        %swap3A_477 = arith.index_cast %add3A_459 : i32 to index
        %swap3A_478 = arith.constant 0 : index
        %swap3A_479 = tpu.vector_load %arg10[%swap3A_477, %swap3A_478] {strides = array<i32>} : memref<64x128xf32, #tpu.memory_space<vmem>>, vector<1x16xf32>,
        %swap3A_480 = vector.shape_cast %swap3A_479 : vector<1x16xf32> to vector<16xf32>
        %swap3A_481 = vector.shape_cast %select_n3A_476 : vector<16xf32> to vector<1x16xf32>
        tpu.vector_store %arg10[%swap3A_477, %swap3A_478], %swap3A_481 {strides = array<i32>} : memref<64x128xf32, #tpu.memory_space<vmem>>, vector<1x16xf32>,
        %eq3A_482 = arith.constant 1 : i32
        %eq3A_483 = vector.broadcast %eq3A_482 : i32 to vector<16xi32>
        %eq3A_484 = arith.cmpi eq, %and3A_470, %eq3A_483 : vector<16xi32>
        %jit3A_485 = arith.constant 0.000000e+00 : f32
        %broadcast_in_dim3A_486 = vector.broadcast %jit3A_485 : f32 to vector<16xf32>
        %select_n3A_487 = arith.select %eq3A_484, %get3A_463, %broadcast_in_dim3A_486 : vector<16xi1>, vector<16xf32>
        %swap3A_488 = arith.index_cast %add3A_459 : i32 to index
        %swap3A_489 = arith.constant 16 : index
        %swap3A_490 = tpu.vector_load %arg10[%swap3A_488, %swap3A_489] {strides = array<i32>} : memref<64x128xf32, #tpu.memory_space<vmem>>, vector<1x16xf32>,
        %swap3A_491 = vector.shape_cast %swap3A_490 : vector<1x16xf32> to vector<16xf32>
        %swap3A_492 = vector.shape_cast %select_n3A_487 : vector<16xf32> to vector<1x16xf32>
        tpu.vector_store %arg10[%swap3A_488, %swap3A_489], %swap3A_492 {strides = array<i32>} : memref<64x128xf32, #tpu.memory_space<vmem>>, vector<1x16xf32>,
        %eq3A_493 = arith.constant 2 : i32
        %eq3A_494 = vector.broadcast %eq3A_493 : i32 to vector<16xi32>
        %eq3A_495 = arith.cmpi eq, %and3A_470, %eq3A_494 : vector<16xi32>
        %jit3A_496 = arith.constant 0.000000e+00 : f32
        %broadcast_in_dim3A_497 = vector.broadcast %jit3A_496 : f32 to vector<16xf32>
        %select_n3A_498 = arith.select %eq3A_495, %get3A_463, %broadcast_in_dim3A_497 : vector<16xi1>, vector<16xf32>
        %swap3A_499 = arith.index_cast %add3A_459 : i32 to index
        %swap3A_500 = arith.constant 32 : index
        %swap3A_501 = tpu.vector_load %arg10[%swap3A_499, %swap3A_500] {strides = array<i32>} : memref<64x128xf32, #tpu.memory_space<vmem>>, vector<1x16xf32>,
        %swap3A_502 = vector.shape_cast %swap3A_501 : vector<1x16xf32> to vector<16xf32>
        %swap3A_503 = vector.shape_cast %select_n3A_498 : vector<16xf32> to vector<1x16xf32>
        tpu.vector_store %arg10[%swap3A_499, %swap3A_500], %swap3A_503 {strides = array<i32>} : memref<64x128xf32, #tpu.memory_space<vmem>>, vector<1x16xf32>,
        %eq3A_504 = arith.constant 3 : i32
        %eq3A_505 = vector.broadcast %eq3A_504 : i32 to vector<16xi32>
        %eq3A_506 = arith.cmpi eq, %and3A_470, %eq3A_505 : vector<16xi32>
        %jit3A_507 = arith.constant 0.000000e+00 : f32
        %broadcast_in_dim3A_508 = vector.broadcast %jit3A_507 : f32 to vector<16xf32>
        %select_n3A_509 = arith.select %eq3A_506, %get3A_463, %broadcast_in_dim3A_508 : vector<16xi1>, vector<16xf32>
        %swap3A_510 = arith.index_cast %add3A_459 : i32 to index
        %swap3A_511 = arith.constant 48 : index
        %swap3A_512 = tpu.vector_load %arg10[%swap3A_510, %swap3A_511] {strides = array<i32>} : memref<64x128xf32, #tpu.memory_space<vmem>>, vector<1x16xf32>,
        %swap3A_513 = vector.shape_cast %swap3A_512 : vector<1x16xf32> to vector<16xf32>
        %swap3A_514 = vector.shape_cast %select_n3A_509 : vector<16xf32> to vector<1x16xf32>
        tpu.vector_store %arg10[%swap3A_510, %swap3A_511], %swap3A_514 {strides = array<i32>} : memref<64x128xf32, #tpu.memory_space<vmem>>, vector<1x16xf32>,
        %eq3A_515 = arith.constant 4 : i32
        %eq3A_516 = vector.broadcast %eq3A_515 : i32 to vector<16xi32>
        %eq3A_517 = arith.cmpi eq, %and3A_470, %eq3A_516 : vector<16xi32>
        %jit3A_518 = arith.constant 0.000000e+00 : f32
        %broadcast_in_dim3A_519 = vector.broadcast %jit3A_518 : f32 to vector<16xf32>
        %select_n3A_520 = arith.select %eq3A_517, %get3A_463, %broadcast_in_dim3A_519 : vector<16xi1>, vector<16xf32>
        %swap3A_521 = arith.index_cast %add3A_459 : i32 to index
        %swap3A_522 = arith.constant 64 : index
        %swap3A_523 = tpu.vector_load %arg10[%swap3A_521, %swap3A_522] {strides = array<i32>} : memref<64x128xf32, #tpu.memory_space<vmem>>, vector<1x16xf32>,
        %swap3A_524 = vector.shape_cast %swap3A_523 : vector<1x16xf32> to vector<16xf32>
        %swap3A_525 = vector.shape_cast %select_n3A_520 : vector<16xf32> to vector<1x16xf32>
        tpu.vector_store %arg10[%swap3A_521, %swap3A_522], %swap3A_525 {strides = array<i32>} : memref<64x128xf32, #tpu.memory_space<vmem>>, vector<1x16xf32>,
        %eq3A_526 = arith.constant 5 : i32
        %eq3A_527 = vector.broadcast %eq3A_526 : i32 to vector<16xi32>
        %eq3A_528 = arith.cmpi eq, %and3A_470, %eq3A_527 : vector<16xi32>
        %jit3A_529 = arith.constant 0.000000e+00 : f32
        %broadcast_in_dim3A_530 = vector.broadcast %jit3A_529 : f32 to vector<16xf32>
        %select_n3A_531 = arith.select %eq3A_528, %get3A_463, %broadcast_in_dim3A_530 : vector<16xi1>, vector<16xf32>
        %swap3A_532 = arith.index_cast %add3A_459 : i32 to index
        %swap3A_533 = arith.constant 80 : index
        %swap3A_534 = tpu.vector_load %arg10[%swap3A_532, %swap3A_533] {strides = array<i32>} : memref<64x128xf32, #tpu.memory_space<vmem>>, vector<1x16xf32>,
        %swap3A_535 = vector.shape_cast %swap3A_534 : vector<1x16xf32> to vector<16xf32>
        %swap3A_536 = vector.shape_cast %select_n3A_531 : vector<16xf32> to vector<1x16xf32>
        tpu.vector_store %arg10[%swap3A_532, %swap3A_533], %swap3A_536 {strides = array<i32>} : memref<64x128xf32, #tpu.memory_space<vmem>>, vector<1x16xf32>,
        %eq3A_537 = arith.constant 6 : i32
        %eq3A_538 = vector.broadcast %eq3A_537 : i32 to vector<16xi32>
        %eq3A_539 = arith.cmpi eq, %and3A_470, %eq3A_538 : vector<16xi32>
        %jit3A_540 = arith.constant 0.000000e+00 : f32
        %broadcast_in_dim3A_541 = vector.broadcast %jit3A_540 : f32 to vector<16xf32>
        %select_n3A_542 = arith.select %eq3A_539, %get3A_463, %broadcast_in_dim3A_541 : vector<16xi1>, vector<16xf32>
        %swap3A_543 = arith.index_cast %add3A_459 : i32 to index
        %swap3A_544 = arith.constant 96 : index
        %swap3A_545 = tpu.vector_load %arg10[%swap3A_543, %swap3A_544] {strides = array<i32>} : memref<64x128xf32, #tpu.memory_space<vmem>>, vector<1x16xf32>,
        %swap3A_546 = vector.shape_cast %swap3A_545 : vector<1x16xf32> to vector<16xf32>
        %swap3A_547 = vector.shape_cast %select_n3A_542 : vector<16xf32> to vector<1x16xf32>
        tpu.vector_store %arg10[%swap3A_543, %swap3A_544], %swap3A_547 {strides = array<i32>} : memref<64x128xf32, #tpu.memory_space<vmem>>, vector<1x16xf32>,
        %eq3A_548 = arith.constant 7 : i32
        %eq3A_549 = vector.broadcast %eq3A_548 : i32 to vector<16xi32>
        %eq3A_550 = arith.cmpi eq, %and3A_470, %eq3A_549 : vector<16xi32>
        %jit3A_551 = arith.constant 0.000000e+00 : f32
        %broadcast_in_dim3A_552 = vector.broadcast %jit3A_551 : f32 to vector<16xf32>
        %select_n3A_553 = arith.select %eq3A_550, %get3A_463, %broadcast_in_dim3A_552 : vector<16xi1>, vector<16xf32>
        %swap3A_554 = arith.index_cast %add3A_459 : i32 to index
        %swap3A_555 = arith.constant 112 : index
        %swap3A_556 = tpu.vector_load %arg10[%swap3A_554, %swap3A_555] {strides = array<i32>} : memref<64x128xf32, #tpu.memory_space<vmem>>, vector<1x16xf32>,
        %swap3A_557 = vector.shape_cast %swap3A_556 : vector<1x16xf32> to vector<16xf32>
        %swap3A_558 = vector.shape_cast %select_n3A_553 : vector<16xf32> to vector<1x16xf32>
        tpu.vector_store %arg10[%swap3A_554, %swap3A_555], %swap3A_558 {strides = array<i32>} : memref<64x128xf32, #tpu.memory_space<vmem>>, vector<1x16xf32>,
        %mul3A_559 = arith.constant 8 : i32
        %mul3A_560 = arith.muli %add3A_150, %mul3A_559 : i32
        %add3A_561 = arith.constant 4 : i32
        %add3A_562 = arith.addi %mul3A_560, %add3A_561 : i32
        %get3A_563 = arith.index_cast %add3A_150 : i32 to index
        %get3A_564 = arith.constant 64 : index
        %get3A_565 = tpu.vector_load %arg11[%get3A_563, %get3A_564] {strides = array<i32>} : memref<8x128xf32, #tpu.memory_space<vmem>>, vector<1x16xf32>,
        %get3A_566 = vector.shape_cast %get3A_565 : vector<1x16xf32> to vector<16xf32>
        %get3A_567 = arith.index_cast %add3A_150 : i32 to index
        %get3A_568 = arith.constant 64 : index
        %get3A_569 = tpu.vector_load %arg12[%get3A_567, %get3A_568] {strides = array<i32>} : memref<8x128xi32, #tpu.memory_space<vmem>>, vector<1x16xi32>,
        %get3A_570 = vector.shape_cast %get3A_569 : vector<1x16xi32> to vector<16xi32>
        %and3A_571 = arith.constant 7 : i32
        %and3A_572 = vector.broadcast %and3A_571 : i32 to vector<16xi32>
        %and3A_573 = arith.andi %get3A_570, %and3A_572 : vector<16xi32>
        %eq3A_574 = arith.constant 0 : i32
        %eq3A_575 = vector.broadcast %eq3A_574 : i32 to vector<16xi32>
        %eq3A_576 = arith.cmpi eq, %and3A_573, %eq3A_575 : vector<16xi32>
        %jit3A_577 = arith.constant 0.000000e+00 : f32
        %broadcast_in_dim3A_578 = vector.broadcast %jit3A_577 : f32 to vector<16xf32>
        %select_n3A_579 = arith.select %eq3A_576, %get3A_566, %broadcast_in_dim3A_578 : vector<16xi1>, vector<16xf32>
        %swap3A_580 = arith.index_cast %add3A_562 : i32 to index
        %swap3A_581 = arith.constant 0 : index
        %swap3A_582 = tpu.vector_load %arg10[%swap3A_580, %swap3A_581] {strides = array<i32>} : memref<64x128xf32, #tpu.memory_space<vmem>>, vector<1x16xf32>,
        %swap3A_583 = vector.shape_cast %swap3A_582 : vector<1x16xf32> to vector<16xf32>
        %swap3A_584 = vector.shape_cast %select_n3A_579 : vector<16xf32> to vector<1x16xf32>
        tpu.vector_store %arg10[%swap3A_580, %swap3A_581], %swap3A_584 {strides = array<i32>} : memref<64x128xf32, #tpu.memory_space<vmem>>, vector<1x16xf32>,
        %eq3A_585 = arith.constant 1 : i32
        %eq3A_586 = vector.broadcast %eq3A_585 : i32 to vector<16xi32>
        %eq3A_587 = arith.cmpi eq, %and3A_573, %eq3A_586 : vector<16xi32>
        %jit3A_588 = arith.constant 0.000000e+00 : f32
        %broadcast_in_dim3A_589 = vector.broadcast %jit3A_588 : f32 to vector<16xf32>
        %select_n3A_590 = arith.select %eq3A_587, %get3A_566, %broadcast_in_dim3A_589 : vector<16xi1>, vector<16xf32>
        %swap3A_591 = arith.index_cast %add3A_562 : i32 to index
        %swap3A_592 = arith.constant 16 : index
        %swap3A_593 = tpu.vector_load %arg10[%swap3A_591, %swap3A_592] {strides = array<i32>} : memref<64x128xf32, #tpu.memory_space<vmem>>, vector<1x16xf32>,
        %swap3A_594 = vector.shape_cast %swap3A_593 : vector<1x16xf32> to vector<16xf32>
        %swap3A_595 = vector.shape_cast %select_n3A_590 : vector<16xf32> to vector<1x16xf32>
        tpu.vector_store %arg10[%swap3A_591, %swap3A_592], %swap3A_595 {strides = array<i32>} : memref<64x128xf32, #tpu.memory_space<vmem>>, vector<1x16xf32>,
        %eq3A_596 = arith.constant 2 : i32
        %eq3A_597 = vector.broadcast %eq3A_596 : i32 to vector<16xi32>
        %eq3A_598 = arith.cmpi eq, %and3A_573, %eq3A_597 : vector<16xi32>
        %jit3A_599 = arith.constant 0.000000e+00 : f32
        %broadcast_in_dim3A_600 = vector.broadcast %jit3A_599 : f32 to vector<16xf32>
        %select_n3A_601 = arith.select %eq3A_598, %get3A_566, %broadcast_in_dim3A_600 : vector<16xi1>, vector<16xf32>
        %swap3A_602 = arith.index_cast %add3A_562 : i32 to index
        %swap3A_603 = arith.constant 32 : index
        %swap3A_604 = tpu.vector_load %arg10[%swap3A_602, %swap3A_603] {strides = array<i32>} : memref<64x128xf32, #tpu.memory_space<vmem>>, vector<1x16xf32>,
        %swap3A_605 = vector.shape_cast %swap3A_604 : vector<1x16xf32> to vector<16xf32>
        %swap3A_606 = vector.shape_cast %select_n3A_601 : vector<16xf32> to vector<1x16xf32>
        tpu.vector_store %arg10[%swap3A_602, %swap3A_603], %swap3A_606 {strides = array<i32>} : memref<64x128xf32, #tpu.memory_space<vmem>>, vector<1x16xf32>,
        %eq3A_607 = arith.constant 3 : i32
        %eq3A_608 = vector.broadcast %eq3A_607 : i32 to vector<16xi32>
        %eq3A_609 = arith.cmpi eq, %and3A_573, %eq3A_608 : vector<16xi32>
        %jit3A_610 = arith.constant 0.000000e+00 : f32
        %broadcast_in_dim3A_611 = vector.broadcast %jit3A_610 : f32 to vector<16xf32>
        %select_n3A_612 = arith.select %eq3A_609, %get3A_566, %broadcast_in_dim3A_611 : vector<16xi1>, vector<16xf32>
        %swap3A_613 = arith.index_cast %add3A_562 : i32 to index
        %swap3A_614 = arith.constant 48 : index
        %swap3A_615 = tpu.vector_load %arg10[%swap3A_613, %swap3A_614] {strides = array<i32>} : memref<64x128xf32, #tpu.memory_space<vmem>>, vector<1x16xf32>,
        %swap3A_616 = vector.shape_cast %swap3A_615 : vector<1x16xf32> to vector<16xf32>
        %swap3A_617 = vector.shape_cast %select_n3A_612 : vector<16xf32> to vector<1x16xf32>
        tpu.vector_store %arg10[%swap3A_613, %swap3A_614], %swap3A_617 {strides = array<i32>} : memref<64x128xf32, #tpu.memory_space<vmem>>, vector<1x16xf32>,
        %eq3A_618 = arith.constant 4 : i32
        %eq3A_619 = vector.broadcast %eq3A_618 : i32 to vector<16xi32>
        %eq3A_620 = arith.cmpi eq, %and3A_573, %eq3A_619 : vector<16xi32>
        %jit3A_621 = arith.constant 0.000000e+00 : f32
        %broadcast_in_dim3A_622 = vector.broadcast %jit3A_621 : f32 to vector<16xf32>
        %select_n3A_623 = arith.select %eq3A_620, %get3A_566, %broadcast_in_dim3A_622 : vector<16xi1>, vector<16xf32>
        %swap3A_624 = arith.index_cast %add3A_562 : i32 to index
        %swap3A_625 = arith.constant 64 : index
        %swap3A_626 = tpu.vector_load %arg10[%swap3A_624, %swap3A_625] {strides = array<i32>} : memref<64x128xf32, #tpu.memory_space<vmem>>, vector<1x16xf32>,
        %swap3A_627 = vector.shape_cast %swap3A_626 : vector<1x16xf32> to vector<16xf32>
        %swap3A_628 = vector.shape_cast %select_n3A_623 : vector<16xf32> to vector<1x16xf32>
        tpu.vector_store %arg10[%swap3A_624, %swap3A_625], %swap3A_628 {strides = array<i32>} : memref<64x128xf32, #tpu.memory_space<vmem>>, vector<1x16xf32>,
        %eq3A_629 = arith.constant 5 : i32
        %eq3A_630 = vector.broadcast %eq3A_629 : i32 to vector<16xi32>
        %eq3A_631 = arith.cmpi eq, %and3A_573, %eq3A_630 : vector<16xi32>
        %jit3A_632 = arith.constant 0.000000e+00 : f32
        %broadcast_in_dim3A_633 = vector.broadcast %jit3A_632 : f32 to vector<16xf32>
        %select_n3A_634 = arith.select %eq3A_631, %get3A_566, %broadcast_in_dim3A_633 : vector<16xi1>, vector<16xf32>
        %swap3A_635 = arith.index_cast %add3A_562 : i32 to index
        %swap3A_636 = arith.constant 80 : index
        %swap3A_637 = tpu.vector_load %arg10[%swap3A_635, %swap3A_636] {strides = array<i32>} : memref<64x128xf32, #tpu.memory_space<vmem>>, vector<1x16xf32>,
        %swap3A_638 = vector.shape_cast %swap3A_637 : vector<1x16xf32> to vector<16xf32>
        %swap3A_639 = vector.shape_cast %select_n3A_634 : vector<16xf32> to vector<1x16xf32>
        tpu.vector_store %arg10[%swap3A_635, %swap3A_636], %swap3A_639 {strides = array<i32>} : memref<64x128xf32, #tpu.memory_space<vmem>>, vector<1x16xf32>,
        %eq3A_640 = arith.constant 6 : i32
        %eq3A_641 = vector.broadcast %eq3A_640 : i32 to vector<16xi32>
        %eq3A_642 = arith.cmpi eq, %and3A_573, %eq3A_641 : vector<16xi32>
        %jit3A_643 = arith.constant 0.000000e+00 : f32
        %broadcast_in_dim3A_644 = vector.broadcast %jit3A_643 : f32 to vector<16xf32>
        %select_n3A_645 = arith.select %eq3A_642, %get3A_566, %broadcast_in_dim3A_644 : vector<16xi1>, vector<16xf32>
        %swap3A_646 = arith.index_cast %add3A_562 : i32 to index
        %swap3A_647 = arith.constant 96 : index
        %swap3A_648 = tpu.vector_load %arg10[%swap3A_646, %swap3A_647] {strides = array<i32>} : memref<64x128xf32, #tpu.memory_space<vmem>>, vector<1x16xf32>,
        %swap3A_649 = vector.shape_cast %swap3A_648 : vector<1x16xf32> to vector<16xf32>
        %swap3A_650 = vector.shape_cast %select_n3A_645 : vector<16xf32> to vector<1x16xf32>
        tpu.vector_store %arg10[%swap3A_646, %swap3A_647], %swap3A_650 {strides = array<i32>} : memref<64x128xf32, #tpu.memory_space<vmem>>, vector<1x16xf32>,
        %eq3A_651 = arith.constant 7 : i32
        %eq3A_652 = vector.broadcast %eq3A_651 : i32 to vector<16xi32>
        %eq3A_653 = arith.cmpi eq, %and3A_573, %eq3A_652 : vector<16xi32>
        %jit3A_654 = arith.constant 0.000000e+00 : f32
        %broadcast_in_dim3A_655 = vector.broadcast %jit3A_654 : f32 to vector<16xf32>
        %select_n3A_656 = arith.select %eq3A_653, %get3A_566, %broadcast_in_dim3A_655 : vector<16xi1>, vector<16xf32>
        %swap3A_657 = arith.index_cast %add3A_562 : i32 to index
        %swap3A_658 = arith.constant 112 : index
        %swap3A_659 = tpu.vector_load %arg10[%swap3A_657, %swap3A_658] {strides = array<i32>} : memref<64x128xf32, #tpu.memory_space<vmem>>, vector<1x16xf32>,
        %swap3A_660 = vector.shape_cast %swap3A_659 : vector<1x16xf32> to vector<16xf32>
        %swap3A_661 = vector.shape_cast %select_n3A_656 : vector<16xf32> to vector<1x16xf32>
        tpu.vector_store %arg10[%swap3A_657, %swap3A_658], %swap3A_661 {strides = array<i32>} : memref<64x128xf32, #tpu.memory_space<vmem>>, vector<1x16xf32>,
        %mul3A_662 = arith.constant 8 : i32
        %mul3A_663 = arith.muli %add3A_150, %mul3A_662 : i32
        %add3A_664 = arith.constant 5 : i32
        %add3A_665 = arith.addi %mul3A_663, %add3A_664 : i32
        %get3A_666 = arith.index_cast %add3A_150 : i32 to index
        %get3A_667 = arith.constant 80 : index
        %get3A_668 = tpu.vector_load %arg11[%get3A_666, %get3A_667] {strides = array<i32>} : memref<8x128xf32, #tpu.memory_space<vmem>>, vector<1x16xf32>,
        %get3A_669 = vector.shape_cast %get3A_668 : vector<1x16xf32> to vector<16xf32>
        %get3A_670 = arith.index_cast %add3A_150 : i32 to index
        %get3A_671 = arith.constant 80 : index
        %get3A_672 = tpu.vector_load %arg12[%get3A_670, %get3A_671] {strides = array<i32>} : memref<8x128xi32, #tpu.memory_space<vmem>>, vector<1x16xi32>,
        %get3A_673 = vector.shape_cast %get3A_672 : vector<1x16xi32> to vector<16xi32>
        %and3A_674 = arith.constant 7 : i32
        %and3A_675 = vector.broadcast %and3A_674 : i32 to vector<16xi32>
        %and3A_676 = arith.andi %get3A_673, %and3A_675 : vector<16xi32>
        %eq3A_677 = arith.constant 0 : i32
        %eq3A_678 = vector.broadcast %eq3A_677 : i32 to vector<16xi32>
        %eq3A_679 = arith.cmpi eq, %and3A_676, %eq3A_678 : vector<16xi32>
        %jit3A_680 = arith.constant 0.000000e+00 : f32
        %broadcast_in_dim3A_681 = vector.broadcast %jit3A_680 : f32 to vector<16xf32>
        %select_n3A_682 = arith.select %eq3A_679, %get3A_669, %broadcast_in_dim3A_681 : vector<16xi1>, vector<16xf32>
        %swap3A_683 = arith.index_cast %add3A_665 : i32 to index
        %swap3A_684 = arith.constant 0 : index
        %swap3A_685 = tpu.vector_load %arg10[%swap3A_683, %swap3A_684] {strides = array<i32>} : memref<64x128xf32, #tpu.memory_space<vmem>>, vector<1x16xf32>,
        %swap3A_686 = vector.shape_cast %swap3A_685 : vector<1x16xf32> to vector<16xf32>
        %swap3A_687 = vector.shape_cast %select_n3A_682 : vector<16xf32> to vector<1x16xf32>
        tpu.vector_store %arg10[%swap3A_683, %swap3A_684], %swap3A_687 {strides = array<i32>} : memref<64x128xf32, #tpu.memory_space<vmem>>, vector<1x16xf32>,
        %eq3A_688 = arith.constant 1 : i32
        %eq3A_689 = vector.broadcast %eq3A_688 : i32 to vector<16xi32>
        %eq3A_690 = arith.cmpi eq, %and3A_676, %eq3A_689 : vector<16xi32>
        %jit3A_691 = arith.constant 0.000000e+00 : f32
        %broadcast_in_dim3A_692 = vector.broadcast %jit3A_691 : f32 to vector<16xf32>
        %select_n3A_693 = arith.select %eq3A_690, %get3A_669, %broadcast_in_dim3A_692 : vector<16xi1>, vector<16xf32>
        %swap3A_694 = arith.index_cast %add3A_665 : i32 to index
        %swap3A_695 = arith.constant 16 : index
        %swap3A_696 = tpu.vector_load %arg10[%swap3A_694, %swap3A_695] {strides = array<i32>} : memref<64x128xf32, #tpu.memory_space<vmem>>, vector<1x16xf32>,
        %swap3A_697 = vector.shape_cast %swap3A_696 : vector<1x16xf32> to vector<16xf32>
        %swap3A_698 = vector.shape_cast %select_n3A_693 : vector<16xf32> to vector<1x16xf32>
        tpu.vector_store %arg10[%swap3A_694, %swap3A_695], %swap3A_698 {strides = array<i32>} : memref<64x128xf32, #tpu.memory_space<vmem>>, vector<1x16xf32>,
        %eq3A_699 = arith.constant 2 : i32
        %eq3A_700 = vector.broadcast %eq3A_699 : i32 to vector<16xi32>
        %eq3A_701 = arith.cmpi eq, %and3A_676, %eq3A_700 : vector<16xi32>
        %jit3A_702 = arith.constant 0.000000e+00 : f32
        %broadcast_in_dim3A_703 = vector.broadcast %jit3A_702 : f32 to vector<16xf32>
        %select_n3A_704 = arith.select %eq3A_701, %get3A_669, %broadcast_in_dim3A_703 : vector<16xi1>, vector<16xf32>
        %swap3A_705 = arith.index_cast %add3A_665 : i32 to index
        %swap3A_706 = arith.constant 32 : index
        %swap3A_707 = tpu.vector_load %arg10[%swap3A_705, %swap3A_706] {strides = array<i32>} : memref<64x128xf32, #tpu.memory_space<vmem>>, vector<1x16xf32>,
        %swap3A_708 = vector.shape_cast %swap3A_707 : vector<1x16xf32> to vector<16xf32>
        %swap3A_709 = vector.shape_cast %select_n3A_704 : vector<16xf32> to vector<1x16xf32>
        tpu.vector_store %arg10[%swap3A_705, %swap3A_706], %swap3A_709 {strides = array<i32>} : memref<64x128xf32, #tpu.memory_space<vmem>>, vector<1x16xf32>,
        %eq3A_710 = arith.constant 3 : i32
        %eq3A_711 = vector.broadcast %eq3A_710 : i32 to vector<16xi32>
        %eq3A_712 = arith.cmpi eq, %and3A_676, %eq3A_711 : vector<16xi32>
        %jit3A_713 = arith.constant 0.000000e+00 : f32
        %broadcast_in_dim3A_714 = vector.broadcast %jit3A_713 : f32 to vector<16xf32>
        %select_n3A_715 = arith.select %eq3A_712, %get3A_669, %broadcast_in_dim3A_714 : vector<16xi1>, vector<16xf32>
        %swap3A_716 = arith.index_cast %add3A_665 : i32 to index
        %swap3A_717 = arith.constant 48 : index
        %swap3A_718 = tpu.vector_load %arg10[%swap3A_716, %swap3A_717] {strides = array<i32>} : memref<64x128xf32, #tpu.memory_space<vmem>>, vector<1x16xf32>,
        %swap3A_719 = vector.shape_cast %swap3A_718 : vector<1x16xf32> to vector<16xf32>
        %swap3A_720 = vector.shape_cast %select_n3A_715 : vector<16xf32> to vector<1x16xf32>
        tpu.vector_store %arg10[%swap3A_716, %swap3A_717], %swap3A_720 {strides = array<i32>} : memref<64x128xf32, #tpu.memory_space<vmem>>, vector<1x16xf32>,
        %eq3A_721 = arith.constant 4 : i32
        %eq3A_722 = vector.broadcast %eq3A_721 : i32 to vector<16xi32>
        %eq3A_723 = arith.cmpi eq, %and3A_676, %eq3A_722 : vector<16xi32>
        %jit3A_724 = arith.constant 0.000000e+00 : f32
        %broadcast_in_dim3A_725 = vector.broadcast %jit3A_724 : f32 to vector<16xf32>
        %select_n3A_726 = arith.select %eq3A_723, %get3A_669, %broadcast_in_dim3A_725 : vector<16xi1>, vector<16xf32>
        %swap3A_727 = arith.index_cast %add3A_665 : i32 to index
        %swap3A_728 = arith.constant 64 : index
        %swap3A_729 = tpu.vector_load %arg10[%swap3A_727, %swap3A_728] {strides = array<i32>} : memref<64x128xf32, #tpu.memory_space<vmem>>, vector<1x16xf32>,
        %swap3A_730 = vector.shape_cast %swap3A_729 : vector<1x16xf32> to vector<16xf32>
        %swap3A_731 = vector.shape_cast %select_n3A_726 : vector<16xf32> to vector<1x16xf32>
        tpu.vector_store %arg10[%swap3A_727, %swap3A_728], %swap3A_731 {strides = array<i32>} : memref<64x128xf32, #tpu.memory_space<vmem>>, vector<1x16xf32>,
        %eq3A_732 = arith.constant 5 : i32
        %eq3A_733 = vector.broadcast %eq3A_732 : i32 to vector<16xi32>
        %eq3A_734 = arith.cmpi eq, %and3A_676, %eq3A_733 : vector<16xi32>
        %jit3A_735 = arith.constant 0.000000e+00 : f32
        %broadcast_in_dim3A_736 = vector.broadcast %jit3A_735 : f32 to vector<16xf32>
        %select_n3A_737 = arith.select %eq3A_734, %get3A_669, %broadcast_in_dim3A_736 : vector<16xi1>, vector<16xf32>
        %swap3A_738 = arith.index_cast %add3A_665 : i32 to index
        %swap3A_739 = arith.constant 80 : index
        %swap3A_740 = tpu.vector_load %arg10[%swap3A_738, %swap3A_739] {strides = array<i32>} : memref<64x128xf32, #tpu.memory_space<vmem>>, vector<1x16xf32>,
        %swap3A_741 = vector.shape_cast %swap3A_740 : vector<1x16xf32> to vector<16xf32>
        %swap3A_742 = vector.shape_cast %select_n3A_737 : vector<16xf32> to vector<1x16xf32>
        tpu.vector_store %arg10[%swap3A_738, %swap3A_739], %swap3A_742 {strides = array<i32>} : memref<64x128xf32, #tpu.memory_space<vmem>>, vector<1x16xf32>,
        %eq3A_743 = arith.constant 6 : i32
        %eq3A_744 = vector.broadcast %eq3A_743 : i32 to vector<16xi32>
        %eq3A_745 = arith.cmpi eq, %and3A_676, %eq3A_744 : vector<16xi32>
        %jit3A_746 = arith.constant 0.000000e+00 : f32
        %broadcast_in_dim3A_747 = vector.broadcast %jit3A_746 : f32 to vector<16xf32>
        %select_n3A_748 = arith.select %eq3A_745, %get3A_669, %broadcast_in_dim3A_747 : vector<16xi1>, vector<16xf32>
        %swap3A_749 = arith.index_cast %add3A_665 : i32 to index
        %swap3A_750 = arith.constant 96 : index
        %swap3A_751 = tpu.vector_load %arg10[%swap3A_749, %swap3A_750] {strides = array<i32>} : memref<64x128xf32, #tpu.memory_space<vmem>>, vector<1x16xf32>,
        %swap3A_752 = vector.shape_cast %swap3A_751 : vector<1x16xf32> to vector<16xf32>
        %swap3A_753 = vector.shape_cast %select_n3A_748 : vector<16xf32> to vector<1x16xf32>
        tpu.vector_store %arg10[%swap3A_749, %swap3A_750], %swap3A_753 {strides = array<i32>} : memref<64x128xf32, #tpu.memory_space<vmem>>, vector<1x16xf32>,
        %eq3A_754 = arith.constant 7 : i32
        %eq3A_755 = vector.broadcast %eq3A_754 : i32 to vector<16xi32>
        %eq3A_756 = arith.cmpi eq, %and3A_676, %eq3A_755 : vector<16xi32>
        %jit3A_757 = arith.constant 0.000000e+00 : f32
        %broadcast_in_dim3A_758 = vector.broadcast %jit3A_757 : f32 to vector<16xf32>
        %select_n3A_759 = arith.select %eq3A_756, %get3A_669, %broadcast_in_dim3A_758 : vector<16xi1>, vector<16xf32>
        %swap3A_760 = arith.index_cast %add3A_665 : i32 to index
        %swap3A_761 = arith.constant 112 : index
        %swap3A_762 = tpu.vector_load %arg10[%swap3A_760, %swap3A_761] {strides = array<i32>} : memref<64x128xf32, #tpu.memory_space<vmem>>, vector<1x16xf32>,
        %swap3A_763 = vector.shape_cast %swap3A_762 : vector<1x16xf32> to vector<16xf32>
        %swap3A_764 = vector.shape_cast %select_n3A_759 : vector<16xf32> to vector<1x16xf32>
        tpu.vector_store %arg10[%swap3A_760, %swap3A_761], %swap3A_764 {strides = array<i32>} : memref<64x128xf32, #tpu.memory_space<vmem>>, vector<1x16xf32>,
        %mul3A_765 = arith.constant 8 : i32
        %mul3A_766 = arith.muli %add3A_150, %mul3A_765 : i32
        %add3A_767 = arith.constant 6 : i32
        %add3A_768 = arith.addi %mul3A_766, %add3A_767 : i32
        %get3A_769 = arith.index_cast %add3A_150 : i32 to index
        %get3A_770 = arith.constant 96 : index
        %get3A_771 = tpu.vector_load %arg11[%get3A_769, %get3A_770] {strides = array<i32>} : memref<8x128xf32, #tpu.memory_space<vmem>>, vector<1x16xf32>,
        %get3A_772 = vector.shape_cast %get3A_771 : vector<1x16xf32> to vector<16xf32>
        %get3A_773 = arith.index_cast %add3A_150 : i32 to index
        %get3A_774 = arith.constant 96 : index
        %get3A_775 = tpu.vector_load %arg12[%get3A_773, %get3A_774] {strides = array<i32>} : memref<8x128xi32, #tpu.memory_space<vmem>>, vector<1x16xi32>,
        %get3A_776 = vector.shape_cast %get3A_775 : vector<1x16xi32> to vector<16xi32>
        %and3A_777 = arith.constant 7 : i32
        %and3A_778 = vector.broadcast %and3A_777 : i32 to vector<16xi32>
        %and3A_779 = arith.andi %get3A_776, %and3A_778 : vector<16xi32>
        %eq3A_780 = arith.constant 0 : i32
        %eq3A_781 = vector.broadcast %eq3A_780 : i32 to vector<16xi32>
        %eq3A_782 = arith.cmpi eq, %and3A_779, %eq3A_781 : vector<16xi32>
        %jit3A_783 = arith.constant 0.000000e+00 : f32
        %broadcast_in_dim3A_784 = vector.broadcast %jit3A_783 : f32 to vector<16xf32>
        %select_n3A_785 = arith.select %eq3A_782, %get3A_772, %broadcast_in_dim3A_784 : vector<16xi1>, vector<16xf32>
        %swap3A_786 = arith.index_cast %add3A_768 : i32 to index
        %swap3A_787 = arith.constant 0 : index
        %swap3A_788 = tpu.vector_load %arg10[%swap3A_786, %swap3A_787] {strides = array<i32>} : memref<64x128xf32, #tpu.memory_space<vmem>>, vector<1x16xf32>,
        %swap3A_789 = vector.shape_cast %swap3A_788 : vector<1x16xf32> to vector<16xf32>
        %swap3A_790 = vector.shape_cast %select_n3A_785 : vector<16xf32> to vector<1x16xf32>
        tpu.vector_store %arg10[%swap3A_786, %swap3A_787], %swap3A_790 {strides = array<i32>} : memref<64x128xf32, #tpu.memory_space<vmem>>, vector<1x16xf32>,
        %eq3A_791 = arith.constant 1 : i32
        %eq3A_792 = vector.broadcast %eq3A_791 : i32 to vector<16xi32>
        %eq3A_793 = arith.cmpi eq, %and3A_779, %eq3A_792 : vector<16xi32>
        %jit3A_794 = arith.constant 0.000000e+00 : f32
        %broadcast_in_dim3A_795 = vector.broadcast %jit3A_794 : f32 to vector<16xf32>
        %select_n3A_796 = arith.select %eq3A_793, %get3A_772, %broadcast_in_dim3A_795 : vector<16xi1>, vector<16xf32>
        %swap3A_797 = arith.index_cast %add3A_768 : i32 to index
        %swap3A_798 = arith.constant 16 : index
        %swap3A_799 = tpu.vector_load %arg10[%swap3A_797, %swap3A_798] {strides = array<i32>} : memref<64x128xf32, #tpu.memory_space<vmem>>, vector<1x16xf32>,
        %swap3A_800 = vector.shape_cast %swap3A_799 : vector<1x16xf32> to vector<16xf32>
        %swap3A_801 = vector.shape_cast %select_n3A_796 : vector<16xf32> to vector<1x16xf32>
        tpu.vector_store %arg10[%swap3A_797, %swap3A_798], %swap3A_801 {strides = array<i32>} : memref<64x128xf32, #tpu.memory_space<vmem>>, vector<1x16xf32>,
        %eq3A_802 = arith.constant 2 : i32
        %eq3A_803 = vector.broadcast %eq3A_802 : i32 to vector<16xi32>
        %eq3A_804 = arith.cmpi eq, %and3A_779, %eq3A_803 : vector<16xi32>
        %jit3A_805 = arith.constant 0.000000e+00 : f32
        %broadcast_in_dim3A_806 = vector.broadcast %jit3A_805 : f32 to vector<16xf32>
        %select_n3A_807 = arith.select %eq3A_804, %get3A_772, %broadcast_in_dim3A_806 : vector<16xi1>, vector<16xf32>
        %swap3A_808 = arith.index_cast %add3A_768 : i32 to index
        %swap3A_809 = arith.constant 32 : index
        %swap3A_810 = tpu.vector_load %arg10[%swap3A_808, %swap3A_809] {strides = array<i32>} : memref<64x128xf32, #tpu.memory_space<vmem>>, vector<1x16xf32>,
        %swap3A_811 = vector.shape_cast %swap3A_810 : vector<1x16xf32> to vector<16xf32>
        %swap3A_812 = vector.shape_cast %select_n3A_807 : vector<16xf32> to vector<1x16xf32>
        tpu.vector_store %arg10[%swap3A_808, %swap3A_809], %swap3A_812 {strides = array<i32>} : memref<64x128xf32, #tpu.memory_space<vmem>>, vector<1x16xf32>,
        %eq3A_813 = arith.constant 3 : i32
        %eq3A_814 = vector.broadcast %eq3A_813 : i32 to vector<16xi32>
        %eq3A_815 = arith.cmpi eq, %and3A_779, %eq3A_814 : vector<16xi32>
        %jit3A_816 = arith.constant 0.000000e+00 : f32
        %broadcast_in_dim3A_817 = vector.broadcast %jit3A_816 : f32 to vector<16xf32>
        %select_n3A_818 = arith.select %eq3A_815, %get3A_772, %broadcast_in_dim3A_817 : vector<16xi1>, vector<16xf32>
        %swap3A_819 = arith.index_cast %add3A_768 : i32 to index
        %swap3A_820 = arith.constant 48 : index
        %swap3A_821 = tpu.vector_load %arg10[%swap3A_819, %swap3A_820] {strides = array<i32>} : memref<64x128xf32, #tpu.memory_space<vmem>>, vector<1x16xf32>,
        %swap3A_822 = vector.shape_cast %swap3A_821 : vector<1x16xf32> to vector<16xf32>
        %swap3A_823 = vector.shape_cast %select_n3A_818 : vector<16xf32> to vector<1x16xf32>
        tpu.vector_store %arg10[%swap3A_819, %swap3A_820], %swap3A_823 {strides = array<i32>} : memref<64x128xf32, #tpu.memory_space<vmem>>, vector<1x16xf32>,
        %eq3A_824 = arith.constant 4 : i32
        %eq3A_825 = vector.broadcast %eq3A_824 : i32 to vector<16xi32>
        %eq3A_826 = arith.cmpi eq, %and3A_779, %eq3A_825 : vector<16xi32>
        %jit3A_827 = arith.constant 0.000000e+00 : f32
        %broadcast_in_dim3A_828 = vector.broadcast %jit3A_827 : f32 to vector<16xf32>
        %select_n3A_829 = arith.select %eq3A_826, %get3A_772, %broadcast_in_dim3A_828 : vector<16xi1>, vector<16xf32>
        %swap3A_830 = arith.index_cast %add3A_768 : i32 to index
        %swap3A_831 = arith.constant 64 : index
        %swap3A_832 = tpu.vector_load %arg10[%swap3A_830, %swap3A_831] {strides = array<i32>} : memref<64x128xf32, #tpu.memory_space<vmem>>, vector<1x16xf32>,
        %swap3A_833 = vector.shape_cast %swap3A_832 : vector<1x16xf32> to vector<16xf32>
        %swap3A_834 = vector.shape_cast %select_n3A_829 : vector<16xf32> to vector<1x16xf32>
        tpu.vector_store %arg10[%swap3A_830, %swap3A_831], %swap3A_834 {strides = array<i32>} : memref<64x128xf32, #tpu.memory_space<vmem>>, vector<1x16xf32>,
        %eq3A_835 = arith.constant 5 : i32
        %eq3A_836 = vector.broadcast %eq3A_835 : i32 to vector<16xi32>
        %eq3A_837 = arith.cmpi eq, %and3A_779, %eq3A_836 : vector<16xi32>
        %jit3A_838 = arith.constant 0.000000e+00 : f32
        %broadcast_in_dim3A_839 = vector.broadcast %jit3A_838 : f32 to vector<16xf32>
        %select_n3A_840 = arith.select %eq3A_837, %get3A_772, %broadcast_in_dim3A_839 : vector<16xi1>, vector<16xf32>
        %swap3A_841 = arith.index_cast %add3A_768 : i32 to index
        %swap3A_842 = arith.constant 80 : index
        %swap3A_843 = tpu.vector_load %arg10[%swap3A_841, %swap3A_842] {strides = array<i32>} : memref<64x128xf32, #tpu.memory_space<vmem>>, vector<1x16xf32>,
        %swap3A_844 = vector.shape_cast %swap3A_843 : vector<1x16xf32> to vector<16xf32>
        %swap3A_845 = vector.shape_cast %select_n3A_840 : vector<16xf32> to vector<1x16xf32>
        tpu.vector_store %arg10[%swap3A_841, %swap3A_842], %swap3A_845 {strides = array<i32>} : memref<64x128xf32, #tpu.memory_space<vmem>>, vector<1x16xf32>,
        %eq3A_846 = arith.constant 6 : i32
        %eq3A_847 = vector.broadcast %eq3A_846 : i32 to vector<16xi32>
        %eq3A_848 = arith.cmpi eq, %and3A_779, %eq3A_847 : vector<16xi32>
        %jit3A_849 = arith.constant 0.000000e+00 : f32
        %broadcast_in_dim3A_850 = vector.broadcast %jit3A_849 : f32 to vector<16xf32>
        %select_n3A_851 = arith.select %eq3A_848, %get3A_772, %broadcast_in_dim3A_850 : vector<16xi1>, vector<16xf32>
        %swap3A_852 = arith.index_cast %add3A_768 : i32 to index
        %swap3A_853 = arith.constant 96 : index
        %swap3A_854 = tpu.vector_load %arg10[%swap3A_852, %swap3A_853] {strides = array<i32>} : memref<64x128xf32, #tpu.memory_space<vmem>>, vector<1x16xf32>,
        %swap3A_855 = vector.shape_cast %swap3A_854 : vector<1x16xf32> to vector<16xf32>
        %swap3A_856 = vector.shape_cast %select_n3A_851 : vector<16xf32> to vector<1x16xf32>
        tpu.vector_store %arg10[%swap3A_852, %swap3A_853], %swap3A_856 {strides = array<i32>} : memref<64x128xf32, #tpu.memory_space<vmem>>, vector<1x16xf32>,
        %eq3A_857 = arith.constant 7 : i32
        %eq3A_858 = vector.broadcast %eq3A_857 : i32 to vector<16xi32>
        %eq3A_859 = arith.cmpi eq, %and3A_779, %eq3A_858 : vector<16xi32>
        %jit3A_860 = arith.constant 0.000000e+00 : f32
        %broadcast_in_dim3A_861 = vector.broadcast %jit3A_860 : f32 to vector<16xf32>
        %select_n3A_862 = arith.select %eq3A_859, %get3A_772, %broadcast_in_dim3A_861 : vector<16xi1>, vector<16xf32>
        %swap3A_863 = arith.index_cast %add3A_768 : i32 to index
        %swap3A_864 = arith.constant 112 : index
        %swap3A_865 = tpu.vector_load %arg10[%swap3A_863, %swap3A_864] {strides = array<i32>} : memref<64x128xf32, #tpu.memory_space<vmem>>, vector<1x16xf32>,
        %swap3A_866 = vector.shape_cast %swap3A_865 : vector<1x16xf32> to vector<16xf32>
        %swap3A_867 = vector.shape_cast %select_n3A_862 : vector<16xf32> to vector<1x16xf32>
        tpu.vector_store %arg10[%swap3A_863, %swap3A_864], %swap3A_867 {strides = array<i32>} : memref<64x128xf32, #tpu.memory_space<vmem>>, vector<1x16xf32>,
        %mul3A_868 = arith.constant 8 : i32
        %mul3A_869 = arith.muli %add3A_150, %mul3A_868 : i32
        %add3A_870 = arith.constant 7 : i32
        %add3A_871 = arith.addi %mul3A_869, %add3A_870 : i32
        %get3A_872 = arith.index_cast %add3A_150 : i32 to index
        %get3A_873 = arith.constant 112 : index
        %get3A_874 = tpu.vector_load %arg11[%get3A_872, %get3A_873] {strides = array<i32>} : memref<8x128xf32, #tpu.memory_space<vmem>>, vector<1x16xf32>,
        %get3A_875 = vector.shape_cast %get3A_874 : vector<1x16xf32> to vector<16xf32>
        %get3A_876 = arith.index_cast %add3A_150 : i32 to index
        %get3A_877 = arith.constant 112 : index
        %get3A_878 = tpu.vector_load %arg12[%get3A_876, %get3A_877] {strides = array<i32>} : memref<8x128xi32, #tpu.memory_space<vmem>>, vector<1x16xi32>,
        %get3A_879 = vector.shape_cast %get3A_878 : vector<1x16xi32> to vector<16xi32>
        %and3A_880 = arith.constant 7 : i32
        %and3A_881 = vector.broadcast %and3A_880 : i32 to vector<16xi32>
        %and3A_882 = arith.andi %get3A_879, %and3A_881 : vector<16xi32>
        %eq3A_883 = arith.constant 0 : i32
        %eq3A_884 = vector.broadcast %eq3A_883 : i32 to vector<16xi32>
        %eq3A_885 = arith.cmpi eq, %and3A_882, %eq3A_884 : vector<16xi32>
        %jit3A_886 = arith.constant 0.000000e+00 : f32
        %broadcast_in_dim3A_887 = vector.broadcast %jit3A_886 : f32 to vector<16xf32>
        %select_n3A_888 = arith.select %eq3A_885, %get3A_875, %broadcast_in_dim3A_887 : vector<16xi1>, vector<16xf32>
        %swap3A_889 = arith.index_cast %add3A_871 : i32 to index
        %swap3A_890 = arith.constant 0 : index
        %swap3A_891 = tpu.vector_load %arg10[%swap3A_889, %swap3A_890] {strides = array<i32>} : memref<64x128xf32, #tpu.memory_space<vmem>>, vector<1x16xf32>,
        %swap3A_892 = vector.shape_cast %swap3A_891 : vector<1x16xf32> to vector<16xf32>
        %swap3A_893 = vector.shape_cast %select_n3A_888 : vector<16xf32> to vector<1x16xf32>
        tpu.vector_store %arg10[%swap3A_889, %swap3A_890], %swap3A_893 {strides = array<i32>} : memref<64x128xf32, #tpu.memory_space<vmem>>, vector<1x16xf32>,
        %eq3A_894 = arith.constant 1 : i32
        %eq3A_895 = vector.broadcast %eq3A_894 : i32 to vector<16xi32>
        %eq3A_896 = arith.cmpi eq, %and3A_882, %eq3A_895 : vector<16xi32>
        %jit3A_897 = arith.constant 0.000000e+00 : f32
        %broadcast_in_dim3A_898 = vector.broadcast %jit3A_897 : f32 to vector<16xf32>
        %select_n3A_899 = arith.select %eq3A_896, %get3A_875, %broadcast_in_dim3A_898 : vector<16xi1>, vector<16xf32>
        %swap3A_900 = arith.index_cast %add3A_871 : i32 to index
        %swap3A_901 = arith.constant 16 : index
        %swap3A_902 = tpu.vector_load %arg10[%swap3A_900, %swap3A_901] {strides = array<i32>} : memref<64x128xf32, #tpu.memory_space<vmem>>, vector<1x16xf32>,
        %swap3A_903 = vector.shape_cast %swap3A_902 : vector<1x16xf32> to vector<16xf32>
        %swap3A_904 = vector.shape_cast %select_n3A_899 : vector<16xf32> to vector<1x16xf32>
        tpu.vector_store %arg10[%swap3A_900, %swap3A_901], %swap3A_904 {strides = array<i32>} : memref<64x128xf32, #tpu.memory_space<vmem>>, vector<1x16xf32>,
        %eq3A_905 = arith.constant 2 : i32
        %eq3A_906 = vector.broadcast %eq3A_905 : i32 to vector<16xi32>
        %eq3A_907 = arith.cmpi eq, %and3A_882, %eq3A_906 : vector<16xi32>
        %jit3A_908 = arith.constant 0.000000e+00 : f32
        %broadcast_in_dim3A_909 = vector.broadcast %jit3A_908 : f32 to vector<16xf32>
        %select_n3A_910 = arith.select %eq3A_907, %get3A_875, %broadcast_in_dim3A_909 : vector<16xi1>, vector<16xf32>
        %swap3A_911 = arith.index_cast %add3A_871 : i32 to index
        %swap3A_912 = arith.constant 32 : index
        %swap3A_913 = tpu.vector_load %arg10[%swap3A_911, %swap3A_912] {strides = array<i32>} : memref<64x128xf32, #tpu.memory_space<vmem>>, vector<1x16xf32>,
        %swap3A_914 = vector.shape_cast %swap3A_913 : vector<1x16xf32> to vector<16xf32>
        %swap3A_915 = vector.shape_cast %select_n3A_910 : vector<16xf32> to vector<1x16xf32>
        tpu.vector_store %arg10[%swap3A_911, %swap3A_912], %swap3A_915 {strides = array<i32>} : memref<64x128xf32, #tpu.memory_space<vmem>>, vector<1x16xf32>,
        %eq3A_916 = arith.constant 3 : i32
        %eq3A_917 = vector.broadcast %eq3A_916 : i32 to vector<16xi32>
        %eq3A_918 = arith.cmpi eq, %and3A_882, %eq3A_917 : vector<16xi32>
        %jit3A_919 = arith.constant 0.000000e+00 : f32
        %broadcast_in_dim3A_920 = vector.broadcast %jit3A_919 : f32 to vector<16xf32>
        %select_n3A_921 = arith.select %eq3A_918, %get3A_875, %broadcast_in_dim3A_920 : vector<16xi1>, vector<16xf32>
        %swap3A_922 = arith.index_cast %add3A_871 : i32 to index
        %swap3A_923 = arith.constant 48 : index
        %swap3A_924 = tpu.vector_load %arg10[%swap3A_922, %swap3A_923] {strides = array<i32>} : memref<64x128xf32, #tpu.memory_space<vmem>>, vector<1x16xf32>,
        %swap3A_925 = vector.shape_cast %swap3A_924 : vector<1x16xf32> to vector<16xf32>
        %swap3A_926 = vector.shape_cast %select_n3A_921 : vector<16xf32> to vector<1x16xf32>
        tpu.vector_store %arg10[%swap3A_922, %swap3A_923], %swap3A_926 {strides = array<i32>} : memref<64x128xf32, #tpu.memory_space<vmem>>, vector<1x16xf32>,
        %eq3A_927 = arith.constant 4 : i32
        %eq3A_928 = vector.broadcast %eq3A_927 : i32 to vector<16xi32>
        %eq3A_929 = arith.cmpi eq, %and3A_882, %eq3A_928 : vector<16xi32>
        %jit3A_930 = arith.constant 0.000000e+00 : f32
        %broadcast_in_dim3A_931 = vector.broadcast %jit3A_930 : f32 to vector<16xf32>
        %select_n3A_932 = arith.select %eq3A_929, %get3A_875, %broadcast_in_dim3A_931 : vector<16xi1>, vector<16xf32>
        %swap3A_933 = arith.index_cast %add3A_871 : i32 to index
        %swap3A_934 = arith.constant 64 : index
        %swap3A_935 = tpu.vector_load %arg10[%swap3A_933, %swap3A_934] {strides = array<i32>} : memref<64x128xf32, #tpu.memory_space<vmem>>, vector<1x16xf32>,
        %swap3A_936 = vector.shape_cast %swap3A_935 : vector<1x16xf32> to vector<16xf32>
        %swap3A_937 = vector.shape_cast %select_n3A_932 : vector<16xf32> to vector<1x16xf32>
        tpu.vector_store %arg10[%swap3A_933, %swap3A_934], %swap3A_937 {strides = array<i32>} : memref<64x128xf32, #tpu.memory_space<vmem>>, vector<1x16xf32>,
        %eq3A_938 = arith.constant 5 : i32
        %eq3A_939 = vector.broadcast %eq3A_938 : i32 to vector<16xi32>
        %eq3A_940 = arith.cmpi eq, %and3A_882, %eq3A_939 : vector<16xi32>
        %jit3A_941 = arith.constant 0.000000e+00 : f32
        %broadcast_in_dim3A_942 = vector.broadcast %jit3A_941 : f32 to vector<16xf32>
        %select_n3A_943 = arith.select %eq3A_940, %get3A_875, %broadcast_in_dim3A_942 : vector<16xi1>, vector<16xf32>
        %swap3A_944 = arith.index_cast %add3A_871 : i32 to index
        %swap3A_945 = arith.constant 80 : index
        %swap3A_946 = tpu.vector_load %arg10[%swap3A_944, %swap3A_945] {strides = array<i32>} : memref<64x128xf32, #tpu.memory_space<vmem>>, vector<1x16xf32>,
        %swap3A_947 = vector.shape_cast %swap3A_946 : vector<1x16xf32> to vector<16xf32>
        %swap3A_948 = vector.shape_cast %select_n3A_943 : vector<16xf32> to vector<1x16xf32>
        tpu.vector_store %arg10[%swap3A_944, %swap3A_945], %swap3A_948 {strides = array<i32>} : memref<64x128xf32, #tpu.memory_space<vmem>>, vector<1x16xf32>,
        %eq3A_949 = arith.constant 6 : i32
        %eq3A_950 = vector.broadcast %eq3A_949 : i32 to vector<16xi32>
        %eq3A_951 = arith.cmpi eq, %and3A_882, %eq3A_950 : vector<16xi32>
        %jit3A_952 = arith.constant 0.000000e+00 : f32
        %broadcast_in_dim3A_953 = vector.broadcast %jit3A_952 : f32 to vector<16xf32>
        %select_n3A_954 = arith.select %eq3A_951, %get3A_875, %broadcast_in_dim3A_953 : vector<16xi1>, vector<16xf32>
        %swap3A_955 = arith.index_cast %add3A_871 : i32 to index
        %swap3A_956 = arith.constant 96 : index
        %swap3A_957 = tpu.vector_load %arg10[%swap3A_955, %swap3A_956] {strides = array<i32>} : memref<64x128xf32, #tpu.memory_space<vmem>>, vector<1x16xf32>,
        %swap3A_958 = vector.shape_cast %swap3A_957 : vector<1x16xf32> to vector<16xf32>
        %swap3A_959 = vector.shape_cast %select_n3A_954 : vector<16xf32> to vector<1x16xf32>
        tpu.vector_store %arg10[%swap3A_955, %swap3A_956], %swap3A_959 {strides = array<i32>} : memref<64x128xf32, #tpu.memory_space<vmem>>, vector<1x16xf32>,
        %eq3A_960 = arith.constant 7 : i32
        %eq3A_961 = vector.broadcast %eq3A_960 : i32 to vector<16xi32>
        %eq3A_962 = arith.cmpi eq, %and3A_882, %eq3A_961 : vector<16xi32>
        %jit3A_963 = arith.constant 0.000000e+00 : f32
        %broadcast_in_dim3A_964 = vector.broadcast %jit3A_963 : f32 to vector<16xf32>
        %select_n3A_965 = arith.select %eq3A_962, %get3A_875, %broadcast_in_dim3A_964 : vector<16xi1>, vector<16xf32>
        %swap3A_966 = arith.index_cast %add3A_871 : i32 to index
        %swap3A_967 = arith.constant 112 : index
        %swap3A_968 = tpu.vector_load %arg10[%swap3A_966, %swap3A_967] {strides = array<i32>} : memref<64x128xf32, #tpu.memory_space<vmem>>, vector<1x16xf32>,
        %swap3A_969 = vector.shape_cast %swap3A_968 : vector<1x16xf32> to vector<16xf32>
        %swap3A_970 = vector.shape_cast %select_n3A_965 : vector<16xf32> to vector<1x16xf32>
        tpu.vector_store %arg10[%swap3A_966, %swap3A_967], %swap3A_970 {strides = array<i32>} : memref<64x128xf32, #tpu.memory_space<vmem>>, vector<1x16xf32>,
      }
      %scan3A_130 = arith.constant 8 : i32
      %dma_wait3A_131 = arith.constant 0 : i32
      %dma_wait3A_132 = tpu.memref_slice %arg2[%mul3A_90, %dma_wait3A_131] : memref<320000x128xf32, #tpu.memory_space<hbm>> -> memref<64x128xf32, #tpu.memory_space<hbm>>
      %dma_wait3A_133 = arith.constant 0 : i32
      %dma_wait3A_134 = tpu.memref_slice %arg2[%mul3A_90, %dma_wait3A_133] : memref<320000x128xf32, #tpu.memory_space<hbm>> -> memref<64x128xf32, #tpu.memory_space<hbm>>
      tpu.wait_dma2 semaphore(%arg16 : memref<!tpu.dma_semaphore, #tpu.memory_space<semaphore_mem>>) src(%dma_wait3A_134 : memref<64x128xf32, #tpu.memory_space<hbm>>) dst(%arg8 : memref<64x128xf32, #tpu.memory_space<vmem>>)
      %scan3A_135 = arith.constant 0 : i32
      %scan3A_136 = arith.constant 8 : i32
      %scan3A_137 = arith.addi %scan3A_135, %scan3A_136 : i32
      %scan3A_138 = arith.constant 1 : i32
      scf.for %scan3A_146 = %scan3A_135 to %scan3A_137 step %scan3A_138  : i32 {
        %mul3A_147 = arith.constant 1 : i32
        %mul3A_148 = arith.muli %scan3A_146, %mul3A_147 : i32
        %add3A_149 = arith.constant 0 : i32
        %add3A_150 = arith.addi %add3A_149, %mul3A_148 : i32
        %mul3A_151 = arith.constant 8 : i32
        %mul3A_152 = arith.muli %add3A_150, %mul3A_151 : i32
        %add3A_153 = arith.constant 0 : i32
        %add3A_154 = arith.addi %mul3A_152, %add3A_153 : i32
        %get3A = arith.index_cast %add3A_150 : i32 to index
        %get3A_155 = arith.constant 0 : index
        %get3A_156 = tpu.vector_load %arg11[%get3A, %get3A_155] {strides = array<i32>} : memref<8x128xf32, #tpu.memory_space<vmem>>, vector<1x16xf32>,
        %get3A_157 = vector.shape_cast %get3A_156 : vector<1x16xf32> to vector<16xf32>
        %get3A_158 = arith.index_cast %add3A_154 : i32 to index
        %get3A_159 = arith.constant 0 : index
        %get3A_160 = tpu.vector_load %arg8[%get3A_158, %get3A_159] {strides = array<i32>} : memref<64x128xf32, #tpu.memory_space<vmem>>, vector<1x16xf32>,
        %get3A_161 = vector.shape_cast %get3A_160 : vector<1x16xf32> to vector<16xf32>
        %mul3A_162 = arith.mulf %get3A_161, %get3A_157 : vector<16xf32>
        %swap3A = arith.index_cast %add3A_154 : i32 to index
        %swap3A_163 = arith.constant 0 : index
        %swap3A_164 = tpu.vector_load %arg9[%swap3A, %swap3A_163] {strides = array<i32>} : memref<64x128xf32, #tpu.memory_space<vmem>>, vector<1x16xf32>,
        %swap3A_165 = vector.shape_cast %swap3A_164 : vector<1x16xf32> to vector<16xf32>
        %swap3A_166 = vector.shape_cast %mul3A_162 : vector<16xf32> to vector<1x16xf32>
        tpu.vector_store %arg9[%swap3A, %swap3A_163], %swap3A_166 {strides = array<i32>} : memref<64x128xf32, #tpu.memory_space<vmem>>, vector<1x16xf32>,
        %get3A_167 = arith.index_cast %add3A_154 : i32 to index
        %get3A_168 = arith.constant 16 : index
        %get3A_169 = tpu.vector_load %arg8[%get3A_167, %get3A_168] {strides = array<i32>} : memref<64x128xf32, #tpu.memory_space<vmem>>, vector<1x16xf32>,
        %get3A_170 = vector.shape_cast %get3A_169 : vector<1x16xf32> to vector<16xf32>
        %mul3A_171 = arith.mulf %get3A_170, %get3A_157 : vector<16xf32>
        %swap3A_172 = arith.index_cast %add3A_154 : i32 to index
        %swap3A_173 = arith.constant 16 : index
        %swap3A_174 = tpu.vector_load %arg9[%swap3A_172, %swap3A_173] {strides = array<i32>} : memref<64x128xf32, #tpu.memory_space<vmem>>, vector<1x16xf32>,
        %swap3A_175 = vector.shape_cast %swap3A_174 : vector<1x16xf32> to vector<16xf32>
        %swap3A_176 = vector.shape_cast %mul3A_171 : vector<16xf32> to vector<1x16xf32>
        tpu.vector_store %arg9[%swap3A_172, %swap3A_173], %swap3A_176 {strides = array<i32>} : memref<64x128xf32, #tpu.memory_space<vmem>>, vector<1x16xf32>,
        %get3A_177 = arith.index_cast %add3A_154 : i32 to index
        %get3A_178 = arith.constant 32 : index
        %get3A_179 = tpu.vector_load %arg8[%get3A_177, %get3A_178] {strides = array<i32>} : memref<64x128xf32, #tpu.memory_space<vmem>>, vector<1x16xf32>,
        %get3A_180 = vector.shape_cast %get3A_179 : vector<1x16xf32> to vector<16xf32>
        %mul3A_181 = arith.mulf %get3A_180, %get3A_157 : vector<16xf32>
        %swap3A_182 = arith.index_cast %add3A_154 : i32 to index
        %swap3A_183 = arith.constant 32 : index
        %swap3A_184 = tpu.vector_load %arg9[%swap3A_182, %swap3A_183] {strides = array<i32>} : memref<64x128xf32, #tpu.memory_space<vmem>>, vector<1x16xf32>,
        %swap3A_185 = vector.shape_cast %swap3A_184 : vector<1x16xf32> to vector<16xf32>
        %swap3A_186 = vector.shape_cast %mul3A_181 : vector<16xf32> to vector<1x16xf32>
        tpu.vector_store %arg9[%swap3A_182, %swap3A_183], %swap3A_186 {strides = array<i32>} : memref<64x128xf32, #tpu.memory_space<vmem>>, vector<1x16xf32>,
        %get3A_187 = arith.index_cast %add3A_154 : i32 to index
        %get3A_188 = arith.constant 48 : index
        %get3A_189 = tpu.vector_load %arg8[%get3A_187, %get3A_188] {strides = array<i32>} : memref<64x128xf32, #tpu.memory_space<vmem>>, vector<1x16xf32>,
        %get3A_190 = vector.shape_cast %get3A_189 : vector<1x16xf32> to vector<16xf32>
        %mul3A_191 = arith.mulf %get3A_190, %get3A_157 : vector<16xf32>
        %swap3A_192 = arith.index_cast %add3A_154 : i32 to index
        %swap3A_193 = arith.constant 48 : index
        %swap3A_194 = tpu.vector_load %arg9[%swap3A_192, %swap3A_193] {strides = array<i32>} : memref<64x128xf32, #tpu.memory_space<vmem>>, vector<1x16xf32>,
        %swap3A_195 = vector.shape_cast %swap3A_194 : vector<1x16xf32> to vector<16xf32>
        %swap3A_196 = vector.shape_cast %mul3A_191 : vector<16xf32> to vector<1x16xf32>
        tpu.vector_store %arg9[%swap3A_192, %swap3A_193], %swap3A_196 {strides = array<i32>} : memref<64x128xf32, #tpu.memory_space<vmem>>, vector<1x16xf32>,
        %get3A_197 = arith.index_cast %add3A_154 : i32 to index
        %get3A_198 = arith.constant 64 : index
        %get3A_199 = tpu.vector_load %arg8[%get3A_197, %get3A_198] {strides = array<i32>} : memref<64x128xf32, #tpu.memory_space<vmem>>, vector<1x16xf32>,
        %get3A_200 = vector.shape_cast %get3A_199 : vector<1x16xf32> to vector<16xf32>
        %mul3A_201 = arith.mulf %get3A_200, %get3A_157 : vector<16xf32>
        %swap3A_202 = arith.index_cast %add3A_154 : i32 to index
        %swap3A_203 = arith.constant 64 : index
        %swap3A_204 = tpu.vector_load %arg9[%swap3A_202, %swap3A_203] {strides = array<i32>} : memref<64x128xf32, #tpu.memory_space<vmem>>, vector<1x16xf32>,
        %swap3A_205 = vector.shape_cast %swap3A_204 : vector<1x16xf32> to vector<16xf32>
        %swap3A_206 = vector.shape_cast %mul3A_201 : vector<16xf32> to vector<1x16xf32>
        tpu.vector_store %arg9[%swap3A_202, %swap3A_203], %swap3A_206 {strides = array<i32>} : memref<64x128xf32, #tpu.memory_space<vmem>>, vector<1x16xf32>,
        %get3A_207 = arith.index_cast %add3A_154 : i32 to index
        %get3A_208 = arith.constant 80 : index
        %get3A_209 = tpu.vector_load %arg8[%get3A_207, %get3A_208] {strides = array<i32>} : memref<64x128xf32, #tpu.memory_space<vmem>>, vector<1x16xf32>,
        %get3A_210 = vector.shape_cast %get3A_209 : vector<1x16xf32> to vector<16xf32>
        %mul3A_211 = arith.mulf %get3A_210, %get3A_157 : vector<16xf32>
        %swap3A_212 = arith.index_cast %add3A_154 : i32 to index
        %swap3A_213 = arith.constant 80 : index
        %swap3A_214 = tpu.vector_load %arg9[%swap3A_212, %swap3A_213] {strides = array<i32>} : memref<64x128xf32, #tpu.memory_space<vmem>>, vector<1x16xf32>,
        %swap3A_215 = vector.shape_cast %swap3A_214 : vector<1x16xf32> to vector<16xf32>
        %swap3A_216 = vector.shape_cast %mul3A_211 : vector<16xf32> to vector<1x16xf32>
        tpu.vector_store %arg9[%swap3A_212, %swap3A_213], %swap3A_216 {strides = array<i32>} : memref<64x128xf32, #tpu.memory_space<vmem>>, vector<1x16xf32>,
        %get3A_217 = arith.index_cast %add3A_154 : i32 to index
        %get3A_218 = arith.constant 96 : index
        %get3A_219 = tpu.vector_load %arg8[%get3A_217, %get3A_218] {strides = array<i32>} : memref<64x128xf32, #tpu.memory_space<vmem>>, vector<1x16xf32>,
        %get3A_220 = vector.shape_cast %get3A_219 : vector<1x16xf32> to vector<16xf32>
        %mul3A_221 = arith.mulf %get3A_220, %get3A_157 : vector<16xf32>
        %swap3A_222 = arith.index_cast %add3A_154 : i32 to index
        %swap3A_223 = arith.constant 96 : index
        %swap3A_224 = tpu.vector_load %arg9[%swap3A_222, %swap3A_223] {strides = array<i32>} : memref<64x128xf32, #tpu.memory_space<vmem>>, vector<1x16xf32>,
        %swap3A_225 = vector.shape_cast %swap3A_224 : vector<1x16xf32> to vector<16xf32>
        %swap3A_226 = vector.shape_cast %mul3A_221 : vector<16xf32> to vector<1x16xf32>
        tpu.vector_store %arg9[%swap3A_222, %swap3A_223], %swap3A_226 {strides = array<i32>} : memref<64x128xf32, #tpu.memory_space<vmem>>, vector<1x16xf32>,
        %get3A_227 = arith.index_cast %add3A_154 : i32 to index
        %get3A_228 = arith.constant 112 : index
        %get3A_229 = tpu.vector_load %arg8[%get3A_227, %get3A_228] {strides = array<i32>} : memref<64x128xf32, #tpu.memory_space<vmem>>, vector<1x16xf32>,
        %get3A_230 = vector.shape_cast %get3A_229 : vector<1x16xf32> to vector<16xf32>
        %mul3A_231 = arith.mulf %get3A_230, %get3A_157 : vector<16xf32>
        %swap3A_232 = arith.index_cast %add3A_154 : i32 to index
        %swap3A_233 = arith.constant 112 : index
        %swap3A_234 = tpu.vector_load %arg9[%swap3A_232, %swap3A_233] {strides = array<i32>} : memref<64x128xf32, #tpu.memory_space<vmem>>, vector<1x16xf32>,
        %swap3A_235 = vector.shape_cast %swap3A_234 : vector<1x16xf32> to vector<16xf32>
        %swap3A_236 = vector.shape_cast %mul3A_231 : vector<16xf32> to vector<1x16xf32>
        tpu.vector_store %arg9[%swap3A_232, %swap3A_233], %swap3A_236 {strides = array<i32>} : memref<64x128xf32, #tpu.memory_space<vmem>>, vector<1x16xf32>,
        %mul3A_237 = arith.constant 8 : i32
        %mul3A_238 = arith.muli %add3A_150, %mul3A_237 : i32
        %add3A_239 = arith.constant 1 : i32
        %add3A_240 = arith.addi %mul3A_238, %add3A_239 : i32
        %get3A_241 = arith.index_cast %add3A_150 : i32 to index
        %get3A_242 = arith.constant 16 : index
        %get3A_243 = tpu.vector_load %arg11[%get3A_241, %get3A_242] {strides = array<i32>} : memref<8x128xf32, #tpu.memory_space<vmem>>, vector<1x16xf32>,
        %get3A_244 = vector.shape_cast %get3A_243 : vector<1x16xf32> to vector<16xf32>
        %get3A_245 = arith.index_cast %add3A_240 : i32 to index
        %get3A_246 = arith.constant 0 : index
        %get3A_247 = tpu.vector_load %arg8[%get3A_245, %get3A_246] {strides = array<i32>} : memref<64x128xf32, #tpu.memory_space<vmem>>, vector<1x16xf32>,
        %get3A_248 = vector.shape_cast %get3A_247 : vector<1x16xf32> to vector<16xf32>
        %mul3A_249 = arith.mulf %get3A_248, %get3A_244 : vector<16xf32>
        %swap3A_250 = arith.index_cast %add3A_240 : i32 to index
        %swap3A_251 = arith.constant 0 : index
        %swap3A_252 = tpu.vector_load %arg9[%swap3A_250, %swap3A_251] {strides = array<i32>} : memref<64x128xf32, #tpu.memory_space<vmem>>, vector<1x16xf32>,
        %swap3A_253 = vector.shape_cast %swap3A_252 : vector<1x16xf32> to vector<16xf32>
        %swap3A_254 = vector.shape_cast %mul3A_249 : vector<16xf32> to vector<1x16xf32>
        tpu.vector_store %arg9[%swap3A_250, %swap3A_251], %swap3A_254 {strides = array<i32>} : memref<64x128xf32, #tpu.memory_space<vmem>>, vector<1x16xf32>,
        %get3A_255 = arith.index_cast %add3A_240 : i32 to index
        %get3A_256 = arith.constant 16 : index
        %get3A_257 = tpu.vector_load %arg8[%get3A_255, %get3A_256] {strides = array<i32>} : memref<64x128xf32, #tpu.memory_space<vmem>>, vector<1x16xf32>,
        %get3A_258 = vector.shape_cast %get3A_257 : vector<1x16xf32> to vector<16xf32>
        %mul3A_259 = arith.mulf %get3A_258, %get3A_244 : vector<16xf32>
        %swap3A_260 = arith.index_cast %add3A_240 : i32 to index
        %swap3A_261 = arith.constant 16 : index
        %swap3A_262 = tpu.vector_load %arg9[%swap3A_260, %swap3A_261] {strides = array<i32>} : memref<64x128xf32, #tpu.memory_space<vmem>>, vector<1x16xf32>,
        %swap3A_263 = vector.shape_cast %swap3A_262 : vector<1x16xf32> to vector<16xf32>
        %swap3A_264 = vector.shape_cast %mul3A_259 : vector<16xf32> to vector<1x16xf32>
        tpu.vector_store %arg9[%swap3A_260, %swap3A_261], %swap3A_264 {strides = array<i32>} : memref<64x128xf32, #tpu.memory_space<vmem>>, vector<1x16xf32>,
        %get3A_265 = arith.index_cast %add3A_240 : i32 to index
        %get3A_266 = arith.constant 32 : index
        %get3A_267 = tpu.vector_load %arg8[%get3A_265, %get3A_266] {strides = array<i32>} : memref<64x128xf32, #tpu.memory_space<vmem>>, vector<1x16xf32>,
        %get3A_268 = vector.shape_cast %get3A_267 : vector<1x16xf32> to vector<16xf32>
        %mul3A_269 = arith.mulf %get3A_268, %get3A_244 : vector<16xf32>
        %swap3A_270 = arith.index_cast %add3A_240 : i32 to index
        %swap3A_271 = arith.constant 32 : index
        %swap3A_272 = tpu.vector_load %arg9[%swap3A_270, %swap3A_271] {strides = array<i32>} : memref<64x128xf32, #tpu.memory_space<vmem>>, vector<1x16xf32>,
        %swap3A_273 = vector.shape_cast %swap3A_272 : vector<1x16xf32> to vector<16xf32>
        %swap3A_274 = vector.shape_cast %mul3A_269 : vector<16xf32> to vector<1x16xf32>
        tpu.vector_store %arg9[%swap3A_270, %swap3A_271], %swap3A_274 {strides = array<i32>} : memref<64x128xf32, #tpu.memory_space<vmem>>, vector<1x16xf32>,
        %get3A_275 = arith.index_cast %add3A_240 : i32 to index
        %get3A_276 = arith.constant 48 : index
        %get3A_277 = tpu.vector_load %arg8[%get3A_275, %get3A_276] {strides = array<i32>} : memref<64x128xf32, #tpu.memory_space<vmem>>, vector<1x16xf32>,
        %get3A_278 = vector.shape_cast %get3A_277 : vector<1x16xf32> to vector<16xf32>
        %mul3A_279 = arith.mulf %get3A_278, %get3A_244 : vector<16xf32>
        %swap3A_280 = arith.index_cast %add3A_240 : i32 to index
        %swap3A_281 = arith.constant 48 : index
        %swap3A_282 = tpu.vector_load %arg9[%swap3A_280, %swap3A_281] {strides = array<i32>} : memref<64x128xf32, #tpu.memory_space<vmem>>, vector<1x16xf32>,
        %swap3A_283 = vector.shape_cast %swap3A_282 : vector<1x16xf32> to vector<16xf32>
        %swap3A_284 = vector.shape_cast %mul3A_279 : vector<16xf32> to vector<1x16xf32>
        tpu.vector_store %arg9[%swap3A_280, %swap3A_281], %swap3A_284 {strides = array<i32>} : memref<64x128xf32, #tpu.memory_space<vmem>>, vector<1x16xf32>,
        %get3A_285 = arith.index_cast %add3A_240 : i32 to index
        %get3A_286 = arith.constant 64 : index
        %get3A_287 = tpu.vector_load %arg8[%get3A_285, %get3A_286] {strides = array<i32>} : memref<64x128xf32, #tpu.memory_space<vmem>>, vector<1x16xf32>,
        %get3A_288 = vector.shape_cast %get3A_287 : vector<1x16xf32> to vector<16xf32>
        %mul3A_289 = arith.mulf %get3A_288, %get3A_244 : vector<16xf32>
        %swap3A_290 = arith.index_cast %add3A_240 : i32 to index
        %swap3A_291 = arith.constant 64 : index
        %swap3A_292 = tpu.vector_load %arg9[%swap3A_290, %swap3A_291] {strides = array<i32>} : memref<64x128xf32, #tpu.memory_space<vmem>>, vector<1x16xf32>,
        %swap3A_293 = vector.shape_cast %swap3A_292 : vector<1x16xf32> to vector<16xf32>
        %swap3A_294 = vector.shape_cast %mul3A_289 : vector<16xf32> to vector<1x16xf32>
        tpu.vector_store %arg9[%swap3A_290, %swap3A_291], %swap3A_294 {strides = array<i32>} : memref<64x128xf32, #tpu.memory_space<vmem>>, vector<1x16xf32>,
        %get3A_295 = arith.index_cast %add3A_240 : i32 to index
        %get3A_296 = arith.constant 80 : index
        %get3A_297 = tpu.vector_load %arg8[%get3A_295, %get3A_296] {strides = array<i32>} : memref<64x128xf32, #tpu.memory_space<vmem>>, vector<1x16xf32>,
        %get3A_298 = vector.shape_cast %get3A_297 : vector<1x16xf32> to vector<16xf32>
        %mul3A_299 = arith.mulf %get3A_298, %get3A_244 : vector<16xf32>
        %swap3A_300 = arith.index_cast %add3A_240 : i32 to index
        %swap3A_301 = arith.constant 80 : index
        %swap3A_302 = tpu.vector_load %arg9[%swap3A_300, %swap3A_301] {strides = array<i32>} : memref<64x128xf32, #tpu.memory_space<vmem>>, vector<1x16xf32>,
        %swap3A_303 = vector.shape_cast %swap3A_302 : vector<1x16xf32> to vector<16xf32>
        %swap3A_304 = vector.shape_cast %mul3A_299 : vector<16xf32> to vector<1x16xf32>
        tpu.vector_store %arg9[%swap3A_300, %swap3A_301], %swap3A_304 {strides = array<i32>} : memref<64x128xf32, #tpu.memory_space<vmem>>, vector<1x16xf32>,
        %get3A_305 = arith.index_cast %add3A_240 : i32 to index
        %get3A_306 = arith.constant 96 : index
        %get3A_307 = tpu.vector_load %arg8[%get3A_305, %get3A_306] {strides = array<i32>} : memref<64x128xf32, #tpu.memory_space<vmem>>, vector<1x16xf32>,
        %get3A_308 = vector.shape_cast %get3A_307 : vector<1x16xf32> to vector<16xf32>
        %mul3A_309 = arith.mulf %get3A_308, %get3A_244 : vector<16xf32>
        %swap3A_310 = arith.index_cast %add3A_240 : i32 to index
        %swap3A_311 = arith.constant 96 : index
        %swap3A_312 = tpu.vector_load %arg9[%swap3A_310, %swap3A_311] {strides = array<i32>} : memref<64x128xf32, #tpu.memory_space<vmem>>, vector<1x16xf32>,
        %swap3A_313 = vector.shape_cast %swap3A_312 : vector<1x16xf32> to vector<16xf32>
        %swap3A_314 = vector.shape_cast %mul3A_309 : vector<16xf32> to vector<1x16xf32>
        tpu.vector_store %arg9[%swap3A_310, %swap3A_311], %swap3A_314 {strides = array<i32>} : memref<64x128xf32, #tpu.memory_space<vmem>>, vector<1x16xf32>,
        %get3A_315 = arith.index_cast %add3A_240 : i32 to index
        %get3A_316 = arith.constant 112 : index
        %get3A_317 = tpu.vector_load %arg8[%get3A_315, %get3A_316] {strides = array<i32>} : memref<64x128xf32, #tpu.memory_space<vmem>>, vector<1x16xf32>,
        %get3A_318 = vector.shape_cast %get3A_317 : vector<1x16xf32> to vector<16xf32>
        %mul3A_319 = arith.mulf %get3A_318, %get3A_244 : vector<16xf32>
        %swap3A_320 = arith.index_cast %add3A_240 : i32 to index
        %swap3A_321 = arith.constant 112 : index
        %swap3A_322 = tpu.vector_load %arg9[%swap3A_320, %swap3A_321] {strides = array<i32>} : memref<64x128xf32, #tpu.memory_space<vmem>>, vector<1x16xf32>,
        %swap3A_323 = vector.shape_cast %swap3A_322 : vector<1x16xf32> to vector<16xf32>
        %swap3A_324 = vector.shape_cast %mul3A_319 : vector<16xf32> to vector<1x16xf32>
        tpu.vector_store %arg9[%swap3A_320, %swap3A_321], %swap3A_324 {strides = array<i32>} : memref<64x128xf32, #tpu.memory_space<vmem>>, vector<1x16xf32>,
        %mul3A_325 = arith.constant 8 : i32
        %mul3A_326 = arith.muli %add3A_150, %mul3A_325 : i32
        %add3A_327 = arith.constant 2 : i32
        %add3A_328 = arith.addi %mul3A_326, %add3A_327 : i32
        %get3A_329 = arith.index_cast %add3A_150 : i32 to index
        %get3A_330 = arith.constant 32 : index
        %get3A_331 = tpu.vector_load %arg11[%get3A_329, %get3A_330] {strides = array<i32>} : memref<8x128xf32, #tpu.memory_space<vmem>>, vector<1x16xf32>,
        %get3A_332 = vector.shape_cast %get3A_331 : vector<1x16xf32> to vector<16xf32>
        %get3A_333 = arith.index_cast %add3A_328 : i32 to index
        %get3A_334 = arith.constant 0 : index
        %get3A_335 = tpu.vector_load %arg8[%get3A_333, %get3A_334] {strides = array<i32>} : memref<64x128xf32, #tpu.memory_space<vmem>>, vector<1x16xf32>,
        %get3A_336 = vector.shape_cast %get3A_335 : vector<1x16xf32> to vector<16xf32>
        %mul3A_337 = arith.mulf %get3A_336, %get3A_332 : vector<16xf32>
        %swap3A_338 = arith.index_cast %add3A_328 : i32 to index
        %swap3A_339 = arith.constant 0 : index
        %swap3A_340 = tpu.vector_load %arg9[%swap3A_338, %swap3A_339] {strides = array<i32>} : memref<64x128xf32, #tpu.memory_space<vmem>>, vector<1x16xf32>,
        %swap3A_341 = vector.shape_cast %swap3A_340 : vector<1x16xf32> to vector<16xf32>
        %swap3A_342 = vector.shape_cast %mul3A_337 : vector<16xf32> to vector<1x16xf32>
        tpu.vector_store %arg9[%swap3A_338, %swap3A_339], %swap3A_342 {strides = array<i32>} : memref<64x128xf32, #tpu.memory_space<vmem>>, vector<1x16xf32>,
        %get3A_343 = arith.index_cast %add3A_328 : i32 to index
        %get3A_344 = arith.constant 16 : index
        %get3A_345 = tpu.vector_load %arg8[%get3A_343, %get3A_344] {strides = array<i32>} : memref<64x128xf32, #tpu.memory_space<vmem>>, vector<1x16xf32>,
        %get3A_346 = vector.shape_cast %get3A_345 : vector<1x16xf32> to vector<16xf32>
        %mul3A_347 = arith.mulf %get3A_346, %get3A_332 : vector<16xf32>
        %swap3A_348 = arith.index_cast %add3A_328 : i32 to index
        %swap3A_349 = arith.constant 16 : index
        %swap3A_350 = tpu.vector_load %arg9[%swap3A_348, %swap3A_349] {strides = array<i32>} : memref<64x128xf32, #tpu.memory_space<vmem>>, vector<1x16xf32>,
        %swap3A_351 = vector.shape_cast %swap3A_350 : vector<1x16xf32> to vector<16xf32>
        %swap3A_352 = vector.shape_cast %mul3A_347 : vector<16xf32> to vector<1x16xf32>
        tpu.vector_store %arg9[%swap3A_348, %swap3A_349], %swap3A_352 {strides = array<i32>} : memref<64x128xf32, #tpu.memory_space<vmem>>, vector<1x16xf32>,
        %get3A_353 = arith.index_cast %add3A_328 : i32 to index
        %get3A_354 = arith.constant 32 : index
        %get3A_355 = tpu.vector_load %arg8[%get3A_353, %get3A_354] {strides = array<i32>} : memref<64x128xf32, #tpu.memory_space<vmem>>, vector<1x16xf32>,
        %get3A_356 = vector.shape_cast %get3A_355 : vector<1x16xf32> to vector<16xf32>
        %mul3A_357 = arith.mulf %get3A_356, %get3A_332 : vector<16xf32>
        %swap3A_358 = arith.index_cast %add3A_328 : i32 to index
        %swap3A_359 = arith.constant 32 : index
        %swap3A_360 = tpu.vector_load %arg9[%swap3A_358, %swap3A_359] {strides = array<i32>} : memref<64x128xf32, #tpu.memory_space<vmem>>, vector<1x16xf32>,
        %swap3A_361 = vector.shape_cast %swap3A_360 : vector<1x16xf32> to vector<16xf32>
        %swap3A_362 = vector.shape_cast %mul3A_357 : vector<16xf32> to vector<1x16xf32>
        tpu.vector_store %arg9[%swap3A_358, %swap3A_359], %swap3A_362 {strides = array<i32>} : memref<64x128xf32, #tpu.memory_space<vmem>>, vector<1x16xf32>,
        %get3A_363 = arith.index_cast %add3A_328 : i32 to index
        %get3A_364 = arith.constant 48 : index
        %get3A_365 = tpu.vector_load %arg8[%get3A_363, %get3A_364] {strides = array<i32>} : memref<64x128xf32, #tpu.memory_space<vmem>>, vector<1x16xf32>,
        %get3A_366 = vector.shape_cast %get3A_365 : vector<1x16xf32> to vector<16xf32>
        %mul3A_367 = arith.mulf %get3A_366, %get3A_332 : vector<16xf32>
        %swap3A_368 = arith.index_cast %add3A_328 : i32 to index
        %swap3A_369 = arith.constant 48 : index
        %swap3A_370 = tpu.vector_load %arg9[%swap3A_368, %swap3A_369] {strides = array<i32>} : memref<64x128xf32, #tpu.memory_space<vmem>>, vector<1x16xf32>,
        %swap3A_371 = vector.shape_cast %swap3A_370 : vector<1x16xf32> to vector<16xf32>
        %swap3A_372 = vector.shape_cast %mul3A_367 : vector<16xf32> to vector<1x16xf32>
        tpu.vector_store %arg9[%swap3A_368, %swap3A_369], %swap3A_372 {strides = array<i32>} : memref<64x128xf32, #tpu.memory_space<vmem>>, vector<1x16xf32>,
        %get3A_373 = arith.index_cast %add3A_328 : i32 to index
        %get3A_374 = arith.constant 64 : index
        %get3A_375 = tpu.vector_load %arg8[%get3A_373, %get3A_374] {strides = array<i32>} : memref<64x128xf32, #tpu.memory_space<vmem>>, vector<1x16xf32>,
        %get3A_376 = vector.shape_cast %get3A_375 : vector<1x16xf32> to vector<16xf32>
        %mul3A_377 = arith.mulf %get3A_376, %get3A_332 : vector<16xf32>
        %swap3A_378 = arith.index_cast %add3A_328 : i32 to index
        %swap3A_379 = arith.constant 64 : index
        %swap3A_380 = tpu.vector_load %arg9[%swap3A_378, %swap3A_379] {strides = array<i32>} : memref<64x128xf32, #tpu.memory_space<vmem>>, vector<1x16xf32>,
        %swap3A_381 = vector.shape_cast %swap3A_380 : vector<1x16xf32> to vector<16xf32>
        %swap3A_382 = vector.shape_cast %mul3A_377 : vector<16xf32> to vector<1x16xf32>
        tpu.vector_store %arg9[%swap3A_378, %swap3A_379], %swap3A_382 {strides = array<i32>} : memref<64x128xf32, #tpu.memory_space<vmem>>, vector<1x16xf32>,
        %get3A_383 = arith.index_cast %add3A_328 : i32 to index
        %get3A_384 = arith.constant 80 : index
        %get3A_385 = tpu.vector_load %arg8[%get3A_383, %get3A_384] {strides = array<i32>} : memref<64x128xf32, #tpu.memory_space<vmem>>, vector<1x16xf32>,
        %get3A_386 = vector.shape_cast %get3A_385 : vector<1x16xf32> to vector<16xf32>
        %mul3A_387 = arith.mulf %get3A_386, %get3A_332 : vector<16xf32>
        %swap3A_388 = arith.index_cast %add3A_328 : i32 to index
        %swap3A_389 = arith.constant 80 : index
        %swap3A_390 = tpu.vector_load %arg9[%swap3A_388, %swap3A_389] {strides = array<i32>} : memref<64x128xf32, #tpu.memory_space<vmem>>, vector<1x16xf32>,
        %swap3A_391 = vector.shape_cast %swap3A_390 : vector<1x16xf32> to vector<16xf32>
        %swap3A_392 = vector.shape_cast %mul3A_387 : vector<16xf32> to vector<1x16xf32>
        tpu.vector_store %arg9[%swap3A_388, %swap3A_389], %swap3A_392 {strides = array<i32>} : memref<64x128xf32, #tpu.memory_space<vmem>>, vector<1x16xf32>,
        %get3A_393 = arith.index_cast %add3A_328 : i32 to index
        %get3A_394 = arith.constant 96 : index
        %get3A_395 = tpu.vector_load %arg8[%get3A_393, %get3A_394] {strides = array<i32>} : memref<64x128xf32, #tpu.memory_space<vmem>>, vector<1x16xf32>,
        %get3A_396 = vector.shape_cast %get3A_395 : vector<1x16xf32> to vector<16xf32>
        %mul3A_397 = arith.mulf %get3A_396, %get3A_332 : vector<16xf32>
        %swap3A_398 = arith.index_cast %add3A_328 : i32 to index
        %swap3A_399 = arith.constant 96 : index
        %swap3A_400 = tpu.vector_load %arg9[%swap3A_398, %swap3A_399] {strides = array<i32>} : memref<64x128xf32, #tpu.memory_space<vmem>>, vector<1x16xf32>,
        %swap3A_401 = vector.shape_cast %swap3A_400 : vector<1x16xf32> to vector<16xf32>
        %swap3A_402 = vector.shape_cast %mul3A_397 : vector<16xf32> to vector<1x16xf32>
        tpu.vector_store %arg9[%swap3A_398, %swap3A_399], %swap3A_402 {strides = array<i32>} : memref<64x128xf32, #tpu.memory_space<vmem>>, vector<1x16xf32>,
        %get3A_403 = arith.index_cast %add3A_328 : i32 to index
        %get3A_404 = arith.constant 112 : index
        %get3A_405 = tpu.vector_load %arg8[%get3A_403, %get3A_404] {strides = array<i32>} : memref<64x128xf32, #tpu.memory_space<vmem>>, vector<1x16xf32>,
        %get3A_406 = vector.shape_cast %get3A_405 : vector<1x16xf32> to vector<16xf32>
        %mul3A_407 = arith.mulf %get3A_406, %get3A_332 : vector<16xf32>
        %swap3A_408 = arith.index_cast %add3A_328 : i32 to index
        %swap3A_409 = arith.constant 112 : index
        %swap3A_410 = tpu.vector_load %arg9[%swap3A_408, %swap3A_409] {strides = array<i32>} : memref<64x128xf32, #tpu.memory_space<vmem>>, vector<1x16xf32>,
        %swap3A_411 = vector.shape_cast %swap3A_410 : vector<1x16xf32> to vector<16xf32>
        %swap3A_412 = vector.shape_cast %mul3A_407 : vector<16xf32> to vector<1x16xf32>
        tpu.vector_store %arg9[%swap3A_408, %swap3A_409], %swap3A_412 {strides = array<i32>} : memref<64x128xf32, #tpu.memory_space<vmem>>, vector<1x16xf32>,
        %mul3A_413 = arith.constant 8 : i32
        %mul3A_414 = arith.muli %add3A_150, %mul3A_413 : i32
        %add3A_415 = arith.constant 3 : i32
        %add3A_416 = arith.addi %mul3A_414, %add3A_415 : i32
        %get3A_417 = arith.index_cast %add3A_150 : i32 to index
        %get3A_418 = arith.constant 48 : index
        %get3A_419 = tpu.vector_load %arg11[%get3A_417, %get3A_418] {strides = array<i32>} : memref<8x128xf32, #tpu.memory_space<vmem>>, vector<1x16xf32>,
        %get3A_420 = vector.shape_cast %get3A_419 : vector<1x16xf32> to vector<16xf32>
        %get3A_421 = arith.index_cast %add3A_416 : i32 to index
        %get3A_422 = arith.constant 0 : index
        %get3A_423 = tpu.vector_load %arg8[%get3A_421, %get3A_422] {strides = array<i32>} : memref<64x128xf32, #tpu.memory_space<vmem>>, vector<1x16xf32>,
        %get3A_424 = vector.shape_cast %get3A_423 : vector<1x16xf32> to vector<16xf32>
        %mul3A_425 = arith.mulf %get3A_424, %get3A_420 : vector<16xf32>
        %swap3A_426 = arith.index_cast %add3A_416 : i32 to index
        %swap3A_427 = arith.constant 0 : index
        %swap3A_428 = tpu.vector_load %arg9[%swap3A_426, %swap3A_427] {strides = array<i32>} : memref<64x128xf32, #tpu.memory_space<vmem>>, vector<1x16xf32>,
        %swap3A_429 = vector.shape_cast %swap3A_428 : vector<1x16xf32> to vector<16xf32>
        %swap3A_430 = vector.shape_cast %mul3A_425 : vector<16xf32> to vector<1x16xf32>
        tpu.vector_store %arg9[%swap3A_426, %swap3A_427], %swap3A_430 {strides = array<i32>} : memref<64x128xf32, #tpu.memory_space<vmem>>, vector<1x16xf32>,
        %get3A_431 = arith.index_cast %add3A_416 : i32 to index
        %get3A_432 = arith.constant 16 : index
        %get3A_433 = tpu.vector_load %arg8[%get3A_431, %get3A_432] {strides = array<i32>} : memref<64x128xf32, #tpu.memory_space<vmem>>, vector<1x16xf32>,
        %get3A_434 = vector.shape_cast %get3A_433 : vector<1x16xf32> to vector<16xf32>
        %mul3A_435 = arith.mulf %get3A_434, %get3A_420 : vector<16xf32>
        %swap3A_436 = arith.index_cast %add3A_416 : i32 to index
        %swap3A_437 = arith.constant 16 : index
        %swap3A_438 = tpu.vector_load %arg9[%swap3A_436, %swap3A_437] {strides = array<i32>} : memref<64x128xf32, #tpu.memory_space<vmem>>, vector<1x16xf32>,
        %swap3A_439 = vector.shape_cast %swap3A_438 : vector<1x16xf32> to vector<16xf32>
        %swap3A_440 = vector.shape_cast %mul3A_435 : vector<16xf32> to vector<1x16xf32>
        tpu.vector_store %arg9[%swap3A_436, %swap3A_437], %swap3A_440 {strides = array<i32>} : memref<64x128xf32, #tpu.memory_space<vmem>>, vector<1x16xf32>,
        %get3A_441 = arith.index_cast %add3A_416 : i32 to index
        %get3A_442 = arith.constant 32 : index
        %get3A_443 = tpu.vector_load %arg8[%get3A_441, %get3A_442] {strides = array<i32>} : memref<64x128xf32, #tpu.memory_space<vmem>>, vector<1x16xf32>,
        %get3A_444 = vector.shape_cast %get3A_443 : vector<1x16xf32> to vector<16xf32>
        %mul3A_445 = arith.mulf %get3A_444, %get3A_420 : vector<16xf32>
        %swap3A_446 = arith.index_cast %add3A_416 : i32 to index
        %swap3A_447 = arith.constant 32 : index
        %swap3A_448 = tpu.vector_load %arg9[%swap3A_446, %swap3A_447] {strides = array<i32>} : memref<64x128xf32, #tpu.memory_space<vmem>>, vector<1x16xf32>,
        %swap3A_449 = vector.shape_cast %swap3A_448 : vector<1x16xf32> to vector<16xf32>
        %swap3A_450 = vector.shape_cast %mul3A_445 : vector<16xf32> to vector<1x16xf32>
        tpu.vector_store %arg9[%swap3A_446, %swap3A_447], %swap3A_450 {strides = array<i32>} : memref<64x128xf32, #tpu.memory_space<vmem>>, vector<1x16xf32>,
        %get3A_451 = arith.index_cast %add3A_416 : i32 to index
        %get3A_452 = arith.constant 48 : index
        %get3A_453 = tpu.vector_load %arg8[%get3A_451, %get3A_452] {strides = array<i32>} : memref<64x128xf32, #tpu.memory_space<vmem>>, vector<1x16xf32>,
        %get3A_454 = vector.shape_cast %get3A_453 : vector<1x16xf32> to vector<16xf32>
        %mul3A_455 = arith.mulf %get3A_454, %get3A_420 : vector<16xf32>
        %swap3A_456 = arith.index_cast %add3A_416 : i32 to index
        %swap3A_457 = arith.constant 48 : index
        %swap3A_458 = tpu.vector_load %arg9[%swap3A_456, %swap3A_457] {strides = array<i32>} : memref<64x128xf32, #tpu.memory_space<vmem>>, vector<1x16xf32>,
        %swap3A_459 = vector.shape_cast %swap3A_458 : vector<1x16xf32> to vector<16xf32>
        %swap3A_460 = vector.shape_cast %mul3A_455 : vector<16xf32> to vector<1x16xf32>
        tpu.vector_store %arg9[%swap3A_456, %swap3A_457], %swap3A_460 {strides = array<i32>} : memref<64x128xf32, #tpu.memory_space<vmem>>, vector<1x16xf32>,
        %get3A_461 = arith.index_cast %add3A_416 : i32 to index
        %get3A_462 = arith.constant 64 : index
        %get3A_463 = tpu.vector_load %arg8[%get3A_461, %get3A_462] {strides = array<i32>} : memref<64x128xf32, #tpu.memory_space<vmem>>, vector<1x16xf32>,
        %get3A_464 = vector.shape_cast %get3A_463 : vector<1x16xf32> to vector<16xf32>
        %mul3A_465 = arith.mulf %get3A_464, %get3A_420 : vector<16xf32>
        %swap3A_466 = arith.index_cast %add3A_416 : i32 to index
        %swap3A_467 = arith.constant 64 : index
        %swap3A_468 = tpu.vector_load %arg9[%swap3A_466, %swap3A_467] {strides = array<i32>} : memref<64x128xf32, #tpu.memory_space<vmem>>, vector<1x16xf32>,
        %swap3A_469 = vector.shape_cast %swap3A_468 : vector<1x16xf32> to vector<16xf32>
        %swap3A_470 = vector.shape_cast %mul3A_465 : vector<16xf32> to vector<1x16xf32>
        tpu.vector_store %arg9[%swap3A_466, %swap3A_467], %swap3A_470 {strides = array<i32>} : memref<64x128xf32, #tpu.memory_space<vmem>>, vector<1x16xf32>,
        %get3A_471 = arith.index_cast %add3A_416 : i32 to index
        %get3A_472 = arith.constant 80 : index
        %get3A_473 = tpu.vector_load %arg8[%get3A_471, %get3A_472] {strides = array<i32>} : memref<64x128xf32, #tpu.memory_space<vmem>>, vector<1x16xf32>,
        %get3A_474 = vector.shape_cast %get3A_473 : vector<1x16xf32> to vector<16xf32>
        %mul3A_475 = arith.mulf %get3A_474, %get3A_420 : vector<16xf32>
        %swap3A_476 = arith.index_cast %add3A_416 : i32 to index
        %swap3A_477 = arith.constant 80 : index
        %swap3A_478 = tpu.vector_load %arg9[%swap3A_476, %swap3A_477] {strides = array<i32>} : memref<64x128xf32, #tpu.memory_space<vmem>>, vector<1x16xf32>,
        %swap3A_479 = vector.shape_cast %swap3A_478 : vector<1x16xf32> to vector<16xf32>
        %swap3A_480 = vector.shape_cast %mul3A_475 : vector<16xf32> to vector<1x16xf32>
        tpu.vector_store %arg9[%swap3A_476, %swap3A_477], %swap3A_480 {strides = array<i32>} : memref<64x128xf32, #tpu.memory_space<vmem>>, vector<1x16xf32>,
        %get3A_481 = arith.index_cast %add3A_416 : i32 to index
        %get3A_482 = arith.constant 96 : index
        %get3A_483 = tpu.vector_load %arg8[%get3A_481, %get3A_482] {strides = array<i32>} : memref<64x128xf32, #tpu.memory_space<vmem>>, vector<1x16xf32>,
        %get3A_484 = vector.shape_cast %get3A_483 : vector<1x16xf32> to vector<16xf32>
        %mul3A_485 = arith.mulf %get3A_484, %get3A_420 : vector<16xf32>
        %swap3A_486 = arith.index_cast %add3A_416 : i32 to index
        %swap3A_487 = arith.constant 96 : index
        %swap3A_488 = tpu.vector_load %arg9[%swap3A_486, %swap3A_487] {strides = array<i32>} : memref<64x128xf32, #tpu.memory_space<vmem>>, vector<1x16xf32>,
        %swap3A_489 = vector.shape_cast %swap3A_488 : vector<1x16xf32> to vector<16xf32>
        %swap3A_490 = vector.shape_cast %mul3A_485 : vector<16xf32> to vector<1x16xf32>
        tpu.vector_store %arg9[%swap3A_486, %swap3A_487], %swap3A_490 {strides = array<i32>} : memref<64x128xf32, #tpu.memory_space<vmem>>, vector<1x16xf32>,
        %get3A_491 = arith.index_cast %add3A_416 : i32 to index
        %get3A_492 = arith.constant 112 : index
        %get3A_493 = tpu.vector_load %arg8[%get3A_491, %get3A_492] {strides = array<i32>} : memref<64x128xf32, #tpu.memory_space<vmem>>, vector<1x16xf32>,
        %get3A_494 = vector.shape_cast %get3A_493 : vector<1x16xf32> to vector<16xf32>
        %mul3A_495 = arith.mulf %get3A_494, %get3A_420 : vector<16xf32>
        %swap3A_496 = arith.index_cast %add3A_416 : i32 to index
        %swap3A_497 = arith.constant 112 : index
        %swap3A_498 = tpu.vector_load %arg9[%swap3A_496, %swap3A_497] {strides = array<i32>} : memref<64x128xf32, #tpu.memory_space<vmem>>, vector<1x16xf32>,
        %swap3A_499 = vector.shape_cast %swap3A_498 : vector<1x16xf32> to vector<16xf32>
        %swap3A_500 = vector.shape_cast %mul3A_495 : vector<16xf32> to vector<1x16xf32>
        tpu.vector_store %arg9[%swap3A_496, %swap3A_497], %swap3A_500 {strides = array<i32>} : memref<64x128xf32, #tpu.memory_space<vmem>>, vector<1x16xf32>,
        %mul3A_501 = arith.constant 8 : i32
        %mul3A_502 = arith.muli %add3A_150, %mul3A_501 : i32
        %add3A_503 = arith.constant 4 : i32
        %add3A_504 = arith.addi %mul3A_502, %add3A_503 : i32
        %get3A_505 = arith.index_cast %add3A_150 : i32 to index
        %get3A_506 = arith.constant 64 : index
        %get3A_507 = tpu.vector_load %arg11[%get3A_505, %get3A_506] {strides = array<i32>} : memref<8x128xf32, #tpu.memory_space<vmem>>, vector<1x16xf32>,
        %get3A_508 = vector.shape_cast %get3A_507 : vector<1x16xf32> to vector<16xf32>
        %get3A_509 = arith.index_cast %add3A_504 : i32 to index
        %get3A_510 = arith.constant 0 : index
        %get3A_511 = tpu.vector_load %arg8[%get3A_509, %get3A_510] {strides = array<i32>} : memref<64x128xf32, #tpu.memory_space<vmem>>, vector<1x16xf32>,
        %get3A_512 = vector.shape_cast %get3A_511 : vector<1x16xf32> to vector<16xf32>
        %mul3A_513 = arith.mulf %get3A_512, %get3A_508 : vector<16xf32>
        %swap3A_514 = arith.index_cast %add3A_504 : i32 to index
        %swap3A_515 = arith.constant 0 : index
        %swap3A_516 = tpu.vector_load %arg9[%swap3A_514, %swap3A_515] {strides = array<i32>} : memref<64x128xf32, #tpu.memory_space<vmem>>, vector<1x16xf32>,
        %swap3A_517 = vector.shape_cast %swap3A_516 : vector<1x16xf32> to vector<16xf32>
        %swap3A_518 = vector.shape_cast %mul3A_513 : vector<16xf32> to vector<1x16xf32>
        tpu.vector_store %arg9[%swap3A_514, %swap3A_515], %swap3A_518 {strides = array<i32>} : memref<64x128xf32, #tpu.memory_space<vmem>>, vector<1x16xf32>,
        %get3A_519 = arith.index_cast %add3A_504 : i32 to index
        %get3A_520 = arith.constant 16 : index
        %get3A_521 = tpu.vector_load %arg8[%get3A_519, %get3A_520] {strides = array<i32>} : memref<64x128xf32, #tpu.memory_space<vmem>>, vector<1x16xf32>,
        %get3A_522 = vector.shape_cast %get3A_521 : vector<1x16xf32> to vector<16xf32>
        %mul3A_523 = arith.mulf %get3A_522, %get3A_508 : vector<16xf32>
        %swap3A_524 = arith.index_cast %add3A_504 : i32 to index
        %swap3A_525 = arith.constant 16 : index
        %swap3A_526 = tpu.vector_load %arg9[%swap3A_524, %swap3A_525] {strides = array<i32>} : memref<64x128xf32, #tpu.memory_space<vmem>>, vector<1x16xf32>,
        %swap3A_527 = vector.shape_cast %swap3A_526 : vector<1x16xf32> to vector<16xf32>
        %swap3A_528 = vector.shape_cast %mul3A_523 : vector<16xf32> to vector<1x16xf32>
        tpu.vector_store %arg9[%swap3A_524, %swap3A_525], %swap3A_528 {strides = array<i32>} : memref<64x128xf32, #tpu.memory_space<vmem>>, vector<1x16xf32>,
        %get3A_529 = arith.index_cast %add3A_504 : i32 to index
        %get3A_530 = arith.constant 32 : index
        %get3A_531 = tpu.vector_load %arg8[%get3A_529, %get3A_530] {strides = array<i32>} : memref<64x128xf32, #tpu.memory_space<vmem>>, vector<1x16xf32>,
        %get3A_532 = vector.shape_cast %get3A_531 : vector<1x16xf32> to vector<16xf32>
        %mul3A_533 = arith.mulf %get3A_532, %get3A_508 : vector<16xf32>
        %swap3A_534 = arith.index_cast %add3A_504 : i32 to index
        %swap3A_535 = arith.constant 32 : index
        %swap3A_536 = tpu.vector_load %arg9[%swap3A_534, %swap3A_535] {strides = array<i32>} : memref<64x128xf32, #tpu.memory_space<vmem>>, vector<1x16xf32>,
        %swap3A_537 = vector.shape_cast %swap3A_536 : vector<1x16xf32> to vector<16xf32>
        %swap3A_538 = vector.shape_cast %mul3A_533 : vector<16xf32> to vector<1x16xf32>
        tpu.vector_store %arg9[%swap3A_534, %swap3A_535], %swap3A_538 {strides = array<i32>} : memref<64x128xf32, #tpu.memory_space<vmem>>, vector<1x16xf32>,
        %get3A_539 = arith.index_cast %add3A_504 : i32 to index
        %get3A_540 = arith.constant 48 : index
        %get3A_541 = tpu.vector_load %arg8[%get3A_539, %get3A_540] {strides = array<i32>} : memref<64x128xf32, #tpu.memory_space<vmem>>, vector<1x16xf32>,
        %get3A_542 = vector.shape_cast %get3A_541 : vector<1x16xf32> to vector<16xf32>
        %mul3A_543 = arith.mulf %get3A_542, %get3A_508 : vector<16xf32>
        %swap3A_544 = arith.index_cast %add3A_504 : i32 to index
        %swap3A_545 = arith.constant 48 : index
        %swap3A_546 = tpu.vector_load %arg9[%swap3A_544, %swap3A_545] {strides = array<i32>} : memref<64x128xf32, #tpu.memory_space<vmem>>, vector<1x16xf32>,
        %swap3A_547 = vector.shape_cast %swap3A_546 : vector<1x16xf32> to vector<16xf32>
        %swap3A_548 = vector.shape_cast %mul3A_543 : vector<16xf32> to vector<1x16xf32>
        tpu.vector_store %arg9[%swap3A_544, %swap3A_545], %swap3A_548 {strides = array<i32>} : memref<64x128xf32, #tpu.memory_space<vmem>>, vector<1x16xf32>,
        %get3A_549 = arith.index_cast %add3A_504 : i32 to index
        %get3A_550 = arith.constant 64 : index
        %get3A_551 = tpu.vector_load %arg8[%get3A_549, %get3A_550] {strides = array<i32>} : memref<64x128xf32, #tpu.memory_space<vmem>>, vector<1x16xf32>,
        %get3A_552 = vector.shape_cast %get3A_551 : vector<1x16xf32> to vector<16xf32>
        %mul3A_553 = arith.mulf %get3A_552, %get3A_508 : vector<16xf32>
        %swap3A_554 = arith.index_cast %add3A_504 : i32 to index
        %swap3A_555 = arith.constant 64 : index
        %swap3A_556 = tpu.vector_load %arg9[%swap3A_554, %swap3A_555] {strides = array<i32>} : memref<64x128xf32, #tpu.memory_space<vmem>>, vector<1x16xf32>,
        %swap3A_557 = vector.shape_cast %swap3A_556 : vector<1x16xf32> to vector<16xf32>
        %swap3A_558 = vector.shape_cast %mul3A_553 : vector<16xf32> to vector<1x16xf32>
        tpu.vector_store %arg9[%swap3A_554, %swap3A_555], %swap3A_558 {strides = array<i32>} : memref<64x128xf32, #tpu.memory_space<vmem>>, vector<1x16xf32>,
        %get3A_559 = arith.index_cast %add3A_504 : i32 to index
        %get3A_560 = arith.constant 80 : index
        %get3A_561 = tpu.vector_load %arg8[%get3A_559, %get3A_560] {strides = array<i32>} : memref<64x128xf32, #tpu.memory_space<vmem>>, vector<1x16xf32>,
        %get3A_562 = vector.shape_cast %get3A_561 : vector<1x16xf32> to vector<16xf32>
        %mul3A_563 = arith.mulf %get3A_562, %get3A_508 : vector<16xf32>
        %swap3A_564 = arith.index_cast %add3A_504 : i32 to index
        %swap3A_565 = arith.constant 80 : index
        %swap3A_566 = tpu.vector_load %arg9[%swap3A_564, %swap3A_565] {strides = array<i32>} : memref<64x128xf32, #tpu.memory_space<vmem>>, vector<1x16xf32>,
        %swap3A_567 = vector.shape_cast %swap3A_566 : vector<1x16xf32> to vector<16xf32>
        %swap3A_568 = vector.shape_cast %mul3A_563 : vector<16xf32> to vector<1x16xf32>
        tpu.vector_store %arg9[%swap3A_564, %swap3A_565], %swap3A_568 {strides = array<i32>} : memref<64x128xf32, #tpu.memory_space<vmem>>, vector<1x16xf32>,
        %get3A_569 = arith.index_cast %add3A_504 : i32 to index
        %get3A_570 = arith.constant 96 : index
        %get3A_571 = tpu.vector_load %arg8[%get3A_569, %get3A_570] {strides = array<i32>} : memref<64x128xf32, #tpu.memory_space<vmem>>, vector<1x16xf32>,
        %get3A_572 = vector.shape_cast %get3A_571 : vector<1x16xf32> to vector<16xf32>
        %mul3A_573 = arith.mulf %get3A_572, %get3A_508 : vector<16xf32>
        %swap3A_574 = arith.index_cast %add3A_504 : i32 to index
        %swap3A_575 = arith.constant 96 : index
        %swap3A_576 = tpu.vector_load %arg9[%swap3A_574, %swap3A_575] {strides = array<i32>} : memref<64x128xf32, #tpu.memory_space<vmem>>, vector<1x16xf32>,
        %swap3A_577 = vector.shape_cast %swap3A_576 : vector<1x16xf32> to vector<16xf32>
        %swap3A_578 = vector.shape_cast %mul3A_573 : vector<16xf32> to vector<1x16xf32>
        tpu.vector_store %arg9[%swap3A_574, %swap3A_575], %swap3A_578 {strides = array<i32>} : memref<64x128xf32, #tpu.memory_space<vmem>>, vector<1x16xf32>,
        %get3A_579 = arith.index_cast %add3A_504 : i32 to index
        %get3A_580 = arith.constant 112 : index
        %get3A_581 = tpu.vector_load %arg8[%get3A_579, %get3A_580] {strides = array<i32>} : memref<64x128xf32, #tpu.memory_space<vmem>>, vector<1x16xf32>,
        %get3A_582 = vector.shape_cast %get3A_581 : vector<1x16xf32> to vector<16xf32>
        %mul3A_583 = arith.mulf %get3A_582, %get3A_508 : vector<16xf32>
        %swap3A_584 = arith.index_cast %add3A_504 : i32 to index
        %swap3A_585 = arith.constant 112 : index
        %swap3A_586 = tpu.vector_load %arg9[%swap3A_584, %swap3A_585] {strides = array<i32>} : memref<64x128xf32, #tpu.memory_space<vmem>>, vector<1x16xf32>,
        %swap3A_587 = vector.shape_cast %swap3A_586 : vector<1x16xf32> to vector<16xf32>
        %swap3A_588 = vector.shape_cast %mul3A_583 : vector<16xf32> to vector<1x16xf32>
        tpu.vector_store %arg9[%swap3A_584, %swap3A_585], %swap3A_588 {strides = array<i32>} : memref<64x128xf32, #tpu.memory_space<vmem>>, vector<1x16xf32>,
        %mul3A_589 = arith.constant 8 : i32
        %mul3A_590 = arith.muli %add3A_150, %mul3A_589 : i32
        %add3A_591 = arith.constant 5 : i32
        %add3A_592 = arith.addi %mul3A_590, %add3A_591 : i32
        %get3A_593 = arith.index_cast %add3A_150 : i32 to index
        %get3A_594 = arith.constant 80 : index
        %get3A_595 = tpu.vector_load %arg11[%get3A_593, %get3A_594] {strides = array<i32>} : memref<8x128xf32, #tpu.memory_space<vmem>>, vector<1x16xf32>,
        %get3A_596 = vector.shape_cast %get3A_595 : vector<1x16xf32> to vector<16xf32>
        %get3A_597 = arith.index_cast %add3A_592 : i32 to index
        %get3A_598 = arith.constant 0 : index
        %get3A_599 = tpu.vector_load %arg8[%get3A_597, %get3A_598] {strides = array<i32>} : memref<64x128xf32, #tpu.memory_space<vmem>>, vector<1x16xf32>,
        %get3A_600 = vector.shape_cast %get3A_599 : vector<1x16xf32> to vector<16xf32>
        %mul3A_601 = arith.mulf %get3A_600, %get3A_596 : vector<16xf32>
        %swap3A_602 = arith.index_cast %add3A_592 : i32 to index
        %swap3A_603 = arith.constant 0 : index
        %swap3A_604 = tpu.vector_load %arg9[%swap3A_602, %swap3A_603] {strides = array<i32>} : memref<64x128xf32, #tpu.memory_space<vmem>>, vector<1x16xf32>,
        %swap3A_605 = vector.shape_cast %swap3A_604 : vector<1x16xf32> to vector<16xf32>
        %swap3A_606 = vector.shape_cast %mul3A_601 : vector<16xf32> to vector<1x16xf32>
        tpu.vector_store %arg9[%swap3A_602, %swap3A_603], %swap3A_606 {strides = array<i32>} : memref<64x128xf32, #tpu.memory_space<vmem>>, vector<1x16xf32>,
        %get3A_607 = arith.index_cast %add3A_592 : i32 to index
        %get3A_608 = arith.constant 16 : index
        %get3A_609 = tpu.vector_load %arg8[%get3A_607, %get3A_608] {strides = array<i32>} : memref<64x128xf32, #tpu.memory_space<vmem>>, vector<1x16xf32>,
        %get3A_610 = vector.shape_cast %get3A_609 : vector<1x16xf32> to vector<16xf32>
        %mul3A_611 = arith.mulf %get3A_610, %get3A_596 : vector<16xf32>
        %swap3A_612 = arith.index_cast %add3A_592 : i32 to index
        %swap3A_613 = arith.constant 16 : index
        %swap3A_614 = tpu.vector_load %arg9[%swap3A_612, %swap3A_613] {strides = array<i32>} : memref<64x128xf32, #tpu.memory_space<vmem>>, vector<1x16xf32>,
        %swap3A_615 = vector.shape_cast %swap3A_614 : vector<1x16xf32> to vector<16xf32>
        %swap3A_616 = vector.shape_cast %mul3A_611 : vector<16xf32> to vector<1x16xf32>
        tpu.vector_store %arg9[%swap3A_612, %swap3A_613], %swap3A_616 {strides = array<i32>} : memref<64x128xf32, #tpu.memory_space<vmem>>, vector<1x16xf32>,
        %get3A_617 = arith.index_cast %add3A_592 : i32 to index
        %get3A_618 = arith.constant 32 : index
        %get3A_619 = tpu.vector_load %arg8[%get3A_617, %get3A_618] {strides = array<i32>} : memref<64x128xf32, #tpu.memory_space<vmem>>, vector<1x16xf32>,
        %get3A_620 = vector.shape_cast %get3A_619 : vector<1x16xf32> to vector<16xf32>
        %mul3A_621 = arith.mulf %get3A_620, %get3A_596 : vector<16xf32>
        %swap3A_622 = arith.index_cast %add3A_592 : i32 to index
        %swap3A_623 = arith.constant 32 : index
        %swap3A_624 = tpu.vector_load %arg9[%swap3A_622, %swap3A_623] {strides = array<i32>} : memref<64x128xf32, #tpu.memory_space<vmem>>, vector<1x16xf32>,
        %swap3A_625 = vector.shape_cast %swap3A_624 : vector<1x16xf32> to vector<16xf32>
        %swap3A_626 = vector.shape_cast %mul3A_621 : vector<16xf32> to vector<1x16xf32>
        tpu.vector_store %arg9[%swap3A_622, %swap3A_623], %swap3A_626 {strides = array<i32>} : memref<64x128xf32, #tpu.memory_space<vmem>>, vector<1x16xf32>,
        %get3A_627 = arith.index_cast %add3A_592 : i32 to index
        %get3A_628 = arith.constant 48 : index
        %get3A_629 = tpu.vector_load %arg8[%get3A_627, %get3A_628] {strides = array<i32>} : memref<64x128xf32, #tpu.memory_space<vmem>>, vector<1x16xf32>,
        %get3A_630 = vector.shape_cast %get3A_629 : vector<1x16xf32> to vector<16xf32>
        %mul3A_631 = arith.mulf %get3A_630, %get3A_596 : vector<16xf32>
        %swap3A_632 = arith.index_cast %add3A_592 : i32 to index
        %swap3A_633 = arith.constant 48 : index
        %swap3A_634 = tpu.vector_load %arg9[%swap3A_632, %swap3A_633] {strides = array<i32>} : memref<64x128xf32, #tpu.memory_space<vmem>>, vector<1x16xf32>,
        %swap3A_635 = vector.shape_cast %swap3A_634 : vector<1x16xf32> to vector<16xf32>
        %swap3A_636 = vector.shape_cast %mul3A_631 : vector<16xf32> to vector<1x16xf32>
        tpu.vector_store %arg9[%swap3A_632, %swap3A_633], %swap3A_636 {strides = array<i32>} : memref<64x128xf32, #tpu.memory_space<vmem>>, vector<1x16xf32>,
        %get3A_637 = arith.index_cast %add3A_592 : i32 to index
        %get3A_638 = arith.constant 64 : index
        %get3A_639 = tpu.vector_load %arg8[%get3A_637, %get3A_638] {strides = array<i32>} : memref<64x128xf32, #tpu.memory_space<vmem>>, vector<1x16xf32>,
        %get3A_640 = vector.shape_cast %get3A_639 : vector<1x16xf32> to vector<16xf32>
        %mul3A_641 = arith.mulf %get3A_640, %get3A_596 : vector<16xf32>
        %swap3A_642 = arith.index_cast %add3A_592 : i32 to index
        %swap3A_643 = arith.constant 64 : index
        %swap3A_644 = tpu.vector_load %arg9[%swap3A_642, %swap3A_643] {strides = array<i32>} : memref<64x128xf32, #tpu.memory_space<vmem>>, vector<1x16xf32>,
        %swap3A_645 = vector.shape_cast %swap3A_644 : vector<1x16xf32> to vector<16xf32>
        %swap3A_646 = vector.shape_cast %mul3A_641 : vector<16xf32> to vector<1x16xf32>
        tpu.vector_store %arg9[%swap3A_642, %swap3A_643], %swap3A_646 {strides = array<i32>} : memref<64x128xf32, #tpu.memory_space<vmem>>, vector<1x16xf32>,
        %get3A_647 = arith.index_cast %add3A_592 : i32 to index
        %get3A_648 = arith.constant 80 : index
        %get3A_649 = tpu.vector_load %arg8[%get3A_647, %get3A_648] {strides = array<i32>} : memref<64x128xf32, #tpu.memory_space<vmem>>, vector<1x16xf32>,
        %get3A_650 = vector.shape_cast %get3A_649 : vector<1x16xf32> to vector<16xf32>
        %mul3A_651 = arith.mulf %get3A_650, %get3A_596 : vector<16xf32>
        %swap3A_652 = arith.index_cast %add3A_592 : i32 to index
        %swap3A_653 = arith.constant 80 : index
        %swap3A_654 = tpu.vector_load %arg9[%swap3A_652, %swap3A_653] {strides = array<i32>} : memref<64x128xf32, #tpu.memory_space<vmem>>, vector<1x16xf32>,
        %swap3A_655 = vector.shape_cast %swap3A_654 : vector<1x16xf32> to vector<16xf32>
        %swap3A_656 = vector.shape_cast %mul3A_651 : vector<16xf32> to vector<1x16xf32>
        tpu.vector_store %arg9[%swap3A_652, %swap3A_653], %swap3A_656 {strides = array<i32>} : memref<64x128xf32, #tpu.memory_space<vmem>>, vector<1x16xf32>,
        %get3A_657 = arith.index_cast %add3A_592 : i32 to index
        %get3A_658 = arith.constant 96 : index
        %get3A_659 = tpu.vector_load %arg8[%get3A_657, %get3A_658] {strides = array<i32>} : memref<64x128xf32, #tpu.memory_space<vmem>>, vector<1x16xf32>,
        %get3A_660 = vector.shape_cast %get3A_659 : vector<1x16xf32> to vector<16xf32>
        %mul3A_661 = arith.mulf %get3A_660, %get3A_596 : vector<16xf32>
        %swap3A_662 = arith.index_cast %add3A_592 : i32 to index
        %swap3A_663 = arith.constant 96 : index
        %swap3A_664 = tpu.vector_load %arg9[%swap3A_662, %swap3A_663] {strides = array<i32>} : memref<64x128xf32, #tpu.memory_space<vmem>>, vector<1x16xf32>,
        %swap3A_665 = vector.shape_cast %swap3A_664 : vector<1x16xf32> to vector<16xf32>
        %swap3A_666 = vector.shape_cast %mul3A_661 : vector<16xf32> to vector<1x16xf32>
        tpu.vector_store %arg9[%swap3A_662, %swap3A_663], %swap3A_666 {strides = array<i32>} : memref<64x128xf32, #tpu.memory_space<vmem>>, vector<1x16xf32>,
        %get3A_667 = arith.index_cast %add3A_592 : i32 to index
        %get3A_668 = arith.constant 112 : index
        %get3A_669 = tpu.vector_load %arg8[%get3A_667, %get3A_668] {strides = array<i32>} : memref<64x128xf32, #tpu.memory_space<vmem>>, vector<1x16xf32>,
        %get3A_670 = vector.shape_cast %get3A_669 : vector<1x16xf32> to vector<16xf32>
        %mul3A_671 = arith.mulf %get3A_670, %get3A_596 : vector<16xf32>
        %swap3A_672 = arith.index_cast %add3A_592 : i32 to index
        %swap3A_673 = arith.constant 112 : index
        %swap3A_674 = tpu.vector_load %arg9[%swap3A_672, %swap3A_673] {strides = array<i32>} : memref<64x128xf32, #tpu.memory_space<vmem>>, vector<1x16xf32>,
        %swap3A_675 = vector.shape_cast %swap3A_674 : vector<1x16xf32> to vector<16xf32>
        %swap3A_676 = vector.shape_cast %mul3A_671 : vector<16xf32> to vector<1x16xf32>
        tpu.vector_store %arg9[%swap3A_672, %swap3A_673], %swap3A_676 {strides = array<i32>} : memref<64x128xf32, #tpu.memory_space<vmem>>, vector<1x16xf32>,
        %mul3A_677 = arith.constant 8 : i32
        %mul3A_678 = arith.muli %add3A_150, %mul3A_677 : i32
        %add3A_679 = arith.constant 6 : i32
        %add3A_680 = arith.addi %mul3A_678, %add3A_679 : i32
        %get3A_681 = arith.index_cast %add3A_150 : i32 to index
        %get3A_682 = arith.constant 96 : index
        %get3A_683 = tpu.vector_load %arg11[%get3A_681, %get3A_682] {strides = array<i32>} : memref<8x128xf32, #tpu.memory_space<vmem>>, vector<1x16xf32>,
        %get3A_684 = vector.shape_cast %get3A_683 : vector<1x16xf32> to vector<16xf32>
        %get3A_685 = arith.index_cast %add3A_680 : i32 to index
        %get3A_686 = arith.constant 0 : index
        %get3A_687 = tpu.vector_load %arg8[%get3A_685, %get3A_686] {strides = array<i32>} : memref<64x128xf32, #tpu.memory_space<vmem>>, vector<1x16xf32>,
        %get3A_688 = vector.shape_cast %get3A_687 : vector<1x16xf32> to vector<16xf32>
        %mul3A_689 = arith.mulf %get3A_688, %get3A_684 : vector<16xf32>
        %swap3A_690 = arith.index_cast %add3A_680 : i32 to index
        %swap3A_691 = arith.constant 0 : index
        %swap3A_692 = tpu.vector_load %arg9[%swap3A_690, %swap3A_691] {strides = array<i32>} : memref<64x128xf32, #tpu.memory_space<vmem>>, vector<1x16xf32>,
        %swap3A_693 = vector.shape_cast %swap3A_692 : vector<1x16xf32> to vector<16xf32>
        %swap3A_694 = vector.shape_cast %mul3A_689 : vector<16xf32> to vector<1x16xf32>
        tpu.vector_store %arg9[%swap3A_690, %swap3A_691], %swap3A_694 {strides = array<i32>} : memref<64x128xf32, #tpu.memory_space<vmem>>, vector<1x16xf32>,
        %get3A_695 = arith.index_cast %add3A_680 : i32 to index
        %get3A_696 = arith.constant 16 : index
        %get3A_697 = tpu.vector_load %arg8[%get3A_695, %get3A_696] {strides = array<i32>} : memref<64x128xf32, #tpu.memory_space<vmem>>, vector<1x16xf32>,
        %get3A_698 = vector.shape_cast %get3A_697 : vector<1x16xf32> to vector<16xf32>
        %mul3A_699 = arith.mulf %get3A_698, %get3A_684 : vector<16xf32>
        %swap3A_700 = arith.index_cast %add3A_680 : i32 to index
        %swap3A_701 = arith.constant 16 : index
        %swap3A_702 = tpu.vector_load %arg9[%swap3A_700, %swap3A_701] {strides = array<i32>} : memref<64x128xf32, #tpu.memory_space<vmem>>, vector<1x16xf32>,
        %swap3A_703 = vector.shape_cast %swap3A_702 : vector<1x16xf32> to vector<16xf32>
        %swap3A_704 = vector.shape_cast %mul3A_699 : vector<16xf32> to vector<1x16xf32>
        tpu.vector_store %arg9[%swap3A_700, %swap3A_701], %swap3A_704 {strides = array<i32>} : memref<64x128xf32, #tpu.memory_space<vmem>>, vector<1x16xf32>,
        %get3A_705 = arith.index_cast %add3A_680 : i32 to index
        %get3A_706 = arith.constant 32 : index
        %get3A_707 = tpu.vector_load %arg8[%get3A_705, %get3A_706] {strides = array<i32>} : memref<64x128xf32, #tpu.memory_space<vmem>>, vector<1x16xf32>,
        %get3A_708 = vector.shape_cast %get3A_707 : vector<1x16xf32> to vector<16xf32>
        %mul3A_709 = arith.mulf %get3A_708, %get3A_684 : vector<16xf32>
        %swap3A_710 = arith.index_cast %add3A_680 : i32 to index
        %swap3A_711 = arith.constant 32 : index
        %swap3A_712 = tpu.vector_load %arg9[%swap3A_710, %swap3A_711] {strides = array<i32>} : memref<64x128xf32, #tpu.memory_space<vmem>>, vector<1x16xf32>,
        %swap3A_713 = vector.shape_cast %swap3A_712 : vector<1x16xf32> to vector<16xf32>
        %swap3A_714 = vector.shape_cast %mul3A_709 : vector<16xf32> to vector<1x16xf32>
        tpu.vector_store %arg9[%swap3A_710, %swap3A_711], %swap3A_714 {strides = array<i32>} : memref<64x128xf32, #tpu.memory_space<vmem>>, vector<1x16xf32>,
        %get3A_715 = arith.index_cast %add3A_680 : i32 to index
        %get3A_716 = arith.constant 48 : index
        %get3A_717 = tpu.vector_load %arg8[%get3A_715, %get3A_716] {strides = array<i32>} : memref<64x128xf32, #tpu.memory_space<vmem>>, vector<1x16xf32>,
        %get3A_718 = vector.shape_cast %get3A_717 : vector<1x16xf32> to vector<16xf32>
        %mul3A_719 = arith.mulf %get3A_718, %get3A_684 : vector<16xf32>
        %swap3A_720 = arith.index_cast %add3A_680 : i32 to index
        %swap3A_721 = arith.constant 48 : index
        %swap3A_722 = tpu.vector_load %arg9[%swap3A_720, %swap3A_721] {strides = array<i32>} : memref<64x128xf32, #tpu.memory_space<vmem>>, vector<1x16xf32>,
        %swap3A_723 = vector.shape_cast %swap3A_722 : vector<1x16xf32> to vector<16xf32>
        %swap3A_724 = vector.shape_cast %mul3A_719 : vector<16xf32> to vector<1x16xf32>
        tpu.vector_store %arg9[%swap3A_720, %swap3A_721], %swap3A_724 {strides = array<i32>} : memref<64x128xf32, #tpu.memory_space<vmem>>, vector<1x16xf32>,
        %get3A_725 = arith.index_cast %add3A_680 : i32 to index
        %get3A_726 = arith.constant 64 : index
        %get3A_727 = tpu.vector_load %arg8[%get3A_725, %get3A_726] {strides = array<i32>} : memref<64x128xf32, #tpu.memory_space<vmem>>, vector<1x16xf32>,
        %get3A_728 = vector.shape_cast %get3A_727 : vector<1x16xf32> to vector<16xf32>
        %mul3A_729 = arith.mulf %get3A_728, %get3A_684 : vector<16xf32>
        %swap3A_730 = arith.index_cast %add3A_680 : i32 to index
        %swap3A_731 = arith.constant 64 : index
        %swap3A_732 = tpu.vector_load %arg9[%swap3A_730, %swap3A_731] {strides = array<i32>} : memref<64x128xf32, #tpu.memory_space<vmem>>, vector<1x16xf32>,
        %swap3A_733 = vector.shape_cast %swap3A_732 : vector<1x16xf32> to vector<16xf32>
        %swap3A_734 = vector.shape_cast %mul3A_729 : vector<16xf32> to vector<1x16xf32>
        tpu.vector_store %arg9[%swap3A_730, %swap3A_731], %swap3A_734 {strides = array<i32>} : memref<64x128xf32, #tpu.memory_space<vmem>>, vector<1x16xf32>,
        %get3A_735 = arith.index_cast %add3A_680 : i32 to index
        %get3A_736 = arith.constant 80 : index
        %get3A_737 = tpu.vector_load %arg8[%get3A_735, %get3A_736] {strides = array<i32>} : memref<64x128xf32, #tpu.memory_space<vmem>>, vector<1x16xf32>,
        %get3A_738 = vector.shape_cast %get3A_737 : vector<1x16xf32> to vector<16xf32>
        %mul3A_739 = arith.mulf %get3A_738, %get3A_684 : vector<16xf32>
        %swap3A_740 = arith.index_cast %add3A_680 : i32 to index
        %swap3A_741 = arith.constant 80 : index
        %swap3A_742 = tpu.vector_load %arg9[%swap3A_740, %swap3A_741] {strides = array<i32>} : memref<64x128xf32, #tpu.memory_space<vmem>>, vector<1x16xf32>,
        %swap3A_743 = vector.shape_cast %swap3A_742 : vector<1x16xf32> to vector<16xf32>
        %swap3A_744 = vector.shape_cast %mul3A_739 : vector<16xf32> to vector<1x16xf32>
        tpu.vector_store %arg9[%swap3A_740, %swap3A_741], %swap3A_744 {strides = array<i32>} : memref<64x128xf32, #tpu.memory_space<vmem>>, vector<1x16xf32>,
        %get3A_745 = arith.index_cast %add3A_680 : i32 to index
        %get3A_746 = arith.constant 96 : index
        %get3A_747 = tpu.vector_load %arg8[%get3A_745, %get3A_746] {strides = array<i32>} : memref<64x128xf32, #tpu.memory_space<vmem>>, vector<1x16xf32>,
        %get3A_748 = vector.shape_cast %get3A_747 : vector<1x16xf32> to vector<16xf32>
        %mul3A_749 = arith.mulf %get3A_748, %get3A_684 : vector<16xf32>
        %swap3A_750 = arith.index_cast %add3A_680 : i32 to index
        %swap3A_751 = arith.constant 96 : index
        %swap3A_752 = tpu.vector_load %arg9[%swap3A_750, %swap3A_751] {strides = array<i32>} : memref<64x128xf32, #tpu.memory_space<vmem>>, vector<1x16xf32>,
        %swap3A_753 = vector.shape_cast %swap3A_752 : vector<1x16xf32> to vector<16xf32>
        %swap3A_754 = vector.shape_cast %mul3A_749 : vector<16xf32> to vector<1x16xf32>
        tpu.vector_store %arg9[%swap3A_750, %swap3A_751], %swap3A_754 {strides = array<i32>} : memref<64x128xf32, #tpu.memory_space<vmem>>, vector<1x16xf32>,
        %get3A_755 = arith.index_cast %add3A_680 : i32 to index
        %get3A_756 = arith.constant 112 : index
        %get3A_757 = tpu.vector_load %arg8[%get3A_755, %get3A_756] {strides = array<i32>} : memref<64x128xf32, #tpu.memory_space<vmem>>, vector<1x16xf32>,
        %get3A_758 = vector.shape_cast %get3A_757 : vector<1x16xf32> to vector<16xf32>
        %mul3A_759 = arith.mulf %get3A_758, %get3A_684 : vector<16xf32>
        %swap3A_760 = arith.index_cast %add3A_680 : i32 to index
        %swap3A_761 = arith.constant 112 : index
        %swap3A_762 = tpu.vector_load %arg9[%swap3A_760, %swap3A_761] {strides = array<i32>} : memref<64x128xf32, #tpu.memory_space<vmem>>, vector<1x16xf32>,
        %swap3A_763 = vector.shape_cast %swap3A_762 : vector<1x16xf32> to vector<16xf32>
        %swap3A_764 = vector.shape_cast %mul3A_759 : vector<16xf32> to vector<1x16xf32>
        tpu.vector_store %arg9[%swap3A_760, %swap3A_761], %swap3A_764 {strides = array<i32>} : memref<64x128xf32, #tpu.memory_space<vmem>>, vector<1x16xf32>,
        %mul3A_765 = arith.constant 8 : i32
        %mul3A_766 = arith.muli %add3A_150, %mul3A_765 : i32
        %add3A_767 = arith.constant 7 : i32
        %add3A_768 = arith.addi %mul3A_766, %add3A_767 : i32
        %get3A_769 = arith.index_cast %add3A_150 : i32 to index
        %get3A_770 = arith.constant 112 : index
        %get3A_771 = tpu.vector_load %arg11[%get3A_769, %get3A_770] {strides = array<i32>} : memref<8x128xf32, #tpu.memory_space<vmem>>, vector<1x16xf32>,
        %get3A_772 = vector.shape_cast %get3A_771 : vector<1x16xf32> to vector<16xf32>
        %get3A_773 = arith.index_cast %add3A_768 : i32 to index
        %get3A_774 = arith.constant 0 : index
        %get3A_775 = tpu.vector_load %arg8[%get3A_773, %get3A_774] {strides = array<i32>} : memref<64x128xf32, #tpu.memory_space<vmem>>, vector<1x16xf32>,
        %get3A_776 = vector.shape_cast %get3A_775 : vector<1x16xf32> to vector<16xf32>
        %mul3A_777 = arith.mulf %get3A_776, %get3A_772 : vector<16xf32>
        %swap3A_778 = arith.index_cast %add3A_768 : i32 to index
        %swap3A_779 = arith.constant 0 : index
        %swap3A_780 = tpu.vector_load %arg9[%swap3A_778, %swap3A_779] {strides = array<i32>} : memref<64x128xf32, #tpu.memory_space<vmem>>, vector<1x16xf32>,
        %swap3A_781 = vector.shape_cast %swap3A_780 : vector<1x16xf32> to vector<16xf32>
        %swap3A_782 = vector.shape_cast %mul3A_777 : vector<16xf32> to vector<1x16xf32>
        tpu.vector_store %arg9[%swap3A_778, %swap3A_779], %swap3A_782 {strides = array<i32>} : memref<64x128xf32, #tpu.memory_space<vmem>>, vector<1x16xf32>,
        %get3A_783 = arith.index_cast %add3A_768 : i32 to index
        %get3A_784 = arith.constant 16 : index
        %get3A_785 = tpu.vector_load %arg8[%get3A_783, %get3A_784] {strides = array<i32>} : memref<64x128xf32, #tpu.memory_space<vmem>>, vector<1x16xf32>,
        %get3A_786 = vector.shape_cast %get3A_785 : vector<1x16xf32> to vector<16xf32>
        %mul3A_787 = arith.mulf %get3A_786, %get3A_772 : vector<16xf32>
        %swap3A_788 = arith.index_cast %add3A_768 : i32 to index
        %swap3A_789 = arith.constant 16 : index
        %swap3A_790 = tpu.vector_load %arg9[%swap3A_788, %swap3A_789] {strides = array<i32>} : memref<64x128xf32, #tpu.memory_space<vmem>>, vector<1x16xf32>,
        %swap3A_791 = vector.shape_cast %swap3A_790 : vector<1x16xf32> to vector<16xf32>
        %swap3A_792 = vector.shape_cast %mul3A_787 : vector<16xf32> to vector<1x16xf32>
        tpu.vector_store %arg9[%swap3A_788, %swap3A_789], %swap3A_792 {strides = array<i32>} : memref<64x128xf32, #tpu.memory_space<vmem>>, vector<1x16xf32>,
        %get3A_793 = arith.index_cast %add3A_768 : i32 to index
        %get3A_794 = arith.constant 32 : index
        %get3A_795 = tpu.vector_load %arg8[%get3A_793, %get3A_794] {strides = array<i32>} : memref<64x128xf32, #tpu.memory_space<vmem>>, vector<1x16xf32>,
        %get3A_796 = vector.shape_cast %get3A_795 : vector<1x16xf32> to vector<16xf32>
        %mul3A_797 = arith.mulf %get3A_796, %get3A_772 : vector<16xf32>
        %swap3A_798 = arith.index_cast %add3A_768 : i32 to index
        %swap3A_799 = arith.constant 32 : index
        %swap3A_800 = tpu.vector_load %arg9[%swap3A_798, %swap3A_799] {strides = array<i32>} : memref<64x128xf32, #tpu.memory_space<vmem>>, vector<1x16xf32>,
        %swap3A_801 = vector.shape_cast %swap3A_800 : vector<1x16xf32> to vector<16xf32>
        %swap3A_802 = vector.shape_cast %mul3A_797 : vector<16xf32> to vector<1x16xf32>
        tpu.vector_store %arg9[%swap3A_798, %swap3A_799], %swap3A_802 {strides = array<i32>} : memref<64x128xf32, #tpu.memory_space<vmem>>, vector<1x16xf32>,
        %get3A_803 = arith.index_cast %add3A_768 : i32 to index
        %get3A_804 = arith.constant 48 : index
        %get3A_805 = tpu.vector_load %arg8[%get3A_803, %get3A_804] {strides = array<i32>} : memref<64x128xf32, #tpu.memory_space<vmem>>, vector<1x16xf32>,
        %get3A_806 = vector.shape_cast %get3A_805 : vector<1x16xf32> to vector<16xf32>
        %mul3A_807 = arith.mulf %get3A_806, %get3A_772 : vector<16xf32>
        %swap3A_808 = arith.index_cast %add3A_768 : i32 to index
        %swap3A_809 = arith.constant 48 : index
        %swap3A_810 = tpu.vector_load %arg9[%swap3A_808, %swap3A_809] {strides = array<i32>} : memref<64x128xf32, #tpu.memory_space<vmem>>, vector<1x16xf32>,
        %swap3A_811 = vector.shape_cast %swap3A_810 : vector<1x16xf32> to vector<16xf32>
        %swap3A_812 = vector.shape_cast %mul3A_807 : vector<16xf32> to vector<1x16xf32>
        tpu.vector_store %arg9[%swap3A_808, %swap3A_809], %swap3A_812 {strides = array<i32>} : memref<64x128xf32, #tpu.memory_space<vmem>>, vector<1x16xf32>,
        %get3A_813 = arith.index_cast %add3A_768 : i32 to index
        %get3A_814 = arith.constant 64 : index
        %get3A_815 = tpu.vector_load %arg8[%get3A_813, %get3A_814] {strides = array<i32>} : memref<64x128xf32, #tpu.memory_space<vmem>>, vector<1x16xf32>,
        %get3A_816 = vector.shape_cast %get3A_815 : vector<1x16xf32> to vector<16xf32>
        %mul3A_817 = arith.mulf %get3A_816, %get3A_772 : vector<16xf32>
        %swap3A_818 = arith.index_cast %add3A_768 : i32 to index
        %swap3A_819 = arith.constant 64 : index
        %swap3A_820 = tpu.vector_load %arg9[%swap3A_818, %swap3A_819] {strides = array<i32>} : memref<64x128xf32, #tpu.memory_space<vmem>>, vector<1x16xf32>,
        %swap3A_821 = vector.shape_cast %swap3A_820 : vector<1x16xf32> to vector<16xf32>
        %swap3A_822 = vector.shape_cast %mul3A_817 : vector<16xf32> to vector<1x16xf32>
        tpu.vector_store %arg9[%swap3A_818, %swap3A_819], %swap3A_822 {strides = array<i32>} : memref<64x128xf32, #tpu.memory_space<vmem>>, vector<1x16xf32>,
        %get3A_823 = arith.index_cast %add3A_768 : i32 to index
        %get3A_824 = arith.constant 80 : index
        %get3A_825 = tpu.vector_load %arg8[%get3A_823, %get3A_824] {strides = array<i32>} : memref<64x128xf32, #tpu.memory_space<vmem>>, vector<1x16xf32>,
        %get3A_826 = vector.shape_cast %get3A_825 : vector<1x16xf32> to vector<16xf32>
        %mul3A_827 = arith.mulf %get3A_826, %get3A_772 : vector<16xf32>
        %swap3A_828 = arith.index_cast %add3A_768 : i32 to index
        %swap3A_829 = arith.constant 80 : index
        %swap3A_830 = tpu.vector_load %arg9[%swap3A_828, %swap3A_829] {strides = array<i32>} : memref<64x128xf32, #tpu.memory_space<vmem>>, vector<1x16xf32>,
        %swap3A_831 = vector.shape_cast %swap3A_830 : vector<1x16xf32> to vector<16xf32>
        %swap3A_832 = vector.shape_cast %mul3A_827 : vector<16xf32> to vector<1x16xf32>
        tpu.vector_store %arg9[%swap3A_828, %swap3A_829], %swap3A_832 {strides = array<i32>} : memref<64x128xf32, #tpu.memory_space<vmem>>, vector<1x16xf32>,
        %get3A_833 = arith.index_cast %add3A_768 : i32 to index
        %get3A_834 = arith.constant 96 : index
        %get3A_835 = tpu.vector_load %arg8[%get3A_833, %get3A_834] {strides = array<i32>} : memref<64x128xf32, #tpu.memory_space<vmem>>, vector<1x16xf32>,
        %get3A_836 = vector.shape_cast %get3A_835 : vector<1x16xf32> to vector<16xf32>
        %mul3A_837 = arith.mulf %get3A_836, %get3A_772 : vector<16xf32>
        %swap3A_838 = arith.index_cast %add3A_768 : i32 to index
        %swap3A_839 = arith.constant 96 : index
        %swap3A_840 = tpu.vector_load %arg9[%swap3A_838, %swap3A_839] {strides = array<i32>} : memref<64x128xf32, #tpu.memory_space<vmem>>, vector<1x16xf32>,
        %swap3A_841 = vector.shape_cast %swap3A_840 : vector<1x16xf32> to vector<16xf32>
        %swap3A_842 = vector.shape_cast %mul3A_837 : vector<16xf32> to vector<1x16xf32>
        tpu.vector_store %arg9[%swap3A_838, %swap3A_839], %swap3A_842 {strides = array<i32>} : memref<64x128xf32, #tpu.memory_space<vmem>>, vector<1x16xf32>,
        %get3A_843 = arith.index_cast %add3A_768 : i32 to index
        %get3A_844 = arith.constant 112 : index
        %get3A_845 = tpu.vector_load %arg8[%get3A_843, %get3A_844] {strides = array<i32>} : memref<64x128xf32, #tpu.memory_space<vmem>>, vector<1x16xf32>,
        %get3A_846 = vector.shape_cast %get3A_845 : vector<1x16xf32> to vector<16xf32>
        %mul3A_847 = arith.mulf %get3A_846, %get3A_772 : vector<16xf32>
        %swap3A_848 = arith.index_cast %add3A_768 : i32 to index
        %swap3A_849 = arith.constant 112 : index
        %swap3A_850 = tpu.vector_load %arg9[%swap3A_848, %swap3A_849] {strides = array<i32>} : memref<64x128xf32, #tpu.memory_space<vmem>>, vector<1x16xf32>,
        %swap3A_851 = vector.shape_cast %swap3A_850 : vector<1x16xf32> to vector<16xf32>
        %swap3A_852 = vector.shape_cast %mul3A_847 : vector<16xf32> to vector<1x16xf32>
        tpu.vector_store %arg9[%swap3A_848, %swap3A_849], %swap3A_852 {strides = array<i32>} : memref<64x128xf32, #tpu.memory_space<vmem>>, vector<1x16xf32>,
      }
      %scan3A_139 = arith.constant 8 : i32
      %dma_start3A_140 = arith.constant 0 : i32
      %dma_start3A_141 = arith.constant 0 : i32
      %dma_start3A_142 = tpu.memref_slice %arg7[%dma_start3A_140, %dma_start3A_141] : memref<11264x128xf32, #tpu.memory_space<vmem_shared>> -> memref<11264x128xf32, #tpu.memory_space<vmem_shared>>
      tpu.enqueue_indirect_dma source(%arg9 : memref<64x128xf32, #tpu.memory_space<vmem>>) target(%dma_start3A_142 : memref<11264x128xf32, #tpu.memory_space<vmem_shared>>) offsets(%arg15 : memref<64xi32, #tpu.memory_space<vmem>>) semaphore(%arg20 : memref<!tpu.dma_semaphore, #tpu.memory_space<semaphore_mem>>) {add = true}
      %dma_start3A_143 = arith.constant 0 : i32
      %dma_start3A_144 = arith.constant 0 : i32
      %dma_start3A_145 = tpu.memref_slice %arg7[%dma_start3A_143, %dma_start3A_144] : memref<11264x128xf32, #tpu.memory_space<vmem_shared>> -> memref<11264x128xf32, #tpu.memory_space<vmem_shared>>
      tpu.enqueue_indirect_dma source(%arg10 : memref<64x128xf32, #tpu.memory_space<vmem>>) target(%dma_start3A_145 : memref<11264x128xf32, #tpu.memory_space<vmem_shared>>) offsets(%arg14 : memref<64xi32, #tpu.memory_space<vmem>>) semaphore(%arg21 : memref<!tpu.dma_semaphore, #tpu.memory_space<semaphore_mem>>) {add = true}
    }
    %dma_wait3A = arith.constant 0 : i32
    %dma_wait3A_70 = arith.constant 0 : i32
    %dma_wait3A_71 = tpu.memref_slice %arg7[%dma_wait3A, %dma_wait3A_70] : memref<11264x128xf32, #tpu.memory_space<vmem_shared>> -> memref<11264x128xf32, #tpu.memory_space<vmem_shared>>
    tpu.wait_indirect_dma semaphore(%arg20 : memref<!tpu.dma_semaphore, #tpu.memory_space<semaphore_mem>>) src(%arg9 : memref<64x128xf32, #tpu.memory_space<vmem>>) dst(%dma_wait3A_71 : memref<11264x128xf32, #tpu.memory_space<vmem_shared>>)
    %dma_wait3A_72 = arith.constant 0 : i32
    %dma_wait3A_73 = arith.constant 0 : i32
    %dma_wait3A_74 = tpu.memref_slice %arg7[%dma_wait3A_72, %dma_wait3A_73] : memref<11264x128xf32, #tpu.memory_space<vmem_shared>> -> memref<11264x128xf32, #tpu.memory_space<vmem_shared>>
    tpu.wait_indirect_dma semaphore(%arg21 : memref<!tpu.dma_semaphore, #tpu.memory_space<semaphore_mem>>) src(%arg10 : memref<64x128xf32, #tpu.memory_space<vmem>>) dst(%dma_wait3A_74 : memref<11264x128xf32, #tpu.memory_space<vmem_shared>>)
    %barrier3A_75 = arith.constant 0 : index
    tpu.barrier barrier_id(%barrier3A_75)
    %mul3A_76 = arith.constant 704 : i32
    %mul3A_77 = arith.muli %arg1, %mul3A_76 : i32
    %mul3A_78 = arith.constant 11264 : i32
    %mul3A_79 = arith.muli %arg0, %mul3A_78 : i32
    %mul3A_80 = arith.constant 704 : i32
    %mul3A_81 = arith.muli %arg1, %mul3A_80 : i32
    %add3A_82 = arith.addi %mul3A_79, %mul3A_81 : i32
    "tpu.region"() ({
      %run_scoped3A = tpu.sem_alloc : memref<!tpu.dma_semaphore, #tpu.memory_space<semaphore_mem>>
      %dma_start3A = arith.constant 0 : i32
      %dma_start3A_83 = tpu.memref_slice %arg6[%add3A_82, %dma_start3A] : memref<22528x128xf32, #tpu.memory_space<hbm>> -> memref<704x128xf32, #tpu.memory_space<hbm>>
      %dma_start3A_84 = arith.constant 0 : i32
      %dma_start3A_85 = tpu.memref_slice %arg7[%mul3A_77, %dma_start3A_84] : memref<11264x128xf32, #tpu.memory_space<vmem_shared>> -> memref<704x128xf32, #tpu.memory_space<vmem_shared>>
      tpu.enqueue_dma source(%dma_start3A_85 : memref<704x128xf32, #tpu.memory_space<vmem_shared>>) target(%dma_start3A_83 : memref<704x128xf32, #tpu.memory_space<hbm>>) target_semaphore(%run_scoped3A : memref<!tpu.dma_semaphore, #tpu.memory_space<semaphore_mem>>)
      %dma_wait3A_86 = arith.constant 0 : i32
      %dma_wait3A_87 = tpu.memref_slice %arg6[%add3A_82, %dma_wait3A_86] : memref<22528x128xf32, #tpu.memory_space<hbm>> -> memref<704x128xf32, #tpu.memory_space<hbm>>
      %dma_wait3A_88 = arith.constant 0 : i32
      %dma_wait3A_89 = tpu.memref_slice %arg7[%mul3A_77, %dma_wait3A_88] : memref<11264x128xf32, #tpu.memory_space<vmem_shared>> -> memref<704x128xf32, #tpu.memory_space<vmem_shared>>
      tpu.wait_dma2 semaphore(%run_scoped3A : memref<!tpu.dma_semaphore, #tpu.memory_space<semaphore_mem>>) src(%dma_wait3A_89 : memref<704x128xf32, #tpu.memory_space<vmem_shared>>) dst(%dma_wait3A_87 : memref<704x128xf32, #tpu.memory_space<hbm>>)
      tpu.yield
    }) : () -> ()
    return
  }
}

module attributes {stable_mosaic.version = 14 : i64} {
  func.func @_scores_body(%arg0: i32, %arg1: memref<512x128xf32, #tpu.memory_space<vmem>>, %arg2: memref<128x32xf32, #tpu.memory_space<vmem>>, %arg3: memref<1x32xf32, #tpu.memory_space<vmem>>, %arg4: memref<1x32xf32, #tpu.memory_space<vmem>>, %arg5: memref<1x1xf32, #tpu.memory_space<vmem>>, %arg6: memref<64x128xf32, #tpu.memory_space<vmem>>) attributes {dimension_semantics = [#tpu.dimension_semantics<arbitrary>], iteration_bounds = array<i64: 625>, scalar_prefetch = 0 : i64, scratch_operands = 0 : i64, tpu.core_type = #tpu.core_type<tc>, window_params = [{transform_indices = @transform_0, window_bounds = array<i64: 512, 128>}, {pipeline_mode = #tpu.pipeline_mode<synchronous>, transform_indices = @transform_1, window_bounds = array<i64: 128, 32>}, {pipeline_mode = #tpu.pipeline_mode<synchronous>, transform_indices = @transform_2, window_bounds = array<i64: 1, 32>}, {pipeline_mode = #tpu.pipeline_mode<synchronous>, transform_indices = @transform_3, window_bounds = array<i64: 1, 32>}, {pipeline_mode = #tpu.pipeline_mode<synchronous>, transform_indices = @transform_4, window_bounds = array<i64: 1, 1>}, {transform_indices = @transform_5, window_bounds = array<i64: 64, 128>}]} {
    %get3A = arith.constant 0 : index
    %get3A_0 = arith.constant 0 : index
    %get3A_1 = vector.load %arg1[%get3A, %get3A_0] : memref<512x128xf32, #tpu.memory_space<vmem>>, vector<512x128xf32>
    %get3A_2 = arith.constant 0 : index
    %get3A_3 = arith.constant 0 : index
    %get3A_4 = vector.load %arg2[%get3A_2, %get3A_3] : memref<128x32xf32, #tpu.memory_space<vmem>>, vector<128x32xf32>
    %dot_general3A = arith.constant dense<0.000000e+00> : vector<512x32xf32>
    %dot_general3A_5 = tpu.matmul %get3A_1, %get3A_4, %dot_general3A {dimension_numbers = #tpu.dot_dimension_numbers<[1], [0], [0], [1], [0, 0, 1, 1], [], []>, transpose_lhs_hint = false} : vector<512x128xf32>, vector<128x32xf32>, vector<512x32xf32> -> vector<512x32xf32>
    %get3A_6 = arith.constant 0 : index
    %get3A_7 = arith.constant 0 : index
    %get3A_8 = vector.load %arg3[%get3A_6, %get3A_7] : memref<1x32xf32, #tpu.memory_space<vmem>>, vector<1x32xf32>
    %add3A = vector.broadcast %get3A_8 : vector<1x32xf32> to vector<512x32xf32>
    %add3A_9 = arith.addf %dot_general3A_5, %add3A : vector<512x32xf32>
    %tanh3A = math.tanh %add3A_9 : vector<512x32xf32>
    %get3A_10 = arith.constant 0 : index
    %get3A_11 = arith.constant 0 : index
    %get3A_12 = vector.load %arg4[%get3A_10, %get3A_11] : memref<1x32xf32, #tpu.memory_space<vmem>>, vector<1x32xf32>
    %mul3A = vector.broadcast %get3A_12 : vector<1x32xf32> to vector<512x32xf32>
    %mul3A_13 = arith.mulf %tanh3A, %mul3A : vector<512x32xf32>
    %reduce_sum3A = arith.constant dense<0.000000e+00> : vector<512xf32>
    %reduce_sum3A_14 = vector.multi_reduction <add>, %mul3A_13, %reduce_sum3A [1] : vector<512x32xf32> to vector<512xf32>
    %broadcast_in_dim3A = vector.shape_cast %reduce_sum3A_14 : vector<512xf32> to vector<512x1xf32>
    %get3A_15 = arith.constant 0 : index
    %get3A_16 = arith.constant 0 : index
    %get3A_17 = vector.load %arg5[%get3A_15, %get3A_16] : memref<1x1xf32, #tpu.memory_space<vmem>>, vector<1x1xf32>
    %add3A_18 = vector.broadcast %get3A_17 : vector<1x1xf32> to vector<512x1xf32>
    %add3A_19 = arith.addf %broadcast_in_dim3A, %add3A_18 : vector<512x1xf32>
    %exp3A = math.exp %add3A_19 : vector<512x1xf32>
    %reshape3A = vector.shape_cast %exp3A : vector<512x1xf32> to vector<64x8x1xf32>
    %broadcast_in_dim3A_20 = vector.shape_cast %reshape3A : vector<64x8x1xf32> to vector<64x8x1xf32>
    %broadcast_in_dim3A_21 = vector.broadcast %broadcast_in_dim3A_20 : vector<64x8x1xf32> to vector<64x8x16xf32>
    %reshape3A_22 = vector.shape_cast %broadcast_in_dim3A_21 : vector<64x8x16xf32> to vector<64x128xf32>
    %swap3A = arith.constant 0 : index
    %swap3A_23 = arith.constant 0 : index
    %swap3A_24 = vector.load %arg6[%swap3A, %swap3A_23] : memref<64x128xf32, #tpu.memory_space<vmem>>, vector<64x128xf32>
    tpu.vector_store %arg6[%swap3A, %swap3A_23], %reshape3A_22 {strides = array<i32>} : memref<64x128xf32, #tpu.memory_space<vmem>>, vector<64x128xf32>,
    return
  }
  func.func @transform_0(%arg0: i32) -> (i32, i32) {
    %c0_i32 = arith.constant 0 : i32
    %c0_i32_0 = arith.constant 0 : i32
    return %arg0, %c0_i32 : i32, i32
  }
  func.func @transform_1(%arg0: i32) -> (i32, i32) {
    %c0_i32 = arith.constant 0 : i32
    %c0_i32_0 = arith.constant 0 : i32
    %c0_i32_1 = arith.constant 0 : i32
    return %c0_i32, %c0_i32_0 : i32, i32
  }
  func.func @transform_2(%arg0: i32) -> (i32, i32) {
    %c0_i32 = arith.constant 0 : i32
    %c0_i32_0 = arith.constant 0 : i32
    %c0_i32_1 = arith.constant 0 : i32
    return %c0_i32, %c0_i32_0 : i32, i32
  }
  func.func @transform_3(%arg0: i32) -> (i32, i32) {
    %c0_i32 = arith.constant 0 : i32
    %c0_i32_0 = arith.constant 0 : i32
    %c0_i32_1 = arith.constant 0 : i32
    return %c0_i32, %c0_i32_0 : i32, i32
  }
  func.func @transform_4(%arg0: i32) -> (i32, i32) {
    %c0_i32 = arith.constant 0 : i32
    %c0_i32_0 = arith.constant 0 : i32
    %c0_i32_1 = arith.constant 0 : i32
    return %c0_i32, %c0_i32_0 : i32, i32
  }
  func.func @transform_5(%arg0: i32) -> (i32, i32) {
    %c0_i32 = arith.constant 0 : i32
    %c0_i32_0 = arith.constant 0 : i32
    return %arg0, %c0_i32 : i32, i32
  }
}

module attributes {stable_mosaic.version = 14 : i64} {
  func.func @_fin_body(%arg0: i32, %arg1: memref<2x10000x128xf32, #tpu.memory_space<vmem>>, %arg2: memref<2x10000x16xf32, #tpu.memory_space<vmem>>, %arg3: memref<10000x128xf32, #tpu.memory_space<vmem>>, %arg4: memref<1x1x10000xi32, #tpu.memory_space<vmem>>) attributes {dimension_semantics = [#tpu.dimension_semantics<arbitrary>], iteration_bounds = array<i64: 1>, scalar_prefetch = 0 : i64, scratch_operands = 0 : i64, tpu.core_type = #tpu.core_type<tc>, window_params = [{transform_indices = @transform_0, window_bounds = array<i64: 2, 10000, 128>}, {pipeline_mode = #tpu.pipeline_mode<synchronous>, transform_indices = @transform_1, window_bounds = array<i64: 2, 10000, 16>}, {pipeline_mode = #tpu.pipeline_mode<synchronous>, transform_indices = @transform_2, window_bounds = array<i64: 10000, 128>}, {pipeline_mode = #tpu.pipeline_mode<synchronous>, transform_indices = @transform_3, window_bounds = array<i64: 1, 1, 10000>}]} {
    %get3A = arith.constant 0 : index
    %get3A_0 = arith.constant 0 : index
    %get3A_1 = arith.constant 0 : index
    %get3A_2 = vector.load %arg1[%get3A, %get3A_0, %get3A_1] : memref<2x10000x128xf32, #tpu.memory_space<vmem>>, vector<2x10000x128xf32>
    %get3A_3 = arith.constant 0 : index
    %get3A_4 = arith.constant 0 : index
    %get3A_5 = arith.constant 0 : index
    %get3A_6 = vector.load %arg2[%get3A_3, %get3A_4, %get3A_5] : memref<2x10000x16xf32, #tpu.memory_space<vmem>>, vector<2x10000x16xf32>
    %slice3A = vector.extract_strided_slice %get3A_2 {offsets = [0, 0, 0], sizes = [1, 10000, 128], strides = [1, 1, 1]} : vector<2x10000x128xf32> to vector<1x10000x128xf32>
    %squeeze3A = vector.shape_cast %slice3A : vector<1x10000x128xf32> to vector<10000x128xf32>
    %slice3A_7 = vector.extract_strided_slice %get3A_2 {offsets = [1, 0, 0], sizes = [1, 10000, 128], strides = [1, 1, 1]} : vector<2x10000x128xf32> to vector<1x10000x128xf32>
    %squeeze3A_8 = vector.shape_cast %slice3A_7 : vector<1x10000x128xf32> to vector<10000x128xf32>
    %add3A = arith.addf %squeeze3A, %squeeze3A_8 : vector<10000x128xf32>
    %slice3A_9 = vector.extract_strided_slice %get3A_6 {offsets = [0, 0, 0], sizes = [1, 10000, 16], strides = [1, 1, 1]} : vector<2x10000x16xf32> to vector<1x10000x16xf32>
    %squeeze3A_10 = vector.shape_cast %slice3A_9 : vector<1x10000x16xf32> to vector<10000x16xf32>
    %slice3A_11 = vector.extract_strided_slice %get3A_6 {offsets = [1, 0, 0], sizes = [1, 10000, 16], strides = [1, 1, 1]} : vector<2x10000x16xf32> to vector<1x10000x16xf32>
    %squeeze3A_12 = vector.shape_cast %slice3A_11 : vector<1x10000x16xf32> to vector<10000x16xf32>
    %add3A_13 = arith.addf %squeeze3A_10, %squeeze3A_12 : vector<10000x16xf32>
    %slice3A_14 = vector.extract_strided_slice %add3A_13 {offsets = [0, 0], sizes = [10000, 1], strides = [1, 1]} : vector<10000x16xf32> to vector<10000x1xf32>
    %gt3A = arith.constant 0.000000e+00 : f32
    %gt3A_15 = vector.broadcast %gt3A : f32 to vector<10000x1xf32>
    %gt3A_16 = arith.cmpf ogt, %slice3A_14, %gt3A_15 : vector<10000x1xf32>
    %jit3A = arith.constant 1.000000e+00 : f32
    %broadcast_in_dim3A = vector.broadcast %jit3A : f32 to vector<10000x1xf32>
    %select_n3A = arith.select %gt3A_16, %slice3A_14, %broadcast_in_dim3A : vector<10000x1xi1>, vector<10000x1xf32>
    %div3A = arith.constant 1.000000e+00 : f32
    %div3A_17 = vector.broadcast %div3A : f32 to vector<10000x1xf32>
    %div3A_18 = arith.divf %div3A_17, %select_n3A : vector<10000x1xf32>
    %jit3A_19 = arith.constant 0.000000e+00 : f32
    %broadcast_in_dim3A_20 = vector.broadcast %jit3A_19 : f32 to vector<10000x1xf32>
    %select_n3A_21 = arith.select %gt3A_16, %div3A_18, %broadcast_in_dim3A_20 : vector<10000x1xi1>, vector<10000x1xf32>
    %mul3A = vector.broadcast %select_n3A_21 : vector<10000x1xf32> to vector<10000x128xf32>
    %mul3A_22 = arith.mulf %add3A, %mul3A : vector<10000x128xf32>
    %swap3A = arith.constant 0 : index
    %swap3A_23 = arith.constant 0 : index
    %swap3A_24 = vector.load %arg3[%swap3A, %swap3A_23] : memref<10000x128xf32, #tpu.memory_space<vmem>>, vector<10000x128xf32>
    tpu.vector_store %arg3[%swap3A, %swap3A_23], %mul3A_22 {strides = array<i32>} : memref<10000x128xf32, #tpu.memory_space<vmem>>, vector<10000x128xf32>,
    %iota3A = tpu.iota {dimensions = array<i32: 2>} : vector<1x1x10000xi32>
    %reshape3A = vector.shape_cast %gt3A_16 : vector<10000x1xi1> to vector<1x1x10000xi1>
    %jit3A_25 = arith.constant 2147483647 : i32
    %broadcast_in_dim3A_26 = vector.broadcast %jit3A_25 : i32 to vector<1x1x10000xi32>
    %select_n3A_27 = arith.select %reshape3A, %iota3A, %broadcast_in_dim3A_26 : vector<1x1x10000xi1>, vector<1x1x10000xi32>
    %swap3A_28 = arith.constant 0 : index
    %swap3A_29 = arith.constant 0 : index
    %swap3A_30 = arith.constant 0 : index
    %swap3A_31 = vector.load %arg4[%swap3A_28, %swap3A_29, %swap3A_30] : memref<1x1x10000xi32, #tpu.memory_space<vmem>>, vector<1x1x10000xi32>
    tpu.vector_store %arg4[%swap3A_28, %swap3A_29, %swap3A_30], %select_n3A_27 {strides = array<i32>} : memref<1x1x10000xi32, #tpu.memory_space<vmem>>, vector<1x1x10000xi32>,
    return
  }
  func.func @transform_0(%arg0: i32) -> (i32, i32, i32) {
    %c0_i32 = arith.constant 0 : i32
    %c0_i32_0 = arith.constant 0 : i32
    %c0_i32_1 = arith.constant 0 : i32
    %c0_i32_2 = arith.constant 0 : i32
    return %c0_i32, %c0_i32_0, %c0_i32_1 : i32, i32, i32
  }
  func.func @transform_1(%arg0: i32) -> (i32, i32, i32) {
    %c0_i32 = arith.constant 0 : i32
    %c0_i32_0 = arith.constant 0 : i32
    %c0_i32_1 = arith.constant 0 : i32
    %c0_i32_2 = arith.constant 0 : i32
    return %c0_i32, %c0_i32_0, %c0_i32_1 : i32, i32, i32
  }
  func.func @transform_2(%arg0: i32) -> (i32, i32) {
    %c0_i32 = arith.constant 0 : i32
    %c0_i32_0 = arith.constant 0 : i32
    %c0_i32_1 = arith.constant 0 : i32
    return %c0_i32, %c0_i32_0 : i32, i32
  }
  func.func @transform_3(%arg0: i32) -> (i32, i32, i32) {
    %c0_i32 = arith.constant 0 : i32
    %c0_i32_0 = arith.constant 0 : i32
    %c0_i32_1 = arith.constant 0 : i32
    %c0_i32_2 = arith.constant 0 : i32
    return %c0_i32, %c0_i32_0, %c0_i32_1 : i32, i32, i32
  }
}

</mosaic_0001>

<sc_bundles>
// kernel: kernel.5.cloned.1.call-start
scs
__scs_entry_jumppad:
0x0: {  	(pc) =	sbr.rel $0x88, $3  }
0x1: {  	(tag) =	ssettag $0x0;
	lr =	simm.s32 $0x1  }
0x2: {  	[smem:$0x3F9B] =	sst lr;
	_ =	strace $0xD0000000  }
0x3: {  	_ = 	snop  }
0x4: {  	_ = 	snop  }
0x5: {  	_ = 	snop  }
0x6: {  	_ = 	snop  }
0x7: {  	_ = 	snop  }
__scs_overlays_trampoline_lowered:
0x8: {  	[smem:$0x3FAA] =	sst s0  }
0x9: {  	[smem:$0x3FAB] =	sst s1  }
0xa: {  	[smem:$0x3FAC] =	sst s2  }
0xb: {  	[smem:$0x3FAD] =	sst s3  }
0xc: {  	[smem:$0x3FAE] =	sst s4  }
0xd: {  	[smem:$0x3FAF] =	sst s5  }
0xe: {  	[smem:$0x3FB0] =	sst s6  }
0xf: {  	[smem:$0x3FB1] =	sst s7  }
0x10: {  	[smem:$0x3FB2] =	sst s8  }
0x11: {  	[smem:$0x3FB3] =	sst s9;
	s0 =	simm.s32 @!p0 $0x0  }
0x12: {  	s1 =	sld [smem:$0x3F99];
	s0 =	simm.s32 @p0 $0x1  }
0x13: {  	[smem:$0x3FB4] =	sst s0;
	s0 =	simm.s32 @!p1 $0x0  }
0x14: {  	s2 =	sld [smem:$0x3F98];
	s0 =	simm.s32 @p1 $0x1  }
0x15: {  	[smem:$0x3FB5] =	sst s0;
	s0 =	simm.s32 @!p2 $0x0  }
0x16: {  	s3 =	sld [smem:$0x3FDB];
	s0 =	simm.s32 @p2 $0x1  }
0x17: {  	s4 =	simm.s32 $0x1BF5;
	[smem:$0x3FB7] =	sst s0  }
0x18: {  	s0 =	sld [smem:$0x3F9A];
	_ =	swait.ge [sflag:s4], $0x0  }
0x19: {  	s7 =	sld [smem:$0x3F9B]  }
0x1a: {  	s8 =	sadd.s32 $0xFFFFE003, lr  }
0x1b: {  	s9 =	sadd.s32 $0xFFFFFEF7, lr;
	s5 =	simm.s32 $0xFFFFFFFF;
	p2 =	slt.u32 s8, $0xFFFFF086  }
0x1c: {  	p1 =	slt.u32 s9, $0xF7A;
	s5 =	simm.s32 @!p2 $0x0  }
0x1d: {  	s5 =	simm.s32 @p1 $0x1;
	p0 =	seq.s32 s7, s2  }
0x1e: {  	s7 =	smul.u32 @!p0 $0xF7A, s2;
	p2 =	seq.s32 @!p0 s5, $0x0  }
0x1f: {  	s9 =	smul.u32 $0xF7A, s1;
	s8 =	simm.s32 @!p0 $0x1BF5;
	p2 =	por !p2, p0  }
0x20: {  	[sflag:s8] =	ssyncset.s32 @!p0 $0xFFFFF086;
	s6 =	sadd.s32 @!p0 s3, s7;
	s7 =	simm.s32 @!p0 $0x108  }
0x21: {  	s3 =	sadd.s32 s3, s9;
	s6 =	sadd.s32 @!p0 $0x88, s6;
	s7 =	simm.s32 @p2 $0x1082  }
0x22: {  	[simem:s7], [sflag:s8] =	dma.local @!p0 [hbm:s6], $0xF7A  }
0x23: {  	s9 =	sor.u32 $0xD0000000, s2;
	s6 =	simm.s32 $0x108;
	_ =	swait.ge @!p0 [sflag:s8], $0x0  }
0x24: {  	s3 =	sadd.s32 $0x88, s3;
	s6 =	simm.s32 @!p1 $0x1082;
	[sflag:s4] =	ssyncset.s32 $0xFFFFF086  }
0x25: {  	[simem:s6], [sflag:s4] =	dma.local [hbm:s3], $0xF7A  }
0x26: {  	[smem:$0x3F9B] =	sst s1;
	(tag) =	ssettag s2;
	_ =	strace s9  }
0x27: {  	s1 =	sld [smem:$0x3FAB]  }
0x28: {  	s2 =	sld [smem:$0x3FAC]  }
0x29: {  	s4 =	sld [smem:$0x3FAE]  }
0x2a: {  	p0 =	seq.s32 s5, $0x0;
	s5 =	sld [smem:$0x3FAF]  }
0x2b: {  	s6 =	sld [smem:$0x3FB0]  }
0x2c: {  	s7 =	sld [smem:$0x3FB1]  }
0x2d: {  	s3 =	simm.s32 $0x108;
	s8 =	sld [smem:$0x3FB2]  }
0x2e: {  	s3 =	simm.s32 @!p0 $0x1082;
	s9 =	sld [smem:$0x3FB3]  }
0x2f: {  	lr =	sadd.s32 s0, s3;
	s0 =	sld [smem:$0x3FAA]  }
0x30: {  	s3 =	sld [smem:$0x3FAD]  }
0x31: {  	[smem:$0x3FB6] =	sst s10  }
0x32: {  	s10 =	sld [smem:$0x3FB4];
	_ =	sdelay $0x3  }
0x33: {  	p0 =	seq.s32 s10, $0x1;
	s10 =	sld [smem:$0x3FB6];
	_ =	sdelay $0x3  }
0x34: {  	[smem:$0x3FB6] =	sst s10  }
0x35: {  	s10 =	sld [smem:$0x3FB5];
	_ =	sdelay $0x3  }
0x36: {  	p1 =	seq.s32 s10, $0x1;
	s10 =	sld [smem:$0x3FB6];
	_ =	sdelay $0x3  }
0x37: {  	[smem:$0x3FB6] =	sst s10  }
0x38: {  	s10 =	sld [smem:$0x3FB7]  }
0x39: {  	_ = 	snop;
	(pc) =	sbr.ind lr, $3  }
0x3a: {  	_ = 	snop  }
0x3b: {  	_ = 	snop  }
0x3c: {  	p2 =	seq.s32 s10, $0x1;
	s10 =	sld [smem:$0x3FB6]  }
0x3d: {  	_ =	shalt  }
0x3e: {  	_ =	shalt  }
0x3f: {  	_ =	shalt  }
0x40: {  	_ =	shalt  }
0x41: {  	_ =	shalt  }
0x42: {  	_ =	shalt  }
0x43: {  	_ =	shalt  }
0x44: {  	_ =	shalt  }
0x45: {  	_ =	shalt  }
0x46: {  	_ =	shalt  }
0x47: {  	_ =	shalt  }
0x48: {  	_ =	shalt  }
0x49: {  	_ =	shalt  }
0x4a: {  	_ =	shalt  }
0x4b: {  	_ =	shalt  }
0x4c: {  	_ =	shalt  }
0x4d: {  	_ =	shalt  }
0x4e: {  	_ =	shalt  }
0x4f: {  	_ =	shalt  }
0x50: {  	_ =	shalt  }
0x51: {  	_ =	shalt  }
0x52: {  	_ =	shalt  }
0x53: {  	_ =	shalt  }
0x54: {  	_ =	shalt  }
0x55: {  	_ =	shalt  }
0x56: {  	_ =	shalt  }
0x57: {  	_ =	shalt  }
0x58: {  	_ =	shalt  }
0x59: {  	_ =	shalt  }
0x5a: {  	_ =	shalt  }
0x5b: {  	_ =	shalt  }
0x5c: {  	_ =	shalt  }
0x5d: {  	_ =	shalt  }
0x5e: {  	_ =	shalt  }
0x5f: {  	_ =	shalt  }
0x60: {  	_ =	shalt  }
0x61: {  	_ =	shalt  }
0x62: {  	_ =	shalt  }
0x63: {  	_ =	shalt  }
0x64: {  	_ =	shalt  }
0x65: {  	_ =	shalt  }
0x66: {  	_ =	shalt  }
0x67: {  	_ =	shalt  }
0x68: {  	_ =	shalt  }
0x69: {  	_ =	shalt  }
0x6a: {  	_ =	shalt  }
0x6b: {  	_ =	shalt  }
0x6c: {  	_ =	shalt  }
0x6d: {  	_ =	shalt  }
0x6e: {  	_ =	shalt  }
0x6f: {  	_ =	shalt  }
0x70: {  	_ =	shalt  }
0x71: {  	_ =	shalt  }
0x72: {  	_ =	shalt  }
0x73: {  	_ =	shalt  }
0x74: {  	_ =	shalt  }
0x75: {  	_ =	shalt  }
0x76: {  	_ =	shalt  }
0x77: {  	_ =	shalt  }
0x78: {  	_ =	shalt  }
0x79: {  	_ =	shalt  }
0x7a: {  	_ =	shalt  }
0x7b: {  	_ =	shalt  }
0x7c: {  	_ =	shalt  }
0x7d: {  	_ =	shalt  }
0x7e: {  	_ =	shalt  }
0x7f: {  	_ =	shalt  }
0x80: {  	_ =	shalt  }
0x81: {  	_ =	shalt  }
0x82: {  	_ =	shalt  }
0x83: {  	_ =	shalt  }
0x84: {  	_ =	shalt  }
0x85: {  	_ =	shalt  }
0x86: {  	_ =	shalt  }
0x87: {  	_ =	shalt  }
.Lfunc_end0:
.L_simem_size_0:
called_computation_lowered:
.L_overlay_start_0:
0x88: {  	s2 =	sld [smem:$0x3FD9]  }
0x89: {  	s3 =	sld [smem:$0x3FFE];
	_ =	sdelay $0x1  }
0x8a: {  	s1 =	srdreg.scid  }
0x8b: {  	s0 =	sand.u32 $0x1, s1  }
0x8c: {  	s17 =	sshll.u32 s0, $0xA;
	s2 =	sadd.s32 s3, s2  }
0x8d: {  	s2 =	sadd.s32 s2, s17  }
0x8e: {  	[smem:$0x3FC2] =	sst s2  }
0x8f: {  	_ = 	snop  }
0x90: {  	s2 =	sld [smem:$0x3FC9]  }
0x91: {  	s18 =	sld [smem:$0x3FC4];
	(tm) =	ssettm $0x1  }
0x92: {  	s4 =	sld [smem:$0x3FFB];
	_ =	sdelay $0x3  }
0x93: {  	_ =	strace s4  }
0x94: {  	s4 =	sld [smem:$0x3FFC];
	_ =	sdelay $0x3  }
0x95: {  	_ =	strace s4  }
0x96: {  	s4 =	sld [smem:$0x3FFD];
	_ =	sdelay $0x3  }
0x97: {  	_ =	strace s4  }
0x98: {  	_ =	strace $0x8FFFFFFF  }
0x99: {  	s19 =	sld [smem:$0x3FDB];
	_ =	sdelay $0x1  }
0x9a: {  	s5 =	simm.s32 $_scs_section_size  }
0x9b: {  	s6 =	simm.s32 $_size__tile_overlayer_lowered;
	s7 =	simm.s32 $_tile_overlayer_lowered  }
0x9c: {  	s22 =	simm.s32 $0x1BFF;
	s21 =	sshll.u32 s7, $0x1;
	s4 =	sadd.s32 s5, s19  }
0x9d: {  	s8 =	simm.s32 $0x0;
	s20 =	sshll.u32 s6, $0x1;
	s6 =	sadd.s32 s21, s4  }
0x9e: {  	[timem:s8], [sflag:s22] =	dma.local [hbm:s6], s20  }
0x9f: {  	_ =	swait.ge [sflag:s22], s20  }
0xa0: {  	s5 =	ssub.s32 $0x0, s20;
	[sflag:s22] =	ssyncset.done $0x0  }
0xa1: {  	[sflag:s22] =	ssyncadd.s32 s5;
	_ =	sdelay $0x1  }
0xa2: {  	s23 =	simm.s32 $0x1B8B  }
0xa3: {  	_ =	swait.ge [sflag:s23], $0x1  }
0xa4: {  	[sflag:s23] =	ssyncset.done $0x0  }
0xa5: {  	s25 =	simm.s32 $0x1B8E;
	s24 =	sld [smem:$0x3FFE];
	[sflag:s23] =	ssyncadd.s32 $0xFFFFFFFF  }
0xa6: {  	s26 =	simm.s32 $execute0_lowered;
	[smem:$0x3FD2] =	sst s25  }
0xa7: {  	s6 =	sshll.u32 s26, $0x1;
	_ =	strace $0x80000046;
	[dreg:$0x1] =	wrdreg $0xFFFFFFFF  }
0xa8: {  	s28 =	simm.s32 $_size_execute0_lowered;
	s4 =	sadd.s32 s4, s6;
	[dreg:$0x0] =	wrdreg $0x0  }
0xa9: {  	s6 =	sshll.u32 s28, $0x1;
	[dreg:$0x2] =	wrdreg s4  }
0xaa: {  	[dreg:$0x3] =	wrdreg s6  }
0xab: {  	[dreg:$0x4] =	wrdreg $0xC0  }
0xac: {  	_ =	task [dreg:s8], $0x5FFFF  }
0xad: {  	[dreg:$0x1] =	wrdreg $0xFFFFFFFF  }
0xae: {  	[dreg:$0x0] =	wrdreg $0x60  }
0xaf: {  	[dreg:$0x2] =	wrdreg s2  }
0xb0: {  	[dreg:$0x3] =	wrdreg s24  }
0xb1: {  	[dreg:$0x4] =	wrdreg s18  }
0xb2: {  	[dreg:$0x5] =	wrdreg $0x0  }
0xb3: {  	[dreg:$0x6] =	wrdreg $0x9  }
0xb4: {  	_ =	task.clear_ibuf [dreg:s8], $0x7FFFF;
	_ =	strace $0x90000046  }
0xb5: {  	s29 =	simm.s32 $0x9;
	_ =	strace $0x80000048  }
0xb6: {  	_ =	swait.ge [sflag:s29], $0x1  }
0xb7: {  	[sflag:s29] =	ssyncadd.s32 $0xFFFFFFFF  }
0xb8: {  	_ =	strace $0x90000048  }
0xb9: {  	_ =	sfence  }
0xba: {  	s30 =	sld [smem:$0x0];
	_ =	sdelay $0x2  }
0xbb: {  	s31 =	sshll.u32 s1, $0xD;
	s1 =	sshrl.u32 s1, $0x2  }
0xbc: {  	s3 =	sand.u32 $0x4000, s31;
	s1 =	sadd.s32 s1, s30  }
0xbd: {  	s0 =	sor.u32 s3, s0;
	s1 =	sshll.u32 s1, $0x11  }
0xbe: {  	s0 =	sor.u32 s1, s0  }
0xbf: {  	s0 =	sadd.s32 $0x8F2B, s0  }
0xc0: {  	[sflag:s0] =	ssyncadd.remote.s32 $0x1  }
0xc1: {  	_ =	sfence.sel $0xFFFF  }
0xc2: {  	[dreg:$0x0] =	wrdreg $0xFFFFFFFF;
	(pc) =	sbr.abs _section_cstart, $3  }
0xc3: {  	[dreg:$0x1] =	wrdreg $0xFFFFFFFF  }
0xc4: {  	_ =	task.clear_ibuf [dreg:s8], $0x2FFFF;
	_ =	strace $0x9FFFFFFF  }
0xc5: {  	(tm) =	ssettm $0x7FFFFFFF  }
tec
execute0_lowered:
.L_overlay_start_1:
0x0: {  	(tag) =	ssettag $0x1  }
0x1: {  	s1 =	rddreg [dreg:$0x0]  }
0x2: {  	s0 =	rddreg [dreg:$0x1]  }
0x3: {  	s3 =	rddreg [dreg:$0x2]  }
0x4: {  	s4 =	rddreg [dreg:$0x3];
	s2 =	srdreg.scid  }
0x5: {  	s12 =	stileid.u32;
	s5 =	simm.s32 $0x0;
	s28 =	simm.s32 $0x1C400  }
0x6: {  	s29 =	simm.s32 $0x1C800;
	s30 =	simm.s32 $0x16000;
	s13 =	smul.u32 $0x2C00, s12  }
0x7: {  	s31 =	simm.s32 $0x2;
	s6 =	sand.u32 $0x1, s2;
	s10 =	smul.u32 $0x58000, s12  }
0x8: {  	[smem:$0x7FF] =	sst s5;
	s7 =	sadd.s32 $0x9D000, s0;
	s9 =	smul.u32 $0x2C000, s6  }
0x9: {  	s8 =	sadd.s32 $0xC00, s0;
	p0 =	slt.u32 s12, $0x4;
	s10 =	sshrl.u32 s10, $0x2  }
0xa: {  	s11 =	ssub.s32 $0x2, s6;
	s2 =	sadd.s32 s13, s9;
	s9 =	sadd.s32 s10, s4  }
0xb: {  	_ =	strace $0x80000047;
	s14 =	sshrl.u32 s11, $0x1;
	s16 =	sadd.s32 $0x2000, s9  }
0xc: {  	s15 =	ssub.s32 s11, s14;
	s17 =	sadd.s32 $0x4000, s9;
	[dreg:$0x5] =	wrdreg s16  }
0xd: {  	s10 =	sshll.u32 s12, $0x1;
	s18 =	sadd.s32 $0x6000, s9;
	[dreg:$0x6] =	wrdreg s17  }
0xe: {  	s11 =	simm.s32 $0x1;
	s19 =	sadd.s32 $0x8000, s9;
	[dreg:$0x7] =	wrdreg s18  }
0xf: {  	s12 =	simm.s32 $0x40;
	s20 =	sadd.s32 $0xA000, s9;
	[dreg:$0x8] =	wrdreg s19  }
0x10: {  	s13 =	simm.s32 $0x1C900;
	s21 =	sadd.s32 $0xC000, s9;
	[dreg:$0x9] =	wrdreg s20  }
0x11: {  	s14 =	simm.s32 $0x1C880;
	s22 =	sadd.s32 $0xE000, s9;
	[dreg:$0xa] =	wrdreg s21  }
0x12: {  	s0 =	sadd.s32 s2, s0;
	s23 =	sadd.s32 $0x10000, s9;
	[dreg:$0xb] =	wrdreg s22  }
0x13: {  	s24 =	sadd.s32 $0x12000, s9;
	s25 =	sadd.s32 $0x14000, s9;
	[dreg:$0xc] =	wrdreg s23  }
0x14: {  	s26 =	smax.u32 s15, $0x1;
	s2 =	simm.s32 $0x4;
	[dreg:$0xd] =	wrdreg s24  }
0x15: {  	s15 =	simm.s32 $0x1A000;
	s20 =	simm.s32 $0x9D;
	[dreg:$0xe] =	wrdreg s25  }
0x16: {  	s0 =	sadd.s32 $0x139400, s0;
	[dreg:$0x10] =	wrdreg s26;
	s24 =	simm.s32 $0x18000  }
0x17: {  	s25 =	simm.s32 $0x7;
	s26 =	simm.s32 $0x1C000;
	s18 =	simm.s32 $0x0  }
0x18: {  	v0 =	vimm.f32 $0.0e+00;
	s20 =	simm.s32 @!p0 $0x9C;
	[dreg:$0xf] =	wrdreg s0;
	s0 =	simm.s32 $0x3  }
.LBB2_1:
0x19: {  	s16 =	simm.s32 $0x0;
	s17 =	simm.s32 $0x200  }
.LBB2_2:
0x1a: {  	p0 =	sne.s32 s17, $0x7E00;
	[tilespmem:s16+$0x18070] =	vst v0  }
0x1b: {  	[tilespmem:s16+$0x18000] =	vst v0  }
0x1c: {  	[tilespmem:s16+$0x18010] =	vst v0  }
.Ltmp0:
0x1d: {  	[tilespmem:s16+$0x18020] =	vst v0;
	(pc) =	sbr.rel @p0 .LBB2_2-.Ltmp0, $4  }
0x1e: {  	[tilespmem:s16+$0x18030] =	vst v0  }
0x1f: {  	[tilespmem:s16+$0x18040] =	vst v0  }
0x20: {  	[tilespmem:s16+$0x18050] =	vst v0  }
0x21: {  	[tilespmem:s16+$0x18060] =	vst v0;
	s16 =	sshra.s32 s17, $0x2;
	s17 =	sadd.s32 $0x200, s17  }
0x22: {  	[tilespmem:s16+$0x18070] =	vst v0  }
0x23: {  	[tilespmem:s16+$0x18000] =	vst v0  }
0x24: {  	[tilespmem:s16+$0x18010] =	vst v0  }
0x25: {  	[tilespmem:s16+$0x18020] =	vst v0  }
0x26: {  	[tilespmem:s16+$0x18030] =	vst v0  }
0x27: {  	[tilespmem:s16+$0x18040] =	vst v0  }
0x28: {  	[tilespmem:s16+$0x18050] =	vst v0  }
0x29: {  	[tilespmem:s16+$0x18060] =	vst v0  }
0x2a: {  	[spmem:s9] =	stream.linear.scatter [tilespmem:s24], [sflag:$0x7], $0x2000, $0x38;
	[tilespmem:$0x1C980] =	vst v63  }
0x2b: {  	_ =	swait.ge [sflag:s25], $0x2000  }
0x2c: {  	[sflag:s25] =	ssyncset.done $0x0  }
0x2d: {  	s17 =	rddreg [dreg:$0x5];
	[sflag:s25] =	ssyncadd.s32 $0xFFFFE000  }
0x2e: {  	[spmem:s17] =	stream.linear.scatter [tilespmem:s24], [sflag:$0x7], $0x2000, $0x38;
	[tilespmem:$0x1C980] =	vst v63  }
0x2f: {  	_ =	swait.ge [sflag:s25], $0x2000  }
0x30: {  	[sflag:s25] =	ssyncset.done $0x0  }
0x31: {  	s19 =	rddreg [dreg:$0x6];
	[sflag:s25] =	ssyncadd.s32 $0xFFFFE000  }
0x32: {  	[spmem:s19] =	stream.linear.scatter [tilespmem:s24], [sflag:$0x7], $0x2000, $0x38;
	[tilespmem:$0x1C980] =	vst v63  }
0x33: {  	_ =	swait.ge [sflag:s25], $0x2000  }
0x34: {  	[sflag:s25] =	ssyncset.done $0x0  }
0x35: {  	s21 =	rddreg [dreg:$0x7];
	[sflag:s25] =	ssyncadd.s32 $0xFFFFE000  }
0x36: {  	[spmem:s21] =	stream.linear.scatter [tilespmem:s24], [sflag:$0x7], $0x2000, $0x38;
	[tilespmem:$0x1C980] =	vst v63  }
0x37: {  	_ =	swait.ge [sflag:s25], $0x2000  }
0x38: {  	[sflag:s25] =	ssyncset.done $0x0  }
0x39: {  	s22 =	rddreg [dreg:$0x8];
	[sflag:s25] =	ssyncadd.s32 $0xFFFFE000  }
0x3a: {  	[spmem:s22] =	stream.linear.scatter [tilespmem:s24], [sflag:$0x7], $0x2000, $0x38;
	[tilespmem:$0x1C980] =	vst v63  }
0x3b: {  	_ =	swait.ge [sflag:s25], $0x2000  }
0x3c: {  	[sflag:s25] =	ssyncset.done $0x0  }
0x3d: {  	s23 =	rddreg [dreg:$0x9];
	[sflag:s25] =	ssyncadd.s32 $0xFFFFE000  }
0x3e: {  	[spmem:s23] =	stream.linear.scatter [tilespmem:s24], [sflag:$0x7], $0x2000, $0x38;
	[tilespmem:$0x1C980] =	vst v63  }
0x3f: {  	_ =	swait.ge [sflag:s25], $0x2000  }
0x40: {  	[sflag:s25] =	ssyncset.done $0x0  }
0x41: {  	s17 =	rddreg [dreg:$0xa];
	[sflag:s25] =	ssyncadd.s32 $0xFFFFE000  }
0x42: {  	[spmem:s17] =	stream.linear.scatter [tilespmem:s24], [sflag:$0x7], $0x2000, $0x38;
	[tilespmem:$0x1C980] =	vst v63  }
0x43: {  	_ =	swait.ge [sflag:s25], $0x2000  }
0x44: {  	[sflag:s25] =	ssyncset.done $0x0  }
0x45: {  	s19 =	rddreg [dreg:$0xb];
	[sflag:s25] =	ssyncadd.s32 $0xFFFFE000  }
0x46: {  	[spmem:s19] =	stream.linear.scatter [tilespmem:s24], [sflag:$0x7], $0x2000, $0x38;
	[tilespmem:$0x1C980] =	vst v63  }
0x47: {  	_ =	swait.ge [sflag:s25], $0x2000  }
0x48: {  	[sflag:s25] =	ssyncset.done $0x0  }
0x49: {  	s21 =	rddreg [dreg:$0xc];
	[sflag:s25] =	ssyncadd.s32 $0xFFFFE000  }
0x4a: {  	[spmem:s21] =	stream.linear.scatter [tilespmem:s24], [sflag:$0x7], $0x2000, $0x38;
	[tilespmem:$0x1C980] =	vst v63  }
0x4b: {  	_ =	swait.ge [sflag:s25], $0x2000  }
0x4c: {  	[sflag:s25] =	ssyncset.done $0x0  }
0x4d: {  	s22 =	rddreg [dreg:$0xd];
	[sflag:s25] =	ssyncadd.s32 $0xFFFFE000  }
0x4e: {  	[spmem:s22] =	stream.linear.scatter [tilespmem:s24], [sflag:$0x7], $0x2000, $0x38;
	[tilespmem:$0x1C980] =	vst v63  }
0x4f: {  	_ =	swait.ge [sflag:s25], $0x2000  }
0x50: {  	[sflag:s25] =	ssyncset.done $0x0  }
0x51: {  	s23 =	rddreg [dreg:$0xe];
	[sflag:s25] =	ssyncadd.s32 $0xFFFFE000  }
0x52: {  	[spmem:s23] =	stream.linear.scatter [tilespmem:s24], [sflag:$0x7], $0x2000, $0x38;
	[tilespmem:$0x1C980] =	vst v63  }
0x53: {  	_ =	swait.ge [sflag:s25], $0x2000  }
0x54: {  	[sflag:s25] =	ssyncset.done $0x0  }
0x55: {  	[sflag:s25] =	ssyncadd.s32 $0xFFFFE000  }
0x56: {  	s19 =	simm.s32 $0x0;
	[bflag:$0x0] =	sbarrier.arrive $0xFFFF  }
.LBB2_4:
0x57: {  	s16 =	sshll.u32 s19, $0x5  }
0x58: {  	s16 =	sor.u32 s16, s10  }
0x59: {  	s16 =	sor.u32 s6, s16  }
0x5a: {  	s17 =	sshll.u32 s16, $0x7  }
0x5b: {  	s21 =	sadd.s32 s7, s17  }
0x5c: {  	[tilespmem:s26], [sflag:$0x2] =	stream.linear.gather [hbm4b:s21+s5], $0x400, $0x38;
	[tilespmem:$0x1C980] =	vst v63  }
0x5d: {  	s23 =	sshll.u32 s16, $0x3;
	s17 =	sadd.s32 s8, s17  }
0x5e: {  	[tilespmem:s28], [sflag:$0x3] =	stream.linear.gather [hbm4b:s17+s5], $0x400, $0x38;
	[tilespmem:$0x1C980] =	vst v63  }
0x5f: {  	s16 =	sshll.u32 s16, $0xA;
	s17 =	sadd.s32 s3, s23  }
0x60: {  	[tilespmem:s29], [sflag:$0x4] =	stream.linear.gather [hbm4b:s17+s5], $0x40, $0x38;
	[tilespmem:$0x1C980] =	vst v63  }
0x61: {  	p0 =	seq.s32 s19, $0x0;
	s16 =	sadd.s32 s1, s16  }
0x62: {  	[tilespmem:s30], [sflag:$0x1] =	stream.linear.gather [hbm4b:s16+s5], $0x2000, $0x38;
	[tilespmem:$0x1C980] =	vst v63  }
0x63: {  	s16 =	simm.s32 @!p0 $0x5  }
0x64: {  	_ =	swait.ge @!p0 [sflag:s16], $0x2000  }
0x65: {  	[sflag:s16] =	ssyncset.done @!p0 $0x0  }
0x66: {  	[sflag:s16] =	ssyncadd.s32 @!p0 $0xFFFFE000;
	s16 =	simm.s32 @!p0 $0x6  }
0x67: {  	_ =	swait.ge @!p0 [sflag:s16], $0x2000  }
0x68: {  	[sflag:s16] =	ssyncset.done @!p0 $0x0  }
0x69: {  	[sflag:s16] =	ssyncadd.s32 @!p0 $0xFFFFE000  }
0x6a: {  	_ =	swait.ge [sflag:s31], $0x400  }
0x6b: {  	[sflag:s31] =	ssyncset.done $0x0  }
0x6c: {  	[sflag:s31] =	ssyncadd.s32 $0xFFFFFC00  }
0x6d: {  	_ =	swait.ge [sflag:s0], $0x400  }
0x6e: {  	[sflag:s0] =	ssyncset.done $0x0  }
0x6f: {  	[sflag:s0] =	ssyncadd.s32 $0xFFFFFC00  }
0x70: {  	_ =	swait.ge [sflag:s2], $0x40  }
0x71: {  	[sflag:s2] =	ssyncset.done $0x0  }
0x72: {  	[sflag:s2] =	ssyncadd.s32 $0xFFFFFFC0  }
0x73: {  	v1 =	vld [tilespmem:$0x1C800]  }
0x74: {  	v2 =	vld [tilespmem:$0x1C810]  }
0x75: {  	v3 =	vld [tilespmem:$0x1C820];
	_ =	sdelay $0x1  }
0x76: {  	v5 =	vld [tilespmem:$0x1C830]  }
0x77: {  	[tilespmem:$0x1C900] =	vst v1  }
0x78: {  	v55 =	vshrl.u32 v2, $0x3;
	[tilespmem:$0x1C910] =	vst v2  }
0x79: {  	v4 =	vshrl.u32 v1, $0x3;
	[tilespmem:$0x1C920] =	vst v3;
	v1 =	vadd.s32 $0x2710, v55  }
0x7a: {  	[tilespmem:$0x1C890] =	vst v1;
	v1 =	vshrl.u32 v3, $0x3  }
0x7b: {  	[tilespmem:$0x1C930] =	vst v5;
	v1 =	vadd.s32 $0x2710, v1  }
0x7c: {  	v4 =	vadd.s32 $0x2710, v4;
	[tilespmem:$0x1C8A0] =	vst v1;
	v1 =	vshrl.u32 v5, $0x3  }
0x7d: {  	[tilespmem:$0x1C880] =	vst v4;
	v1 =	vadd.s32 $0x2710, v1  }
0x7e: {  	s21 =	simm.s32 $0x0;
	[tilespmem:$0x1C8B0] =	vst v1  }
0x7f: {  	v1 =	vld [tilespmem:s21+$0x1C400];
	_ =	sdelay $0x1  }
0x80: {  	v2 =	vld [tilespmem:s21+$0x1C000];
	_ =	sdelay $0x2  }
0x81: {  	v1 =	vand.u32 $0x7, v1  }
0x82: {  	vm0 =	veq.s32 v1, $0x0  }
0x83: {  	s22 =	simm.s32 $0x1A200;
	vm1 =	veq.s32 v1, $0x1;
	v3 =	vnsel vm0, $0x0, v2  }
0x84: {  	vm10 =	veq.s32 v1, $0x3;
	vm12 =	veq.s32 v1, $0x7;
	v56 =	vnsel vm1, $0x0, v2;
	[tilespmem:s22+$0xFFFFFE00] =	vst v3  }
0x85: {  	vm11 =	veq.s32 v1, $0x4;
	vm14 =	veq.s32 v1, $0x5;
	v57 =	vnsel vm12, $0x0, v2;
	[tilespmem:s22+$0xFFFFFE10] =	vst v56  }
0x86: {  	vm13 =	veq.s32 v1, $0x6;
	vm15 =	veq.s32 v1, $0x2;
	v1 =	vnsel vm14, $0x0, v2;
	[tilespmem:s22+$0xFFFFFE70] =	vst v57  }
0x87: {  	v3 =	vnsel vm10, $0x0, v2;
	[tilespmem:s22+$0xFFFFFE50] =	vst v1  }
0x88: {  	[tilespmem:s22+$0xFFFFFE30] =	vst v3;
	v3 =	vnsel vm11, $0x0, v2  }
0x89: {  	[tilespmem:s22+$0xFFFFFE40] =	vst v3;
	v3 =	vnsel vm13, $0x0, v2  }
0x8a: {  	v2 =	vnsel vm15, $0x0, v2;
	[tilespmem:s22+$0xFFFFFE60] =	vst v3  }
0x8b: {  	[tilespmem:s22+$0xFFFFFE20] =	vst v2  }
0x8c: {  	v1 =	vld [tilespmem:s21+$0x1C410];
	_ =	sdelay $0x1  }
0x8d: {  	v2 =	vld [tilespmem:s21+$0x1C010];
	_ =	sdelay $0x2  }
0x8e: {  	v1 =	vand.u32 $0x7, v1  }
0x8f: {  	vm4 =	veq.s32 v1, $0x1  }
0x90: {  	vm7 =	veq.s32 v1, $0x2;
	v3 =	vnsel vm4, $0x0, v2  }
0x91: {  	vm5 =	veq.s32 v1, $0x3;
	vm9 =	veq.s32 v1, $0x6;
	v58 =	vnsel vm7, $0x0, v2;
	[tilespmem:s22+$0xFFFFFE90] =	vst v3  }
0x92: {  	vm6 =	veq.s32 v1, $0x7;
	vm10 =	veq.s32 v1, $0x5;
	v59 =	vnsel vm9, $0x0, v2;
	[tilespmem:s22+$0xFFFFFEA0] =	vst v58  }
0x93: {  	vm8 =	veq.s32 v1, $0x4;
	vm11 =	veq.s32 v1, $0x0;
	v1 =	vnsel vm10, $0x0, v2;
	[tilespmem:s22+$0xFFFFFEE0] =	vst v59  }
0x94: {  	v3 =	vnsel vm5, $0x0, v2;
	[tilespmem:s22+$0xFFFFFED0] =	vst v1  }
0x95: {  	[tilespmem:s22+$0xFFFFFEB0] =	vst v3;
	v3 =	vnsel vm6, $0x0, v2  }
0x96: {  	[tilespmem:s22+$0xFFFFFEF0] =	vst v3;
	v3 =	vnsel vm8, $0x0, v2  }
0x97: {  	v2 =	vnsel vm11, $0x0, v2;
	[tilespmem:s22+$0xFFFFFEC0] =	vst v3  }
0x98: {  	[tilespmem:s22+$0xFFFFFE80] =	vst v2  }
0x99: {  	v1 =	vld [tilespmem:s21+$0x1C420];
	_ =	sdelay $0x1  }
0x9a: {  	v2 =	vld [tilespmem:s21+$0x1C020];
	_ =	sdelay $0x2  }
0x9b: {  	v1 =	vand.u32 $0x7, v1  }
0x9c: {  	vm12 =	veq.s32 v1, $0x2  }
0x9d: {  	vm13 =	veq.s32 v1, $0x0;
	v3 =	vnsel vm12, $0x0, v2  }
0x9e: {  	vm14 =	veq.s32 v1, $0x4;
	vm4 =	veq.s32 v1, $0x6;
	v60 =	vnsel vm13, $0x0, v2;
	[tilespmem:s22+$0xFFFFFF20] =	vst v3  }
0x9f: {  	vm15 =	veq.s32 v1, $0x7;
	vm6 =	veq.s32 v1, $0x1;
	v61 =	vnsel vm4, $0x0, v2;
	[tilespmem:s22+$0xFFFFFF00] =	vst v60  }
0xa0: {  	vm5 =	veq.s32 v1, $0x5;
	vm7 =	veq.s32 v1, $0x3;
	v1 =	vnsel vm6, $0x0, v2;
	[tilespmem:s22+$0xFFFFFF60] =	vst v61  }
0xa1: {  	v3 =	vnsel vm14, $0x0, v2;
	[tilespmem:s22+$0xFFFFFF10] =	vst v1  }
0xa2: {  	[tilespmem:s22+$0xFFFFFF40] =	vst v3;
	v3 =	vnsel vm15, $0x0, v2  }
0xa3: {  	[tilespmem:s22+$0xFFFFFF70] =	vst v3;
	v3 =	vnsel vm5, $0x0, v2  }
0xa4: {  	v2 =	vnsel vm7, $0x0, v2;
	[tilespmem:s22+$0xFFFFFF50] =	vst v3  }
0xa5: {  	[tilespmem:s22+$0xFFFFFF30] =	vst v2  }
0xa6: {  	v1 =	vld [tilespmem:s21+$0x1C430];
	_ =	sdelay $0x1  }
0xa7: {  	v2 =	vld [tilespmem:s21+$0x1C030];
	_ =	sdelay $0x2  }
0xa8: {  	v1 =	vand.u32 $0x7, v1  }
0xa9: {  	vm8 =	veq.s32 v1, $0x2  }
0xaa: {  	vm10 =	veq.s32 v1, $0x0;
	v3 =	vnsel vm8, $0x0, v2  }
0xab: {  	vm9 =	veq.s32 v1, $0x3;
	vm12 =	veq.s32 v1, $0x5;
	v62 =	vnsel vm10, $0x0, v2;
	[tilespmem:s22+$0xFFFFFFA0] =	vst v3  }
0xac: {  	vm11 =	veq.s32 v1, $0x6;
	vm14 =	veq.s32 v1, $0x7;
	v63 =	vnsel vm12, $0x0, v2;
	[tilespmem:s22+$0xFFFFFF80] =	vst v62  }
0xad: {  	vm13 =	veq.s32 v1, $0x4;
	vm15 =	veq.s32 v1, $0x1;
	v1 =	vnsel vm14, $0x0, v2;
	[tilespmem:s22+$0xFFFFFFD0] =	vst v63  }
0xae: {  	v3 =	vnsel vm9, $0x0, v2;
	[tilespmem:s22+$0xFFFFFFF0] =	vst v1  }
0xaf: {  	[tilespmem:s22+$0xFFFFFFB0] =	vst v3;
	v3 =	vnsel vm11, $0x0, v2  }
0xb0: {  	[tilespmem:s22+$0xFFFFFFE0] =	vst v3;
	v3 =	vnsel vm13, $0x0, v2  }
0xb1: {  	v2 =	vnsel vm15, $0x0, v2;
	[tilespmem:s22+$0xFFFFFFC0] =	vst v3  }
0xb2: {  	[tilespmem:s22+$0xFFFFFF90] =	vst v2  }
0xb3: {  	v2 =	vld [tilespmem:s21+$0x1C440];
	_ =	sdelay $0x3  }
0xb4: {  	v1 =	vld [tilespmem:s21+$0x1C040]  }
0xb5: {  	s23 =	simm.s32 $0x1A200;
	s16 =	simm.s32 $0x200;
	v2 =	vand.u32 $0x7, v2  }
.LBB2_5:
0xb6: {  	p0 =	sne.s32 s16, $0xE00  }
0xb7: {  	vm0 =	veq.s32 v2, $0x0;
	vm1 =	veq.s32 v2, $0x1;
	vm2 =	veq.s32 v2, $0x6;
	s22 =	sadd.s32 $0x400, s22;
	s17 =	smov.u32 s16;
	s16 =	sadd.s32 $0x200, s16  }
0xb8: {  	vm3 =	veq.s32 v2, $0x2;
	vm4 =	veq.s32 v2, $0x4;
	vm5 =	veq.s32 v2, $0x5  }
0xb9: {  	v3 =	vnsel vm3, $0x0, v1;
	v4 =	vnsel vm4, $0x0, v1;
	v5 =	vnsel vm5, $0x0, v1  }
0xba: {  	v6 =	vnsel vm0, $0x0, v1;
	vm0 =	veq.s32 v2, $0x3;
	vm3 =	veq.s32 v2, $0x7;
	[tilespmem:s23+$0x50] =	vst v5  }
0xbb: {  	v2 =	vnsel vm1, $0x0, v1;
	v5 =	vnsel vm0, $0x0, v1;
	[tilespmem:s23+$0x0] =	vst v6;
	v6 =	vnsel vm3, $0x0, v1  }
0xbc: {  	v1 =	vnsel vm2, $0x0, v1;
	[tilespmem:s23+$0x10] =	vst v2  }
0xbd: {  	[tilespmem:s23+$0x60] =	vst v1  }
0xbe: {  	[tilespmem:s23+$0x20] =	vst v3  }
0xbf: {  	[tilespmem:s23+$0x40] =	vst v4  }
0xc0: {  	[tilespmem:s23+$0x70] =	vst v6  }
0xc1: {  	[tilespmem:s23+$0x30] =	vst v5  }
0xc2: {  	v1 =	vld [tilespmem:s21+$0x1C450]  }
0xc3: {  	v2 =	vld [tilespmem:s21+$0x1C050];
	_ =	sdelay $0x3  }
0xc4: {  	v1 =	vand.u32 $0x7, v1  }
0xc5: {  	vm0 =	veq.s32 v1, $0x1;
	vm1 =	veq.s32 v1, $0x3;
	vm2 =	veq.s32 v1, $0x5  }
0xc6: {  	vm3 =	veq.s32 v1, $0x7;
	v3 =	vnsel vm1, $0x0, v2;
	vm1 =	veq.s32 v1, $0x4  }
0xc7: {  	vm4 =	veq.s32 v1, $0x0;
	vm5 =	veq.s32 v1, $0x2;
	[tilespmem:s23+$0xB0] =	vst v3;
	v3 =	vnsel vm2, $0x0, v2  }
0xc8: {  	v4 =	vnsel vm4, $0x0, v2;
	v5 =	vnsel vm5, $0x0, v2;
	[tilespmem:s23+$0xD0] =	vst v3;
	v3 =	vnsel vm3, $0x0, v2  }
0xc9: {  	v6 =	vnsel vm0, $0x0, v2;
	vm0 =	veq.s32 v1, $0x6;
	[tilespmem:s23+$0xA0] =	vst v5;
	v5 =	vnsel vm1, $0x0, v2  }
0xca: {  	v1 =	vnsel vm0, $0x0, v2;
	[tilespmem:s23+$0x90] =	vst v6  }
0xcb: {  	[tilespmem:s23+$0xC0] =	vst v5  }
0xcc: {  	[tilespmem:s23+$0x80] =	vst v4  }
0xcd: {  	[tilespmem:s23+$0xF0] =	vst v3  }
0xce: {  	[tilespmem:s23+$0xE0] =	vst v1  }
0xcf: {  	v1 =	vld [tilespmem:s21+$0x1C460]  }
0xd0: {  	v2 =	vld [tilespmem:s21+$0x1C060];
	_ =	sdelay $0x3  }
0xd1: {  	v1 =	vand.u32 $0x7, v1  }
0xd2: {  	vm0 =	veq.s32 v1, $0x0;
	vm1 =	veq.s32 v1, $0x1;
	vm2 =	veq.s32 v1, $0x7  }
0xd3: {  	vm3 =	veq.s32 v1, $0x2;
	vm4 =	veq.s32 v1, $0x4;
	vm5 =	veq.s32 v1, $0x5  }
0xd4: {  	vm6 =	veq.s32 v1, $0x6;
	v3 =	vnsel vm3, $0x0, v2;
	vm3 =	veq.s32 v1, $0x3  }
0xd5: {  	v1 =	vnsel vm4, $0x0, v2;
	v4 =	vnsel vm2, $0x0, v2;
	[tilespmem:s23+$0x120] =	vst v3;
	v3 =	vnsel vm5, $0x0, v2  }
0xd6: {  	v5 =	vnsel vm1, $0x0, v2;
	v7 =	vnsel vm6, $0x0, v2;
	v6 =	vnsel vm3, $0x0, v2;
	[tilespmem:s23+$0x170] =	vst v4  }
0xd7: {  	v2 =	vnsel vm0, $0x0, v2;
	[tilespmem:s23+$0x150] =	vst v3  }
0xd8: {  	[tilespmem:s23+$0x100] =	vst v2  }
0xd9: {  	[tilespmem:s23+$0x130] =	vst v6  }
0xda: {  	[tilespmem:s23+$0x140] =	vst v1  }
0xdb: {  	[tilespmem:s23+$0x160] =	vst v7  }
0xdc: {  	[tilespmem:s23+$0x110] =	vst v5  }
0xdd: {  	v1 =	vld [tilespmem:s21+$0x1C470]  }
0xde: {  	v2 =	vld [tilespmem:s21+$0x1C070];
	_ =	sdelay $0x3  }
0xdf: {  	v1 =	vand.u32 $0x7, v1  }
0xe0: {  	vm0 =	veq.s32 v1, $0x0;
	vm1 =	veq.s32 v1, $0x1;
	vm2 =	veq.s32 v1, $0x2  }
0xe1: {  	vm3 =	veq.s32 v1, $0x3;
	vm4 =	veq.s32 v1, $0x4;
	vm5 =	veq.s32 v1, $0x5  }
0xe2: {  	vm6 =	veq.s32 v1, $0x7;
	v3 =	vnsel vm3, $0x0, v2;
	vm3 =	veq.s32 v1, $0x6  }
0xe3: {  	v1 =	vnsel vm0, $0x0, v2;
	v4 =	vnsel vm6, $0x0, v2;
	[tilespmem:s23+$0x1B0] =	vst v3;
	v3 =	vnsel vm3, $0x0, v2  }
0xe4: {  	v5 =	vnsel vm4, $0x0, v2;
	v6 =	vnsel vm5, $0x0, v2;
	[tilespmem:s23+$0x180] =	vst v1;
	v1 =	vnsel vm1, $0x0, v2  }
0xe5: {  	v2 =	vnsel vm2, $0x0, v2;
	[tilespmem:s23+$0x1C0] =	vst v5  }
0xe6: {  	[tilespmem:s23+$0x1A0] =	vst v2  }
0xe7: {  	[tilespmem:s23+$0x190] =	vst v1  }
0xe8: {  	[tilespmem:s23+$0x1D0] =	vst v6  }
0xe9: {  	[tilespmem:s23+$0x1F0] =	vst v4  }
0xea: {  	s21 =	sshra.s32 s17, $0x2;
	[tilespmem:s23+$0x1E0] =	vst v3;
	s23 =	smov.u32 s22  }
0xeb: {  	v1 =	vld [tilespmem:s21+$0x1C400];
	_ =	sdelay $0x1  }
0xec: {  	v2 =	vld [tilespmem:s21+$0x1C000];
	_ =	sdelay $0x2  }
0xed: {  	v1 =	vand.u32 $0x7, v1  }
0xee: {  	vm0 =	veq.s32 v1, $0x0;
	vm1 =	veq.s32 v1, $0x1;
	vm2 =	veq.s32 v1, $0x7  }
0xef: {  	v3 =	vnsel vm0, $0x0, v2;
	v4 =	vnsel vm1, $0x0, v2;
	vm0 =	veq.s32 v1, $0x3  }
0xf0: {  	v5 =	vnsel vm2, $0x0, v2;
	[tilespmem:s22+$0xFFFFFE00] =	vst v3;
	v3 =	vnsel vm0, $0x0, v2;
	vm0 =	veq.s32 v1, $0x6  }
0xf1: {  	vm3 =	veq.s32 v1, $0x5;
	vm1 =	veq.s32 v1, $0x2;
	vm2 =	veq.s32 v1, $0x4;
	[tilespmem:s22+$0xFFFFFE10] =	vst v4  }
0xf2: {  	v1 =	vnsel vm1, $0x0, v2;
	v4 =	vnsel vm3, $0x0, v2;
	[tilespmem:s22+$0xFFFFFE30] =	vst v3;
	v3 =	vnsel vm2, $0x0, v2  }
0xf3: {  	v2 =	vnsel vm0, $0x0, v2;
	[tilespmem:s22+$0xFFFFFE40] =	vst v3  }
0xf4: {  	[tilespmem:s22+$0xFFFFFE70] =	vst v5  }
0xf5: {  	[tilespmem:s22+$0xFFFFFE60] =	vst v2  }
0xf6: {  	[tilespmem:s22+$0xFFFFFE50] =	vst v4  }
0xf7: {  	[tilespmem:s22+$0xFFFFFE20] =	vst v1  }
0xf8: {  	v1 =	vld [tilespmem:s21+$0x1C410]  }
0xf9: {  	v2 =	vld [tilespmem:s21+$0x1C010];
	_ =	sdelay $0x3  }
0xfa: {  	v1 =	vand.u32 $0x7, v1  }
0xfb: {  	vm0 =	veq.s32 v1, $0x0;
	vm1 =	veq.s32 v1, $0x1;
	vm2 =	veq.s32 v1, $0x2  }
0xfc: {  	vm3 =	veq.s32 v1, $0x4;
	v3 =	vnsel vm1, $0x0, v2;
	vm1 =	veq.s32 v1, $0x3  }
0xfd: {  	vm4 =	veq.s32 v1, $0x7;
	[tilespmem:s22+$0xFFFFFE90] =	vst v3;
	v3 =	vnsel vm1, $0x0, v2;
	vm1 =	veq.s32 v1, $0x6  }
0xfe: {  	v4 =	vnsel vm0, $0x0, v2;
	v5 =	vnsel vm4, $0x0, v2;
	[tilespmem:s22+$0xFFFFFEB0] =	vst v3;
	v3 =	vnsel vm1, $0x0, v2  }
0xff: {  	v6 =	vnsel vm2, $0x0, v2;
	v7 =	vnsel vm3, $0x0, v2;
	vm0 =	veq.s32 v1, $0x5;
	[tilespmem:s22+$0xFFFFFEF0] =	vst v5  }
0x100: {  	v1 =	vnsel vm0, $0x0, v2;
	[tilespmem:s22+$0xFFFFFEA0] =	vst v6  }
0x101: {  	[tilespmem:s22+$0xFFFFFEC0] =	vst v7  }
0x102: {  	[tilespmem:s22+$0xFFFFFEE0] =	vst v3  }
0x103: {  	[tilespmem:s22+$0xFFFFFED0] =	vst v1  }
0x104: {  	[tilespmem:s22+$0xFFFFFE80] =	vst v4  }
0x105: {  	v1 =	vld [tilespmem:s21+$0x1C420]  }
0x106: {  	v2 =	vld [tilespmem:s21+$0x1C020];
	_ =	sdelay $0x3  }
0x107: {  	v1 =	vand.u32 $0x7, v1  }
0x108: {  	vm0 =	veq.s32 v1, $0x3;
	vm1 =	veq.s32 v1, $0x4;
	vm2 =	veq.s32 v1, $0x7  }
0x109: {  	vm3 =	veq.s32 v1, $0x0;
	vm4 =	veq.s32 v1, $0x2;
	vm5 =	veq.s32 v1, $0x6  }
0x10a: {  	vm6 =	veq.s32 v1, $0x1;
	v3 =	vnsel vm4, $0x0, v2;
	v4 =	vnsel vm5, $0x0, v2  }
0x10b: {  	v5 =	vnsel vm3, $0x0, v2;
	v6 =	vnsel vm6, $0x0, v2;
	vm3 =	veq.s32 v1, $0x5;
	[tilespmem:s22+$0xFFFFFF20] =	vst v3  }
0x10c: {  	v1 =	vnsel vm0, $0x0, v2;
	v3 =	vnsel vm1, $0x0, v2;
	[tilespmem:s22+$0xFFFFFF00] =	vst v5;
	v5 =	vnsel vm3, $0x0, v2  }
0x10d: {  	v2 =	vnsel vm2, $0x0, v2;
	[tilespmem:s22+$0xFFFFFF40] =	vst v3  }
0x10e: {  	[tilespmem:s22+$0xFFFFFF70] =	vst v2  }
0x10f: {  	[tilespmem:s22+$0xFFFFFF60] =	vst v4  }
0x110: {  	[tilespmem:s22+$0xFFFFFF50] =	vst v5  }
0x111: {  	[tilespmem:s22+$0xFFFFFF10] =	vst v6  }
0x112: {  	[tilespmem:s22+$0xFFFFFF30] =	vst v1  }
0x113: {  	v1 =	vld [tilespmem:s21+$0x1C430]  }
0x114: {  	v2 =	vld [tilespmem:s21+$0x1C030];
	_ =	sdelay $0x3  }
0x115: {  	v1 =	vand.u32 $0x7, v1  }
0x116: {  	vm0 =	veq.s32 v1, $0x2;
	vm1 =	veq.s32 v1, $0x5;
	vm2 =	veq.s32 v1, $0x6  }
0x117: {  	vm3 =	veq.s32 v1, $0x0;
	v3 =	vnsel vm0, $0x0, v2;
	vm0 =	veq.s32 v1, $0x3  }
0x118: {  	vm4 =	veq.s32 v1, $0x1;
	[tilespmem:s22+$0xFFFFFFA0] =	vst v3;
	v3 =	vnsel vm0, $0x0, v2;
	vm0 =	veq.s32 v1, $0x4  }
0x119: {  	v4 =	vnsel vm3, $0x0, v2;
	v5 =	vnsel vm4, $0x0, v2;
	[tilespmem:s22+$0xFFFFFFB0] =	vst v3;
	v3 =	vnsel vm0, $0x0, v2  }
0x11a: {  	v6 =	vnsel vm2, $0x0, v2;
	vm0 =	veq.s32 v1, $0x7;
	[tilespmem:s22+$0xFFFFFF80] =	vst v4;
	v4 =	vnsel vm1, $0x0, v2  }
0x11b: {  	v1 =	vnsel vm0, $0x0, v2;
	[tilespmem:s22+$0xFFFFFFE0] =	vst v6  }
0x11c: {  	[tilespmem:s22+$0xFFFFFFD0] =	vst v4  }
0x11d: {  	[tilespmem:s22+$0xFFFFFFC0] =	vst v3  }
0x11e: {  	[tilespmem:s22+$0xFFFFFFF0] =	vst v1  }
0x11f: {  	[tilespmem:s22+$0xFFFFFF90] =	vst v5  }
0x120: {  	v2 =	vld [tilespmem:s21+$0x1C440]  }
.Ltmp1:
0x121: {  	v1 =	vld [tilespmem:s21+$0x1C040];
	(pc) =	sbr.rel @p0 .LBB2_5-.Ltmp1, $2  }
0x122: {  	_ =	sdelay $0x2  }
0x123: {  	v2 =	vand.u32 $0x7, v2  }
0x124: {  	vm0 =	veq.s32 v2, $0x5;
	vm1 =	veq.s32 v2, $0x0  }
0x125: {  	vm10 =	veq.s32 v2, $0x1;
	vm11 =	veq.s32 v2, $0x6;
	v3 =	vnsel vm0, $0x0, v1  }
0x126: {  	vm12 =	veq.s32 v2, $0x2;
	vm14 =	veq.s32 v2, $0x7;
	v4 =	vnsel vm1, $0x0, v1;
	[tilespmem:s23+$0x50] =	vst v3  }
0x127: {  	vm13 =	veq.s32 v2, $0x4;
	vm15 =	veq.s32 v2, $0x3;
	v2 =	vnsel vm14, $0x0, v1;
	[tilespmem:s23+$0x0] =	vst v4  }
0x128: {  	v3 =	vnsel vm10, $0x0, v1;
	[tilespmem:s23+$0x70] =	vst v2  }
0x129: {  	v4 =	vnsel vm12, $0x0, v1;
	[tilespmem:s23+$0x10] =	vst v3  }
0x12a: {  	v3 =	vnsel vm11, $0x0, v1;
	[tilespmem:s23+$0x20] =	vst v4  }
0x12b: {  	[tilespmem:s23+$0x60] =	vst v3;
	v3 =	vnsel vm13, $0x0, v1  }
0x12c: {  	v1 =	vnsel vm15, $0x0, v1;
	[tilespmem:s23+$0x40] =	vst v3  }
0x12d: {  	[tilespmem:s23+$0x30] =	vst v1  }
0x12e: {  	v1 =	vld [tilespmem:s21+$0x1C450];
	_ =	sdelay $0x1  }
0x12f: {  	v2 =	vld [tilespmem:s21+$0x1C050];
	_ =	sdelay $0x2  }
0x130: {  	v1 =	vand.u32 $0x7, v1  }
0x131: {  	vm4 =	veq.s32 v1, $0x3;
	vm5 =	veq.s32 v1, $0x5  }
0x132: {  	vm6 =	veq.s32 v1, $0x2;
	vm7 =	veq.s32 v1, $0x1;
	v3 =	vnsel vm4, $0x0, v2  }
0x133: {  	vm8 =	veq.s32 v1, $0x4;
	vm11 =	veq.s32 v1, $0x6;
	v4 =	vnsel vm6, $0x0, v2;
	[tilespmem:s23+$0xB0] =	vst v3  }
0x134: {  	vm9 =	veq.s32 v1, $0x0;
	vm10 =	veq.s32 v1, $0x7;
	v1 =	vnsel vm11, $0x0, v2;
	[tilespmem:s23+$0xA0] =	vst v4  }
0x135: {  	v3 =	vnsel vm5, $0x0, v2;
	[tilespmem:s23+$0xE0] =	vst v1  }
0x136: {  	v4 =	vnsel vm8, $0x0, v2;
	[tilespmem:s23+$0xD0] =	vst v3  }
0x137: {  	v3 =	vnsel vm7, $0x0, v2;
	[tilespmem:s23+$0xC0] =	vst v4  }
0x138: {  	v4 =	vnsel vm10, $0x0, v2;
	[tilespmem:s23+$0x90] =	vst v3  }
0x139: {  	v3 =	vnsel vm9, $0x0, v2;
	[tilespmem:s23+$0xF0] =	vst v4  }
0x13a: {  	[tilespmem:s23+$0x80] =	vst v3  }
0x13b: {  	v1 =	vld [tilespmem:s21+$0x1C460];
	_ =	sdelay $0x1  }
0x13c: {  	v2 =	vld [tilespmem:s21+$0x1C060];
	_ =	sdelay $0x2  }
0x13d: {  	v1 =	vand.u32 $0x7, v1  }
0x13e: {  	vm12 =	veq.s32 v1, $0x2;
	vm13 =	veq.s32 v1, $0x7  }
0x13f: {  	vm14 =	veq.s32 v1, $0x5;
	vm15 =	veq.s32 v1, $0x0;
	v3 =	vnsel vm12, $0x0, v2  }
0x140: {  	vm4 =	veq.s32 v1, $0x3;
	vm6 =	veq.s32 v1, $0x6;
	v4 =	vnsel vm14, $0x0, v2;
	[tilespmem:s23+$0x120] =	vst v3  }
0x141: {  	vm5 =	veq.s32 v1, $0x4;
	vm7 =	veq.s32 v1, $0x1;
	v1 =	vnsel vm6, $0x0, v2;
	[tilespmem:s23+$0x150] =	vst v4  }
0x142: {  	v3 =	vnsel vm13, $0x0, v2;
	[tilespmem:s23+$0x160] =	vst v1  }
0x143: {  	v4 =	vnsel vm4, $0x0, v2;
	[tilespmem:s23+$0x170] =	vst v3  }
0x144: {  	v3 =	vnsel vm15, $0x0, v2;
	[tilespmem:s23+$0x130] =	vst v4  }
0x145: {  	[tilespmem:s23+$0x100] =	vst v3;
	v3 =	vnsel vm5, $0x0, v2  }
0x146: {  	v2 =	vnsel vm7, $0x0, v2;
	[tilespmem:s23+$0x140] =	vst v3  }
0x147: {  	[tilespmem:s23+$0x110] =	vst v2  }
0x148: {  	v1 =	vld [tilespmem:s21+$0x1C470];
	_ =	sdelay $0x1  }
0x149: {  	v2 =	vld [tilespmem:s21+$0x1C070];
	_ =	sdelay $0x2  }
0x14a: {  	v1 =	vand.u32 $0x7, v1  }
0x14b: {  	vm8 =	veq.s32 v1, $0x3;
	vm9 =	veq.s32 v1, $0x0  }
0x14c: {  	vm10 =	veq.s32 v1, $0x4;
	vm11 =	veq.s32 v1, $0x2;
	v3 =	vnsel vm8, $0x0, v2  }
0x14d: {  	vm12 =	veq.s32 v1, $0x1;
	vm14 =	veq.s32 v1, $0x7;
	v4 =	vnsel vm9, $0x0, v2;
	[tilespmem:s23+$0x1B0] =	vst v3  }
0x14e: {  	vm13 =	veq.s32 v1, $0x5;
	vm15 =	veq.s32 v1, $0x6;
	v1 =	vnsel vm14, $0x0, v2;
	[tilespmem:s23+$0x180] =	vst v4  }
0x14f: {  	v3 =	vnsel vm10, $0x0, v2;
	[tilespmem:s23+$0x1F0] =	vst v1  }
0x150: {  	v4 =	vnsel vm11, $0x0, v2;
	[tilespmem:s23+$0x1C0] =	vst v3  }
0x151: {  	v3 =	vnsel vm12, $0x0, v2;
	[tilespmem:s23+$0x1A0] =	vst v4  }
0x152: {  	v4 =	vnsel vm13, $0x0, v2;
	[tilespmem:s23+$0x190] =	vst v3  }
0x153: {  	v2 =	vnsel vm15, $0x0, v2;
	[tilespmem:s23+$0x1D0] =	vst v4  }
0x154: {  	[tilespmem:s23+$0x1E0] =	vst v2  }
0x155: {  	_ =	swait.ge [sflag:s11], $0x2000  }
0x156: {  	[sflag:s11] =	ssyncset.done $0x0  }
0x157: {  	s22 =	simm.s32 $0x1C040;
	[sflag:s11] =	ssyncadd.s32 $0xFFFFE000  }
0x158: {  	s21 =	simm.s32 $0x0;
	v3 =	vld [tilespmem:s22+$0xFFFFFFC0]  }
0x159: {  	v1 =	vld [tilespmem:s21+$0x16070]  }
0x15a: {  	v2 =	vld [tilespmem:s21+$0x16020]  }
0x15b: {  	v4 =	vld [tilespmem:s21+$0x16040]  }
0x15c: {  	v5 =	vld [tilespmem:s21+$0x16030]  }
0x15d: {  	v6 =	vld [tilespmem:s21+$0x16050]  }
0x15e: {  	v7 =	vld [tilespmem:s21+$0x16010];
	v1 =	vmul.f32 v1, v3  }
0x15f: {  	v8 =	vld [tilespmem:s21+$0x16060];
	v2 =	vmul.f32 v2, v3  }
0x160: {  	v9 =	vld [tilespmem:s21+$0x16000];
	v4 =	vmul.f32 v4, v3;
	[tilespmem:s21+$0x18070] =	vst v1  }
0x161: {  	v5 =	vmul.f32 v5, v3;
	[tilespmem:s21+$0x18020] =	vst v2  }
0x162: {  	[tilespmem:s21+$0x18040] =	vst v4;
	v4 =	vmul.f32 v6, v3  }
0x163: {  	[tilespmem:s21+$0x18030] =	vst v5;
	v6 =	vmul.f32 v7, v3  }
0x164: {  	v7 =	vmul.f32 v8, v3;
	[tilespmem:s21+$0x18050] =	vst v4  }
0x165: {  	v3 =	vmul.f32 v9, v3;
	[tilespmem:s21+$0x18010] =	vst v6  }
0x166: {  	[tilespmem:s21+$0x18060] =	vst v7  }
0x167: {  	[tilespmem:s21+$0x18000] =	vst v3;
	v3 =	vld [tilespmem:s21+$0x160B0]  }
0x168: {  	v8 =	vld [tilespmem:s22+$0xFFFFFFD0]  }
0x169: {  	v7 =	vld [tilespmem:s21+$0x160E0]  }
0x16a: {  	v9 =	vld [tilespmem:s21+$0x16080]  }
0x16b: {  	v4 =	vld [tilespmem:s21+$0x160D0]  }
0x16c: {  	v5 =	vld [tilespmem:s21+$0x160F0]  }
0x16d: {  	v6 =	vld [tilespmem:s21+$0x16090];
	v3 =	vmul.f32 v3, v8  }
0x16e: {  	v11 =	vld [tilespmem:s21+$0x160A0];
	v7 =	vmul.f32 v7, v8  }
0x16f: {  	v10 =	vld [tilespmem:s21+$0x160C0];
	v9 =	vmul.f32 v9, v8;
	[tilespmem:s21+$0x180B0] =	vst v3  }
0x170: {  	v3 =	vmul.f32 v4, v8;
	[tilespmem:s21+$0x180E0] =	vst v7  }
0x171: {  	[tilespmem:s21+$0x18080] =	vst v9;
	v4 =	vmul.f32 v5, v8  }
0x172: {  	v5 =	vmul.f32 v6, v8;
	[tilespmem:s21+$0x180D0] =	vst v3  }
0x173: {  	v6 =	vmul.f32 v11, v8;
	[tilespmem:s21+$0x180F0] =	vst v4  }
0x174: {  	v7 =	vmul.f32 v10, v8;
	[tilespmem:s21+$0x18090] =	vst v5  }
0x175: {  	[tilespmem:s21+$0x180A0] =	vst v6  }
0x176: {  	[tilespmem:s21+$0x180C0] =	vst v7;
	v7 =	vld [tilespmem:s21+$0x16100]  }
0x177: {  	v8 =	vld [tilespmem:s22+$0xFFFFFFE0]  }
0x178: {  	v6 =	vld [tilespmem:s21+$0x16130]  }
0x179: {  	v9 =	vld [tilespmem:s21+$0x16110]  }
0x17a: {  	v4 =	vld [tilespmem:s21+$0x16150]  }
0x17b: {  	v3 =	vld [tilespmem:s21+$0x16170]  }
0x17c: {  	v5 =	vld [tilespmem:s21+$0x16120];
	v7 =	vmul.f32 v7, v8  }
0x17d: {  	v11 =	vld [tilespmem:s21+$0x16160];
	v6 =	vmul.f32 v6, v8  }
0x17e: {  	v10 =	vld [tilespmem:s21+$0x16140];
	v9 =	vmul.f32 v9, v8;
	[tilespmem:s21+$0x18100] =	vst v7  }
0x17f: {  	v4 =	vmul.f32 v4, v8;
	[tilespmem:s21+$0x18130] =	vst v6  }
0x180: {  	v3 =	vmul.f32 v3, v8;
	[tilespmem:s21+$0x18110] =	vst v9  }
0x181: {  	v5 =	vmul.f32 v5, v8;
	[tilespmem:s21+$0x18150] =	vst v4  }
0x182: {  	[tilespmem:s21+$0x18170] =	vst v3;
	v6 =	vmul.f32 v11, v8  }
0x183: {  	[tilespmem:s21+$0x18120] =	vst v5;
	v7 =	vmul.f32 v10, v8  }
0x184: {  	[tilespmem:s21+$0x18160] =	vst v6  }
0x185: {  	[tilespmem:s21+$0x18140] =	vst v7;
	v7 =	vld [tilespmem:s21+$0x16190]  }
0x186: {  	v8 =	vld [tilespmem:s22+$0xFFFFFFF0]  }
0x187: {  	v6 =	vld [tilespmem:s21+$0x161F0]  }
0x188: {  	v3 =	vld [tilespmem:s21+$0x161C0]  }
0x189: {  	v4 =	vld [tilespmem:s21+$0x161E0]  }
0x18a: {  	v5 =	vld [tilespmem:s21+$0x161A0]  }
0x18b: {  	v9 =	vld [tilespmem:s21+$0x16180];
	v7 =	vmul.f32 v7, v8  }
0x18c: {  	v11 =	vld [tilespmem:s21+$0x161D0];
	v6 =	vmul.f32 v6, v8  }
0x18d: {  	v10 =	vld [tilespmem:s21+$0x161B0];
	v3 =	vmul.f32 v3, v8;
	[tilespmem:s21+$0x18190] =	vst v7  }
0x18e: {  	v1 =	vld [tilespmem:s21+$0x16240];
	v4 =	vmul.f32 v4, v8;
	[tilespmem:s21+$0x181F0] =	vst v6  }
0x18f: {  	v2 =	vld [tilespmem:s21+$0x16270];
	v5 =	vmul.f32 v5, v8;
	[tilespmem:s21+$0x181C0] =	vst v3  }
0x190: {  	v9 =	vmul.f32 v9, v8;
	[tilespmem:s21+$0x181E0] =	vst v4;
	v3 =	vld [tilespmem:s21+$0x16250]  }
0x191: {  	v4 =	vmul.f32 v11, v8;
	[tilespmem:s21+$0x181A0] =	vst v5;
	v5 =	vld [tilespmem:s21+$0x16210]  }
0x192: {  	[tilespmem:s21+$0x18180] =	vst v9;
	v6 =	vmul.f32 v10, v8;
	v7 =	vld [tilespmem:s21+$0x16260]  }
0x193: {  	v8 =	vld [tilespmem:s21+$0x16220];
	[tilespmem:s21+$0x181D0] =	vst v4  }
0x194: {  	v9 =	vld [tilespmem:s21+$0x16200];
	[tilespmem:s21+$0x181B0] =	vst v6  }
0x195: {  	v4 =	vld [tilespmem:s22+$0x0]  }
0x196: {  	s16 =	simm.s32 $0x1000;
	s23 =	simm.s32 $0x1C040;
	v6 =	vld [tilespmem:s21+$0x16230]  }
.LBB2_7:
0x197: {  	p0 =	sne.s32 s16, $0x7000  }
0x198: {  	s22 =	sadd.s32 $0x80, s22;
	s17 =	smov.u32 s16;
	s16 =	sadd.s32 $0x1000, s16  }
0x199: {  	_ = 	snop  }
0x19a: {  	v8 =	vmul.f32 v8, v4;
	v7 =	vmul.f32 v7, v4  }
0x19b: {  	v5 =	vmul.f32 v5, v4;
	v9 =	vmul.f32 v9, v4  }
0x19c: {  	v3 =	vmul.f32 v3, v4;
	[tilespmem:s21+$0x18220] =	vst v8;
	v6 =	vmul.f32 v6, v4  }
0x19d: {  	v1 =	vmul.f32 v1, v4;
	v2 =	vmul.f32 v2, v4;
	[tilespmem:s21+$0x18200] =	vst v9  }
0x19e: {  	[tilespmem:s21+$0x18260] =	vst v7  }
0x19f: {  	[tilespmem:s21+$0x18250] =	vst v3;
	v3 =	vld [tilespmem:s21+$0x162E0]  }
0x1a0: {  	[tilespmem:s21+$0x18270] =	vst v2;
	v2 =	vld [tilespmem:s21+$0x162D0]  }
0x1a1: {  	[tilespmem:s21+$0x18210] =	vst v5;
	v4 =	vld [tilespmem:s21+$0x162B0]  }
0x1a2: {  	[tilespmem:s21+$0x18240] =	vst v1;
	v1 =	vld [tilespmem:s21+$0x162F0]  }
0x1a3: {  	[tilespmem:s21+$0x18230] =	vst v6;
	v5 =	vld [tilespmem:s21+$0x16280]  }
0x1a4: {  	v6 =	vld [tilespmem:s23+$0x10]  }
0x1a5: {  	v7 =	vld [tilespmem:s21+$0x162A0]  }
0x1a6: {  	v8 =	vld [tilespmem:s21+$0x162C0]  }
0x1a7: {  	v9 =	vld [tilespmem:s21+$0x16290];
	_ =	sdelay $0x1  }
0x1a8: {  	v5 =	vmul.f32 v5, v6;
	v1 =	vmul.f32 v1, v6  }
0x1a9: {  	v4 =	vmul.f32 v4, v6;
	v7 =	vmul.f32 v7, v6  }
0x1aa: {  	v2 =	vmul.f32 v2, v6;
	[tilespmem:s21+$0x18280] =	vst v5;
	v5 =	vmul.f32 v8, v6  }
0x1ab: {  	v3 =	vmul.f32 v3, v6;
	v8 =	vmul.f32 v9, v6;
	[tilespmem:s21+$0x182B0] =	vst v4  }
0x1ac: {  	[tilespmem:s21+$0x182F0] =	vst v1  }
0x1ad: {  	[tilespmem:s21+$0x182A0] =	vst v7  }
0x1ae: {  	[tilespmem:s21+$0x18290] =	vst v8;
	v1 =	vld [tilespmem:s21+$0x16350]  }
0x1af: {  	[tilespmem:s21+$0x182D0] =	vst v2;
	v2 =	vld [tilespmem:s21+$0x16330]  }
0x1b0: {  	[tilespmem:s21+$0x182E0] =	vst v3;
	v3 =	vld [tilespmem:s21+$0x16310]  }
0x1b1: {  	[tilespmem:s21+$0x182C0] =	vst v5;
	v4 =	vld [tilespmem:s21+$0x16300]  }
0x1b2: {  	v5 =	vld [tilespmem:s23+$0x20]  }
0x1b3: {  	v6 =	vld [tilespmem:s21+$0x16320]  }
0x1b4: {  	v7 =	vld [tilespmem:s21+$0x16340]  }
0x1b5: {  	v8 =	vld [tilespmem:s21+$0x16370]  }
0x1b6: {  	v9 =	vld [tilespmem:s21+$0x16360]  }
0x1b7: {  	v4 =	vmul.f32 v4, v5;
	v3 =	vmul.f32 v3, v5  }
0x1b8: {  	v2 =	vmul.f32 v2, v5;
	v6 =	vmul.f32 v6, v5  }
0x1b9: {  	v1 =	vmul.f32 v1, v5;
	[tilespmem:s21+$0x18300] =	vst v4;
	v4 =	vmul.f32 v7, v5  }
0x1ba: {  	[tilespmem:s21+$0x18310] =	vst v3;
	v3 =	vmul.f32 v8, v5  }
0x1bb: {  	[tilespmem:s21+$0x18330] =	vst v2;
	v2 =	vmul.f32 v9, v5  }
0x1bc: {  	[tilespmem:s21+$0x18340] =	vst v4;
	v4 =	vld [tilespmem:s21+$0x163F0]  }
0x1bd: {  	[tilespmem:s21+$0x18360] =	vst v2;
	v2 =	vld [tilespmem:s21+$0x163D0]  }
0x1be: {  	[tilespmem:s21+$0x18350] =	vst v1;
	v1 =	vld [tilespmem:s21+$0x163B0]  }
0x1bf: {  	[tilespmem:s21+$0x18320] =	vst v6;
	v5 =	vld [tilespmem:s21+$0x16390]  }
0x1c0: {  	[tilespmem:s21+$0x18370] =	vst v3;
	v3 =	vld [tilespmem:s21+$0x16380]  }
0x1c1: {  	v6 =	vld [tilespmem:s23+$0x30];
	s23 =	smov.u32 s22  }
0x1c2: {  	v7 =	vld [tilespmem:s21+$0x163A0]  }
0x1c3: {  	v8 =	vld [tilespmem:s21+$0x163C0]  }
0x1c4: {  	v9 =	vld [tilespmem:s21+$0x163E0];
	_ =	sdelay $0x1  }
0x1c5: {  	v3 =	vmul.f32 v3, v6;
	v5 =	vmul.f32 v5, v6  }
0x1c6: {  	v1 =	vmul.f32 v1, v6;
	v7 =	vmul.f32 v7, v6  }
0x1c7: {  	v2 =	vmul.f32 v2, v6;
	[tilespmem:s21+$0x18380] =	vst v3;
	v3 =	vmul.f32 v8, v6  }
0x1c8: {  	v4 =	vmul.f32 v4, v6;
	[tilespmem:s21+$0x183A0] =	vst v7;
	v7 =	vmul.f32 v9, v6  }
0x1c9: {  	[tilespmem:s21+$0x183B0] =	vst v1  }
0x1ca: {  	[tilespmem:s21+$0x183E0] =	vst v7  }
0x1cb: {  	[tilespmem:s21+$0x18390] =	vst v5  }
0x1cc: {  	[tilespmem:s21+$0x183F0] =	vst v4  }
0x1cd: {  	[tilespmem:s21+$0x183C0] =	vst v3  }
0x1ce: {  	[tilespmem:s21+$0x183D0] =	vst v2  }
0x1cf: {  	s21 =	sshra.s32 s17, $0x2;
	v3 =	vld [tilespmem:s22+$0xFFFFFFC0]  }
0x1d0: {  	v1 =	vld [tilespmem:s21+$0x16070]  }
0x1d1: {  	v2 =	vld [tilespmem:s21+$0x16020]  }
0x1d2: {  	v4 =	vld [tilespmem:s21+$0x16040]  }
0x1d3: {  	v5 =	vld [tilespmem:s21+$0x16030]  }
0x1d4: {  	v6 =	vld [tilespmem:s21+$0x16050]  }
0x1d5: {  	v7 =	vld [tilespmem:s21+$0x16010];
	v1 =	vmul.f32 v1, v3  }
0x1d6: {  	v2 =	vmul.f32 v2, v3;
	v8 =	vld [tilespmem:s21+$0x16060]  }
0x1d7: {  	v9 =	vld [tilespmem:s21+$0x16000];
	v4 =	vmul.f32 v4, v3;
	[tilespmem:s21+$0x18070] =	vst v1  }
0x1d8: {  	[tilespmem:s21+$0x18020] =	vst v2;
	v5 =	vmul.f32 v5, v3;
	v1 =	vld [tilespmem:s21+$0x16240]  }
0x1d9: {  	[tilespmem:s21+$0x18040] =	vst v4;
	v4 =	vmul.f32 v6, v3;
	v2 =	vld [tilespmem:s21+$0x16270]  }
0x1da: {  	v6 =	vmul.f32 v7, v3;
	[tilespmem:s21+$0x18030] =	vst v5;
	v5 =	vld [tilespmem:s21+$0x160F0]  }
0x1db: {  	[tilespmem:s21+$0x18050] =	vst v4;
	v4 =	vmul.f32 v8, v3;
	v7 =	vld [tilespmem:s21+$0x160D0]  }
0x1dc: {  	v3 =	vmul.f32 v9, v3;
	[tilespmem:s21+$0x18010] =	vst v6;
	v6 =	vld [tilespmem:s21+$0x16090]  }
0x1dd: {  	[tilespmem:s21+$0x18060] =	vst v4;
	v4 =	vld [tilespmem:s21+$0x160E0]  }
0x1de: {  	[tilespmem:s21+$0x18000] =	vst v3;
	v3 =	vld [tilespmem:s21+$0x160B0]  }
0x1df: {  	v8 =	vld [tilespmem:s22+$0xFFFFFFD0]  }
0x1e0: {  	v9 =	vld [tilespmem:s21+$0x16080]  }
0x1e1: {  	v10 =	vld [tilespmem:s21+$0x160C0]  }
0x1e2: {  	v11 =	vld [tilespmem:s21+$0x160A0];
	_ =	sdelay $0x1  }
0x1e3: {  	v3 =	vmul.f32 v3, v8;
	v4 =	vmul.f32 v4, v8  }
0x1e4: {  	v6 =	vmul.f32 v6, v8;
	v9 =	vmul.f32 v9, v8  }
0x1e5: {  	v7 =	vmul.f32 v7, v8;
	[tilespmem:s21+$0x180B0] =	vst v3;
	v3 =	vmul.f32 v10, v8  }
0x1e6: {  	v10 =	vmul.f32 v11, v8;
	[tilespmem:s21+$0x180E0] =	vst v4;
	v4 =	vmul.f32 v5, v8  }
0x1e7: {  	[tilespmem:s21+$0x18080] =	vst v9  }
0x1e8: {  	[tilespmem:s21+$0x180D0] =	vst v7;
	v5 =	vld [tilespmem:s21+$0x16170]  }
0x1e9: {  	[tilespmem:s21+$0x180F0] =	vst v4;
	v4 =	vld [tilespmem:s21+$0x16150]  }
0x1ea: {  	[tilespmem:s21+$0x18090] =	vst v6;
	v6 =	vld [tilespmem:s21+$0x16120]  }
0x1eb: {  	[tilespmem:s21+$0x180A0] =	vst v10;
	v7 =	vld [tilespmem:s21+$0x16130]  }
0x1ec: {  	[tilespmem:s21+$0x180C0] =	vst v3;
	v3 =	vld [tilespmem:s21+$0x16100]  }
0x1ed: {  	v8 =	vld [tilespmem:s22+$0xFFFFFFE0]  }
0x1ee: {  	v9 =	vld [tilespmem:s21+$0x16110]  }
0x1ef: {  	v10 =	vld [tilespmem:s21+$0x16140]  }
0x1f0: {  	v11 =	vld [tilespmem:s21+$0x16160];
	_ =	sdelay $0x1  }
0x1f1: {  	v3 =	vmul.f32 v3, v8;
	v7 =	vmul.f32 v7, v8  }
0x1f2: {  	v6 =	vmul.f32 v6, v8;
	v9 =	vmul.f32 v9, v8  }
0x1f3: {  	v4 =	vmul.f32 v4, v8;
	[tilespmem:s21+$0x18100] =	vst v3;
	v3 =	vmul.f32 v10, v8  }
0x1f4: {  	v5 =	vmul.f32 v5, v8;
	[tilespmem:s21+$0x18130] =	vst v7;
	v7 =	vmul.f32 v11, v8  }
0x1f5: {  	[tilespmem:s21+$0x18110] =	vst v9  }
0x1f6: {  	[tilespmem:s21+$0x18150] =	vst v4;
	v4 =	vld [tilespmem:s21+$0x161E0]  }
0x1f7: {  	[tilespmem:s21+$0x18170] =	vst v5;
	v5 =	vld [tilespmem:s21+$0x161C0]  }
0x1f8: {  	[tilespmem:s21+$0x18120] =	vst v6;
	v6 =	vld [tilespmem:s21+$0x161A0]  }
0x1f9: {  	[tilespmem:s21+$0x18160] =	vst v7;
	v7 =	vld [tilespmem:s21+$0x161F0]  }
0x1fa: {  	[tilespmem:s21+$0x18140] =	vst v3;
	v3 =	vld [tilespmem:s21+$0x16190]  }
0x1fb: {  	v8 =	vld [tilespmem:s22+$0xFFFFFFF0]  }
0x1fc: {  	v9 =	vld [tilespmem:s21+$0x16180]  }
0x1fd: {  	v10 =	vld [tilespmem:s21+$0x161B0]  }
0x1fe: {  	v11 =	vld [tilespmem:s21+$0x161D0];
	_ =	sdelay $0x1  }
0x1ff: {  	v3 =	vmul.f32 v3, v8;
	v7 =	vmul.f32 v7, v8  }
0x200: {  	v6 =	vmul.f32 v6, v8;
	v9 =	vmul.f32 v9, v8  }
0x201: {  	[tilespmem:s21+$0x18190] =	vst v3;
	v10 =	vmul.f32 v10, v8;
	v3 =	vmul.f32 v5, v8  }
0x202: {  	v4 =	vmul.f32 v4, v8;
	v11 =	vmul.f32 v11, v8;
	[tilespmem:s21+$0x181F0] =	vst v7  }
0x203: {  	[tilespmem:s21+$0x18180] =	vst v9  }
0x204: {  	[tilespmem:s21+$0x181C0] =	vst v3  }
0x205: {  	[tilespmem:s21+$0x181E0] =	vst v4;
	v3 =	vld [tilespmem:s21+$0x16250]  }
0x206: {  	[tilespmem:s21+$0x181A0] =	vst v6;
	v5 =	vld [tilespmem:s21+$0x16210]  }
.Ltmp2:
0x207: {  	[tilespmem:s21+$0x181D0] =	vst v11;
	v7 =	vld [tilespmem:s21+$0x16260];
	(pc) =	sbr.rel @p0 .LBB2_7-.Ltmp2, $4  }
0x208: {  	[tilespmem:s21+$0x181B0] =	vst v10;
	v8 =	vld [tilespmem:s21+$0x16220]  }
0x209: {  	v4 =	vld [tilespmem:s22+$0x0]  }
0x20a: {  	v9 =	vld [tilespmem:s21+$0x16200]  }
0x20b: {  	v6 =	vld [tilespmem:s21+$0x16230]  }
0x20c: {  	_ =	sdelay $0x1  }
0x20d: {  	v8 =	vmul.f32 v8, v4  }
0x20e: {  	v7 =	vmul.f32 v7, v4  }
0x20f: {  	v3 =	vmul.f32 v3, v4;
	[tilespmem:s21+$0x18220] =	vst v8  }
0x210: {  	v2 =	vmul.f32 v2, v4;
	[tilespmem:s21+$0x18260] =	vst v7  }
0x211: {  	v5 =	vmul.f32 v5, v4;
	[tilespmem:s21+$0x18250] =	vst v3  }
0x212: {  	v1 =	vmul.f32 v1, v4;
	[tilespmem:s21+$0x18270] =	vst v2  }
0x213: {  	v9 =	vmul.f32 v9, v4;
	[tilespmem:s21+$0x18210] =	vst v5  }
0x214: {  	v41 =	vmul.f32 v6, v4;
	[tilespmem:s21+$0x18240] =	vst v1  }
0x215: {  	[tilespmem:s21+$0x18200] =	vst v9  }
0x216: {  	v42 =	vld [tilespmem:s21+$0x16280];
	[tilespmem:s21+$0x18230] =	vst v41  }
0x217: {  	v43 =	vld [tilespmem:s23+$0x10]  }
0x218: {  	v40 =	vld [tilespmem:s21+$0x162B0]  }
0x219: {  	v1 =	vld [tilespmem:s21+$0x162F0]  }
0x21a: {  	v44 =	vld [tilespmem:s21+$0x162A0]  }
0x21b: {  	v45 =	vld [tilespmem:s21+$0x16290]  }
0x21c: {  	v3 =	vld [tilespmem:s21+$0x162E0];
	v4 =	vmul.f32 v42, v43  }
0x21d: {  	v46 =	vld [tilespmem:s21+$0x162C0];
	v5 =	vmul.f32 v40, v43  }
0x21e: {  	v2 =	vld [tilespmem:s21+$0x162D0];
	v1 =	vmul.f32 v1, v43;
	[tilespmem:s21+$0x18280] =	vst v4  }
0x21f: {  	v47 =	vmul.f32 v44, v43;
	[tilespmem:s21+$0x182B0] =	vst v5  }
0x220: {  	v48 =	vmul.f32 v45, v43;
	[tilespmem:s21+$0x182F0] =	vst v1  }
0x221: {  	v3 =	vmul.f32 v3, v43;
	[tilespmem:s21+$0x182A0] =	vst v47  }
0x222: {  	v49 =	vmul.f32 v46, v43;
	[tilespmem:s21+$0x18290] =	vst v48  }
0x223: {  	v1 =	vmul.f32 v2, v43;
	[tilespmem:s21+$0x182E0] =	vst v3  }
0x224: {  	[tilespmem:s21+$0x182C0] =	vst v49  }
0x225: {  	v50 =	vld [tilespmem:s21+$0x16300];
	[tilespmem:s21+$0x182D0] =	vst v1  }
0x226: {  	v5 =	vld [tilespmem:s23+$0x20]  }
0x227: {  	v3 =	vld [tilespmem:s21+$0x16310]  }
0x228: {  	v1 =	vld [tilespmem:s21+$0x16330]  }
0x229: {  	v51 =	vld [tilespmem:s21+$0x16340]  }
0x22a: {  	v2 =	vld [tilespmem:s21+$0x16350]  }
0x22b: {  	v52 =	vld [tilespmem:s21+$0x16320];
	v4 =	vmul.f32 v50, v5  }
0x22c: {  	v53 =	vld [tilespmem:s21+$0x16360];
	v3 =	vmul.f32 v3, v5  }
0x22d: {  	v54 =	vld [tilespmem:s21+$0x16370];
	v1 =	vmul.f32 v1, v5;
	[tilespmem:s21+$0x18300] =	vst v4  }
0x22e: {  	v55 =	vmul.f32 v51, v5;
	[tilespmem:s21+$0x18310] =	vst v3  }
0x22f: {  	v2 =	vmul.f32 v2, v5;
	[tilespmem:s21+$0x18330] =	vst v1  }
0x230: {  	v56 =	vmul.f32 v52, v5;
	[tilespmem:s21+$0x18340] =	vst v55  }
0x231: {  	v1 =	vmul.f32 v53, v5;
	[tilespmem:s21+$0x18350] =	vst v2  }
0x232: {  	v5 =	vmul.f32 v54, v5;
	[tilespmem:s21+$0x18320] =	vst v56  }
0x233: {  	[tilespmem:s21+$0x18360] =	vst v1  }
0x234: {  	v58 =	vld [tilespmem:s21+$0x16380];
	[tilespmem:s21+$0x18370] =	vst v5  }
0x235: {  	v59 =	vld [tilespmem:s23+$0x30]  }
0x236: {  	v60 =	vld [tilespmem:s21+$0x163A0]  }
0x237: {  	v2 =	vld [tilespmem:s21+$0x163B0]  }
0x238: {  	v61 =	vld [tilespmem:s21+$0x163E0]  }
0x239: {  	v57 =	vld [tilespmem:s21+$0x16390]  }
0x23a: {  	v1 =	vld [tilespmem:s21+$0x163D0];
	v5 =	vmul.f32 v58, v59  }
0x23b: {  	v3 =	vld [tilespmem:s21+$0x163F0];
	v7 =	vmul.f32 v60, v59  }
0x23c: {  	v62 =	vld [tilespmem:s21+$0x163C0];
	v2 =	vmul.f32 v2, v59;
	[tilespmem:s21+$0x18380] =	vst v5  }
0x23d: {  	v63 =	vmul.f32 v61, v59;
	[tilespmem:s21+$0x183A0] =	vst v7  }
0x23e: {  	v4 =	vmul.f32 v57, v59;
	[tilespmem:s21+$0x183B0] =	vst v2  }
0x23f: {  	v1 =	vmul.f32 v1, v59;
	[tilespmem:s21+$0x183E0] =	vst v63  }
0x240: {  	s19 =	sadd.s32 $0x1, s19;
	v2 =	vmul.f32 v3, v59;
	[tilespmem:s21+$0x18390] =	vst v4  }
0x241: {  	p0 =	sne.s32 s19, s20;
	v3 =	vmul.f32 v62, v59;
	[tilespmem:s21+$0x183D0] =	vst v1  }
.Ltmp3:
0x242: {  	[tilespmem:s21+$0x183F0] =	vst v2;
	(pc) =	sbr.rel @p0 .LBB2_4-.Ltmp3, $4  }
0x243: {  	[tilespmem:s21+$0x183C0] =	vst v3  }
0x244: {  	[spmem:s4] =	stream.indirect.scatter.add.f32 [tilespmem:s24], [sflag:$0x5], $0x80, s13, s12, $0xb8;
	[tilespmem:$0x1C980] =	vst v63  }
0x245: {  	_ = 	snop  }
0x246: {  	[spmem:s4] =	stream.indirect.scatter.add.f32 [tilespmem:s15], [sflag:$0x6], $0x80, s14, s12, $0xb8;
	[tilespmem:$0x1C980] =	vst v63  }
0x247: {  	s16 =	simm.s32 $0x5  }
0x248: {  	_ =	swait.ge [sflag:s16], $0x2000  }
0x249: {  	[sflag:s16] =	ssyncset.done $0x0  }
0x24a: {  	s21 =	simm.s32 $0x6;
	[sflag:s16] =	ssyncadd.s32 $0xFFFFE000  }
0x24b: {  	_ =	swait.ge [sflag:s21], $0x2000  }
0x24c: {  	[sflag:s21] =	ssyncset.done $0x0  }
0x24d: {  	s22 =	stileid.u32;
	[sflag:s21] =	ssyncadd.s32 $0xFFFFE000  }
0x24e: {  	s16 =	sshll.u32 s22, $0x6;
	[bflag:$0x0] =	sbarrier.arrive $0xFFFF  }
0x24f: {  	s17 =	sshrl.u32 s9, $0x3;
	s16 =	sor.u32 $0x1C07, s16;
	s19 =	rddreg [dreg:$0xf]  }
0x250: {  	[hbm:s19], [sflag:s16] =	dma.local [spmem:s17], $0x2C00  }
0x251: {  	_ =	swait.ge [sflag:s25], $0x2C00  }
0x252: {  	s18 =	sadd.s32 $0x1, s18;
	s23 =	rddreg [dreg:$0x10]  }
0x253: {  	p0 =	sne.s32 s18, s23  }
.Ltmp4:
0x254: {  	_ = 	snop;
	(pc) =	sbr.rel @p0 .LBB2_1-.Ltmp4, $3  }
0x255: {  	_ =	sdelay $0x1  }
0x256: {  	[sflag:s25] =	ssyncset.done $0x0  }
0x257: {  	[sflag:s25] =	ssyncadd.s32 $0xFFFFD400  }
0x258: {  	_ =	sfence.sel $0x180000  }
0x259: {  	[bflag:$0x0] =	sbarrier.arrive $0xFFFF  }
0x25a: {  	_ =	strace $0x90000047  }
0x25b: {  	s0 =	stileid.u32;
	[bflag:$0x2] =	sbarrier.arrive $0xFFFF  }
0x25c: {  	p0 =	sne.s32 s0, $0x0;
	s0 =	rddreg [dreg:$0x4]  }
0x25d: {  	s0 =	sadd.s32 @!p0 $0x100000, s0  }
0x25e: {  	[sflag:s0] =	ssyncadd.tile.s32 @!p0 $0x1;
	_ =	shalt  }
.Lfunc_end2:
_tile_overlayer_lowered:
.L_overlay_start_2:
0x25f: {  	(tag) =	ssettag $0x2  }
0x260: {  	s0 =	rddreg [dreg:$0x0];
	s2 =	stileid.u32  }
0x261: {  	s1 =	rddreg [dreg:$0x1];
	p0 =	sne.s32 s2, $0x0  }
0x262: {  	s3 =	rddreg [dreg:$0x2];
	[bflag:$0x3] =	sbarrier.arrive $0xFFFF;
	s2 =	simm.s32 @!p0 $0x1C07  }
0x263: {  	[timem:s3], [sflag:s2] =	dma.local @!p0 [hbm:s0], s1  }
0x264: {  	s0 =	simm.s32 @!p0 $0x7  }
0x265: {  	_ =	swait.ge @!p0 [sflag:s0], s1  }
0x266: {  	s1 =	ssub.s32 @!p0 $0x0, s1;
	[sflag:s0] =	ssyncset.done @!p0 $0x0  }
0x267: {  	[sflag:s0] =	ssyncadd.s32 @!p0 s1  }
0x268: {  	[bflag:$0x3] =	sbarrier.arrive $0xFFFF  }
0x269: {  	_ =	shalt  }

</sc_bundles>
